<compile_context>
chip_gen: v7x
topology: tpu7x:2x2x1
jax: 0.10.2.dev20260603
libtpu: 0.0.44.dev20260713+nightly
codegen_flags: <defaults>
</compile_context>

<pallas_src>
import functools

import jax
import jax.numpy as jnp
import numpy as np
from jax import lax
from jax.experimental import pallas as pl
from jax.experimental.pallas import tpu as pltpu
from jax.experimental.pallas import tpu_sc as plsc

N = 10000
E = 320000
NT = 10240
R = 640
GRID = NT // R
NC = 2
NS = 16
NW = NC * NS
K = 128
EP = 327680
RING = 4
ROWS_PER_TILE = NT // NS

_G = np.array([2 * p for p in range(16)] + [2 * p + 1 for p in range(16)]
              + [32 + 2 * p for p in range(16)]
              + [33 + 2 * p for p in range(16)])
_H = np.argsort(_G)



def _dense1_body(x_ref, wl_ref, wr_ref, b1_ref, xlb_ref, xr_ref):
    x = x_ref[...]
    xl = jnp.dot(x, wl_ref[...], preferred_element_type=jnp.float32)
    xlb = xl.astype(jnp.bfloat16)
    xlb_ref[0] = xlb[:, :64]
    xlb_ref[1] = xlb[:, 64:]
    xr_ref[...] = (jnp.dot(x, wr_ref[...], preferred_element_type=jnp.float32)
                   + b1_ref[...])


def _dense1(x_pad, W1l_T, W1r_T, b1):
    return pl.pallas_call(
        _dense1_body,
        grid=(GRID,),
        in_specs=[
            pl.BlockSpec((R, 128), lambda i: (i, 0)),
            pl.BlockSpec((128, 128), lambda i: (0, 0)),
            pl.BlockSpec((128, 128), lambda i: (0, 0)),
            pl.BlockSpec((1, 128), lambda i: (0, 0)),
        ],
        out_specs=[
            pl.BlockSpec((2, R, 64), lambda i: (0, i, 0)),
            pl.BlockSpec((R, 128), lambda i: (i, 0)),
        ],
        out_shape=[
            jax.ShapeDtypeStruct((2, NT, 64), jnp.bfloat16),
            jax.ShapeDtypeStruct((NT, 128), jnp.float32),
        ],
    )(x_pad, W1l_T, W1r_T, b1)


def _h1_of(agg_ref, cnt_ref, xr_ref):
    agg = jnp.concatenate([agg_ref[0, 0] + agg_ref[0, 1],
                           agg_ref[1, 0] + agg_ref[1, 1]], axis=1)
    cnt = cnt_ref[0] + cnt_ref[1]
    inv = 1.0 / jnp.maximum(cnt, 1.0)
    return jnp.maximum(agg * inv[:, None] + xr_ref[...], 0.0)


def _dense2a_body(agg_ref, cnt_ref, xr_ref, w2l_ref, hl_ref):
    h1 = _h1_of(agg_ref, cnt_ref, xr_ref)
    hl = jnp.dot(h1, w2l_ref[...], preferred_element_type=jnp.float32)
    hl_ref[...] = hl.astype(jnp.bfloat16)


def _dense2b_body(agg_ref, cnt_ref, xr_ref, w2r_ref, b2_ref, hr_ref):
    h1 = _h1_of(agg_ref, cnt_ref, xr_ref)
    hr_ref[...] = (jnp.dot(h1, w2r_ref[...], preferred_element_type=jnp.float32)
                   + b2_ref[...])


_D2_SPECS = [
    pl.BlockSpec((2, 2, R, 64), lambda i: (0, 0, i, 0)),
    pl.BlockSpec((2, R), lambda i: (0, i)),
    pl.BlockSpec((R, 128), lambda i: (i, 0)),
    pl.BlockSpec((128, 64), lambda i: (0, 0)),
]


def _dense2a(aggP, cntP, xr, W2l_T):
    return pl.pallas_call(
        _dense2a_body,
        grid=(GRID,),
        in_specs=_D2_SPECS,
        out_specs=pl.BlockSpec((R, 64), lambda i: (i, 0)),
        out_shape=jax.ShapeDtypeStruct((NT, 64), jnp.bfloat16),
    )(aggP, cntP, xr, W2l_T)


def _dense2b(aggP, cntP, xr, W2r_T, b2):
    return pl.pallas_call(
        _dense2b_body,
        grid=(GRID,),
        in_specs=_D2_SPECS + [pl.BlockSpec((1, 64), lambda i: (0, 0))],
        out_specs=pl.BlockSpec((R, 64), lambda i: (i, 0)),
        out_shape=jax.ShapeDtypeStruct((NT, 64), jnp.float32),
    )(aggP, cntP, xr, W2r_T, b2)


def _dense3_body(agg_ref, cnt_ref, hr_ref, wfc_ref, bfc_ref, out_ref):
    agg = agg_ref[0] + agg_ref[1]
    cnt = cnt_ref[0] + cnt_ref[1]
    inv = 1.0 / jnp.maximum(cnt, 1.0)
    h2 = jnp.maximum(agg * inv[:, None] + hr_ref[...], 0.0)
    logit = jnp.sum(h2 * wfc_ref[...], axis=1, keepdims=True) + bfc_ref[...]
    out_ref[...] = jax.nn.sigmoid(logit)


def _dense3(agg2P, cntP, hr, Wfc, bfc):
    return pl.pallas_call(
        _dense3_body,
        grid=(GRID,),
        in_specs=[
            pl.BlockSpec((2, R, 64), lambda i: (0, i, 0)),
            pl.BlockSpec((2, R), lambda i: (0, i)),
            pl.BlockSpec((R, 64), lambda i: (i, 0)),
            pl.BlockSpec((1, 64), lambda i: (0, 0)),
            pl.BlockSpec((1, 1), lambda i: (0, 0)),
        ],
        out_specs=pl.BlockSpec((R, 1), lambda i: (i, 0)),
        out_shape=jax.ShapeDtypeStruct((NT, 1), jnp.float32),
    )(agg2P, cntP, hr, Wfc, bfc)



def _make_agg(feature_split):
    nphase = 2 if feature_split else 1
    nb = EP // (NW * K)
    ngrp = nb // RING

    mesh = plsc.VectorSubcoreMesh(
        core_axis_name="c", subcore_axis_name="s",
        num_cores=NC, num_subcores=NS)

    if feature_split:
        out_sds = jax.ShapeDtypeStruct((2, NC, NT, 64), jnp.float32)
    else:
        out_sds = jax.ShapeDtypeStruct((NC, NT, 64), jnp.float32)

    scratch = [
        pltpu.VMEM((nb, K), jnp.int32),
        pltpu.VMEM((nb, K), jnp.int32),
        [pltpu.VMEM((K, 32), jnp.int32) for _ in range(RING)],
        [pltpu.VMEM((K, 64), jnp.float32) for _ in range(RING)],
        pltpu.VMEM_SHARED((NT, 32), jnp.int32),
        pltpu.VMEM_SHARED((NT, 64), jnp.float32),
        [pltpu.SemaphoreType.DMA for _ in range(RING)],
        [pltpu.SemaphoreType.DMA for _ in range(RING)],
        pltpu.SemaphoreType.DMA,
    ]

    @functools.partial(pl.kernel, mesh=mesh,
                       out_type=out_sds,
                       scratch_types=scratch,
                       compiler_params=pltpu.CompilerParams(
                           use_tc_tiling_on_sc=False,
                           needs_layout_passes=False))
    def agg_kernel(table, src, dst, zrows, out,
                   srcs, dsts, rowsp, rowsf, stbl, acc, gsem, ssem, sem):
        cid = lax.axis_index("c")
        sid = lax.axis_index("s")
        slab = cid * NS + sid
        zbase = sid * ROWS_PER_TILE

        pltpu.async_copy(src.at[slab], srcs, sem)
        pltpu.sync_copy(dst.at[slab], dsts)
        pltpu.make_async_copy(src.at[slab], srcs, sem).wait()

        def wait_gather(b):
            pltpu.make_async_copy(stbl.at[srcs.at[0]], rowsp[b],
                                  gsem[b]).wait()

        def wait_scatter(b):
            pltpu.make_async_copy(rowsf[b], acc.at[dsts.at[0]],
                                  ssem[b]).wait()

        def unpack(b):
            himask = jnp.int32(-65536)

            def cvt(r, carry):
                for half in range(2):
                    v = rowsp[b][r, pl.ds(16 * half, 16)]
                    lo = plsc.bitcast(v << 16, jnp.float32)
                    hi = plsc.bitcast(v & himask, jnp.float32)
                    rowsf[b][r, pl.ds(32 * half, 16)] = lo
                    rowsf[b][r, pl.ds(32 * half + 16, 16)] = hi
                return carry
            lax.fori_loop(0, K, cvt, 0)

        def group(io, first):
            for b in range(RING):
                ib = io * RING + b
                if not first:
                    wait_scatter(b)
                pltpu.async_copy(stbl.at[srcs.at[ib]], rowsp[b], gsem[b])
            for b in range(RING):
                ib = io * RING + b
                wait_gather(b)
                unpack(b)
                pltpu.async_copy(rowsf[b], acc.at[dsts.at[ib]], ssem[b],
                                 add=True)

        def body(io, carry):
            group(io, False)
            return carry

        for phase in range(nphase):
            pltpu.sync_copy(
                table.at[pl.ds(phase * NT + zbase, ROWS_PER_TILE)]
                if feature_split else table.at[pl.ds(zbase, ROWS_PER_TILE)],
                stbl.at[pl.ds(zbase, ROWS_PER_TILE)])
            pltpu.sync_copy(zrows, acc.at[pl.ds(zbase, ROWS_PER_TILE)])
            plsc.subcore_barrier()

            group(0, True)
            lax.fori_loop(1, ngrp, body, 0)
            for b in range(RING):
                wait_scatter(b)
            plsc.subcore_barrier()

            dst_ref = (out.at[phase, cid] if feature_split
                       else out.at[cid])
            pltpu.sync_copy(acc.at[pl.ds(zbase, ROWS_PER_TILE)],
                            dst_ref.at[pl.ds(zbase, ROWS_PER_TILE)])

    return agg_kernel


_agg128 = _make_agg(feature_split=True)
_agg64 = _make_agg(feature_split=False)

_NBC = EP // (NW * K)


@functools.partial(
    pl.kernel,
    mesh=plsc.VectorSubcoreMesh(core_axis_name="c", subcore_axis_name="s",
                                num_cores=NC, num_subcores=NS),
    out_type=jax.ShapeDtypeStruct((NC, NT), jnp.float32),
    scratch_types=[
        pltpu.VMEM((_NBC, K), jnp.int32),
        pltpu.VMEM((K,), jnp.float32),
        pltpu.VMEM_SHARED((NT,), jnp.float32),
        pltpu.SemaphoreType.DMA,
        pltpu.SemaphoreType.DMA,
    ],
    compiler_params=pltpu.CompilerParams(use_tc_tiling_on_sc=False,
                                         needs_layout_passes=False))
def _cnt_kernel(dst, zcnt, cnt_out, dsts, ones, cacc, sem, ssem):
    cid = lax.axis_index("c")
    sid = lax.axis_index("s")
    zbase = sid * ROWS_PER_TILE
    pltpu.sync_copy(dst.at[cid * NS + sid], dsts)
    pltpu.sync_copy(zcnt, cacc.at[pl.ds(zbase, ROWS_PER_TILE)])
    for j in range(K // 16):
        ones[pl.ds(16 * j, 16)] = jnp.full((16,), 1.0, jnp.float32)
    plsc.subcore_barrier()

    def body(i, carry):
        pltpu.async_copy(ones, cacc.at[dsts.at[i]], ssem, add=True)
        return carry

    lax.fori_loop(0, _NBC, body, 0)

    def drain(i, carry):
        pltpu.make_async_copy(ones, cacc.at[dsts.at[0]], ssem).wait()
        return carry

    lax.fori_loop(0, _NBC, drain, 0)
    plsc.subcore_barrier()
    pltpu.sync_copy(cacc.at[pl.ds(zbase, ROWS_PER_TILE)],
                    cnt_out.at[cid, pl.ds(zbase, ROWS_PER_TILE)])



def _pack_bf16(t):
    return jax.lax.bitcast_convert_type(
        t.reshape(t.shape[:-1] + (32, 2)), jnp.int32)


def kernel(x, edge_index, W1l, b1, W1r, W2l, b2, W2r, Wfc, bfc):
    x_pad = jnp.pad(x, ((0, NT - N), (0, 0)))
    src_flat = jnp.pad(edge_index[0], (0, EP - E))
    dst_flat = jnp.pad(edge_index[1], (0, EP - E), constant_values=NT - 1)
    src32 = src_flat.reshape(NW, EP // (NW * K), K)
    dst32 = dst_flat.reshape(NW, EP // (NW * K), K)
    zrows64 = jnp.zeros((ROWS_PER_TILE, 64), jnp.float32)
    zcnt = jnp.zeros((ROWS_PER_TILE,), jnp.float32)

    perm128 = np.concatenate([_H, 64 + _H])
    W1lT_p = W1l.T[:, perm128]
    W2lT_p = W2l.T[:, _H]

    cntP = _cnt_kernel(dst32, zcnt)
    xlb, xr = _dense1(x_pad, W1lT_p, W1r.T, b1.reshape(1, 128))
    aggP = _agg128(_pack_bf16(xlb).reshape(2 * NT, 32), src32, dst32,
                   zrows64)
    hl = _dense2a(aggP, cntP, xr, W2lT_p)
    agg2P = _agg64(_pack_bf16(hl), src32, dst32, zrows64)
    hr = _dense2b(aggP, cntP, xr, W2r.T, b2.reshape(1, 64))
    out = _dense3(agg2P, cntP, hr, Wfc.reshape(1, 64), bfc.reshape(1, 1))
    return out[:N, 0]

# --- scband reference (transcript-rebuilt; emitter-appended) ---
"""Pipeline reference for scband-sage-model-81200651698325 (READ-ONLY COPY).

The authoritative reference and input builder live on the scoring server;
editing this copy changes nothing except your own understanding.
"""

import jax, jax.numpy as jnp
import numpy as np

N = 10000
E = 320000
D = 128


def setup_inputs(seed: int = 0):
    key = jax.random.key(seed)
    ks = jax.random.split(key, 12)
    x = jax.random.normal(ks[0], (N, D), dtype=jnp.float32)
    edge_index = jax.random.randint(ks[1], (2, E), 0, N, dtype=jnp.int32)
    # SAGEConv 1: in=128 -> out=128 (lin_l has bias, lin_r no bias, mean aggregation)
    W1l = jax.random.normal(ks[2], (128, 128), dtype=jnp.float32) * (1.0 / np.sqrt(128))
    b1 = jnp.zeros((128,), dtype=jnp.float32)
    W1r = jax.random.normal(ks[3], (128, 128), dtype=jnp.float32) * (1.0 / np.sqrt(128))
    # SAGEConv 2: in=128 -> out=64
    W2l = jax.random.normal(ks[4], (64, 128), dtype=jnp.float32) * (1.0 / np.sqrt(128))
    b2 = jnp.zeros((64,), dtype=jnp.float32)
    W2r = jax.random.normal(ks[5], (64, 128), dtype=jnp.float32) * (1.0 / np.sqrt(128))
    # Final linear: 64 -> 1
    Wfc = jax.random.normal(ks[6], (1, 64), dtype=jnp.float32) * (1.0 / np.sqrt(64))
    bfc = jnp.zeros((1,), dtype=jnp.float32)
    return {"x": x, "edge_index": edge_index, "W1l": W1l, "b1": b1, "W1r": W1r,
            "W2l": W2l, "b2": b2, "W2r": W2r, "Wfc": Wfc, "bfc": bfc}


def _sage_conv(x, edge_index, Wl, bl, Wr):
    src = edge_index[0]
    dst = edge_index[1]
    n = x.shape[0]
    msg = x[src]  # gather source node features
    agg = jax.ops.segment_sum(msg, dst, num_segments=n)  # scatter-add at dst
    cnt = jax.ops.segment_sum(jnp.ones((edge_index.shape[1],), dtype=jnp.float32), dst, num_segments=n)
    mean = agg / jnp.maximum(cnt, 1.0)[:, None]
    return mean @ Wl.T + bl + x @ Wr.T


def reference(x, edge_index, W1l, b1, W1r, W2l, b2, W2r, Wfc, bfc):
    h = jax.nn.relu(_sage_conv(x, edge_index, W1l, b1, W1r))
    h = jax.nn.relu(_sage_conv(h, edge_index, W2l, b2, W2r))
    out = jax.nn.sigmoid(h @ Wfc.T + bfc)
    return out.squeeze(-1)

if __name__ == "__main__":
    import jax
    _d = setup_inputs()
    print(jax.jit(kernel)(*tuple(_d.values())))

</pallas_src>

<mosaic_0001>
#map = affine_map<(d0, d1) -> (0, 0)>
#map1 = affine_map<(d0, d1) -> (0, 0, 0)>
module attributes {stable_mosaic.version = 14 : i64} {
  func.func @agg_kernel(%arg0: i32, %arg1: i32, %arg2: memref<10240x32xi32, #tpu.memory_space<hbm>>, %arg3: memref<32x80x128xi32, #tpu.memory_space<hbm>>, %arg4: memref<32x80x128xi32, #tpu.memory_space<hbm>>, %arg5: memref<640x64xf32, #tpu.memory_space<hbm>>, %arg6: memref<2x10240x64xf32, #tpu.memory_space<hbm>>, %arg7: memref<80x128xi32, #tpu.memory_space<vmem>>, %arg8: memref<80x128xi32, #tpu.memory_space<vmem>>, %arg9: memref<128x32xi32, #tpu.memory_space<vmem>>, %arg10: memref<128x32xi32, #tpu.memory_space<vmem>>, %arg11: memref<128x32xi32, #tpu.memory_space<vmem>>, %arg12: memref<128x32xi32, #tpu.memory_space<vmem>>, %arg13: memref<128x64xf32, #tpu.memory_space<vmem>>, %arg14: memref<128x64xf32, #tpu.memory_space<vmem>>, %arg15: memref<128x64xf32, #tpu.memory_space<vmem>>, %arg16: memref<128x64xf32, #tpu.memory_space<vmem>>, %arg17: memref<10240x32xi32, #tpu.memory_space<vmem_shared>>, %arg18: memref<10240x64xf32, #tpu.memory_space<vmem_shared>>, %arg19: memref<!tpu.dma_semaphore, #tpu.memory_space<semaphore_mem>>, %arg20: memref<!tpu.dma_semaphore, #tpu.memory_space<semaphore_mem>>, %arg21: memref<!tpu.dma_semaphore, #tpu.memory_space<semaphore_mem>>, %arg22: memref<!tpu.dma_semaphore, #tpu.memory_space<semaphore_mem>>, %arg23: memref<!tpu.dma_semaphore, #tpu.memory_space<semaphore_mem>>, %arg24: memref<!tpu.dma_semaphore, #tpu.memory_space<semaphore_mem>>, %arg25: memref<!tpu.dma_semaphore, #tpu.memory_space<semaphore_mem>>, %arg26: memref<!tpu.dma_semaphore, #tpu.memory_space<semaphore_mem>>, %arg27: memref<!tpu.dma_semaphore, #tpu.memory_space<semaphore_mem>>) attributes {dimension_semantics = [#tpu.dimension_semantics<core_parallel>, #tpu.dimension_semantics<subcore_parallel>], iteration_bounds = array<i64: 2, 16>, scalar_prefetch = 0 : i64, scratch_operands = 21 : i64, tpu.core_type = #tpu.core_type<sc_vector_subcore>, window_params = [{transform_indices = #map}, {transform_indices = #map1}, {transform_indices = #map1}, {transform_indices = #map}, {transform_indices = #map1}]} {
    %mul3A = arith.constant 16 : i32
    %mul3A_0 = arith.muli %arg0, %mul3A : i32
    %add3A = arith.addi %mul3A_0, %arg1 : i32
    %mul3A_1 = arith.constant 640 : i32
    %mul3A_2 = arith.muli %arg1, %mul3A_1 : i32
    %dma_start3A = arith.constant 0 : i32
    %dma_start3A_3 = arith.constant 0 : i32
    %dma_start3A_4 = tpu.memref_slice %arg3[%add3A, %dma_start3A, %dma_start3A_3] : memref<32x80x128xi32, #tpu.memory_space<hbm>> -> memref<1x80x128xi32, #tpu.memory_space<hbm>>
    %dma_start3A_5 = tpu.memref_squeeze %dma_start3A_4 : memref<1x80x128xi32, #tpu.memory_space<hbm>> -> memref<80x128xi32, #tpu.memory_space<hbm>>
    %dma_start3A_6 = arith.constant 0 : i32
    %dma_start3A_7 = arith.constant 0 : i32
    %dma_start3A_8 = tpu.memref_slice %arg3[%add3A, %dma_start3A_6, %dma_start3A_7] : memref<32x80x128xi32, #tpu.memory_space<hbm>> -> memref<1x80x128xi32, #tpu.memory_space<hbm>>
    %dma_start3A_9 = tpu.memref_squeeze %dma_start3A_8 : memref<1x80x128xi32, #tpu.memory_space<hbm>> -> memref<80x128xi32, #tpu.memory_space<hbm>>
    tpu.enqueue_dma source(%dma_start3A_9 : memref<80x128xi32, #tpu.memory_space<hbm>>) target(%arg7 : memref<80x128xi32, #tpu.memory_space<vmem>>) target_semaphore(%arg27 : memref<!tpu.dma_semaphore, #tpu.memory_space<semaphore_mem>>)
    "tpu.region"() ({
      %run_scoped3A = tpu.sem_alloc : memref<!tpu.dma_semaphore, #tpu.memory_space<semaphore_mem>>
      %dma_start3A_163 = arith.constant 0 : i32
      %dma_start3A_164 = arith.constant 0 : i32
      %dma_start3A_165 = tpu.memref_slice %arg4[%add3A, %dma_start3A_163, %dma_start3A_164] : memref<32x80x128xi32, #tpu.memory_space<hbm>> -> memref<1x80x128xi32, #tpu.memory_space<hbm>>
      %dma_start3A_166 = tpu.memref_squeeze %dma_start3A_165 : memref<1x80x128xi32, #tpu.memory_space<hbm>> -> memref<80x128xi32, #tpu.memory_space<hbm>>
      %dma_start3A_167 = arith.constant 0 : i32
      %dma_start3A_168 = arith.constant 0 : i32
      %dma_start3A_169 = tpu.memref_slice %arg4[%add3A, %dma_start3A_167, %dma_start3A_168] : memref<32x80x128xi32, #tpu.memory_space<hbm>> -> memref<1x80x128xi32, #tpu.memory_space<hbm>>
      %dma_start3A_170 = tpu.memref_squeeze %dma_start3A_169 : memref<1x80x128xi32, #tpu.memory_space<hbm>> -> memref<80x128xi32, #tpu.memory_space<hbm>>
      tpu.enqueue_dma source(%dma_start3A_170 : memref<80x128xi32, #tpu.memory_space<hbm>>) target(%arg8 : memref<80x128xi32, #tpu.memory_space<vmem>>) target_semaphore(%run_scoped3A : memref<!tpu.dma_semaphore, #tpu.memory_space<semaphore_mem>>)
      %dma_wait3A_171 = arith.constant 0 : i32
      %dma_wait3A_172 = arith.constant 0 : i32
      %dma_wait3A_173 = tpu.memref_slice %arg4[%add3A, %dma_wait3A_171, %dma_wait3A_172] : memref<32x80x128xi32, #tpu.memory_space<hbm>> -> memref<1x80x128xi32, #tpu.memory_space<hbm>>
      %dma_wait3A_174 = tpu.memref_squeeze %dma_wait3A_173 : memref<1x80x128xi32, #tpu.memory_space<hbm>> -> memref<80x128xi32, #tpu.memory_space<hbm>>
      %dma_wait3A_175 = arith.constant 0 : i32
      %dma_wait3A_176 = arith.constant 0 : i32
      %dma_wait3A_177 = tpu.memref_slice %arg4[%add3A, %dma_wait3A_175, %dma_wait3A_176] : memref<32x80x128xi32, #tpu.memory_space<hbm>> -> memref<1x80x128xi32, #tpu.memory_space<hbm>>
      %dma_wait3A_178 = tpu.memref_squeeze %dma_wait3A_177 : memref<1x80x128xi32, #tpu.memory_space<hbm>> -> memref<80x128xi32, #tpu.memory_space<hbm>>
      tpu.wait_dma2 semaphore(%run_scoped3A : memref<!tpu.dma_semaphore, #tpu.memory_space<semaphore_mem>>) src(%dma_wait3A_178 : memref<80x128xi32, #tpu.memory_space<hbm>>) dst(%arg8 : memref<80x128xi32, #tpu.memory_space<vmem>>)
      tpu.yield
    }) : () -> ()
    %dma_wait3A = arith.constant 0 : i32
    %dma_wait3A_10 = arith.constant 0 : i32
    %dma_wait3A_11 = tpu.memref_slice %arg3[%add3A, %dma_wait3A, %dma_wait3A_10] : memref<32x80x128xi32, #tpu.memory_space<hbm>> -> memref<1x80x128xi32, #tpu.memory_space<hbm>>
    %dma_wait3A_12 = tpu.memref_squeeze %dma_wait3A_11 : memref<1x80x128xi32, #tpu.memory_space<hbm>> -> memref<80x128xi32, #tpu.memory_space<hbm>>
    %dma_wait3A_13 = arith.constant 0 : i32
    %dma_wait3A_14 = arith.constant 0 : i32
    %dma_wait3A_15 = tpu.memref_slice %arg3[%add3A, %dma_wait3A_13, %dma_wait3A_14] : memref<32x80x128xi32, #tpu.memory_space<hbm>> -> memref<1x80x128xi32, #tpu.memory_space<hbm>>
    %dma_wait3A_16 = tpu.memref_squeeze %dma_wait3A_15 : memref<1x80x128xi32, #tpu.memory_space<hbm>> -> memref<80x128xi32, #tpu.memory_space<hbm>>
    tpu.wait_dma2 semaphore(%arg27 : memref<!tpu.dma_semaphore, #tpu.memory_space<semaphore_mem>>) src(%dma_wait3A_16 : memref<80x128xi32, #tpu.memory_space<hbm>>) dst(%arg7 : memref<80x128xi32, #tpu.memory_space<vmem>>)
    "tpu.region"() ({
      %run_scoped3A = tpu.sem_alloc : memref<!tpu.dma_semaphore, #tpu.memory_space<semaphore_mem>>
      %dma_start3A_163 = arith.constant 0 : i32
      %dma_start3A_164 = tpu.memref_slice %arg17[%mul3A_2, %dma_start3A_163] : memref<10240x32xi32, #tpu.memory_space<vmem_shared>> -> memref<640x32xi32, #tpu.memory_space<vmem_shared>>
      %dma_start3A_165 = arith.constant 0 : i32
      %dma_start3A_166 = tpu.memref_slice %arg2[%mul3A_2, %dma_start3A_165] : memref<10240x32xi32, #tpu.memory_space<hbm>> -> memref<640x32xi32, #tpu.memory_space<hbm>>
      tpu.enqueue_dma source(%dma_start3A_166 : memref<640x32xi32, #tpu.memory_space<hbm>>) target(%dma_start3A_164 : memref<640x32xi32, #tpu.memory_space<vmem_shared>>) target_semaphore(%run_scoped3A : memref<!tpu.dma_semaphore, #tpu.memory_space<semaphore_mem>>)
      %dma_wait3A_167 = arith.constant 0 : i32
      %dma_wait3A_168 = tpu.memref_slice %arg17[%mul3A_2, %dma_wait3A_167] : memref<10240x32xi32, #tpu.memory_space<vmem_shared>> -> memref<640x32xi32, #tpu.memory_space<vmem_shared>>
      %dma_wait3A_169 = arith.constant 0 : i32
      %dma_wait3A_170 = tpu.memref_slice %arg2[%mul3A_2, %dma_wait3A_169] : memref<10240x32xi32, #tpu.memory_space<hbm>> -> memref<640x32xi32, #tpu.memory_space<hbm>>
      tpu.wait_dma2 semaphore(%run_scoped3A : memref<!tpu.dma_semaphore, #tpu.memory_space<semaphore_mem>>) src(%dma_wait3A_170 : memref<640x32xi32, #tpu.memory_space<hbm>>) dst(%dma_wait3A_168 : memref<640x32xi32, #tpu.memory_space<vmem_shared>>)
      tpu.yield
    }) : () -> ()
    "tpu.region"() ({
      %run_scoped3A = tpu.sem_alloc : memref<!tpu.dma_semaphore, #tpu.memory_space<semaphore_mem>>
      %dma_start3A_163 = arith.constant 0 : i32
      %dma_start3A_164 = tpu.memref_slice %arg18[%mul3A_2, %dma_start3A_163] : memref<10240x64xf32, #tpu.memory_space<vmem_shared>> -> memref<640x64xf32, #tpu.memory_space<vmem_shared>>
      tpu.enqueue_dma source(%arg5 : memref<640x64xf32, #tpu.memory_space<hbm>>) target(%dma_start3A_164 : memref<640x64xf32, #tpu.memory_space<vmem_shared>>) target_semaphore(%run_scoped3A : memref<!tpu.dma_semaphore, #tpu.memory_space<semaphore_mem>>)
      %dma_wait3A_165 = arith.constant 0 : i32
      %dma_wait3A_166 = tpu.memref_slice %arg18[%mul3A_2, %dma_wait3A_165] : memref<10240x64xf32, #tpu.memory_space<vmem_shared>> -> memref<640x64xf32, #tpu.memory_space<vmem_shared>>
      tpu.wait_dma2 semaphore(%run_scoped3A : memref<!tpu.dma_semaphore, #tpu.memory_space<semaphore_mem>>) src(%arg5 : memref<640x64xf32, #tpu.memory_space<hbm>>) dst(%dma_wait3A_166 : memref<640x64xf32, #tpu.memory_space<vmem_shared>>)
      tpu.yield
    }) : () -> ()
    %barrier3A = arith.constant 0 : index
    tpu.barrier barrier_id(%barrier3A)
    %dma_start3A_17 = arith.constant 0 : i32
    %dma_start3A_18 = arith.constant 0 : i32
    %dma_start3A_19 = tpu.memref_slice %arg7[%dma_start3A_17, %dma_start3A_18] : memref<80x128xi32, #tpu.memory_space<vmem>> -> memref<1x128xi32, #tpu.memory_space<vmem>>
    %dma_start3A_20 = tpu.memref_squeeze %dma_start3A_19 : memref<1x128xi32, #tpu.memory_space<vmem>> -> memref<128xi32, #tpu.memory_space<vmem>>
    %dma_start3A_21 = arith.constant 0 : i32
    %dma_start3A_22 = arith.constant 0 : i32
    %dma_start3A_23 = tpu.memref_slice %arg17[%dma_start3A_21, %dma_start3A_22] : memref<10240x32xi32, #tpu.memory_space<vmem_shared>> -> memref<10240x32xi32, #tpu.memory_space<vmem_shared>>
    tpu.enqueue_indirect_dma source(%dma_start3A_23 : memref<10240x32xi32, #tpu.memory_space<vmem_shared>>) target(%arg9 : memref<128x32xi32, #tpu.memory_space<vmem>>) offsets(%dma_start3A_20 : memref<128xi32, #tpu.memory_space<vmem>>) semaphore(%arg19 : memref<!tpu.dma_semaphore, #tpu.memory_space<semaphore_mem>>)
    %dma_start3A_24 = arith.constant 1 : i32
    %dma_start3A_25 = arith.constant 0 : i32
    %dma_start3A_26 = tpu.memref_slice %arg7[%dma_start3A_24, %dma_start3A_25] : memref<80x128xi32, #tpu.memory_space<vmem>> -> memref<1x128xi32, #tpu.memory_space<vmem>>
    %dma_start3A_27 = tpu.memref_squeeze %dma_start3A_26 : memref<1x128xi32, #tpu.memory_space<vmem>> -> memref<128xi32, #tpu.memory_space<vmem>>
    %dma_start3A_28 = arith.constant 0 : i32
    %dma_start3A_29 = arith.constant 0 : i32
    %dma_start3A_30 = tpu.memref_slice %arg17[%dma_start3A_28, %dma_start3A_29] : memref<10240x32xi32, #tpu.memory_space<vmem_shared>> -> memref<10240x32xi32, #tpu.memory_space<vmem_shared>>
    tpu.enqueue_indirect_dma source(%dma_start3A_30 : memref<10240x32xi32, #tpu.memory_space<vmem_shared>>) target(%arg10 : memref<128x32xi32, #tpu.memory_space<vmem>>) offsets(%dma_start3A_27 : memref<128xi32, #tpu.memory_space<vmem>>) semaphore(%arg20 : memref<!tpu.dma_semaphore, #tpu.memory_space<semaphore_mem>>)
    %dma_start3A_31 = arith.constant 2 : i32
    %dma_start3A_32 = arith.constant 0 : i32
    %dma_start3A_33 = tpu.memref_slice %arg7[%dma_start3A_31, %dma_start3A_32] : memref<80x128xi32, #tpu.memory_space<vmem>> -> memref<1x128xi32, #tpu.memory_space<vmem>>
    %dma_start3A_34 = tpu.memref_squeeze %dma_start3A_33 : memref<1x128xi32, #tpu.memory_space<vmem>> -> memref<128xi32, #tpu.memory_space<vmem>>
    %dma_start3A_35 = arith.constant 0 : i32
    %dma_start3A_36 = arith.constant 0 : i32
    %dma_start3A_37 = tpu.memref_slice %arg17[%dma_start3A_35, %dma_start3A_36] : memref<10240x32xi32, #tpu.memory_space<vmem_shared>> -> memref<10240x32xi32, #tpu.memory_space<vmem_shared>>
    tpu.enqueue_indirect_dma source(%dma_start3A_37 : memref<10240x32xi32, #tpu.memory_space<vmem_shared>>) target(%arg11 : memref<128x32xi32, #tpu.memory_space<vmem>>) offsets(%dma_start3A_34 : memref<128xi32, #tpu.memory_space<vmem>>) semaphore(%arg21 : memref<!tpu.dma_semaphore, #tpu.memory_space<semaphore_mem>>)
    %dma_start3A_38 = arith.constant 3 : i32
    %dma_start3A_39 = arith.constant 0 : i32
    %dma_start3A_40 = tpu.memref_slice %arg7[%dma_start3A_38, %dma_start3A_39] : memref<80x128xi32, #tpu.memory_space<vmem>> -> memref<1x128xi32, #tpu.memory_space<vmem>>
    %dma_start3A_41 = tpu.memref_squeeze %dma_start3A_40 : memref<1x128xi32, #tpu.memory_space<vmem>> -> memref<128xi32, #tpu.memory_space<vmem>>
    %dma_start3A_42 = arith.constant 0 : i32
    %dma_start3A_43 = arith.constant 0 : i32
    %dma_start3A_44 = tpu.memref_slice %arg17[%dma_start3A_42, %dma_start3A_43] : memref<10240x32xi32, #tpu.memory_space<vmem_shared>> -> memref<10240x32xi32, #tpu.memory_space<vmem_shared>>
    tpu.enqueue_indirect_dma source(%dma_start3A_44 : memref<10240x32xi32, #tpu.memory_space<vmem_shared>>) target(%arg12 : memref<128x32xi32, #tpu.memory_space<vmem>>) offsets(%dma_start3A_41 : memref<128xi32, #tpu.memory_space<vmem>>) semaphore(%arg22 : memref<!tpu.dma_semaphore, #tpu.memory_space<semaphore_mem>>)
    %dma_wait3A_45 = arith.constant 0 : i32
    %dma_wait3A_46 = arith.constant 0 : i32
    %dma_wait3A_47 = tpu.memref_slice %arg7[%dma_wait3A_45, %dma_wait3A_46] : memref<80x128xi32, #tpu.memory_space<vmem>> -> memref<1x128xi32, #tpu.memory_space<vmem>>
    %dma_wait3A_48 = tpu.memref_squeeze %dma_wait3A_47 : memref<1x128xi32, #tpu.memory_space<vmem>> -> memref<128xi32, #tpu.memory_space<vmem>>
    %dma_wait3A_49 = arith.constant 0 : i32
    %dma_wait3A_50 = arith.constant 0 : i32
    %dma_wait3A_51 = tpu.memref_slice %arg17[%dma_wait3A_49, %dma_wait3A_50] : memref<10240x32xi32, #tpu.memory_space<vmem_shared>> -> memref<10240x32xi32, #tpu.memory_space<vmem_shared>>
    tpu.wait_indirect_dma semaphore(%arg19 : memref<!tpu.dma_semaphore, #tpu.memory_space<semaphore_mem>>) src(%dma_wait3A_51 : memref<10240x32xi32, #tpu.memory_space<vmem_shared>>) dst(%arg9 : memref<128x32xi32, #tpu.memory_space<vmem>>)
    %scan3A = arith.constant 0 : i32
    %scan3A_52 = arith.constant -65536 : i32
    %scan3A_53 = arith.constant 0 : i32
    %scan3A_54 = arith.constant 128 : i32
    %scan3A_55 = arith.addi %scan3A_53, %scan3A_54 : i32
    %scan3A_56 = arith.constant 1 : i32
    scf.for %scan3A_163 = %scan3A_53 to %scan3A_55 step %scan3A_56  : i32 {
      %get3A = arith.index_cast %scan3A_163 : i32 to index
      %get3A_164 = arith.constant 0 : index
      %get3A_165 = tpu.vector_load %arg9[%get3A, %get3A_164] {strides = array<i32>} : memref<128x32xi32, #tpu.memory_space<vmem>>, vector<16xi32>,
      %shift_left3A = arith.constant 16 : i32
      %shift_left3A_166 = vector.broadcast %shift_left3A : i32 to vector<16xi32>
      %shift_left3A_167 = arith.shli %get3A_165, %shift_left3A_166 : vector<16xi32>
      %bitcast3A = vector.bitcast %shift_left3A_167 : vector<16xi32> to vector<16xf32>
      %and3A = vector.broadcast %scan3A_52 : i32 to vector<16xi32>
      %and3A_168 = arith.andi %get3A_165, %and3A : vector<16xi32>
      %bitcast3A_169 = vector.bitcast %and3A_168 : vector<16xi32> to vector<16xf32>
      %swap3A = arith.index_cast %scan3A_163 : i32 to index
      %swap3A_170 = arith.constant 0 : index
      %swap3A_171 = tpu.vector_load %arg13[%swap3A, %swap3A_170] {strides = array<i32>} : memref<128x64xf32, #tpu.memory_space<vmem>>, vector<16xf32>,
      tpu.vector_store %arg13[%swap3A, %swap3A_170], %bitcast3A {strides = array<i32>} : memref<128x64xf32, #tpu.memory_space<vmem>>, vector<16xf32>,
      %swap3A_172 = arith.index_cast %scan3A_163 : i32 to index
      %swap3A_173 = arith.constant 16 : index
      %swap3A_174 = tpu.vector_load %arg13[%swap3A_172, %swap3A_173] {strides = array<i32>} : memref<128x64xf32, #tpu.memory_space<vmem>>, vector<16xf32>,
      tpu.vector_store %arg13[%swap3A_172, %swap3A_173], %bitcast3A_169 {strides = array<i32>} : memref<128x64xf32, #tpu.memory_space<vmem>>, vector<16xf32>,
      %get3A_175 = arith.index_cast %scan3A_163 : i32 to index
      %get3A_176 = arith.constant 16 : index
      %get3A_177 = tpu.vector_load %arg9[%get3A_175, %get3A_176] {strides = array<i32>} : memref<128x32xi32, #tpu.memory_space<vmem>>, vector<16xi32>,
      %shift_left3A_178 = arith.constant 16 : i32
      %shift_left3A_179 = vector.broadcast %shift_left3A_178 : i32 to vector<16xi32>
      %shift_left3A_180 = arith.shli %get3A_177, %shift_left3A_179 : vector<16xi32>
      %bitcast3A_181 = vector.bitcast %shift_left3A_180 : vector<16xi32> to vector<16xf32>
      %and3A_182 = vector.broadcast %scan3A_52 : i32 to vector<16xi32>
      %and3A_183 = arith.andi %get3A_177, %and3A_182 : vector<16xi32>
      %bitcast3A_184 = vector.bitcast %and3A_183 : vector<16xi32> to vector<16xf32>
      %swap3A_185 = arith.index_cast %scan3A_163 : i32 to index
      %swap3A_186 = arith.constant 32 : index
      %swap3A_187 = tpu.vector_load %arg13[%swap3A_185, %swap3A_186] {strides = array<i32>} : memref<128x64xf32, #tpu.memory_space<vmem>>, vector<16xf32>,
      tpu.vector_store %arg13[%swap3A_185, %swap3A_186], %bitcast3A_181 {strides = array<i32>} : memref<128x64xf32, #tpu.memory_space<vmem>>, vector<16xf32>,
      %swap3A_188 = arith.index_cast %scan3A_163 : i32 to index
      %swap3A_189 = arith.constant 48 : index
      %swap3A_190 = tpu.vector_load %arg13[%swap3A_188, %swap3A_189] {strides = array<i32>} : memref<128x64xf32, #tpu.memory_space<vmem>>, vector<16xf32>,
      tpu.vector_store %arg13[%swap3A_188, %swap3A_189], %bitcast3A_184 {strides = array<i32>} : memref<128x64xf32, #tpu.memory_space<vmem>>, vector<16xf32>,
    }
    %scan3A_57 = arith.constant 128 : i32
    %dma_start3A_58 = arith.constant 0 : i32
    %dma_start3A_59 = arith.constant 0 : i32
    %dma_start3A_60 = tpu.memref_slice %arg8[%dma_start3A_58, %dma_start3A_59] : memref<80x128xi32, #tpu.memory_space<vmem>> -> memref<1x128xi32, #tpu.memory_space<vmem>>
    %dma_start3A_61 = tpu.memref_squeeze %dma_start3A_60 : memref<1x128xi32, #tpu.memory_space<vmem>> -> memref<128xi32, #tpu.memory_space<vmem>>
    %dma_start3A_62 = arith.constant 0 : i32
    %dma_start3A_63 = arith.constant 0 : i32
    %dma_start3A_64 = tpu.memref_slice %arg18[%dma_start3A_62, %dma_start3A_63] : memref<10240x64xf32, #tpu.memory_space<vmem_shared>> -> memref<10240x64xf32, #tpu.memory_space<vmem_shared>>
    tpu.enqueue_indirect_dma source(%arg13 : memref<128x64xf32, #tpu.memory_space<vmem>>) target(%dma_start3A_64 : memref<10240x64xf32, #tpu.memory_space<vmem_shared>>) offsets(%dma_start3A_61 : memref<128xi32, #tpu.memory_space<vmem>>) semaphore(%arg23 : memref<!tpu.dma_semaphore, #tpu.memory_space<semaphore_mem>>) {add = true}
    %dma_wait3A_65 = arith.constant 0 : i32
    %dma_wait3A_66 = arith.constant 0 : i32
    %dma_wait3A_67 = tpu.memref_slice %arg7[%dma_wait3A_65, %dma_wait3A_66] : memref<80x128xi32, #tpu.memory_space<vmem>> -> memref<1x128xi32, #tpu.memory_space<vmem>>
    %dma_wait3A_68 = tpu.memref_squeeze %dma_wait3A_67 : memref<1x128xi32, #tpu.memory_space<vmem>> -> memref<128xi32, #tpu.memory_space<vmem>>
    %dma_wait3A_69 = arith.constant 0 : i32
    %dma_wait3A_70 = arith.constant 0 : i32
    %dma_wait3A_71 = tpu.memref_slice %arg17[%dma_wait3A_69, %dma_wait3A_70] : memref<10240x32xi32, #tpu.memory_space<vmem_shared>> -> memref<10240x32xi32, #tpu.memory_space<vmem_shared>>
    tpu.wait_indirect_dma semaphore(%arg20 : memref<!tpu.dma_semaphore, #tpu.memory_space<semaphore_mem>>) src(%dma_wait3A_71 : memref<10240x32xi32, #tpu.memory_space<vmem_shared>>) dst(%arg10 : memref<128x32xi32, #tpu.memory_space<vmem>>)
    %scan3A_72 = arith.constant 0 : i32
    %scan3A_73 = arith.constant -65536 : i32
    %scan3A_74 = arith.constant 0 : i32
    %scan3A_75 = arith.constant 128 : i32
    %scan3A_76 = arith.addi %scan3A_74, %scan3A_75 : i32
    %scan3A_77 = arith.constant 1 : i32
    scf.for %scan3A_163 = %scan3A_74 to %scan3A_76 step %scan3A_77  : i32 {
      %get3A = arith.index_cast %scan3A_163 : i32 to index
      %get3A_164 = arith.constant 0 : index
      %get3A_165 = tpu.vector_load %arg10[%get3A, %get3A_164] {strides = array<i32>} : memref<128x32xi32, #tpu.memory_space<vmem>>, vector<16xi32>,
      %shift_left3A = arith.constant 16 : i32
      %shift_left3A_166 = vector.broadcast %shift_left3A : i32 to vector<16xi32>
      %shift_left3A_167 = arith.shli %get3A_165, %shift_left3A_166 : vector<16xi32>
      %bitcast3A = vector.bitcast %shift_left3A_167 : vector<16xi32> to vector<16xf32>
      %and3A = vector.broadcast %scan3A_73 : i32 to vector<16xi32>
      %and3A_168 = arith.andi %get3A_165, %and3A : vector<16xi32>
      %bitcast3A_169 = vector.bitcast %and3A_168 : vector<16xi32> to vector<16xf32>
      %swap3A = arith.index_cast %scan3A_163 : i32 to index
      %swap3A_170 = arith.constant 0 : index
      %swap3A_171 = tpu.vector_load %arg14[%swap3A, %swap3A_170] {strides = array<i32>} : memref<128x64xf32, #tpu.memory_space<vmem>>, vector<16xf32>,
      tpu.vector_store %arg14[%swap3A, %swap3A_170], %bitcast3A {strides = array<i32>} : memref<128x64xf32, #tpu.memory_space<vmem>>, vector<16xf32>,
      %swap3A_172 = arith.index_cast %scan3A_163 : i32 to index
      %swap3A_173 = arith.constant 16 : index
      %swap3A_174 = tpu.vector_load %arg14[%swap3A_172, %swap3A_173] {strides = array<i32>} : memref<128x64xf32, #tpu.memory_space<vmem>>, vector<16xf32>,
      tpu.vector_store %arg14[%swap3A_172, %swap3A_173], %bitcast3A_169 {strides = array<i32>} : memref<128x64xf32, #tpu.memory_space<vmem>>, vector<16xf32>,
      %get3A_175 = arith.index_cast %scan3A_163 : i32 to index
      %get3A_176 = arith.constant 16 : index
      %get3A_177 = tpu.vector_load %arg10[%get3A_175, %get3A_176] {strides = array<i32>} : memref<128x32xi32, #tpu.memory_space<vmem>>, vector<16xi32>,
      %shift_left3A_178 = arith.constant 16 : i32
      %shift_left3A_179 = vector.broadcast %shift_left3A_178 : i32 to vector<16xi32>
      %shift_left3A_180 = arith.shli %get3A_177, %shift_left3A_179 : vector<16xi32>
      %bitcast3A_181 = vector.bitcast %shift_left3A_180 : vector<16xi32> to vector<16xf32>
      %and3A_182 = vector.broadcast %scan3A_73 : i32 to vector<16xi32>
      %and3A_183 = arith.andi %get3A_177, %and3A_182 : vector<16xi32>
      %bitcast3A_184 = vector.bitcast %and3A_183 : vector<16xi32> to vector<16xf32>
      %swap3A_185 = arith.index_cast %scan3A_163 : i32 to index
      %swap3A_186 = arith.constant 32 : index
      %swap3A_187 = tpu.vector_load %arg14[%swap3A_185, %swap3A_186] {strides = array<i32>} : memref<128x64xf32, #tpu.memory_space<vmem>>, vector<16xf32>,
      tpu.vector_store %arg14[%swap3A_185, %swap3A_186], %bitcast3A_181 {strides = array<i32>} : memref<128x64xf32, #tpu.memory_space<vmem>>, vector<16xf32>,
      %swap3A_188 = arith.index_cast %scan3A_163 : i32 to index
      %swap3A_189 = arith.constant 48 : index
      %swap3A_190 = tpu.vector_load %arg14[%swap3A_188, %swap3A_189] {strides = array<i32>} : memref<128x64xf32, #tpu.memory_space<vmem>>, vector<16xf32>,
      tpu.vector_store %arg14[%swap3A_188, %swap3A_189], %bitcast3A_184 {strides = array<i32>} : memref<128x64xf32, #tpu.memory_space<vmem>>, vector<16xf32>,
    }
    %scan3A_78 = arith.constant 128 : i32
    %dma_start3A_79 = arith.constant 1 : i32
    %dma_start3A_80 = arith.constant 0 : i32
    %dma_start3A_81 = tpu.memref_slice %arg8[%dma_start3A_79, %dma_start3A_80] : memref<80x128xi32, #tpu.memory_space<vmem>> -> memref<1x128xi32, #tpu.memory_space<vmem>>
    %dma_start3A_82 = tpu.memref_squeeze %dma_start3A_81 : memref<1x128xi32, #tpu.memory_space<vmem>> -> memref<128xi32, #tpu.memory_space<vmem>>
    %dma_start3A_83 = arith.constant 0 : i32
    %dma_start3A_84 = arith.constant 0 : i32
    %dma_start3A_85 = tpu.memref_slice %arg18[%dma_start3A_83, %dma_start3A_84] : memref<10240x64xf32, #tpu.memory_space<vmem_shared>> -> memref<10240x64xf32, #tpu.memory_space<vmem_shared>>
    tpu.enqueue_indirect_dma source(%arg14 : memref<128x64xf32, #tpu.memory_space<vmem>>) target(%dma_start3A_85 : memref<10240x64xf32, #tpu.memory_space<vmem_shared>>) offsets(%dma_start3A_82 : memref<128xi32, #tpu.memory_space<vmem>>) semaphore(%arg24 : memref<!tpu.dma_semaphore, #tpu.memory_space<semaphore_mem>>) {add = true}
    %dma_wait3A_86 = arith.constant 0 : i32
    %dma_wait3A_87 = arith.constant 0 : i32
    %dma_wait3A_88 = tpu.memref_slice %arg7[%dma_wait3A_86, %dma_wait3A_87] : memref<80x128xi32, #tpu.memory_space<vmem>> -> memref<1x128xi32, #tpu.memory_space<vmem>>
    %dma_wait3A_89 = tpu.memref_squeeze %dma_wait3A_88 : memref<1x128xi32, #tpu.memory_space<vmem>> -> memref<128xi32, #tpu.memory_space<vmem>>
    %dma_wait3A_90 = arith.constant 0 : i32
    %dma_wait3A_91 = arith.constant 0 : i32
    %dma_wait3A_92 = tpu.memref_slice %arg17[%dma_wait3A_90, %dma_wait3A_91] : memref<10240x32xi32, #tpu.memory_space<vmem_shared>> -> memref<10240x32xi32, #tpu.memory_space<vmem_shared>>
    tpu.wait_indirect_dma semaphore(%arg21 : memref<!tpu.dma_semaphore, #tpu.memory_space<semaphore_mem>>) src(%dma_wait3A_92 : memref<10240x32xi32, #tpu.memory_space<vmem_shared>>) dst(%arg11 : memref<128x32xi32, #tpu.memory_space<vmem>>)
    %scan3A_93 = arith.constant 0 : i32
    %scan3A_94 = arith.constant -65536 : i32
    %scan3A_95 = arith.constant 0 : i32
    %scan3A_96 = arith.constant 128 : i32
    %scan3A_97 = arith.addi %scan3A_95, %scan3A_96 : i32
    %scan3A_98 = arith.constant 1 : i32
    scf.for %scan3A_163 = %scan3A_95 to %scan3A_97 step %scan3A_98  : i32 {
      %get3A = arith.index_cast %scan3A_163 : i32 to index
      %get3A_164 = arith.constant 0 : index
      %get3A_165 = tpu.vector_load %arg11[%get3A, %get3A_164] {strides = array<i32>} : memref<128x32xi32, #tpu.memory_space<vmem>>, vector<16xi32>,
      %shift_left3A = arith.constant 16 : i32
      %shift_left3A_166 = vector.broadcast %shift_left3A : i32 to vector<16xi32>
      %shift_left3A_167 = arith.shli %get3A_165, %shift_left3A_166 : vector<16xi32>
      %bitcast3A = vector.bitcast %shift_left3A_167 : vector<16xi32> to vector<16xf32>
      %and3A = vector.broadcast %scan3A_94 : i32 to vector<16xi32>
      %and3A_168 = arith.andi %get3A_165, %and3A : vector<16xi32>
      %bitcast3A_169 = vector.bitcast %and3A_168 : vector<16xi32> to vector<16xf32>
      %swap3A = arith.index_cast %scan3A_163 : i32 to index
      %swap3A_170 = arith.constant 0 : index
      %swap3A_171 = tpu.vector_load %arg15[%swap3A, %swap3A_170] {strides = array<i32>} : memref<128x64xf32, #tpu.memory_space<vmem>>, vector<16xf32>,
      tpu.vector_store %arg15[%swap3A, %swap3A_170], %bitcast3A {strides = array<i32>} : memref<128x64xf32, #tpu.memory_space<vmem>>, vector<16xf32>,
      %swap3A_172 = arith.index_cast %scan3A_163 : i32 to index
      %swap3A_173 = arith.constant 16 : index
      %swap3A_174 = tpu.vector_load %arg15[%swap3A_172, %swap3A_173] {strides = array<i32>} : memref<128x64xf32, #tpu.memory_space<vmem>>, vector<16xf32>,
      tpu.vector_store %arg15[%swap3A_172, %swap3A_173], %bitcast3A_169 {strides = array<i32>} : memref<128x64xf32, #tpu.memory_space<vmem>>, vector<16xf32>,
      %get3A_175 = arith.index_cast %scan3A_163 : i32 to index
      %get3A_176 = arith.constant 16 : index
      %get3A_177 = tpu.vector_load %arg11[%get3A_175, %get3A_176] {strides = array<i32>} : memref<128x32xi32, #tpu.memory_space<vmem>>, vector<16xi32>,
      %shift_left3A_178 = arith.constant 16 : i32
      %shift_left3A_179 = vector.broadcast %shift_left3A_178 : i32 to vector<16xi32>
      %shift_left3A_180 = arith.shli %get3A_177, %shift_left3A_179 : vector<16xi32>
      %bitcast3A_181 = vector.bitcast %shift_left3A_180 : vector<16xi32> to vector<16xf32>
      %and3A_182 = vector.broadcast %scan3A_94 : i32 to vector<16xi32>
      %and3A_183 = arith.andi %get3A_177, %and3A_182 : vector<16xi32>
      %bitcast3A_184 = vector.bitcast %and3A_183 : vector<16xi32> to vector<16xf32>
      %swap3A_185 = arith.index_cast %scan3A_163 : i32 to index
      %swap3A_186 = arith.constant 32 : index
      %swap3A_187 = tpu.vector_load %arg15[%swap3A_185, %swap3A_186] {strides = array<i32>} : memref<128x64xf32, #tpu.memory_space<vmem>>, vector<16xf32>,
      tpu.vector_store %arg15[%swap3A_185, %swap3A_186], %bitcast3A_181 {strides = array<i32>} : memref<128x64xf32, #tpu.memory_space<vmem>>, vector<16xf32>,
      %swap3A_188 = arith.index_cast %scan3A_163 : i32 to index
      %swap3A_189 = arith.constant 48 : index
      %swap3A_190 = tpu.vector_load %arg15[%swap3A_188, %swap3A_189] {strides = array<i32>} : memref<128x64xf32, #tpu.memory_space<vmem>>, vector<16xf32>,
      tpu.vector_store %arg15[%swap3A_188, %swap3A_189], %bitcast3A_184 {strides = array<i32>} : memref<128x64xf32, #tpu.memory_space<vmem>>, vector<16xf32>,
    }
    %scan3A_99 = arith.constant 128 : i32
    %dma_start3A_100 = arith.constant 2 : i32
    %dma_start3A_101 = arith.constant 0 : i32
    %dma_start3A_102 = tpu.memref_slice %arg8[%dma_start3A_100, %dma_start3A_101] : memref<80x128xi32, #tpu.memory_space<vmem>> -> memref<1x128xi32, #tpu.memory_space<vmem>>
    %dma_start3A_103 = tpu.memref_squeeze %dma_start3A_102 : memref<1x128xi32, #tpu.memory_space<vmem>> -> memref<128xi32, #tpu.memory_space<vmem>>
    %dma_start3A_104 = arith.constant 0 : i32
    %dma_start3A_105 = arith.constant 0 : i32
    %dma_start3A_106 = tpu.memref_slice %arg18[%dma_start3A_104, %dma_start3A_105] : memref<10240x64xf32, #tpu.memory_space<vmem_shared>> -> memref<10240x64xf32, #tpu.memory_space<vmem_shared>>
    tpu.enqueue_indirect_dma source(%arg15 : memref<128x64xf32, #tpu.memory_space<vmem>>) target(%dma_start3A_106 : memref<10240x64xf32, #tpu.memory_space<vmem_shared>>) offsets(%dma_start3A_103 : memref<128xi32, #tpu.memory_space<vmem>>) semaphore(%arg25 : memref<!tpu.dma_semaphore, #tpu.memory_space<semaphore_mem>>) {add = true}
    %dma_wait3A_107 = arith.constant 0 : i32
    %dma_wait3A_108 = arith.constant 0 : i32
    %dma_wait3A_109 = tpu.memref_slice %arg7[%dma_wait3A_107, %dma_wait3A_108] : memref<80x128xi32, #tpu.memory_space<vmem>> -> memref<1x128xi32, #tpu.memory_space<vmem>>
    %dma_wait3A_110 = tpu.memref_squeeze %dma_wait3A_109 : memref<1x128xi32, #tpu.memory_space<vmem>> -> memref<128xi32, #tpu.memory_space<vmem>>
    %dma_wait3A_111 = arith.constant 0 : i32
    %dma_wait3A_112 = arith.constant 0 : i32
    %dma_wait3A_113 = tpu.memref_slice %arg17[%dma_wait3A_111, %dma_wait3A_112] : memref<10240x32xi32, #tpu.memory_space<vmem_shared>> -> memref<10240x32xi32, #tpu.memory_space<vmem_shared>>
    tpu.wait_indirect_dma semaphore(%arg22 : memref<!tpu.dma_semaphore, #tpu.memory_space<semaphore_mem>>) src(%dma_wait3A_113 : memref<10240x32xi32, #tpu.memory_space<vmem_shared>>) dst(%arg12 : memref<128x32xi32, #tpu.memory_space<vmem>>)
    %scan3A_114 = arith.constant 0 : i32
    %scan3A_115 = arith.constant -65536 : i32
    %scan3A_116 = arith.constant 0 : i32
    %scan3A_117 = arith.constant 128 : i32
    %scan3A_118 = arith.addi %scan3A_116, %scan3A_117 : i32
    %scan3A_119 = arith.constant 1 : i32
    scf.for %scan3A_163 = %scan3A_116 to %scan3A_118 step %scan3A_119  : i32 {
      %get3A = arith.index_cast %scan3A_163 : i32 to index
      %get3A_164 = arith.constant 0 : index
      %get3A_165 = tpu.vector_load %arg12[%get3A, %get3A_164] {strides = array<i32>} : memref<128x32xi32, #tpu.memory_space<vmem>>, vector<16xi32>,
      %shift_left3A = arith.constant 16 : i32
      %shift_left3A_166 = vector.broadcast %shift_left3A : i32 to vector<16xi32>
      %shift_left3A_167 = arith.shli %get3A_165, %shift_left3A_166 : vector<16xi32>
      %bitcast3A = vector.bitcast %shift_left3A_167 : vector<16xi32> to vector<16xf32>
      %and3A = vector.broadcast %scan3A_115 : i32 to vector<16xi32>
      %and3A_168 = arith.andi %get3A_165, %and3A : vector<16xi32>
      %bitcast3A_169 = vector.bitcast %and3A_168 : vector<16xi32> to vector<16xf32>
      %swap3A = arith.index_cast %scan3A_163 : i32 to index
      %swap3A_170 = arith.constant 0 : index
      %swap3A_171 = tpu.vector_load %arg16[%swap3A, %swap3A_170] {strides = array<i32>} : memref<128x64xf32, #tpu.memory_space<vmem>>, vector<16xf32>,
      tpu.vector_store %arg16[%swap3A, %swap3A_170], %bitcast3A {strides = array<i32>} : memref<128x64xf32, #tpu.memory_space<vmem>>, vector<16xf32>,
      %swap3A_172 = arith.index_cast %scan3A_163 : i32 to index
      %swap3A_173 = arith.constant 16 : index
      %swap3A_174 = tpu.vector_load %arg16[%swap3A_172, %swap3A_173] {strides = array<i32>} : memref<128x64xf32, #tpu.memory_space<vmem>>, vector<16xf32>,
      tpu.vector_store %arg16[%swap3A_172, %swap3A_173], %bitcast3A_169 {strides = array<i32>} : memref<128x64xf32, #tpu.memory_space<vmem>>, vector<16xf32>,
      %get3A_175 = arith.index_cast %scan3A_163 : i32 to index
      %get3A_176 = arith.constant 16 : index
      %get3A_177 = tpu.vector_load %arg12[%get3A_175, %get3A_176] {strides = array<i32>} : memref<128x32xi32, #tpu.memory_space<vmem>>, vector<16xi32>,
      %shift_left3A_178 = arith.constant 16 : i32
      %shift_left3A_179 = vector.broadcast %shift_left3A_178 : i32 to vector<16xi32>
      %shift_left3A_180 = arith.shli %get3A_177, %shift_left3A_179 : vector<16xi32>
      %bitcast3A_181 = vector.bitcast %shift_left3A_180 : vector<16xi32> to vector<16xf32>
      %and3A_182 = vector.broadcast %scan3A_115 : i32 to vector<16xi32>
      %and3A_183 = arith.andi %get3A_177, %and3A_182 : vector<16xi32>
      %bitcast3A_184 = vector.bitcast %and3A_183 : vector<16xi32> to vector<16xf32>
      %swap3A_185 = arith.index_cast %scan3A_163 : i32 to index
      %swap3A_186 = arith.constant 32 : index
      %swap3A_187 = tpu.vector_load %arg16[%swap3A_185, %swap3A_186] {strides = array<i32>} : memref<128x64xf32, #tpu.memory_space<vmem>>, vector<16xf32>,
      tpu.vector_store %arg16[%swap3A_185, %swap3A_186], %bitcast3A_181 {strides = array<i32>} : memref<128x64xf32, #tpu.memory_space<vmem>>, vector<16xf32>,
      %swap3A_188 = arith.index_cast %scan3A_163 : i32 to index
      %swap3A_189 = arith.constant 48 : index
      %swap3A_190 = tpu.vector_load %arg16[%swap3A_188, %swap3A_189] {strides = array<i32>} : memref<128x64xf32, #tpu.memory_space<vmem>>, vector<16xf32>,
      tpu.vector_store %arg16[%swap3A_188, %swap3A_189], %bitcast3A_184 {strides = array<i32>} : memref<128x64xf32, #tpu.memory_space<vmem>>, vector<16xf32>,
    }
    %scan3A_120 = arith.constant 128 : i32
    %dma_start3A_121 = arith.constant 3 : i32
    %dma_start3A_122 = arith.constant 0 : i32
    %dma_start3A_123 = tpu.memref_slice %arg8[%dma_start3A_121, %dma_start3A_122] : memref<80x128xi32, #tpu.memory_space<vmem>> -> memref<1x128xi32, #tpu.memory_space<vmem>>
    %dma_start3A_124 = tpu.memref_squeeze %dma_start3A_123 : memref<1x128xi32, #tpu.memory_space<vmem>> -> memref<128xi32, #tpu.memory_space<vmem>>
    %dma_start3A_125 = arith.constant 0 : i32
    %dma_start3A_126 = arith.constant 0 : i32
    %dma_start3A_127 = tpu.memref_slice %arg18[%dma_start3A_125, %dma_start3A_126] : memref<10240x64xf32, #tpu.memory_space<vmem_shared>> -> memref<10240x64xf32, #tpu.memory_space<vmem_shared>>
    tpu.enqueue_indirect_dma source(%arg16 : memref<128x64xf32, #tpu.memory_space<vmem>>) target(%dma_start3A_127 : memref<10240x64xf32, #tpu.memory_space<vmem_shared>>) offsets(%dma_start3A_124 : memref<128xi32, #tpu.memory_space<vmem>>) semaphore(%arg26 : memref<!tpu.dma_semaphore, #tpu.memory_space<semaphore_mem>>) {add = true}
    %scan3A_128 = arith.constant 0 : i32
    %scan3A_129 = arith.constant 1 : i32
    %scan3A_130 = arith.constant 19 : i32
    %scan3A_131 = arith.addi %scan3A_129, %scan3A_130 : i32
    %scan3A_132 = arith.constant 1 : i32
    scf.for %scan3A_163 = %scan3A_129 to %scan3A_131 step %scan3A_132  : i32 {
      %mul3A_164 = arith.constant 4 : i32
      %mul3A_165 = arith.muli %scan3A_163, %mul3A_164 : i32
      %add3A_166 = arith.constant 0 : i32
      %add3A_167 = arith.addi %mul3A_165, %add3A_166 : i32
      %dma_wait3A_168 = arith.constant 0 : i32
      %dma_wait3A_169 = arith.constant 0 : i32
      %dma_wait3A_170 = tpu.memref_slice %arg8[%dma_wait3A_168, %dma_wait3A_169] : memref<80x128xi32, #tpu.memory_space<vmem>> -> memref<1x128xi32, #tpu.memory_space<vmem>>
      %dma_wait3A_171 = tpu.memref_squeeze %dma_wait3A_170 : memref<1x128xi32, #tpu.memory_space<vmem>> -> memref<128xi32, #tpu.memory_space<vmem>>
      %dma_wait3A_172 = arith.constant 0 : i32
      %dma_wait3A_173 = arith.constant 0 : i32
      %dma_wait3A_174 = tpu.memref_slice %arg18[%dma_wait3A_172, %dma_wait3A_173] : memref<10240x64xf32, #tpu.memory_space<vmem_shared>> -> memref<10240x64xf32, #tpu.memory_space<vmem_shared>>
      tpu.wait_indirect_dma semaphore(%arg23 : memref<!tpu.dma_semaphore, #tpu.memory_space<semaphore_mem>>) src(%arg13 : memref<128x64xf32, #tpu.memory_space<vmem>>) dst(%dma_wait3A_174 : memref<10240x64xf32, #tpu.memory_space<vmem_shared>>)
      %dma_start3A_175 = arith.constant 0 : i32
      %dma_start3A_176 = tpu.memref_slice %arg7[%add3A_167, %dma_start3A_175] : memref<80x128xi32, #tpu.memory_space<vmem>> -> memref<1x128xi32, #tpu.memory_space<vmem>>
      %dma_start3A_177 = tpu.memref_squeeze %dma_start3A_176 : memref<1x128xi32, #tpu.memory_space<vmem>> -> memref<128xi32, #tpu.memory_space<vmem>>
      %dma_start3A_178 = arith.constant 0 : i32
      %dma_start3A_179 = arith.constant 0 : i32
      %dma_start3A_180 = tpu.memref_slice %arg17[%dma_start3A_178, %dma_start3A_179] : memref<10240x32xi32, #tpu.memory_space<vmem_shared>> -> memref<10240x32xi32, #tpu.memory_space<vmem_shared>>
      tpu.enqueue_indirect_dma source(%dma_start3A_180 : memref<10240x32xi32, #tpu.memory_space<vmem_shared>>) target(%arg9 : memref<128x32xi32, #tpu.memory_space<vmem>>) offsets(%dma_start3A_177 : memref<128xi32, #tpu.memory_space<vmem>>) semaphore(%arg19 : memref<!tpu.dma_semaphore, #tpu.memory_space<semaphore_mem>>)
      %mul3A_181 = arith.constant 4 : i32
      %mul3A_182 = arith.muli %scan3A_163, %mul3A_181 : i32
      %add3A_183 = arith.constant 1 : i32
      %add3A_184 = arith.addi %mul3A_182, %add3A_183 : i32
      %dma_wait3A_185 = arith.constant 0 : i32
      %dma_wait3A_186 = arith.constant 0 : i32
      %dma_wait3A_187 = tpu.memref_slice %arg8[%dma_wait3A_185, %dma_wait3A_186] : memref<80x128xi32, #tpu.memory_space<vmem>> -> memref<1x128xi32, #tpu.memory_space<vmem>>
      %dma_wait3A_188 = tpu.memref_squeeze %dma_wait3A_187 : memref<1x128xi32, #tpu.memory_space<vmem>> -> memref<128xi32, #tpu.memory_space<vmem>>
      %dma_wait3A_189 = arith.constant 0 : i32
      %dma_wait3A_190 = arith.constant 0 : i32
      %dma_wait3A_191 = tpu.memref_slice %arg18[%dma_wait3A_189, %dma_wait3A_190] : memref<10240x64xf32, #tpu.memory_space<vmem_shared>> -> memref<10240x64xf32, #tpu.memory_space<vmem_shared>>
      tpu.wait_indirect_dma semaphore(%arg24 : memref<!tpu.dma_semaphore, #tpu.memory_space<semaphore_mem>>) src(%arg14 : memref<128x64xf32, #tpu.memory_space<vmem>>) dst(%dma_wait3A_191 : memref<10240x64xf32, #tpu.memory_space<vmem_shared>>)
      %dma_start3A_192 = arith.constant 0 : i32
      %dma_start3A_193 = tpu.memref_slice %arg7[%add3A_184, %dma_start3A_192] : memref<80x128xi32, #tpu.memory_space<vmem>> -> memref<1x128xi32, #tpu.memory_space<vmem>>
      %dma_start3A_194 = tpu.memref_squeeze %dma_start3A_193 : memref<1x128xi32, #tpu.memory_space<vmem>> -> memref<128xi32, #tpu.memory_space<vmem>>
      %dma_start3A_195 = arith.constant 0 : i32
      %dma_start3A_196 = arith.constant 0 : i32
      %dma_start3A_197 = tpu.memref_slice %arg17[%dma_start3A_195, %dma_start3A_196] : memref<10240x32xi32, #tpu.memory_space<vmem_shared>> -> memref<10240x32xi32, #tpu.memory_space<vmem_shared>>
      tpu.enqueue_indirect_dma source(%dma_start3A_197 : memref<10240x32xi32, #tpu.memory_space<vmem_shared>>) target(%arg10 : memref<128x32xi32, #tpu.memory_space<vmem>>) offsets(%dma_start3A_194 : memref<128xi32, #tpu.memory_space<vmem>>) semaphore(%arg20 : memref<!tpu.dma_semaphore, #tpu.memory_space<semaphore_mem>>)
      %mul3A_198 = arith.constant 4 : i32
      %mul3A_199 = arith.muli %scan3A_163, %mul3A_198 : i32
      %add3A_200 = arith.constant 2 : i32
      %add3A_201 = arith.addi %mul3A_199, %add3A_200 : i32
      %dma_wait3A_202 = arith.constant 0 : i32
      %dma_wait3A_203 = arith.constant 0 : i32
      %dma_wait3A_204 = tpu.memref_slice %arg8[%dma_wait3A_202, %dma_wait3A_203] : memref<80x128xi32, #tpu.memory_space<vmem>> -> memref<1x128xi32, #tpu.memory_space<vmem>>
      %dma_wait3A_205 = tpu.memref_squeeze %dma_wait3A_204 : memref<1x128xi32, #tpu.memory_space<vmem>> -> memref<128xi32, #tpu.memory_space<vmem>>
      %dma_wait3A_206 = arith.constant 0 : i32
      %dma_wait3A_207 = arith.constant 0 : i32
      %dma_wait3A_208 = tpu.memref_slice %arg18[%dma_wait3A_206, %dma_wait3A_207] : memref<10240x64xf32, #tpu.memory_space<vmem_shared>> -> memref<10240x64xf32, #tpu.memory_space<vmem_shared>>
      tpu.wait_indirect_dma semaphore(%arg25 : memref<!tpu.dma_semaphore, #tpu.memory_space<semaphore_mem>>) src(%arg15 : memref<128x64xf32, #tpu.memory_space<vmem>>) dst(%dma_wait3A_208 : memref<10240x64xf32, #tpu.memory_space<vmem_shared>>)
      %dma_start3A_209 = arith.constant 0 : i32
      %dma_start3A_210 = tpu.memref_slice %arg7[%add3A_201, %dma_start3A_209] : memref<80x128xi32, #tpu.memory_space<vmem>> -> memref<1x128xi32, #tpu.memory_space<vmem>>
      %dma_start3A_211 = tpu.memref_squeeze %dma_start3A_210 : memref<1x128xi32, #tpu.memory_space<vmem>> -> memref<128xi32, #tpu.memory_space<vmem>>
      %dma_start3A_212 = arith.constant 0 : i32
      %dma_start3A_213 = arith.constant 0 : i32
      %dma_start3A_214 = tpu.memref_slice %arg17[%dma_start3A_212, %dma_start3A_213] : memref<10240x32xi32, #tpu.memory_space<vmem_shared>> -> memref<10240x32xi32, #tpu.memory_space<vmem_shared>>
      tpu.enqueue_indirect_dma source(%dma_start3A_214 : memref<10240x32xi32, #tpu.memory_space<vmem_shared>>) target(%arg11 : memref<128x32xi32, #tpu.memory_space<vmem>>) offsets(%dma_start3A_211 : memref<128xi32, #tpu.memory_space<vmem>>) semaphore(%arg21 : memref<!tpu.dma_semaphore, #tpu.memory_space<semaphore_mem>>)
      %mul3A_215 = arith.constant 4 : i32
      %mul3A_216 = arith.muli %scan3A_163, %mul3A_215 : i32
      %add3A_217 = arith.constant 3 : i32
      %add3A_218 = arith.addi %mul3A_216, %add3A_217 : i32
      %dma_wait3A_219 = arith.constant 0 : i32
      %dma_wait3A_220 = arith.constant 0 : i32
      %dma_wait3A_221 = tpu.memref_slice %arg8[%dma_wait3A_219, %dma_wait3A_220] : memref<80x128xi32, #tpu.memory_space<vmem>> -> memref<1x128xi32, #tpu.memory_space<vmem>>
      %dma_wait3A_222 = tpu.memref_squeeze %dma_wait3A_221 : memref<1x128xi32, #tpu.memory_space<vmem>> -> memref<128xi32, #tpu.memory_space<vmem>>
      %dma_wait3A_223 = arith.constant 0 : i32
      %dma_wait3A_224 = arith.constant 0 : i32
      %dma_wait3A_225 = tpu.memref_slice %arg18[%dma_wait3A_223, %dma_wait3A_224] : memref<10240x64xf32, #tpu.memory_space<vmem_shared>> -> memref<10240x64xf32, #tpu.memory_space<vmem_shared>>
      tpu.wait_indirect_dma semaphore(%arg26 : memref<!tpu.dma_semaphore, #tpu.memory_space<semaphore_mem>>) src(%arg16 : memref<128x64xf32, #tpu.memory_space<vmem>>) dst(%dma_wait3A_225 : memref<10240x64xf32, #tpu.memory_space<vmem_shared>>)
      %dma_start3A_226 = arith.constant 0 : i32
      %dma_start3A_227 = tpu.memref_slice %arg7[%add3A_218, %dma_start3A_226] : memref<80x128xi32, #tpu.memory_space<vmem>> -> memref<1x128xi32, #tpu.memory_space<vmem>>
      %dma_start3A_228 = tpu.memref_squeeze %dma_start3A_227 : memref<1x128xi32, #tpu.memory_space<vmem>> -> memref<128xi32, #tpu.memory_space<vmem>>
      %dma_start3A_229 = arith.constant 0 : i32
      %dma_start3A_230 = arith.constant 0 : i32
      %dma_start3A_231 = tpu.memref_slice %arg17[%dma_start3A_229, %dma_start3A_230] : memref<10240x32xi32, #tpu.memory_space<vmem_shared>> -> memref<10240x32xi32, #tpu.memory_space<vmem_shared>>
      tpu.enqueue_indirect_dma source(%dma_start3A_231 : memref<10240x32xi32, #tpu.memory_space<vmem_shared>>) target(%arg12 : memref<128x32xi32, #tpu.memory_space<vmem>>) offsets(%dma_start3A_228 : memref<128xi32, #tpu.memory_space<vmem>>) semaphore(%arg22 : memref<!tpu.dma_semaphore, #tpu.memory_space<semaphore_mem>>)
      %mul3A_232 = arith.constant 4 : i32
      %mul3A_233 = arith.muli %scan3A_163, %mul3A_232 : i32
      %add3A_234 = arith.constant 0 : i32
      %add3A_235 = arith.addi %mul3A_233, %add3A_234 : i32
      %dma_wait3A_236 = arith.constant 0 : i32
      %dma_wait3A_237 = arith.constant 0 : i32
      %dma_wait3A_238 = tpu.memref_slice %arg7[%dma_wait3A_236, %dma_wait3A_237] : memref<80x128xi32, #tpu.memory_space<vmem>> -> memref<1x128xi32, #tpu.memory_space<vmem>>
      %dma_wait3A_239 = tpu.memref_squeeze %dma_wait3A_238 : memref<1x128xi32, #tpu.memory_space<vmem>> -> memref<128xi32, #tpu.memory_space<vmem>>
      %dma_wait3A_240 = arith.constant 0 : i32
      %dma_wait3A_241 = arith.constant 0 : i32
      %dma_wait3A_242 = tpu.memref_slice %arg17[%dma_wait3A_240, %dma_wait3A_241] : memref<10240x32xi32, #tpu.memory_space<vmem_shared>> -> memref<10240x32xi32, #tpu.memory_space<vmem_shared>>
      tpu.wait_indirect_dma semaphore(%arg19 : memref<!tpu.dma_semaphore, #tpu.memory_space<semaphore_mem>>) src(%dma_wait3A_242 : memref<10240x32xi32, #tpu.memory_space<vmem_shared>>) dst(%arg9 : memref<128x32xi32, #tpu.memory_space<vmem>>)
      %scan3A_243 = arith.constant 0 : i32
      %scan3A_244 = arith.constant -65536 : i32
      %scan3A_245 = arith.constant 0 : i32
      %scan3A_246 = arith.constant 128 : i32
      %scan3A_247 = arith.addi %scan3A_245, %scan3A_246 : i32
      %scan3A_248 = arith.constant 1 : i32
      scf.for %scan3A_328 = %scan3A_245 to %scan3A_247 step %scan3A_248  : i32 {
        %get3A = arith.index_cast %scan3A_328 : i32 to index
        %get3A_329 = arith.constant 0 : index
        %get3A_330 = tpu.vector_load %arg9[%get3A, %get3A_329] {strides = array<i32>} : memref<128x32xi32, #tpu.memory_space<vmem>>, vector<16xi32>,
        %shift_left3A = arith.constant 16 : i32
        %shift_left3A_331 = vector.broadcast %shift_left3A : i32 to vector<16xi32>
        %shift_left3A_332 = arith.shli %get3A_330, %shift_left3A_331 : vector<16xi32>
        %bitcast3A = vector.bitcast %shift_left3A_332 : vector<16xi32> to vector<16xf32>
        %and3A = vector.broadcast %scan3A_244 : i32 to vector<16xi32>
        %and3A_333 = arith.andi %get3A_330, %and3A : vector<16xi32>
        %bitcast3A_334 = vector.bitcast %and3A_333 : vector<16xi32> to vector<16xf32>
        %swap3A = arith.index_cast %scan3A_328 : i32 to index
        %swap3A_335 = arith.constant 0 : index
        %swap3A_336 = tpu.vector_load %arg13[%swap3A, %swap3A_335] {strides = array<i32>} : memref<128x64xf32, #tpu.memory_space<vmem>>, vector<16xf32>,
        tpu.vector_store %arg13[%swap3A, %swap3A_335], %bitcast3A {strides = array<i32>} : memref<128x64xf32, #tpu.memory_space<vmem>>, vector<16xf32>,
        %swap3A_337 = arith.index_cast %scan3A_328 : i32 to index
        %swap3A_338 = arith.constant 16 : index
        %swap3A_339 = tpu.vector_load %arg13[%swap3A_337, %swap3A_338] {strides = array<i32>} : memref<128x64xf32, #tpu.memory_space<vmem>>, vector<16xf32>,
        tpu.vector_store %arg13[%swap3A_337, %swap3A_338], %bitcast3A_334 {strides = array<i32>} : memref<128x64xf32, #tpu.memory_space<vmem>>, vector<16xf32>,
        %get3A_340 = arith.index_cast %scan3A_328 : i32 to index
        %get3A_341 = arith.constant 16 : index
        %get3A_342 = tpu.vector_load %arg9[%get3A_340, %get3A_341] {strides = array<i32>} : memref<128x32xi32, #tpu.memory_space<vmem>>, vector<16xi32>,
        %shift_left3A_343 = arith.constant 16 : i32
        %shift_left3A_344 = vector.broadcast %shift_left3A_343 : i32 to vector<16xi32>
        %shift_left3A_345 = arith.shli %get3A_342, %shift_left3A_344 : vector<16xi32>
        %bitcast3A_346 = vector.bitcast %shift_left3A_345 : vector<16xi32> to vector<16xf32>
        %and3A_347 = vector.broadcast %scan3A_244 : i32 to vector<16xi32>
        %and3A_348 = arith.andi %get3A_342, %and3A_347 : vector<16xi32>
        %bitcast3A_349 = vector.bitcast %and3A_348 : vector<16xi32> to vector<16xf32>
        %swap3A_350 = arith.index_cast %scan3A_328 : i32 to index
        %swap3A_351 = arith.constant 32 : index
        %swap3A_352 = tpu.vector_load %arg13[%swap3A_350, %swap3A_351] {strides = array<i32>} : memref<128x64xf32, #tpu.memory_space<vmem>>, vector<16xf32>,
        tpu.vector_store %arg13[%swap3A_350, %swap3A_351], %bitcast3A_346 {strides = array<i32>} : memref<128x64xf32, #tpu.memory_space<vmem>>, vector<16xf32>,
        %swap3A_353 = arith.index_cast %scan3A_328 : i32 to index
        %swap3A_354 = arith.constant 48 : index
        %swap3A_355 = tpu.vector_load %arg13[%swap3A_353, %swap3A_354] {strides = array<i32>} : memref<128x64xf32, #tpu.memory_space<vmem>>, vector<16xf32>,
        tpu.vector_store %arg13[%swap3A_353, %swap3A_354], %bitcast3A_349 {strides = array<i32>} : memref<128x64xf32, #tpu.memory_space<vmem>>, vector<16xf32>,
      }
      %scan3A_249 = arith.constant 128 : i32
      %dma_start3A_250 = arith.constant 0 : i32
      %dma_start3A_251 = tpu.memref_slice %arg8[%add3A_235, %dma_start3A_250] : memref<80x128xi32, #tpu.memory_space<vmem>> -> memref<1x128xi32, #tpu.memory_space<vmem>>
      %dma_start3A_252 = tpu.memref_squeeze %dma_start3A_251 : memref<1x128xi32, #tpu.memory_space<vmem>> -> memref<128xi32, #tpu.memory_space<vmem>>
      %dma_start3A_253 = arith.constant 0 : i32
      %dma_start3A_254 = arith.constant 0 : i32
      %dma_start3A_255 = tpu.memref_slice %arg18[%dma_start3A_253, %dma_start3A_254] : memref<10240x64xf32, #tpu.memory_space<vmem_shared>> -> memref<10240x64xf32, #tpu.memory_space<vmem_shared>>
      tpu.enqueue_indirect_dma source(%arg13 : memref<128x64xf32, #tpu.memory_space<vmem>>) target(%dma_start3A_255 : memref<10240x64xf32, #tpu.memory_space<vmem_shared>>) offsets(%dma_start3A_252 : memref<128xi32, #tpu.memory_space<vmem>>) semaphore(%arg23 : memref<!tpu.dma_semaphore, #tpu.memory_space<semaphore_mem>>) {add = true}
      %mul3A_256 = arith.constant 4 : i32
      %mul3A_257 = arith.muli %scan3A_163, %mul3A_256 : i32
      %add3A_258 = arith.constant 1 : i32
      %add3A_259 = arith.addi %mul3A_257, %add3A_258 : i32
      %dma_wait3A_260 = arith.constant 0 : i32
      %dma_wait3A_261 = arith.constant 0 : i32
      %dma_wait3A_262 = tpu.memref_slice %arg7[%dma_wait3A_260, %dma_wait3A_261] : memref<80x128xi32, #tpu.memory_space<vmem>> -> memref<1x128xi32, #tpu.memory_space<vmem>>
      %dma_wait3A_263 = tpu.memref_squeeze %dma_wait3A_262 : memref<1x128xi32, #tpu.memory_space<vmem>> -> memref<128xi32, #tpu.memory_space<vmem>>
      %dma_wait3A_264 = arith.constant 0 : i32
      %dma_wait3A_265 = arith.constant 0 : i32
      %dma_wait3A_266 = tpu.memref_slice %arg17[%dma_wait3A_264, %dma_wait3A_265] : memref<10240x32xi32, #tpu.memory_space<vmem_shared>> -> memref<10240x32xi32, #tpu.memory_space<vmem_shared>>
      tpu.wait_indirect_dma semaphore(%arg20 : memref<!tpu.dma_semaphore, #tpu.memory_space<semaphore_mem>>) src(%dma_wait3A_266 : memref<10240x32xi32, #tpu.memory_space<vmem_shared>>) dst(%arg10 : memref<128x32xi32, #tpu.memory_space<vmem>>)
      %scan3A_267 = arith.constant 0 : i32
      %scan3A_268 = arith.constant -65536 : i32
      %scan3A_269 = arith.constant 0 : i32
      %scan3A_270 = arith.constant 128 : i32
      %scan3A_271 = arith.addi %scan3A_269, %scan3A_270 : i32
      %scan3A_272 = arith.constant 1 : i32
      scf.for %scan3A_328 = %scan3A_269 to %scan3A_271 step %scan3A_272  : i32 {
        %get3A = arith.index_cast %scan3A_328 : i32 to index
        %get3A_329 = arith.constant 0 : index
        %get3A_330 = tpu.vector_load %arg10[%get3A, %get3A_329] {strides = array<i32>} : memref<128x32xi32, #tpu.memory_space<vmem>>, vector<16xi32>,
        %shift_left3A = arith.constant 16 : i32
        %shift_left3A_331 = vector.broadcast %shift_left3A : i32 to vector<16xi32>
        %shift_left3A_332 = arith.shli %get3A_330, %shift_left3A_331 : vector<16xi32>
        %bitcast3A = vector.bitcast %shift_left3A_332 : vector<16xi32> to vector<16xf32>
        %and3A = vector.broadcast %scan3A_268 : i32 to vector<16xi32>
        %and3A_333 = arith.andi %get3A_330, %and3A : vector<16xi32>
        %bitcast3A_334 = vector.bitcast %and3A_333 : vector<16xi32> to vector<16xf32>
        %swap3A = arith.index_cast %scan3A_328 : i32 to index
        %swap3A_335 = arith.constant 0 : index
        %swap3A_336 = tpu.vector_load %arg14[%swap3A, %swap3A_335] {strides = array<i32>} : memref<128x64xf32, #tpu.memory_space<vmem>>, vector<16xf32>,
        tpu.vector_store %arg14[%swap3A, %swap3A_335], %bitcast3A {strides = array<i32>} : memref<128x64xf32, #tpu.memory_space<vmem>>, vector<16xf32>,
        %swap3A_337 = arith.index_cast %scan3A_328 : i32 to index
        %swap3A_338 = arith.constant 16 : index
        %swap3A_339 = tpu.vector_load %arg14[%swap3A_337, %swap3A_338] {strides = array<i32>} : memref<128x64xf32, #tpu.memory_space<vmem>>, vector<16xf32>,
        tpu.vector_store %arg14[%swap3A_337, %swap3A_338], %bitcast3A_334 {strides = array<i32>} : memref<128x64xf32, #tpu.memory_space<vmem>>, vector<16xf32>,
        %get3A_340 = arith.index_cast %scan3A_328 : i32 to index
        %get3A_341 = arith.constant 16 : index
        %get3A_342 = tpu.vector_load %arg10[%get3A_340, %get3A_341] {strides = array<i32>} : memref<128x32xi32, #tpu.memory_space<vmem>>, vector<16xi32>,
        %shift_left3A_343 = arith.constant 16 : i32
        %shift_left3A_344 = vector.broadcast %shift_left3A_343 : i32 to vector<16xi32>
        %shift_left3A_345 = arith.shli %get3A_342, %shift_left3A_344 : vector<16xi32>
        %bitcast3A_346 = vector.bitcast %shift_left3A_345 : vector<16xi32> to vector<16xf32>
        %and3A_347 = vector.broadcast %scan3A_268 : i32 to vector<16xi32>
        %and3A_348 = arith.andi %get3A_342, %and3A_347 : vector<16xi32>
        %bitcast3A_349 = vector.bitcast %and3A_348 : vector<16xi32> to vector<16xf32>
        %swap3A_350 = arith.index_cast %scan3A_328 : i32 to index
        %swap3A_351 = arith.constant 32 : index
        %swap3A_352 = tpu.vector_load %arg14[%swap3A_350, %swap3A_351] {strides = array<i32>} : memref<128x64xf32, #tpu.memory_space<vmem>>, vector<16xf32>,
        tpu.vector_store %arg14[%swap3A_350, %swap3A_351], %bitcast3A_346 {strides = array<i32>} : memref<128x64xf32, #tpu.memory_space<vmem>>, vector<16xf32>,
        %swap3A_353 = arith.index_cast %scan3A_328 : i32 to index
        %swap3A_354 = arith.constant 48 : index
        %swap3A_355 = tpu.vector_load %arg14[%swap3A_353, %swap3A_354] {strides = array<i32>} : memref<128x64xf32, #tpu.memory_space<vmem>>, vector<16xf32>,
        tpu.vector_store %arg14[%swap3A_353, %swap3A_354], %bitcast3A_349 {strides = array<i32>} : memref<128x64xf32, #tpu.memory_space<vmem>>, vector<16xf32>,
      }
      %scan3A_273 = arith.constant 128 : i32
      %dma_start3A_274 = arith.constant 0 : i32
      %dma_start3A_275 = tpu.memref_slice %arg8[%add3A_259, %dma_start3A_274] : memref<80x128xi32, #tpu.memory_space<vmem>> -> memref<1x128xi32, #tpu.memory_space<vmem>>
      %dma_start3A_276 = tpu.memref_squeeze %dma_start3A_275 : memref<1x128xi32, #tpu.memory_space<vmem>> -> memref<128xi32, #tpu.memory_space<vmem>>
      %dma_start3A_277 = arith.constant 0 : i32
      %dma_start3A_278 = arith.constant 0 : i32
      %dma_start3A_279 = tpu.memref_slice %arg18[%dma_start3A_277, %dma_start3A_278] : memref<10240x64xf32, #tpu.memory_space<vmem_shared>> -> memref<10240x64xf32, #tpu.memory_space<vmem_shared>>
      tpu.enqueue_indirect_dma source(%arg14 : memref<128x64xf32, #tpu.memory_space<vmem>>) target(%dma_start3A_279 : memref<10240x64xf32, #tpu.memory_space<vmem_shared>>) offsets(%dma_start3A_276 : memref<128xi32, #tpu.memory_space<vmem>>) semaphore(%arg24 : memref<!tpu.dma_semaphore, #tpu.memory_space<semaphore_mem>>) {add = true}
      %mul3A_280 = arith.constant 4 : i32
      %mul3A_281 = arith.muli %scan3A_163, %mul3A_280 : i32
      %add3A_282 = arith.constant 2 : i32
      %add3A_283 = arith.addi %mul3A_281, %add3A_282 : i32
      %dma_wait3A_284 = arith.constant 0 : i32
      %dma_wait3A_285 = arith.constant 0 : i32
      %dma_wait3A_286 = tpu.memref_slice %arg7[%dma_wait3A_284, %dma_wait3A_285] : memref<80x128xi32, #tpu.memory_space<vmem>> -> memref<1x128xi32, #tpu.memory_space<vmem>>
      %dma_wait3A_287 = tpu.memref_squeeze %dma_wait3A_286 : memref<1x128xi32, #tpu.memory_space<vmem>> -> memref<128xi32, #tpu.memory_space<vmem>>
      %dma_wait3A_288 = arith.constant 0 : i32
      %dma_wait3A_289 = arith.constant 0 : i32
      %dma_wait3A_290 = tpu.memref_slice %arg17[%dma_wait3A_288, %dma_wait3A_289] : memref<10240x32xi32, #tpu.memory_space<vmem_shared>> -> memref<10240x32xi32, #tpu.memory_space<vmem_shared>>
      tpu.wait_indirect_dma semaphore(%arg21 : memref<!tpu.dma_semaphore, #tpu.memory_space<semaphore_mem>>) src(%dma_wait3A_290 : memref<10240x32xi32, #tpu.memory_space<vmem_shared>>) dst(%arg11 : memref<128x32xi32, #tpu.memory_space<vmem>>)
      %scan3A_291 = arith.constant 0 : i32
      %scan3A_292 = arith.constant -65536 : i32
      %scan3A_293 = arith.constant 0 : i32
      %scan3A_294 = arith.constant 128 : i32
      %scan3A_295 = arith.addi %scan3A_293, %scan3A_294 : i32
      %scan3A_296 = arith.constant 1 : i32
      scf.for %scan3A_328 = %scan3A_293 to %scan3A_295 step %scan3A_296  : i32 {
        %get3A = arith.index_cast %scan3A_328 : i32 to index
        %get3A_329 = arith.constant 0 : index
        %get3A_330 = tpu.vector_load %arg11[%get3A, %get3A_329] {strides = array<i32>} : memref<128x32xi32, #tpu.memory_space<vmem>>, vector<16xi32>,
        %shift_left3A = arith.constant 16 : i32
        %shift_left3A_331 = vector.broadcast %shift_left3A : i32 to vector<16xi32>
        %shift_left3A_332 = arith.shli %get3A_330, %shift_left3A_331 : vector<16xi32>
        %bitcast3A = vector.bitcast %shift_left3A_332 : vector<16xi32> to vector<16xf32>
        %and3A = vector.broadcast %scan3A_292 : i32 to vector<16xi32>
        %and3A_333 = arith.andi %get3A_330, %and3A : vector<16xi32>
        %bitcast3A_334 = vector.bitcast %and3A_333 : vector<16xi32> to vector<16xf32>
        %swap3A = arith.index_cast %scan3A_328 : i32 to index
        %swap3A_335 = arith.constant 0 : index
        %swap3A_336 = tpu.vector_load %arg15[%swap3A, %swap3A_335] {strides = array<i32>} : memref<128x64xf32, #tpu.memory_space<vmem>>, vector<16xf32>,
        tpu.vector_store %arg15[%swap3A, %swap3A_335], %bitcast3A {strides = array<i32>} : memref<128x64xf32, #tpu.memory_space<vmem>>, vector<16xf32>,
        %swap3A_337 = arith.index_cast %scan3A_328 : i32 to index
        %swap3A_338 = arith.constant 16 : index
        %swap3A_339 = tpu.vector_load %arg15[%swap3A_337, %swap3A_338] {strides = array<i32>} : memref<128x64xf32, #tpu.memory_space<vmem>>, vector<16xf32>,
        tpu.vector_store %arg15[%swap3A_337, %swap3A_338], %bitcast3A_334 {strides = array<i32>} : memref<128x64xf32, #tpu.memory_space<vmem>>, vector<16xf32>,
        %get3A_340 = arith.index_cast %scan3A_328 : i32 to index
        %get3A_341 = arith.constant 16 : index
        %get3A_342 = tpu.vector_load %arg11[%get3A_340, %get3A_341] {strides = array<i32>} : memref<128x32xi32, #tpu.memory_space<vmem>>, vector<16xi32>,
        %shift_left3A_343 = arith.constant 16 : i32
        %shift_left3A_344 = vector.broadcast %shift_left3A_343 : i32 to vector<16xi32>
        %shift_left3A_345 = arith.shli %get3A_342, %shift_left3A_344 : vector<16xi32>
        %bitcast3A_346 = vector.bitcast %shift_left3A_345 : vector<16xi32> to vector<16xf32>
        %and3A_347 = vector.broadcast %scan3A_292 : i32 to vector<16xi32>
        %and3A_348 = arith.andi %get3A_342, %and3A_347 : vector<16xi32>
        %bitcast3A_349 = vector.bitcast %and3A_348 : vector<16xi32> to vector<16xf32>
        %swap3A_350 = arith.index_cast %scan3A_328 : i32 to index
        %swap3A_351 = arith.constant 32 : index
        %swap3A_352 = tpu.vector_load %arg15[%swap3A_350, %swap3A_351] {strides = array<i32>} : memref<128x64xf32, #tpu.memory_space<vmem>>, vector<16xf32>,
        tpu.vector_store %arg15[%swap3A_350, %swap3A_351], %bitcast3A_346 {strides = array<i32>} : memref<128x64xf32, #tpu.memory_space<vmem>>, vector<16xf32>,
        %swap3A_353 = arith.index_cast %scan3A_328 : i32 to index
        %swap3A_354 = arith.constant 48 : index
        %swap3A_355 = tpu.vector_load %arg15[%swap3A_353, %swap3A_354] {strides = array<i32>} : memref<128x64xf32, #tpu.memory_space<vmem>>, vector<16xf32>,
        tpu.vector_store %arg15[%swap3A_353, %swap3A_354], %bitcast3A_349 {strides = array<i32>} : memref<128x64xf32, #tpu.memory_space<vmem>>, vector<16xf32>,
      }
      %scan3A_297 = arith.constant 128 : i32
      %dma_start3A_298 = arith.constant 0 : i32
      %dma_start3A_299 = tpu.memref_slice %arg8[%add3A_283, %dma_start3A_298] : memref<80x128xi32, #tpu.memory_space<vmem>> -> memref<1x128xi32, #tpu.memory_space<vmem>>
      %dma_start3A_300 = tpu.memref_squeeze %dma_start3A_299 : memref<1x128xi32, #tpu.memory_space<vmem>> -> memref<128xi32, #tpu.memory_space<vmem>>
      %dma_start3A_301 = arith.constant 0 : i32
      %dma_start3A_302 = arith.constant 0 : i32
      %dma_start3A_303 = tpu.memref_slice %arg18[%dma_start3A_301, %dma_start3A_302] : memref<10240x64xf32, #tpu.memory_space<vmem_shared>> -> memref<10240x64xf32, #tpu.memory_space<vmem_shared>>
      tpu.enqueue_indirect_dma source(%arg15 : memref<128x64xf32, #tpu.memory_space<vmem>>) target(%dma_start3A_303 : memref<10240x64xf32, #tpu.memory_space<vmem_shared>>) offsets(%dma_start3A_300 : memref<128xi32, #tpu.memory_space<vmem>>) semaphore(%arg25 : memref<!tpu.dma_semaphore, #tpu.memory_space<semaphore_mem>>) {add = true}
      %mul3A_304 = arith.constant 4 : i32
      %mul3A_305 = arith.muli %scan3A_163, %mul3A_304 : i32
      %add3A_306 = arith.constant 3 : i32
      %add3A_307 = arith.addi %mul3A_305, %add3A_306 : i32
      %dma_wait3A_308 = arith.constant 0 : i32
      %dma_wait3A_309 = arith.constant 0 : i32
      %dma_wait3A_310 = tpu.memref_slice %arg7[%dma_wait3A_308, %dma_wait3A_309] : memref<80x128xi32, #tpu.memory_space<vmem>> -> memref<1x128xi32, #tpu.memory_space<vmem>>
      %dma_wait3A_311 = tpu.memref_squeeze %dma_wait3A_310 : memref<1x128xi32, #tpu.memory_space<vmem>> -> memref<128xi32, #tpu.memory_space<vmem>>
      %dma_wait3A_312 = arith.constant 0 : i32
      %dma_wait3A_313 = arith.constant 0 : i32
      %dma_wait3A_314 = tpu.memref_slice %arg17[%dma_wait3A_312, %dma_wait3A_313] : memref<10240x32xi32, #tpu.memory_space<vmem_shared>> -> memref<10240x32xi32, #tpu.memory_space<vmem_shared>>
      tpu.wait_indirect_dma semaphore(%arg22 : memref<!tpu.dma_semaphore, #tpu.memory_space<semaphore_mem>>) src(%dma_wait3A_314 : memref<10240x32xi32, #tpu.memory_space<vmem_shared>>) dst(%arg12 : memref<128x32xi32, #tpu.memory_space<vmem>>)
      %scan3A_315 = arith.constant 0 : i32
      %scan3A_316 = arith.constant -65536 : i32
      %scan3A_317 = arith.constant 0 : i32
      %scan3A_318 = arith.constant 128 : i32
      %scan3A_319 = arith.addi %scan3A_317, %scan3A_318 : i32
      %scan3A_320 = arith.constant 1 : i32
      scf.for %scan3A_328 = %scan3A_317 to %scan3A_319 step %scan3A_320  : i32 {
        %get3A = arith.index_cast %scan3A_328 : i32 to index
        %get3A_329 = arith.constant 0 : index
        %get3A_330 = tpu.vector_load %arg12[%get3A, %get3A_329] {strides = array<i32>} : memref<128x32xi32, #tpu.memory_space<vmem>>, vector<16xi32>,
        %shift_left3A = arith.constant 16 : i32
        %shift_left3A_331 = vector.broadcast %shift_left3A : i32 to vector<16xi32>
        %shift_left3A_332 = arith.shli %get3A_330, %shift_left3A_331 : vector<16xi32>
        %bitcast3A = vector.bitcast %shift_left3A_332 : vector<16xi32> to vector<16xf32>
        %and3A = vector.broadcast %scan3A_316 : i32 to vector<16xi32>
        %and3A_333 = arith.andi %get3A_330, %and3A : vector<16xi32>
        %bitcast3A_334 = vector.bitcast %and3A_333 : vector<16xi32> to vector<16xf32>
        %swap3A = arith.index_cast %scan3A_328 : i32 to index
        %swap3A_335 = arith.constant 0 : index
        %swap3A_336 = tpu.vector_load %arg16[%swap3A, %swap3A_335] {strides = array<i32>} : memref<128x64xf32, #tpu.memory_space<vmem>>, vector<16xf32>,
        tpu.vector_store %arg16[%swap3A, %swap3A_335], %bitcast3A {strides = array<i32>} : memref<128x64xf32, #tpu.memory_space<vmem>>, vector<16xf32>,
        %swap3A_337 = arith.index_cast %scan3A_328 : i32 to index
        %swap3A_338 = arith.constant 16 : index
        %swap3A_339 = tpu.vector_load %arg16[%swap3A_337, %swap3A_338] {strides = array<i32>} : memref<128x64xf32, #tpu.memory_space<vmem>>, vector<16xf32>,
        tpu.vector_store %arg16[%swap3A_337, %swap3A_338], %bitcast3A_334 {strides = array<i32>} : memref<128x64xf32, #tpu.memory_space<vmem>>, vector<16xf32>,
        %get3A_340 = arith.index_cast %scan3A_328 : i32 to index
        %get3A_341 = arith.constant 16 : index
        %get3A_342 = tpu.vector_load %arg12[%get3A_340, %get3A_341] {strides = array<i32>} : memref<128x32xi32, #tpu.memory_space<vmem>>, vector<16xi32>,
        %shift_left3A_343 = arith.constant 16 : i32
        %shift_left3A_344 = vector.broadcast %shift_left3A_343 : i32 to vector<16xi32>
        %shift_left3A_345 = arith.shli %get3A_342, %shift_left3A_344 : vector<16xi32>
        %bitcast3A_346 = vector.bitcast %shift_left3A_345 : vector<16xi32> to vector<16xf32>
        %and3A_347 = vector.broadcast %scan3A_316 : i32 to vector<16xi32>
        %and3A_348 = arith.andi %get3A_342, %and3A_347 : vector<16xi32>
        %bitcast3A_349 = vector.bitcast %and3A_348 : vector<16xi32> to vector<16xf32>
        %swap3A_350 = arith.index_cast %scan3A_328 : i32 to index
        %swap3A_351 = arith.constant 32 : index
        %swap3A_352 = tpu.vector_load %arg16[%swap3A_350, %swap3A_351] {strides = array<i32>} : memref<128x64xf32, #tpu.memory_space<vmem>>, vector<16xf32>,
        tpu.vector_store %arg16[%swap3A_350, %swap3A_351], %bitcast3A_346 {strides = array<i32>} : memref<128x64xf32, #tpu.memory_space<vmem>>, vector<16xf32>,
        %swap3A_353 = arith.index_cast %scan3A_328 : i32 to index
        %swap3A_354 = arith.constant 48 : index
        %swap3A_355 = tpu.vector_load %arg16[%swap3A_353, %swap3A_354] {strides = array<i32>} : memref<128x64xf32, #tpu.memory_space<vmem>>, vector<16xf32>,
        tpu.vector_store %arg16[%swap3A_353, %swap3A_354], %bitcast3A_349 {strides = array<i32>} : memref<128x64xf32, #tpu.memory_space<vmem>>, vector<16xf32>,
      }
      %scan3A_321 = arith.constant 128 : i32
      %dma_start3A_322 = arith.constant 0 : i32
      %dma_start3A_323 = tpu.memref_slice %arg8[%add3A_307, %dma_start3A_322] : memref<80x128xi32, #tpu.memory_space<vmem>> -> memref<1x128xi32, #tpu.memory_space<vmem>>
      %dma_start3A_324 = tpu.memref_squeeze %dma_start3A_323 : memref<1x128xi32, #tpu.memory_space<vmem>> -> memref<128xi32, #tpu.memory_space<vmem>>
      %dma_start3A_325 = arith.constant 0 : i32
      %dma_start3A_326 = arith.constant 0 : i32
      %dma_start3A_327 = tpu.memref_slice %arg18[%dma_start3A_325, %dma_start3A_326] : memref<10240x64xf32, #tpu.memory_space<vmem_shared>> -> memref<10240x64xf32, #tpu.memory_space<vmem_shared>>
      tpu.enqueue_indirect_dma source(%arg16 : memref<128x64xf32, #tpu.memory_space<vmem>>) target(%dma_start3A_327 : memref<10240x64xf32, #tpu.memory_space<vmem_shared>>) offsets(%dma_start3A_324 : memref<128xi32, #tpu.memory_space<vmem>>) semaphore(%arg26 : memref<!tpu.dma_semaphore, #tpu.memory_space<semaphore_mem>>) {add = true}
    }
    %scan3A_133 = arith.constant 19 : i32
    %dma_wait3A_134 = arith.constant 0 : i32
    %dma_wait3A_135 = arith.constant 0 : i32
    %dma_wait3A_136 = tpu.memref_slice %arg8[%dma_wait3A_134, %dma_wait3A_135] : memref<80x128xi32, #tpu.memory_space<vmem>> -> memref<1x128xi32, #tpu.memory_space<vmem>>
    %dma_wait3A_137 = tpu.memref_squeeze %dma_wait3A_136 : memref<1x128xi32, #tpu.memory_space<vmem>> -> memref<128xi32, #tpu.memory_space<vmem>>
    %dma_wait3A_138 = arith.constant 0 : i32
    %dma_wait3A_139 = arith.constant 0 : i32
    %dma_wait3A_140 = tpu.memref_slice %arg18[%dma_wait3A_138, %dma_wait3A_139] : memref<10240x64xf32, #tpu.memory_space<vmem_shared>> -> memref<10240x64xf32, #tpu.memory_space<vmem_shared>>
    tpu.wait_indirect_dma semaphore(%arg23 : memref<!tpu.dma_semaphore, #tpu.memory_space<semaphore_mem>>) src(%arg13 : memref<128x64xf32, #tpu.memory_space<vmem>>) dst(%dma_wait3A_140 : memref<10240x64xf32, #tpu.memory_space<vmem_shared>>)
    %dma_wait3A_141 = arith.constant 0 : i32
    %dma_wait3A_142 = arith.constant 0 : i32
    %dma_wait3A_143 = tpu.memref_slice %arg8[%dma_wait3A_141, %dma_wait3A_142] : memref<80x128xi32, #tpu.memory_space<vmem>> -> memref<1x128xi32, #tpu.memory_space<vmem>>
    %dma_wait3A_144 = tpu.memref_squeeze %dma_wait3A_143 : memref<1x128xi32, #tpu.memory_space<vmem>> -> memref<128xi32, #tpu.memory_space<vmem>>
    %dma_wait3A_145 = arith.constant 0 : i32
    %dma_wait3A_146 = arith.constant 0 : i32
    %dma_wait3A_147 = tpu.memref_slice %arg18[%dma_wait3A_145, %dma_wait3A_146] : memref<10240x64xf32, #tpu.memory_space<vmem_shared>> -> memref<10240x64xf32, #tpu.memory_space<vmem_shared>>
    tpu.wait_indirect_dma semaphore(%arg24 : memref<!tpu.dma_semaphore, #tpu.memory_space<semaphore_mem>>) src(%arg14 : memref<128x64xf32, #tpu.memory_space<vmem>>) dst(%dma_wait3A_147 : memref<10240x64xf32, #tpu.memory_space<vmem_shared>>)
    %dma_wait3A_148 = arith.constant 0 : i32
    %dma_wait3A_149 = arith.constant 0 : i32
    %dma_wait3A_150 = tpu.memref_slice %arg8[%dma_wait3A_148, %dma_wait3A_149] : memref<80x128xi32, #tpu.memory_space<vmem>> -> memref<1x128xi32, #tpu.memory_space<vmem>>
    %dma_wait3A_151 = tpu.memref_squeeze %dma_wait3A_150 : memref<1x128xi32, #tpu.memory_space<vmem>> -> memref<128xi32, #tpu.memory_space<vmem>>
    %dma_wait3A_152 = arith.constant 0 : i32
    %dma_wait3A_153 = arith.constant 0 : i32
    %dma_wait3A_154 = tpu.memref_slice %arg18[%dma_wait3A_152, %dma_wait3A_153] : memref<10240x64xf32, #tpu.memory_space<vmem_shared>> -> memref<10240x64xf32, #tpu.memory_space<vmem_shared>>
    tpu.wait_indirect_dma semaphore(%arg25 : memref<!tpu.dma_semaphore, #tpu.memory_space<semaphore_mem>>) src(%arg15 : memref<128x64xf32, #tpu.memory_space<vmem>>) dst(%dma_wait3A_154 : memref<10240x64xf32, #tpu.memory_space<vmem_shared>>)
    %dma_wait3A_155 = arith.constant 0 : i32
    %dma_wait3A_156 = arith.constant 0 : i32
    %dma_wait3A_157 = tpu.memref_slice %arg8[%dma_wait3A_155, %dma_wait3A_156] : memref<80x128xi32, #tpu.memory_space<vmem>> -> memref<1x128xi32, #tpu.memory_space<vmem>>
    %dma_wait3A_158 = tpu.memref_squeeze %dma_wait3A_157 : memref<1x128xi32, #tpu.memory_space<vmem>> -> memref<128xi32, #tpu.memory_space<vmem>>
    %dma_wait3A_159 = arith.constant 0 : i32
    %dma_wait3A_160 = arith.constant 0 : i32
    %dma_wait3A_161 = tpu.memref_slice %arg18[%dma_wait3A_159, %dma_wait3A_160] : memref<10240x64xf32, #tpu.memory_space<vmem_shared>> -> memref<10240x64xf32, #tpu.memory_space<vmem_shared>>
    tpu.wait_indirect_dma semaphore(%arg26 : memref<!tpu.dma_semaphore, #tpu.memory_space<semaphore_mem>>) src(%arg16 : memref<128x64xf32, #tpu.memory_space<vmem>>) dst(%dma_wait3A_161 : memref<10240x64xf32, #tpu.memory_space<vmem_shared>>)
    %barrier3A_162 = arith.constant 0 : index
    tpu.barrier barrier_id(%barrier3A_162)
    "tpu.region"() ({
      %run_scoped3A = tpu.sem_alloc : memref<!tpu.dma_semaphore, #tpu.memory_space<semaphore_mem>>
      %dma_start3A_163 = arith.constant 0 : i32
      %dma_start3A_164 = arith.constant 0 : i32
      %dma_start3A_165 = tpu.memref_slice %arg6[%arg0, %dma_start3A_163, %dma_start3A_164] : memref<2x10240x64xf32, #tpu.memory_space<hbm>> -> memref<1x10240x64xf32, #tpu.memory_space<hbm>>
      %dma_start3A_166 = tpu.memref_squeeze %dma_start3A_165 : memref<1x10240x64xf32, #tpu.memory_space<hbm>> -> memref<10240x64xf32, #tpu.memory_space<hbm>>
      %dma_start3A_167 = arith.constant 0 : i32
      %dma_start3A_168 = tpu.memref_slice %dma_start3A_166[%mul3A_2, %dma_start3A_167] : memref<10240x64xf32, #tpu.memory_space<hbm>> -> memref<640x64xf32, #tpu.memory_space<hbm>>
      %dma_start3A_169 = arith.constant 0 : i32
      %dma_start3A_170 = tpu.memref_slice %arg18[%mul3A_2, %dma_start3A_169] : memref<10240x64xf32, #tpu.memory_space<vmem_shared>> -> memref<640x64xf32, #tpu.memory_space<vmem_shared>>
      tpu.enqueue_dma source(%dma_start3A_170 : memref<640x64xf32, #tpu.memory_space<vmem_shared>>) target(%dma_start3A_168 : memref<640x64xf32, #tpu.memory_space<hbm>>) target_semaphore(%run_scoped3A : memref<!tpu.dma_semaphore, #tpu.memory_space<semaphore_mem>>)
      %dma_wait3A_171 = arith.constant 0 : i32
      %dma_wait3A_172 = arith.constant 0 : i32
      %dma_wait3A_173 = tpu.memref_slice %arg6[%arg0, %dma_wait3A_171, %dma_wait3A_172] : memref<2x10240x64xf32, #tpu.memory_space<hbm>> -> memref<1x10240x64xf32, #tpu.memory_space<hbm>>
      %dma_wait3A_174 = tpu.memref_squeeze %dma_wait3A_173 : memref<1x10240x64xf32, #tpu.memory_space<hbm>> -> memref<10240x64xf32, #tpu.memory_space<hbm>>
      %dma_wait3A_175 = arith.constant 0 : i32
      %dma_wait3A_176 = tpu.memref_slice %dma_wait3A_174[%mul3A_2, %dma_wait3A_175] : memref<10240x64xf32, #tpu.memory_space<hbm>> -> memref<640x64xf32, #tpu.memory_space<hbm>>
      %dma_wait3A_177 = arith.constant 0 : i32
      %dma_wait3A_178 = tpu.memref_slice %arg18[%mul3A_2, %dma_wait3A_177] : memref<10240x64xf32, #tpu.memory_space<vmem_shared>> -> memref<640x64xf32, #tpu.memory_space<vmem_shared>>
      tpu.wait_dma2 semaphore(%run_scoped3A : memref<!tpu.dma_semaphore, #tpu.memory_space<semaphore_mem>>) src(%dma_wait3A_178 : memref<640x64xf32, #tpu.memory_space<vmem_shared>>) dst(%dma_wait3A_176 : memref<640x64xf32, #tpu.memory_space<hbm>>)
      tpu.yield
    }) : () -> ()
    return
  }
}

#map = affine_map<(d0, d1) -> (0, 0, 0)>
#map1 = affine_map<(d0, d1) -> (0)>
#map2 = affine_map<(d0, d1) -> (0, 0)>
module attributes {stable_mosaic.version = 14 : i64} {
  func.func @_cnt_kernel(%arg0: i32, %arg1: i32, %arg2: memref<32x80x128xi32, #tpu.memory_space<hbm>>, %arg3: memref<640xf32, #tpu.memory_space<hbm>>, %arg4: memref<2x10240xf32, #tpu.memory_space<hbm>>, %arg5: memref<80x128xi32, #tpu.memory_space<vmem>>, %arg6: memref<128xf32, #tpu.memory_space<vmem>>, %arg7: memref<10240xf32, #tpu.memory_space<vmem_shared>>, %arg8: memref<!tpu.dma_semaphore, #tpu.memory_space<semaphore_mem>>, %arg9: memref<!tpu.dma_semaphore, #tpu.memory_space<semaphore_mem>>) attributes {dimension_semantics = [#tpu.dimension_semantics<core_parallel>, #tpu.dimension_semantics<subcore_parallel>], iteration_bounds = array<i64: 2, 16>, scalar_prefetch = 0 : i64, scratch_operands = 5 : i64, tpu.core_type = #tpu.core_type<sc_vector_subcore>, window_params = [{transform_indices = #map}, {transform_indices = #map1}, {transform_indices = #map2}]} {
    %mul3A = arith.constant 640 : i32
    %mul3A_0 = arith.muli %arg1, %mul3A : i32
    %mul3A_1 = arith.constant 16 : i32
    %mul3A_2 = arith.muli %arg0, %mul3A_1 : i32
    %add3A = arith.addi %mul3A_2, %arg1 : i32
    "tpu.region"() ({
      %run_scoped3A = tpu.sem_alloc : memref<!tpu.dma_semaphore, #tpu.memory_space<semaphore_mem>>
      %dma_start3A = arith.constant 0 : i32
      %dma_start3A_45 = arith.constant 0 : i32
      %dma_start3A_46 = tpu.memref_slice %arg2[%add3A, %dma_start3A, %dma_start3A_45] : memref<32x80x128xi32, #tpu.memory_space<hbm>> -> memref<1x80x128xi32, #tpu.memory_space<hbm>>
      %dma_start3A_47 = tpu.memref_squeeze %dma_start3A_46 : memref<1x80x128xi32, #tpu.memory_space<hbm>> -> memref<80x128xi32, #tpu.memory_space<hbm>>
      %dma_start3A_48 = arith.constant 0 : i32
      %dma_start3A_49 = arith.constant 0 : i32
      %dma_start3A_50 = tpu.memref_slice %arg2[%add3A, %dma_start3A_48, %dma_start3A_49] : memref<32x80x128xi32, #tpu.memory_space<hbm>> -> memref<1x80x128xi32, #tpu.memory_space<hbm>>
      %dma_start3A_51 = tpu.memref_squeeze %dma_start3A_50 : memref<1x80x128xi32, #tpu.memory_space<hbm>> -> memref<80x128xi32, #tpu.memory_space<hbm>>
      tpu.enqueue_dma source(%dma_start3A_51 : memref<80x128xi32, #tpu.memory_space<hbm>>) target(%arg5 : memref<80x128xi32, #tpu.memory_space<vmem>>) target_semaphore(%run_scoped3A : memref<!tpu.dma_semaphore, #tpu.memory_space<semaphore_mem>>)
      %dma_wait3A = arith.constant 0 : i32
      %dma_wait3A_52 = arith.constant 0 : i32
      %dma_wait3A_53 = tpu.memref_slice %arg2[%add3A, %dma_wait3A, %dma_wait3A_52] : memref<32x80x128xi32, #tpu.memory_space<hbm>> -> memref<1x80x128xi32, #tpu.memory_space<hbm>>
      %dma_wait3A_54 = tpu.memref_squeeze %dma_wait3A_53 : memref<1x80x128xi32, #tpu.memory_space<hbm>> -> memref<80x128xi32, #tpu.memory_space<hbm>>
      %dma_wait3A_55 = arith.constant 0 : i32
      %dma_wait3A_56 = arith.constant 0 : i32
      %dma_wait3A_57 = tpu.memref_slice %arg2[%add3A, %dma_wait3A_55, %dma_wait3A_56] : memref<32x80x128xi32, #tpu.memory_space<hbm>> -> memref<1x80x128xi32, #tpu.memory_space<hbm>>
      %dma_wait3A_58 = tpu.memref_squeeze %dma_wait3A_57 : memref<1x80x128xi32, #tpu.memory_space<hbm>> -> memref<80x128xi32, #tpu.memory_space<hbm>>
      tpu.wait_dma2 semaphore(%run_scoped3A : memref<!tpu.dma_semaphore, #tpu.memory_space<semaphore_mem>>) src(%dma_wait3A_58 : memref<80x128xi32, #tpu.memory_space<hbm>>) dst(%arg5 : memref<80x128xi32, #tpu.memory_space<vmem>>)
      tpu.yield
    }) : () -> ()
    "tpu.region"() ({
      %run_scoped3A = tpu.sem_alloc : memref<!tpu.dma_semaphore, #tpu.memory_space<semaphore_mem>>
      %dma_start3A = tpu.memref_slice %arg7[%mul3A_0] : memref<10240xf32, #tpu.memory_space<vmem_shared>> -> memref<640xf32, #tpu.memory_space<vmem_shared>>
      tpu.enqueue_dma source(%arg3 : memref<640xf32, #tpu.memory_space<hbm>>) target(%dma_start3A : memref<640xf32, #tpu.memory_space<vmem_shared>>) target_semaphore(%run_scoped3A : memref<!tpu.dma_semaphore, #tpu.memory_space<semaphore_mem>>)
      %dma_wait3A = tpu.memref_slice %arg7[%mul3A_0] : memref<10240xf32, #tpu.memory_space<vmem_shared>> -> memref<640xf32, #tpu.memory_space<vmem_shared>>
      tpu.wait_dma2 semaphore(%run_scoped3A : memref<!tpu.dma_semaphore, #tpu.memory_space<semaphore_mem>>) src(%arg3 : memref<640xf32, #tpu.memory_space<hbm>>) dst(%dma_wait3A : memref<640xf32, #tpu.memory_space<vmem_shared>>)
      tpu.yield
    }) : () -> ()
    %broadcast_in_dim3A = arith.constant 1.000000e+00 : f32
    %broadcast_in_dim3A_3 = vector.broadcast %broadcast_in_dim3A : f32 to vector<16xf32>
    %swap3A = arith.constant 0 : index
    %swap3A_4 = tpu.vector_load %arg6[%swap3A] {strides = array<i32>} : memref<128xf32, #tpu.memory_space<vmem>>, vector<16xf32>,
    tpu.vector_store %arg6[%swap3A], %broadcast_in_dim3A_3 {strides = array<i32>} : memref<128xf32, #tpu.memory_space<vmem>>, vector<16xf32>,
    %broadcast_in_dim3A_5 = arith.constant 1.000000e+00 : f32
    %broadcast_in_dim3A_6 = vector.broadcast %broadcast_in_dim3A_5 : f32 to vector<16xf32>
    %swap3A_7 = arith.constant 16 : index
    %swap3A_8 = tpu.vector_load %arg6[%swap3A_7] {strides = array<i32>} : memref<128xf32, #tpu.memory_space<vmem>>, vector<16xf32>,
    tpu.vector_store %arg6[%swap3A_7], %broadcast_in_dim3A_6 {strides = array<i32>} : memref<128xf32, #tpu.memory_space<vmem>>, vector<16xf32>,
    %broadcast_in_dim3A_9 = arith.constant 1.000000e+00 : f32
    %broadcast_in_dim3A_10 = vector.broadcast %broadcast_in_dim3A_9 : f32 to vector<16xf32>
    %swap3A_11 = arith.constant 32 : index
    %swap3A_12 = tpu.vector_load %arg6[%swap3A_11] {strides = array<i32>} : memref<128xf32, #tpu.memory_space<vmem>>, vector<16xf32>,
    tpu.vector_store %arg6[%swap3A_11], %broadcast_in_dim3A_10 {strides = array<i32>} : memref<128xf32, #tpu.memory_space<vmem>>, vector<16xf32>,
    %broadcast_in_dim3A_13 = arith.constant 1.000000e+00 : f32
    %broadcast_in_dim3A_14 = vector.broadcast %broadcast_in_dim3A_13 : f32 to vector<16xf32>
    %swap3A_15 = arith.constant 48 : index
    %swap3A_16 = tpu.vector_load %arg6[%swap3A_15] {strides = array<i32>} : memref<128xf32, #tpu.memory_space<vmem>>, vector<16xf32>,
    tpu.vector_store %arg6[%swap3A_15], %broadcast_in_dim3A_14 {strides = array<i32>} : memref<128xf32, #tpu.memory_space<vmem>>, vector<16xf32>,
    %broadcast_in_dim3A_17 = arith.constant 1.000000e+00 : f32
    %broadcast_in_dim3A_18 = vector.broadcast %broadcast_in_dim3A_17 : f32 to vector<16xf32>
    %swap3A_19 = arith.constant 64 : index
    %swap3A_20 = tpu.vector_load %arg6[%swap3A_19] {strides = array<i32>} : memref<128xf32, #tpu.memory_space<vmem>>, vector<16xf32>,
    tpu.vector_store %arg6[%swap3A_19], %broadcast_in_dim3A_18 {strides = array<i32>} : memref<128xf32, #tpu.memory_space<vmem>>, vector<16xf32>,
    %broadcast_in_dim3A_21 = arith.constant 1.000000e+00 : f32
    %broadcast_in_dim3A_22 = vector.broadcast %broadcast_in_dim3A_21 : f32 to vector<16xf32>
    %swap3A_23 = arith.constant 80 : index
    %swap3A_24 = tpu.vector_load %arg6[%swap3A_23] {strides = array<i32>} : memref<128xf32, #tpu.memory_space<vmem>>, vector<16xf32>,
    tpu.vector_store %arg6[%swap3A_23], %broadcast_in_dim3A_22 {strides = array<i32>} : memref<128xf32, #tpu.memory_space<vmem>>, vector<16xf32>,
    %broadcast_in_dim3A_25 = arith.constant 1.000000e+00 : f32
    %broadcast_in_dim3A_26 = vector.broadcast %broadcast_in_dim3A_25 : f32 to vector<16xf32>
    %swap3A_27 = arith.constant 96 : index
    %swap3A_28 = tpu.vector_load %arg6[%swap3A_27] {strides = array<i32>} : memref<128xf32, #tpu.memory_space<vmem>>, vector<16xf32>,
    tpu.vector_store %arg6[%swap3A_27], %broadcast_in_dim3A_26 {strides = array<i32>} : memref<128xf32, #tpu.memory_space<vmem>>, vector<16xf32>,
    %broadcast_in_dim3A_29 = arith.constant 1.000000e+00 : f32
    %broadcast_in_dim3A_30 = vector.broadcast %broadcast_in_dim3A_29 : f32 to vector<16xf32>
    %swap3A_31 = arith.constant 112 : index
    %swap3A_32 = tpu.vector_load %arg6[%swap3A_31] {strides = array<i32>} : memref<128xf32, #tpu.memory_space<vmem>>, vector<16xf32>,
    tpu.vector_store %arg6[%swap3A_31], %broadcast_in_dim3A_30 {strides = array<i32>} : memref<128xf32, #tpu.memory_space<vmem>>, vector<16xf32>,
    %barrier3A = arith.constant 0 : index
    tpu.barrier barrier_id(%barrier3A)
    %scan3A = arith.constant 0 : i32
    %scan3A_33 = arith.constant 0 : i32
    %scan3A_34 = arith.constant 80 : i32
    %scan3A_35 = arith.addi %scan3A_33, %scan3A_34 : i32
    %scan3A_36 = arith.constant 1 : i32
    scf.for %scan3A_45 = %scan3A_33 to %scan3A_35 step %scan3A_36  : i32 {
      %dma_start3A = arith.constant 0 : i32
      %dma_start3A_46 = tpu.memref_slice %arg5[%scan3A_45, %dma_start3A] : memref<80x128xi32, #tpu.memory_space<vmem>> -> memref<1x128xi32, #tpu.memory_space<vmem>>
      %dma_start3A_47 = tpu.memref_squeeze %dma_start3A_46 : memref<1x128xi32, #tpu.memory_space<vmem>> -> memref<128xi32, #tpu.memory_space<vmem>>
      %dma_start3A_48 = arith.constant 0 : i32
      %dma_start3A_49 = tpu.memref_slice %arg7[%dma_start3A_48] : memref<10240xf32, #tpu.memory_space<vmem_shared>> -> memref<10240xf32, #tpu.memory_space<vmem_shared>>
      tpu.enqueue_indirect_dma source(%arg6 : memref<128xf32, #tpu.memory_space<vmem>>) target(%dma_start3A_49 : memref<10240xf32, #tpu.memory_space<vmem_shared>>) offsets(%dma_start3A_47 : memref<128xi32, #tpu.memory_space<vmem>>) semaphore(%arg9 : memref<!tpu.dma_semaphore, #tpu.memory_space<semaphore_mem>>) {add = true}
    }
    %scan3A_37 = arith.constant 80 : i32
    %scan3A_38 = arith.constant 0 : i32
    %scan3A_39 = arith.constant 0 : i32
    %scan3A_40 = arith.constant 80 : i32
    %scan3A_41 = arith.addi %scan3A_39, %scan3A_40 : i32
    %scan3A_42 = arith.constant 1 : i32
    scf.for %scan3A_45 = %scan3A_39 to %scan3A_41 step %scan3A_42  : i32 {
      %dma_wait3A = arith.constant 0 : i32
      %dma_wait3A_46 = arith.constant 0 : i32
      %dma_wait3A_47 = tpu.memref_slice %arg5[%dma_wait3A, %dma_wait3A_46] : memref<80x128xi32, #tpu.memory_space<vmem>> -> memref<1x128xi32, #tpu.memory_space<vmem>>
      %dma_wait3A_48 = tpu.memref_squeeze %dma_wait3A_47 : memref<1x128xi32, #tpu.memory_space<vmem>> -> memref<128xi32, #tpu.memory_space<vmem>>
      %dma_wait3A_49 = arith.constant 0 : i32
      %dma_wait3A_50 = tpu.memref_slice %arg7[%dma_wait3A_49] : memref<10240xf32, #tpu.memory_space<vmem_shared>> -> memref<10240xf32, #tpu.memory_space<vmem_shared>>
      tpu.wait_indirect_dma semaphore(%arg9 : memref<!tpu.dma_semaphore, #tpu.memory_space<semaphore_mem>>) src(%arg6 : memref<128xf32, #tpu.memory_space<vmem>>) dst(%dma_wait3A_50 : memref<10240xf32, #tpu.memory_space<vmem_shared>>)
    }
    %scan3A_43 = arith.constant 80 : i32
    %barrier3A_44 = arith.constant 0 : index
    tpu.barrier barrier_id(%barrier3A_44)
    "tpu.region"() ({
      %run_scoped3A = tpu.sem_alloc : memref<!tpu.dma_semaphore, #tpu.memory_space<semaphore_mem>>
      %dma_start3A = tpu.memref_slice %arg4[%arg0, %mul3A_0] : memref<2x10240xf32, #tpu.memory_space<hbm>> -> memref<1x640xf32, #tpu.memory_space<hbm>>
      %dma_start3A_45 = tpu.memref_squeeze %dma_start3A : memref<1x640xf32, #tpu.memory_space<hbm>> -> memref<640xf32, #tpu.memory_space<hbm>>
      %dma_start3A_46 = tpu.memref_slice %arg7[%mul3A_0] : memref<10240xf32, #tpu.memory_space<vmem_shared>> -> memref<640xf32, #tpu.memory_space<vmem_shared>>
      tpu.enqueue_dma source(%dma_start3A_46 : memref<640xf32, #tpu.memory_space<vmem_shared>>) target(%dma_start3A_45 : memref<640xf32, #tpu.memory_space<hbm>>) target_semaphore(%run_scoped3A : memref<!tpu.dma_semaphore, #tpu.memory_space<semaphore_mem>>)
      %dma_wait3A = tpu.memref_slice %arg4[%arg0, %mul3A_0] : memref<2x10240xf32, #tpu.memory_space<hbm>> -> memref<1x640xf32, #tpu.memory_space<hbm>>
      %dma_wait3A_47 = tpu.memref_squeeze %dma_wait3A : memref<1x640xf32, #tpu.memory_space<hbm>> -> memref<640xf32, #tpu.memory_space<hbm>>
      %dma_wait3A_48 = tpu.memref_slice %arg7[%mul3A_0] : memref<10240xf32, #tpu.memory_space<vmem_shared>> -> memref<640xf32, #tpu.memory_space<vmem_shared>>
      tpu.wait_dma2 semaphore(%run_scoped3A : memref<!tpu.dma_semaphore, #tpu.memory_space<semaphore_mem>>) src(%dma_wait3A_48 : memref<640xf32, #tpu.memory_space<vmem_shared>>) dst(%dma_wait3A_47 : memref<640xf32, #tpu.memory_space<hbm>>)
      tpu.yield
    }) : () -> ()
    return
  }
}

#map = affine_map<(d0, d1) -> (0, 0)>
#map1 = affine_map<(d0, d1) -> (0, 0, 0)>
#map2 = affine_map<(d0, d1) -> (0, 0, 0, 0)>
module attributes {stable_mosaic.version = 14 : i64} {
  func.func @agg_kernel(%arg0: i32, %arg1: i32, %arg2: memref<20480x32xi32, #tpu.memory_space<hbm>>, %arg3: memref<32x80x128xi32, #tpu.memory_space<hbm>>, %arg4: memref<32x80x128xi32, #tpu.memory_space<hbm>>, %arg5: memref<640x64xf32, #tpu.memory_space<hbm>>, %arg6: memref<2x2x10240x64xf32, #tpu.memory_space<hbm>>, %arg7: memref<80x128xi32, #tpu.memory_space<vmem>>, %arg8: memref<80x128xi32, #tpu.memory_space<vmem>>, %arg9: memref<128x32xi32, #tpu.memory_space<vmem>>, %arg10: memref<128x32xi32, #tpu.memory_space<vmem>>, %arg11: memref<128x32xi32, #tpu.memory_space<vmem>>, %arg12: memref<128x32xi32, #tpu.memory_space<vmem>>, %arg13: memref<128x64xf32, #tpu.memory_space<vmem>>, %arg14: memref<128x64xf32, #tpu.memory_space<vmem>>, %arg15: memref<128x64xf32, #tpu.memory_space<vmem>>, %arg16: memref<128x64xf32, #tpu.memory_space<vmem>>, %arg17: memref<10240x32xi32, #tpu.memory_space<vmem_shared>>, %arg18: memref<10240x64xf32, #tpu.memory_space<vmem_shared>>, %arg19: memref<!tpu.dma_semaphore, #tpu.memory_space<semaphore_mem>>, %arg20: memref<!tpu.dma_semaphore, #tpu.memory_space<semaphore_mem>>, %arg21: memref<!tpu.dma_semaphore, #tpu.memory_space<semaphore_mem>>, %arg22: memref<!tpu.dma_semaphore, #tpu.memory_space<semaphore_mem>>, %arg23: memref<!tpu.dma_semaphore, #tpu.memory_space<semaphore_mem>>, %arg24: memref<!tpu.dma_semaphore, #tpu.memory_space<semaphore_mem>>, %arg25: memref<!tpu.dma_semaphore, #tpu.memory_space<semaphore_mem>>, %arg26: memref<!tpu.dma_semaphore, #tpu.memory_space<semaphore_mem>>, %arg27: memref<!tpu.dma_semaphore, #tpu.memory_space<semaphore_mem>>) attributes {dimension_semantics = [#tpu.dimension_semantics<core_parallel>, #tpu.dimension_semantics<subcore_parallel>], iteration_bounds = array<i64: 2, 16>, scalar_prefetch = 0 : i64, scratch_operands = 21 : i64, tpu.core_type = #tpu.core_type<sc_vector_subcore>, window_params = [{transform_indices = #map}, {transform_indices = #map1}, {transform_indices = #map1}, {transform_indices = #map}, {transform_indices = #map2}]} {
    %mul3A = arith.constant 16 : i32
    %mul3A_0 = arith.muli %arg0, %mul3A : i32
    %add3A = arith.addi %mul3A_0, %arg1 : i32
    %mul3A_1 = arith.constant 640 : i32
    %mul3A_2 = arith.muli %arg1, %mul3A_1 : i32
    %dma_start3A = arith.constant 0 : i32
    %dma_start3A_3 = arith.constant 0 : i32
    %dma_start3A_4 = tpu.memref_slice %arg3[%add3A, %dma_start3A, %dma_start3A_3] : memref<32x80x128xi32, #tpu.memory_space<hbm>> -> memref<1x80x128xi32, #tpu.memory_space<hbm>>
    %dma_start3A_5 = tpu.memref_squeeze %dma_start3A_4 : memref<1x80x128xi32, #tpu.memory_space<hbm>> -> memref<80x128xi32, #tpu.memory_space<hbm>>
    %dma_start3A_6 = arith.constant 0 : i32
    %dma_start3A_7 = arith.constant 0 : i32
    %dma_start3A_8 = tpu.memref_slice %arg3[%add3A, %dma_start3A_6, %dma_start3A_7] : memref<32x80x128xi32, #tpu.memory_space<hbm>> -> memref<1x80x128xi32, #tpu.memory_space<hbm>>
    %dma_start3A_9 = tpu.memref_squeeze %dma_start3A_8 : memref<1x80x128xi32, #tpu.memory_space<hbm>> -> memref<80x128xi32, #tpu.memory_space<hbm>>
    tpu.enqueue_dma source(%dma_start3A_9 : memref<80x128xi32, #tpu.memory_space<hbm>>) target(%arg7 : memref<80x128xi32, #tpu.memory_space<vmem>>) target_semaphore(%arg27 : memref<!tpu.dma_semaphore, #tpu.memory_space<semaphore_mem>>)
    "tpu.region"() ({
      %run_scoped3A_316 = tpu.sem_alloc : memref<!tpu.dma_semaphore, #tpu.memory_space<semaphore_mem>>
      %dma_start3A_317 = arith.constant 0 : i32
      %dma_start3A_318 = arith.constant 0 : i32
      %dma_start3A_319 = tpu.memref_slice %arg4[%add3A, %dma_start3A_317, %dma_start3A_318] : memref<32x80x128xi32, #tpu.memory_space<hbm>> -> memref<1x80x128xi32, #tpu.memory_space<hbm>>
      %dma_start3A_320 = tpu.memref_squeeze %dma_start3A_319 : memref<1x80x128xi32, #tpu.memory_space<hbm>> -> memref<80x128xi32, #tpu.memory_space<hbm>>
      %dma_start3A_321 = arith.constant 0 : i32
      %dma_start3A_322 = arith.constant 0 : i32
      %dma_start3A_323 = tpu.memref_slice %arg4[%add3A, %dma_start3A_321, %dma_start3A_322] : memref<32x80x128xi32, #tpu.memory_space<hbm>> -> memref<1x80x128xi32, #tpu.memory_space<hbm>>
      %dma_start3A_324 = tpu.memref_squeeze %dma_start3A_323 : memref<1x80x128xi32, #tpu.memory_space<hbm>> -> memref<80x128xi32, #tpu.memory_space<hbm>>
      tpu.enqueue_dma source(%dma_start3A_324 : memref<80x128xi32, #tpu.memory_space<hbm>>) target(%arg8 : memref<80x128xi32, #tpu.memory_space<vmem>>) target_semaphore(%run_scoped3A_316 : memref<!tpu.dma_semaphore, #tpu.memory_space<semaphore_mem>>)
      %dma_wait3A_325 = arith.constant 0 : i32
      %dma_wait3A_326 = arith.constant 0 : i32
      %dma_wait3A_327 = tpu.memref_slice %arg4[%add3A, %dma_wait3A_325, %dma_wait3A_326] : memref<32x80x128xi32, #tpu.memory_space<hbm>> -> memref<1x80x128xi32, #tpu.memory_space<hbm>>
      %dma_wait3A_328 = tpu.memref_squeeze %dma_wait3A_327 : memref<1x80x128xi32, #tpu.memory_space<hbm>> -> memref<80x128xi32, #tpu.memory_space<hbm>>
      %dma_wait3A_329 = arith.constant 0 : i32
      %dma_wait3A_330 = arith.constant 0 : i32
      %dma_wait3A_331 = tpu.memref_slice %arg4[%add3A, %dma_wait3A_329, %dma_wait3A_330] : memref<32x80x128xi32, #tpu.memory_space<hbm>> -> memref<1x80x128xi32, #tpu.memory_space<hbm>>
      %dma_wait3A_332 = tpu.memref_squeeze %dma_wait3A_331 : memref<1x80x128xi32, #tpu.memory_space<hbm>> -> memref<80x128xi32, #tpu.memory_space<hbm>>
      tpu.wait_dma2 semaphore(%run_scoped3A_316 : memref<!tpu.dma_semaphore, #tpu.memory_space<semaphore_mem>>) src(%dma_wait3A_332 : memref<80x128xi32, #tpu.memory_space<hbm>>) dst(%arg8 : memref<80x128xi32, #tpu.memory_space<vmem>>)
      tpu.yield
    }) : () -> ()
    %dma_wait3A = arith.constant 0 : i32
    %dma_wait3A_10 = arith.constant 0 : i32
    %dma_wait3A_11 = tpu.memref_slice %arg3[%add3A, %dma_wait3A, %dma_wait3A_10] : memref<32x80x128xi32, #tpu.memory_space<hbm>> -> memref<1x80x128xi32, #tpu.memory_space<hbm>>
    %dma_wait3A_12 = tpu.memref_squeeze %dma_wait3A_11 : memref<1x80x128xi32, #tpu.memory_space<hbm>> -> memref<80x128xi32, #tpu.memory_space<hbm>>
    %dma_wait3A_13 = arith.constant 0 : i32
    %dma_wait3A_14 = arith.constant 0 : i32
    %dma_wait3A_15 = tpu.memref_slice %arg3[%add3A, %dma_wait3A_13, %dma_wait3A_14] : memref<32x80x128xi32, #tpu.memory_space<hbm>> -> memref<1x80x128xi32, #tpu.memory_space<hbm>>
    %dma_wait3A_16 = tpu.memref_squeeze %dma_wait3A_15 : memref<1x80x128xi32, #tpu.memory_space<hbm>> -> memref<80x128xi32, #tpu.memory_space<hbm>>
    tpu.wait_dma2 semaphore(%arg27 : memref<!tpu.dma_semaphore, #tpu.memory_space<semaphore_mem>>) src(%dma_wait3A_16 : memref<80x128xi32, #tpu.memory_space<hbm>>) dst(%arg7 : memref<80x128xi32, #tpu.memory_space<vmem>>)
    %add3A_17 = arith.constant 0 : i32
    %add3A_18 = arith.addi %add3A_17, %mul3A_2 : i32
    "tpu.region"() ({
      %run_scoped3A_316 = tpu.sem_alloc : memref<!tpu.dma_semaphore, #tpu.memory_space<semaphore_mem>>
      %dma_start3A_317 = arith.constant 0 : i32
      %dma_start3A_318 = tpu.memref_slice %arg17[%mul3A_2, %dma_start3A_317] : memref<10240x32xi32, #tpu.memory_space<vmem_shared>> -> memref<640x32xi32, #tpu.memory_space<vmem_shared>>
      %dma_start3A_319 = arith.constant 0 : i32
      %dma_start3A_320 = tpu.memref_slice %arg2[%add3A_18, %dma_start3A_319] : memref<20480x32xi32, #tpu.memory_space<hbm>> -> memref<640x32xi32, #tpu.memory_space<hbm>>
      tpu.enqueue_dma source(%dma_start3A_320 : memref<640x32xi32, #tpu.memory_space<hbm>>) target(%dma_start3A_318 : memref<640x32xi32, #tpu.memory_space<vmem_shared>>) target_semaphore(%run_scoped3A_316 : memref<!tpu.dma_semaphore, #tpu.memory_space<semaphore_mem>>)
      %dma_wait3A_321 = arith.constant 0 : i32
      %dma_wait3A_322 = tpu.memref_slice %arg17[%mul3A_2, %dma_wait3A_321] : memref<10240x32xi32, #tpu.memory_space<vmem_shared>> -> memref<640x32xi32, #tpu.memory_space<vmem_shared>>
      %dma_wait3A_323 = arith.constant 0 : i32
      %dma_wait3A_324 = tpu.memref_slice %arg2[%add3A_18, %dma_wait3A_323] : memref<20480x32xi32, #tpu.memory_space<hbm>> -> memref<640x32xi32, #tpu.memory_space<hbm>>
      tpu.wait_dma2 semaphore(%run_scoped3A_316 : memref<!tpu.dma_semaphore, #tpu.memory_space<semaphore_mem>>) src(%dma_wait3A_324 : memref<640x32xi32, #tpu.memory_space<hbm>>) dst(%dma_wait3A_322 : memref<640x32xi32, #tpu.memory_space<vmem_shared>>)
      tpu.yield
    }) : () -> ()
    "tpu.region"() ({
      %run_scoped3A_316 = tpu.sem_alloc : memref<!tpu.dma_semaphore, #tpu.memory_space<semaphore_mem>>
      %dma_start3A_317 = arith.constant 0 : i32
      %dma_start3A_318 = tpu.memref_slice %arg18[%mul3A_2, %dma_start3A_317] : memref<10240x64xf32, #tpu.memory_space<vmem_shared>> -> memref<640x64xf32, #tpu.memory_space<vmem_shared>>
      tpu.enqueue_dma source(%arg5 : memref<640x64xf32, #tpu.memory_space<hbm>>) target(%dma_start3A_318 : memref<640x64xf32, #tpu.memory_space<vmem_shared>>) target_semaphore(%run_scoped3A_316 : memref<!tpu.dma_semaphore, #tpu.memory_space<semaphore_mem>>)
      %dma_wait3A_319 = arith.constant 0 : i32
      %dma_wait3A_320 = tpu.memref_slice %arg18[%mul3A_2, %dma_wait3A_319] : memref<10240x64xf32, #tpu.memory_space<vmem_shared>> -> memref<640x64xf32, #tpu.memory_space<vmem_shared>>
      tpu.wait_dma2 semaphore(%run_scoped3A_316 : memref<!tpu.dma_semaphore, #tpu.memory_space<semaphore_mem>>) src(%arg5 : memref<640x64xf32, #tpu.memory_space<hbm>>) dst(%dma_wait3A_320 : memref<640x64xf32, #tpu.memory_space<vmem_shared>>)
      tpu.yield
    }) : () -> ()
    %barrier3A = arith.constant 0 : index
    tpu.barrier barrier_id(%barrier3A)
    %dma_start3A_19 = arith.constant 0 : i32
    %dma_start3A_20 = arith.constant 0 : i32
    %dma_start3A_21 = tpu.memref_slice %arg7[%dma_start3A_19, %dma_start3A_20] : memref<80x128xi32, #tpu.memory_space<vmem>> -> memref<1x128xi32, #tpu.memory_space<vmem>>
    %dma_start3A_22 = tpu.memref_squeeze %dma_start3A_21 : memref<1x128xi32, #tpu.memory_space<vmem>> -> memref<128xi32, #tpu.memory_space<vmem>>
    %dma_start3A_23 = arith.constant 0 : i32
    %dma_start3A_24 = arith.constant 0 : i32
    %dma_start3A_25 = tpu.memref_slice %arg17[%dma_start3A_23, %dma_start3A_24] : memref<10240x32xi32, #tpu.memory_space<vmem_shared>> -> memref<10240x32xi32, #tpu.memory_space<vmem_shared>>
    tpu.enqueue_indirect_dma source(%dma_start3A_25 : memref<10240x32xi32, #tpu.memory_space<vmem_shared>>) target(%arg9 : memref<128x32xi32, #tpu.memory_space<vmem>>) offsets(%dma_start3A_22 : memref<128xi32, #tpu.memory_space<vmem>>) semaphore(%arg19 : memref<!tpu.dma_semaphore, #tpu.memory_space<semaphore_mem>>)
    %dma_start3A_26 = arith.constant 1 : i32
    %dma_start3A_27 = arith.constant 0 : i32
    %dma_start3A_28 = tpu.memref_slice %arg7[%dma_start3A_26, %dma_start3A_27] : memref<80x128xi32, #tpu.memory_space<vmem>> -> memref<1x128xi32, #tpu.memory_space<vmem>>
    %dma_start3A_29 = tpu.memref_squeeze %dma_start3A_28 : memref<1x128xi32, #tpu.memory_space<vmem>> -> memref<128xi32, #tpu.memory_space<vmem>>
    %dma_start3A_30 = arith.constant 0 : i32
    %dma_start3A_31 = arith.constant 0 : i32
    %dma_start3A_32 = tpu.memref_slice %arg17[%dma_start3A_30, %dma_start3A_31] : memref<10240x32xi32, #tpu.memory_space<vmem_shared>> -> memref<10240x32xi32, #tpu.memory_space<vmem_shared>>
    tpu.enqueue_indirect_dma source(%dma_start3A_32 : memref<10240x32xi32, #tpu.memory_space<vmem_shared>>) target(%arg10 : memref<128x32xi32, #tpu.memory_space<vmem>>) offsets(%dma_start3A_29 : memref<128xi32, #tpu.memory_space<vmem>>) semaphore(%arg20 : memref<!tpu.dma_semaphore, #tpu.memory_space<semaphore_mem>>)
    %dma_start3A_33 = arith.constant 2 : i32
    %dma_start3A_34 = arith.constant 0 : i32
    %dma_start3A_35 = tpu.memref_slice %arg7[%dma_start3A_33, %dma_start3A_34] : memref<80x128xi32, #tpu.memory_space<vmem>> -> memref<1x128xi32, #tpu.memory_space<vmem>>
    %dma_start3A_36 = tpu.memref_squeeze %dma_start3A_35 : memref<1x128xi32, #tpu.memory_space<vmem>> -> memref<128xi32, #tpu.memory_space<vmem>>
    %dma_start3A_37 = arith.constant 0 : i32
    %dma_start3A_38 = arith.constant 0 : i32
    %dma_start3A_39 = tpu.memref_slice %arg17[%dma_start3A_37, %dma_start3A_38] : memref<10240x32xi32, #tpu.memory_space<vmem_shared>> -> memref<10240x32xi32, #tpu.memory_space<vmem_shared>>
    tpu.enqueue_indirect_dma source(%dma_start3A_39 : memref<10240x32xi32, #tpu.memory_space<vmem_shared>>) target(%arg11 : memref<128x32xi32, #tpu.memory_space<vmem>>) offsets(%dma_start3A_36 : memref<128xi32, #tpu.memory_space<vmem>>) semaphore(%arg21 : memref<!tpu.dma_semaphore, #tpu.memory_space<semaphore_mem>>)
    %dma_start3A_40 = arith.constant 3 : i32
    %dma_start3A_41 = arith.constant 0 : i32
    %dma_start3A_42 = tpu.memref_slice %arg7[%dma_start3A_40, %dma_start3A_41] : memref<80x128xi32, #tpu.memory_space<vmem>> -> memref<1x128xi32, #tpu.memory_space<vmem>>
    %dma_start3A_43 = tpu.memref_squeeze %dma_start3A_42 : memref<1x128xi32, #tpu.memory_space<vmem>> -> memref<128xi32, #tpu.memory_space<vmem>>
    %dma_start3A_44 = arith.constant 0 : i32
    %dma_start3A_45 = arith.constant 0 : i32
    %dma_start3A_46 = tpu.memref_slice %arg17[%dma_start3A_44, %dma_start3A_45] : memref<10240x32xi32, #tpu.memory_space<vmem_shared>> -> memref<10240x32xi32, #tpu.memory_space<vmem_shared>>
    tpu.enqueue_indirect_dma source(%dma_start3A_46 : memref<10240x32xi32, #tpu.memory_space<vmem_shared>>) target(%arg12 : memref<128x32xi32, #tpu.memory_space<vmem>>) offsets(%dma_start3A_43 : memref<128xi32, #tpu.memory_space<vmem>>) semaphore(%arg22 : memref<!tpu.dma_semaphore, #tpu.memory_space<semaphore_mem>>)
    %dma_wait3A_47 = arith.constant 0 : i32
    %dma_wait3A_48 = arith.constant 0 : i32
    %dma_wait3A_49 = tpu.memref_slice %arg7[%dma_wait3A_47, %dma_wait3A_48] : memref<80x128xi32, #tpu.memory_space<vmem>> -> memref<1x128xi32, #tpu.memory_space<vmem>>
    %dma_wait3A_50 = tpu.memref_squeeze %dma_wait3A_49 : memref<1x128xi32, #tpu.memory_space<vmem>> -> memref<128xi32, #tpu.memory_space<vmem>>
    %dma_wait3A_51 = arith.constant 0 : i32
    %dma_wait3A_52 = arith.constant 0 : i32
    %dma_wait3A_53 = tpu.memref_slice %arg17[%dma_wait3A_51, %dma_wait3A_52] : memref<10240x32xi32, #tpu.memory_space<vmem_shared>> -> memref<10240x32xi32, #tpu.memory_space<vmem_shared>>
    tpu.wait_indirect_dma semaphore(%arg19 : memref<!tpu.dma_semaphore, #tpu.memory_space<semaphore_mem>>) src(%dma_wait3A_53 : memref<10240x32xi32, #tpu.memory_space<vmem_shared>>) dst(%arg9 : memref<128x32xi32, #tpu.memory_space<vmem>>)
    %scan3A = arith.constant 0 : i32
    %scan3A_54 = arith.constant -65536 : i32
    %scan3A_55 = arith.constant 0 : i32
    %scan3A_56 = arith.constant 128 : i32
    %scan3A_57 = arith.addi %scan3A_55, %scan3A_56 : i32
    %scan3A_58 = arith.constant 1 : i32
    scf.for %scan3A_316 = %scan3A_55 to %scan3A_57 step %scan3A_58  : i32 {
      %get3A = arith.index_cast %scan3A_316 : i32 to index
      %get3A_317 = arith.constant 0 : index
      %get3A_318 = tpu.vector_load %arg9[%get3A, %get3A_317] {strides = array<i32>} : memref<128x32xi32, #tpu.memory_space<vmem>>, vector<16xi32>,
      %shift_left3A = arith.constant 16 : i32
      %shift_left3A_319 = vector.broadcast %shift_left3A : i32 to vector<16xi32>
      %shift_left3A_320 = arith.shli %get3A_318, %shift_left3A_319 : vector<16xi32>
      %bitcast3A = vector.bitcast %shift_left3A_320 : vector<16xi32> to vector<16xf32>
      %and3A = vector.broadcast %scan3A_54 : i32 to vector<16xi32>
      %and3A_321 = arith.andi %get3A_318, %and3A : vector<16xi32>
      %bitcast3A_322 = vector.bitcast %and3A_321 : vector<16xi32> to vector<16xf32>
      %swap3A = arith.index_cast %scan3A_316 : i32 to index
      %swap3A_323 = arith.constant 0 : index
      %swap3A_324 = tpu.vector_load %arg13[%swap3A, %swap3A_323] {strides = array<i32>} : memref<128x64xf32, #tpu.memory_space<vmem>>, vector<16xf32>,
      tpu.vector_store %arg13[%swap3A, %swap3A_323], %bitcast3A {strides = array<i32>} : memref<128x64xf32, #tpu.memory_space<vmem>>, vector<16xf32>,
      %swap3A_325 = arith.index_cast %scan3A_316 : i32 to index
      %swap3A_326 = arith.constant 16 : index
      %swap3A_327 = tpu.vector_load %arg13[%swap3A_325, %swap3A_326] {strides = array<i32>} : memref<128x64xf32, #tpu.memory_space<vmem>>, vector<16xf32>,
      tpu.vector_store %arg13[%swap3A_325, %swap3A_326], %bitcast3A_322 {strides = array<i32>} : memref<128x64xf32, #tpu.memory_space<vmem>>, vector<16xf32>,
      %get3A_328 = arith.index_cast %scan3A_316 : i32 to index
      %get3A_329 = arith.constant 16 : index
      %get3A_330 = tpu.vector_load %arg9[%get3A_328, %get3A_329] {strides = array<i32>} : memref<128x32xi32, #tpu.memory_space<vmem>>, vector<16xi32>,
      %shift_left3A_331 = arith.constant 16 : i32
      %shift_left3A_332 = vector.broadcast %shift_left3A_331 : i32 to vector<16xi32>
      %shift_left3A_333 = arith.shli %get3A_330, %shift_left3A_332 : vector<16xi32>
      %bitcast3A_334 = vector.bitcast %shift_left3A_333 : vector<16xi32> to vector<16xf32>
      %and3A_335 = vector.broadcast %scan3A_54 : i32 to vector<16xi32>
      %and3A_336 = arith.andi %get3A_330, %and3A_335 : vector<16xi32>
      %bitcast3A_337 = vector.bitcast %and3A_336 : vector<16xi32> to vector<16xf32>
      %swap3A_338 = arith.index_cast %scan3A_316 : i32 to index
      %swap3A_339 = arith.constant 32 : index
      %swap3A_340 = tpu.vector_load %arg13[%swap3A_338, %swap3A_339] {strides = array<i32>} : memref<128x64xf32, #tpu.memory_space<vmem>>, vector<16xf32>,
      tpu.vector_store %arg13[%swap3A_338, %swap3A_339], %bitcast3A_334 {strides = array<i32>} : memref<128x64xf32, #tpu.memory_space<vmem>>, vector<16xf32>,
      %swap3A_341 = arith.index_cast %scan3A_316 : i32 to index
      %swap3A_342 = arith.constant 48 : index
      %swap3A_343 = tpu.vector_load %arg13[%swap3A_341, %swap3A_342] {strides = array<i32>} : memref<128x64xf32, #tpu.memory_space<vmem>>, vector<16xf32>,
      tpu.vector_store %arg13[%swap3A_341, %swap3A_342], %bitcast3A_337 {strides = array<i32>} : memref<128x64xf32, #tpu.memory_space<vmem>>, vector<16xf32>,
    }
    %scan3A_59 = arith.constant 128 : i32
    %dma_start3A_60 = arith.constant 0 : i32
    %dma_start3A_61 = arith.constant 0 : i32
    %dma_start3A_62 = tpu.memref_slice %arg8[%dma_start3A_60, %dma_start3A_61] : memref<80x128xi32, #tpu.memory_space<vmem>> -> memref<1x128xi32, #tpu.memory_space<vmem>>
    %dma_start3A_63 = tpu.memref_squeeze %dma_start3A_62 : memref<1x128xi32, #tpu.memory_space<vmem>> -> memref<128xi32, #tpu.memory_space<vmem>>
    %dma_start3A_64 = arith.constant 0 : i32
    %dma_start3A_65 = arith.constant 0 : i32
    %dma_start3A_66 = tpu.memref_slice %arg18[%dma_start3A_64, %dma_start3A_65] : memref<10240x64xf32, #tpu.memory_space<vmem_shared>> -> memref<10240x64xf32, #tpu.memory_space<vmem_shared>>
    tpu.enqueue_indirect_dma source(%arg13 : memref<128x64xf32, #tpu.memory_space<vmem>>) target(%dma_start3A_66 : memref<10240x64xf32, #tpu.memory_space<vmem_shared>>) offsets(%dma_start3A_63 : memref<128xi32, #tpu.memory_space<vmem>>) semaphore(%arg23 : memref<!tpu.dma_semaphore, #tpu.memory_space<semaphore_mem>>) {add = true}
    %dma_wait3A_67 = arith.constant 0 : i32
    %dma_wait3A_68 = arith.constant 0 : i32
    %dma_wait3A_69 = tpu.memref_slice %arg7[%dma_wait3A_67, %dma_wait3A_68] : memref<80x128xi32, #tpu.memory_space<vmem>> -> memref<1x128xi32, #tpu.memory_space<vmem>>
    %dma_wait3A_70 = tpu.memref_squeeze %dma_wait3A_69 : memref<1x128xi32, #tpu.memory_space<vmem>> -> memref<128xi32, #tpu.memory_space<vmem>>
    %dma_wait3A_71 = arith.constant 0 : i32
    %dma_wait3A_72 = arith.constant 0 : i32
    %dma_wait3A_73 = tpu.memref_slice %arg17[%dma_wait3A_71, %dma_wait3A_72] : memref<10240x32xi32, #tpu.memory_space<vmem_shared>> -> memref<10240x32xi32, #tpu.memory_space<vmem_shared>>
    tpu.wait_indirect_dma semaphore(%arg20 : memref<!tpu.dma_semaphore, #tpu.memory_space<semaphore_mem>>) src(%dma_wait3A_73 : memref<10240x32xi32, #tpu.memory_space<vmem_shared>>) dst(%arg10 : memref<128x32xi32, #tpu.memory_space<vmem>>)
    %scan3A_74 = arith.constant 0 : i32
    %scan3A_75 = arith.constant -65536 : i32
    %scan3A_76 = arith.constant 0 : i32
    %scan3A_77 = arith.constant 128 : i32
    %scan3A_78 = arith.addi %scan3A_76, %scan3A_77 : i32
    %scan3A_79 = arith.constant 1 : i32
    scf.for %scan3A_316 = %scan3A_76 to %scan3A_78 step %scan3A_79  : i32 {
      %get3A = arith.index_cast %scan3A_316 : i32 to index
      %get3A_317 = arith.constant 0 : index
      %get3A_318 = tpu.vector_load %arg10[%get3A, %get3A_317] {strides = array<i32>} : memref<128x32xi32, #tpu.memory_space<vmem>>, vector<16xi32>,
      %shift_left3A = arith.constant 16 : i32
      %shift_left3A_319 = vector.broadcast %shift_left3A : i32 to vector<16xi32>
      %shift_left3A_320 = arith.shli %get3A_318, %shift_left3A_319 : vector<16xi32>
      %bitcast3A = vector.bitcast %shift_left3A_320 : vector<16xi32> to vector<16xf32>
      %and3A = vector.broadcast %scan3A_75 : i32 to vector<16xi32>
      %and3A_321 = arith.andi %get3A_318, %and3A : vector<16xi32>
      %bitcast3A_322 = vector.bitcast %and3A_321 : vector<16xi32> to vector<16xf32>
      %swap3A = arith.index_cast %scan3A_316 : i32 to index
      %swap3A_323 = arith.constant 0 : index
      %swap3A_324 = tpu.vector_load %arg14[%swap3A, %swap3A_323] {strides = array<i32>} : memref<128x64xf32, #tpu.memory_space<vmem>>, vector<16xf32>,
      tpu.vector_store %arg14[%swap3A, %swap3A_323], %bitcast3A {strides = array<i32>} : memref<128x64xf32, #tpu.memory_space<vmem>>, vector<16xf32>,
      %swap3A_325 = arith.index_cast %scan3A_316 : i32 to index
      %swap3A_326 = arith.constant 16 : index
      %swap3A_327 = tpu.vector_load %arg14[%swap3A_325, %swap3A_326] {strides = array<i32>} : memref<128x64xf32, #tpu.memory_space<vmem>>, vector<16xf32>,
      tpu.vector_store %arg14[%swap3A_325, %swap3A_326], %bitcast3A_322 {strides = array<i32>} : memref<128x64xf32, #tpu.memory_space<vmem>>, vector<16xf32>,
      %get3A_328 = arith.index_cast %scan3A_316 : i32 to index
      %get3A_329 = arith.constant 16 : index
      %get3A_330 = tpu.vector_load %arg10[%get3A_328, %get3A_329] {strides = array<i32>} : memref<128x32xi32, #tpu.memory_space<vmem>>, vector<16xi32>,
      %shift_left3A_331 = arith.constant 16 : i32
      %shift_left3A_332 = vector.broadcast %shift_left3A_331 : i32 to vector<16xi32>
      %shift_left3A_333 = arith.shli %get3A_330, %shift_left3A_332 : vector<16xi32>
      %bitcast3A_334 = vector.bitcast %shift_left3A_333 : vector<16xi32> to vector<16xf32>
      %and3A_335 = vector.broadcast %scan3A_75 : i32 to vector<16xi32>
      %and3A_336 = arith.andi %get3A_330, %and3A_335 : vector<16xi32>
      %bitcast3A_337 = vector.bitcast %and3A_336 : vector<16xi32> to vector<16xf32>
      %swap3A_338 = arith.index_cast %scan3A_316 : i32 to index
      %swap3A_339 = arith.constant 32 : index
      %swap3A_340 = tpu.vector_load %arg14[%swap3A_338, %swap3A_339] {strides = array<i32>} : memref<128x64xf32, #tpu.memory_space<vmem>>, vector<16xf32>,
      tpu.vector_store %arg14[%swap3A_338, %swap3A_339], %bitcast3A_334 {strides = array<i32>} : memref<128x64xf32, #tpu.memory_space<vmem>>, vector<16xf32>,
      %swap3A_341 = arith.index_cast %scan3A_316 : i32 to index
      %swap3A_342 = arith.constant 48 : index
      %swap3A_343 = tpu.vector_load %arg14[%swap3A_341, %swap3A_342] {strides = array<i32>} : memref<128x64xf32, #tpu.memory_space<vmem>>, vector<16xf32>,
      tpu.vector_store %arg14[%swap3A_341, %swap3A_342], %bitcast3A_337 {strides = array<i32>} : memref<128x64xf32, #tpu.memory_space<vmem>>, vector<16xf32>,
    }
    %scan3A_80 = arith.constant 128 : i32
    %dma_start3A_81 = arith.constant 1 : i32
    %dma_start3A_82 = arith.constant 0 : i32
    %dma_start3A_83 = tpu.memref_slice %arg8[%dma_start3A_81, %dma_start3A_82] : memref<80x128xi32, #tpu.memory_space<vmem>> -> memref<1x128xi32, #tpu.memory_space<vmem>>
    %dma_start3A_84 = tpu.memref_squeeze %dma_start3A_83 : memref<1x128xi32, #tpu.memory_space<vmem>> -> memref<128xi32, #tpu.memory_space<vmem>>
    %dma_start3A_85 = arith.constant 0 : i32
    %dma_start3A_86 = arith.constant 0 : i32
    %dma_start3A_87 = tpu.memref_slice %arg18[%dma_start3A_85, %dma_start3A_86] : memref<10240x64xf32, #tpu.memory_space<vmem_shared>> -> memref<10240x64xf32, #tpu.memory_space<vmem_shared>>
    tpu.enqueue_indirect_dma source(%arg14 : memref<128x64xf32, #tpu.memory_space<vmem>>) target(%dma_start3A_87 : memref<10240x64xf32, #tpu.memory_space<vmem_shared>>) offsets(%dma_start3A_84 : memref<128xi32, #tpu.memory_space<vmem>>) semaphore(%arg24 : memref<!tpu.dma_semaphore, #tpu.memory_space<semaphore_mem>>) {add = true}
    %dma_wait3A_88 = arith.constant 0 : i32
    %dma_wait3A_89 = arith.constant 0 : i32
    %dma_wait3A_90 = tpu.memref_slice %arg7[%dma_wait3A_88, %dma_wait3A_89] : memref<80x128xi32, #tpu.memory_space<vmem>> -> memref<1x128xi32, #tpu.memory_space<vmem>>
    %dma_wait3A_91 = tpu.memref_squeeze %dma_wait3A_90 : memref<1x128xi32, #tpu.memory_space<vmem>> -> memref<128xi32, #tpu.memory_space<vmem>>
    %dma_wait3A_92 = arith.constant 0 : i32
    %dma_wait3A_93 = arith.constant 0 : i32
    %dma_wait3A_94 = tpu.memref_slice %arg17[%dma_wait3A_92, %dma_wait3A_93] : memref<10240x32xi32, #tpu.memory_space<vmem_shared>> -> memref<10240x32xi32, #tpu.memory_space<vmem_shared>>
    tpu.wait_indirect_dma semaphore(%arg21 : memref<!tpu.dma_semaphore, #tpu.memory_space<semaphore_mem>>) src(%dma_wait3A_94 : memref<10240x32xi32, #tpu.memory_space<vmem_shared>>) dst(%arg11 : memref<128x32xi32, #tpu.memory_space<vmem>>)
    %scan3A_95 = arith.constant 0 : i32
    %scan3A_96 = arith.constant -65536 : i32
    %scan3A_97 = arith.constant 0 : i32
    %scan3A_98 = arith.constant 128 : i32
    %scan3A_99 = arith.addi %scan3A_97, %scan3A_98 : i32
    %scan3A_100 = arith.constant 1 : i32
    scf.for %scan3A_316 = %scan3A_97 to %scan3A_99 step %scan3A_100  : i32 {
      %get3A = arith.index_cast %scan3A_316 : i32 to index
      %get3A_317 = arith.constant 0 : index
      %get3A_318 = tpu.vector_load %arg11[%get3A, %get3A_317] {strides = array<i32>} : memref<128x32xi32, #tpu.memory_space<vmem>>, vector<16xi32>,
      %shift_left3A = arith.constant 16 : i32
      %shift_left3A_319 = vector.broadcast %shift_left3A : i32 to vector<16xi32>
      %shift_left3A_320 = arith.shli %get3A_318, %shift_left3A_319 : vector<16xi32>
      %bitcast3A = vector.bitcast %shift_left3A_320 : vector<16xi32> to vector<16xf32>
      %and3A = vector.broadcast %scan3A_96 : i32 to vector<16xi32>
      %and3A_321 = arith.andi %get3A_318, %and3A : vector<16xi32>
      %bitcast3A_322 = vector.bitcast %and3A_321 : vector<16xi32> to vector<16xf32>
      %swap3A = arith.index_cast %scan3A_316 : i32 to index
      %swap3A_323 = arith.constant 0 : index
      %swap3A_324 = tpu.vector_load %arg15[%swap3A, %swap3A_323] {strides = array<i32>} : memref<128x64xf32, #tpu.memory_space<vmem>>, vector<16xf32>,
      tpu.vector_store %arg15[%swap3A, %swap3A_323], %bitcast3A {strides = array<i32>} : memref<128x64xf32, #tpu.memory_space<vmem>>, vector<16xf32>,
      %swap3A_325 = arith.index_cast %scan3A_316 : i32 to index
      %swap3A_326 = arith.constant 16 : index
      %swap3A_327 = tpu.vector_load %arg15[%swap3A_325, %swap3A_326] {strides = array<i32>} : memref<128x64xf32, #tpu.memory_space<vmem>>, vector<16xf32>,
      tpu.vector_store %arg15[%swap3A_325, %swap3A_326], %bitcast3A_322 {strides = array<i32>} : memref<128x64xf32, #tpu.memory_space<vmem>>, vector<16xf32>,
      %get3A_328 = arith.index_cast %scan3A_316 : i32 to index
      %get3A_329 = arith.constant 16 : index
      %get3A_330 = tpu.vector_load %arg11[%get3A_328, %get3A_329] {strides = array<i32>} : memref<128x32xi32, #tpu.memory_space<vmem>>, vector<16xi32>,
      %shift_left3A_331 = arith.constant 16 : i32
      %shift_left3A_332 = vector.broadcast %shift_left3A_331 : i32 to vector<16xi32>
      %shift_left3A_333 = arith.shli %get3A_330, %shift_left3A_332 : vector<16xi32>
      %bitcast3A_334 = vector.bitcast %shift_left3A_333 : vector<16xi32> to vector<16xf32>
      %and3A_335 = vector.broadcast %scan3A_96 : i32 to vector<16xi32>
      %and3A_336 = arith.andi %get3A_330, %and3A_335 : vector<16xi32>
      %bitcast3A_337 = vector.bitcast %and3A_336 : vector<16xi32> to vector<16xf32>
      %swap3A_338 = arith.index_cast %scan3A_316 : i32 to index
      %swap3A_339 = arith.constant 32 : index
      %swap3A_340 = tpu.vector_load %arg15[%swap3A_338, %swap3A_339] {strides = array<i32>} : memref<128x64xf32, #tpu.memory_space<vmem>>, vector<16xf32>,
      tpu.vector_store %arg15[%swap3A_338, %swap3A_339], %bitcast3A_334 {strides = array<i32>} : memref<128x64xf32, #tpu.memory_space<vmem>>, vector<16xf32>,
      %swap3A_341 = arith.index_cast %scan3A_316 : i32 to index
      %swap3A_342 = arith.constant 48 : index
      %swap3A_343 = tpu.vector_load %arg15[%swap3A_341, %swap3A_342] {strides = array<i32>} : memref<128x64xf32, #tpu.memory_space<vmem>>, vector<16xf32>,
      tpu.vector_store %arg15[%swap3A_341, %swap3A_342], %bitcast3A_337 {strides = array<i32>} : memref<128x64xf32, #tpu.memory_space<vmem>>, vector<16xf32>,
    }
    %scan3A_101 = arith.constant 128 : i32
    %dma_start3A_102 = arith.constant 2 : i32
    %dma_start3A_103 = arith.constant 0 : i32
    %dma_start3A_104 = tpu.memref_slice %arg8[%dma_start3A_102, %dma_start3A_103] : memref<80x128xi32, #tpu.memory_space<vmem>> -> memref<1x128xi32, #tpu.memory_space<vmem>>
    %dma_start3A_105 = tpu.memref_squeeze %dma_start3A_104 : memref<1x128xi32, #tpu.memory_space<vmem>> -> memref<128xi32, #tpu.memory_space<vmem>>
    %dma_start3A_106 = arith.constant 0 : i32
    %dma_start3A_107 = arith.constant 0 : i32
    %dma_start3A_108 = tpu.memref_slice %arg18[%dma_start3A_106, %dma_start3A_107] : memref<10240x64xf32, #tpu.memory_space<vmem_shared>> -> memref<10240x64xf32, #tpu.memory_space<vmem_shared>>
    tpu.enqueue_indirect_dma source(%arg15 : memref<128x64xf32, #tpu.memory_space<vmem>>) target(%dma_start3A_108 : memref<10240x64xf32, #tpu.memory_space<vmem_shared>>) offsets(%dma_start3A_105 : memref<128xi32, #tpu.memory_space<vmem>>) semaphore(%arg25 : memref<!tpu.dma_semaphore, #tpu.memory_space<semaphore_mem>>) {add = true}
    %dma_wait3A_109 = arith.constant 0 : i32
    %dma_wait3A_110 = arith.constant 0 : i32
    %dma_wait3A_111 = tpu.memref_slice %arg7[%dma_wait3A_109, %dma_wait3A_110] : memref<80x128xi32, #tpu.memory_space<vmem>> -> memref<1x128xi32, #tpu.memory_space<vmem>>
    %dma_wait3A_112 = tpu.memref_squeeze %dma_wait3A_111 : memref<1x128xi32, #tpu.memory_space<vmem>> -> memref<128xi32, #tpu.memory_space<vmem>>
    %dma_wait3A_113 = arith.constant 0 : i32
    %dma_wait3A_114 = arith.constant 0 : i32
    %dma_wait3A_115 = tpu.memref_slice %arg17[%dma_wait3A_113, %dma_wait3A_114] : memref<10240x32xi32, #tpu.memory_space<vmem_shared>> -> memref<10240x32xi32, #tpu.memory_space<vmem_shared>>
    tpu.wait_indirect_dma semaphore(%arg22 : memref<!tpu.dma_semaphore, #tpu.memory_space<semaphore_mem>>) src(%dma_wait3A_115 : memref<10240x32xi32, #tpu.memory_space<vmem_shared>>) dst(%arg12 : memref<128x32xi32, #tpu.memory_space<vmem>>)
    %scan3A_116 = arith.constant 0 : i32
    %scan3A_117 = arith.constant -65536 : i32
    %scan3A_118 = arith.constant 0 : i32
    %scan3A_119 = arith.constant 128 : i32
    %scan3A_120 = arith.addi %scan3A_118, %scan3A_119 : i32
    %scan3A_121 = arith.constant 1 : i32
    scf.for %scan3A_316 = %scan3A_118 to %scan3A_120 step %scan3A_121  : i32 {
      %get3A = arith.index_cast %scan3A_316 : i32 to index
      %get3A_317 = arith.constant 0 : index
      %get3A_318 = tpu.vector_load %arg12[%get3A, %get3A_317] {strides = array<i32>} : memref<128x32xi32, #tpu.memory_space<vmem>>, vector<16xi32>,
      %shift_left3A = arith.constant 16 : i32
      %shift_left3A_319 = vector.broadcast %shift_left3A : i32 to vector<16xi32>
      %shift_left3A_320 = arith.shli %get3A_318, %shift_left3A_319 : vector<16xi32>
      %bitcast3A = vector.bitcast %shift_left3A_320 : vector<16xi32> to vector<16xf32>
      %and3A = vector.broadcast %scan3A_117 : i32 to vector<16xi32>
      %and3A_321 = arith.andi %get3A_318, %and3A : vector<16xi32>
      %bitcast3A_322 = vector.bitcast %and3A_321 : vector<16xi32> to vector<16xf32>
      %swap3A = arith.index_cast %scan3A_316 : i32 to index
      %swap3A_323 = arith.constant 0 : index
      %swap3A_324 = tpu.vector_load %arg16[%swap3A, %swap3A_323] {strides = array<i32>} : memref<128x64xf32, #tpu.memory_space<vmem>>, vector<16xf32>,
      tpu.vector_store %arg16[%swap3A, %swap3A_323], %bitcast3A {strides = array<i32>} : memref<128x64xf32, #tpu.memory_space<vmem>>, vector<16xf32>,
      %swap3A_325 = arith.index_cast %scan3A_316 : i32 to index
      %swap3A_326 = arith.constant 16 : index
      %swap3A_327 = tpu.vector_load %arg16[%swap3A_325, %swap3A_326] {strides = array<i32>} : memref<128x64xf32, #tpu.memory_space<vmem>>, vector<16xf32>,
      tpu.vector_store %arg16[%swap3A_325, %swap3A_326], %bitcast3A_322 {strides = array<i32>} : memref<128x64xf32, #tpu.memory_space<vmem>>, vector<16xf32>,
      %get3A_328 = arith.index_cast %scan3A_316 : i32 to index
      %get3A_329 = arith.constant 16 : index
      %get3A_330 = tpu.vector_load %arg12[%get3A_328, %get3A_329] {strides = array<i32>} : memref<128x32xi32, #tpu.memory_space<vmem>>, vector<16xi32>,
      %shift_left3A_331 = arith.constant 16 : i32
      %shift_left3A_332 = vector.broadcast %shift_left3A_331 : i32 to vector<16xi32>
      %shift_left3A_333 = arith.shli %get3A_330, %shift_left3A_332 : vector<16xi32>
      %bitcast3A_334 = vector.bitcast %shift_left3A_333 : vector<16xi32> to vector<16xf32>
      %and3A_335 = vector.broadcast %scan3A_117 : i32 to vector<16xi32>
      %and3A_336 = arith.andi %get3A_330, %and3A_335 : vector<16xi32>
      %bitcast3A_337 = vector.bitcast %and3A_336 : vector<16xi32> to vector<16xf32>
      %swap3A_338 = arith.index_cast %scan3A_316 : i32 to index
      %swap3A_339 = arith.constant 32 : index
      %swap3A_340 = tpu.vector_load %arg16[%swap3A_338, %swap3A_339] {strides = array<i32>} : memref<128x64xf32, #tpu.memory_space<vmem>>, vector<16xf32>,
      tpu.vector_store %arg16[%swap3A_338, %swap3A_339], %bitcast3A_334 {strides = array<i32>} : memref<128x64xf32, #tpu.memory_space<vmem>>, vector<16xf32>,
      %swap3A_341 = arith.index_cast %scan3A_316 : i32 to index
      %swap3A_342 = arith.constant 48 : index
      %swap3A_343 = tpu.vector_load %arg16[%swap3A_341, %swap3A_342] {strides = array<i32>} : memref<128x64xf32, #tpu.memory_space<vmem>>, vector<16xf32>,
      tpu.vector_store %arg16[%swap3A_341, %swap3A_342], %bitcast3A_337 {strides = array<i32>} : memref<128x64xf32, #tpu.memory_space<vmem>>, vector<16xf32>,
    }
    %scan3A_122 = arith.constant 128 : i32
    %dma_start3A_123 = arith.constant 3 : i32
    %dma_start3A_124 = arith.constant 0 : i32
    %dma_start3A_125 = tpu.memref_slice %arg8[%dma_start3A_123, %dma_start3A_124] : memref<80x128xi32, #tpu.memory_space<vmem>> -> memref<1x128xi32, #tpu.memory_space<vmem>>
    %dma_start3A_126 = tpu.memref_squeeze %dma_start3A_125 : memref<1x128xi32, #tpu.memory_space<vmem>> -> memref<128xi32, #tpu.memory_space<vmem>>
    %dma_start3A_127 = arith.constant 0 : i32
    %dma_start3A_128 = arith.constant 0 : i32
    %dma_start3A_129 = tpu.memref_slice %arg18[%dma_start3A_127, %dma_start3A_128] : memref<10240x64xf32, #tpu.memory_space<vmem_shared>> -> memref<10240x64xf32, #tpu.memory_space<vmem_shared>>
    tpu.enqueue_indirect_dma source(%arg16 : memref<128x64xf32, #tpu.memory_space<vmem>>) target(%dma_start3A_129 : memref<10240x64xf32, #tpu.memory_space<vmem_shared>>) offsets(%dma_start3A_126 : memref<128xi32, #tpu.memory_space<vmem>>) semaphore(%arg26 : memref<!tpu.dma_semaphore, #tpu.memory_space<semaphore_mem>>) {add = true}
    %scan3A_130 = arith.constant 0 : i32
    %scan3A_131 = arith.constant 1 : i32
    %scan3A_132 = arith.constant 19 : i32
    %scan3A_133 = arith.addi %scan3A_131, %scan3A_132 : i32
    %scan3A_134 = arith.constant 1 : i32
    scf.for %scan3A_316 = %scan3A_131 to %scan3A_133 step %scan3A_134  : i32 {
      %mul3A_317 = arith.constant 4 : i32
      %mul3A_318 = arith.muli %scan3A_316, %mul3A_317 : i32
      %add3A_319 = arith.constant 0 : i32
      %add3A_320 = arith.addi %mul3A_318, %add3A_319 : i32
      %dma_wait3A_321 = arith.constant 0 : i32
      %dma_wait3A_322 = arith.constant 0 : i32
      %dma_wait3A_323 = tpu.memref_slice %arg8[%dma_wait3A_321, %dma_wait3A_322] : memref<80x128xi32, #tpu.memory_space<vmem>> -> memref<1x128xi32, #tpu.memory_space<vmem>>
      %dma_wait3A_324 = tpu.memref_squeeze %dma_wait3A_323 : memref<1x128xi32, #tpu.memory_space<vmem>> -> memref<128xi32, #tpu.memory_space<vmem>>
      %dma_wait3A_325 = arith.constant 0 : i32
      %dma_wait3A_326 = arith.constant 0 : i32
      %dma_wait3A_327 = tpu.memref_slice %arg18[%dma_wait3A_325, %dma_wait3A_326] : memref<10240x64xf32, #tpu.memory_space<vmem_shared>> -> memref<10240x64xf32, #tpu.memory_space<vmem_shared>>
      tpu.wait_indirect_dma semaphore(%arg23 : memref<!tpu.dma_semaphore, #tpu.memory_space<semaphore_mem>>) src(%arg13 : memref<128x64xf32, #tpu.memory_space<vmem>>) dst(%dma_wait3A_327 : memref<10240x64xf32, #tpu.memory_space<vmem_shared>>)
      %dma_start3A_328 = arith.constant 0 : i32
      %dma_start3A_329 = tpu.memref_slice %arg7[%add3A_320, %dma_start3A_328] : memref<80x128xi32, #tpu.memory_space<vmem>> -> memref<1x128xi32, #tpu.memory_space<vmem>>
      %dma_start3A_330 = tpu.memref_squeeze %dma_start3A_329 : memref<1x128xi32, #tpu.memory_space<vmem>> -> memref<128xi32, #tpu.memory_space<vmem>>
      %dma_start3A_331 = arith.constant 0 : i32
      %dma_start3A_332 = arith.constant 0 : i32
      %dma_start3A_333 = tpu.memref_slice %arg17[%dma_start3A_331, %dma_start3A_332] : memref<10240x32xi32, #tpu.memory_space<vmem_shared>> -> memref<10240x32xi32, #tpu.memory_space<vmem_shared>>
      tpu.enqueue_indirect_dma source(%dma_start3A_333 : memref<10240x32xi32, #tpu.memory_space<vmem_shared>>) target(%arg9 : memref<128x32xi32, #tpu.memory_space<vmem>>) offsets(%dma_start3A_330 : memref<128xi32, #tpu.memory_space<vmem>>) semaphore(%arg19 : memref<!tpu.dma_semaphore, #tpu.memory_space<semaphore_mem>>)
      %mul3A_334 = arith.constant 4 : i32
      %mul3A_335 = arith.muli %scan3A_316, %mul3A_334 : i32
      %add3A_336 = arith.constant 1 : i32
      %add3A_337 = arith.addi %mul3A_335, %add3A_336 : i32
      %dma_wait3A_338 = arith.constant 0 : i32
      %dma_wait3A_339 = arith.constant 0 : i32
      %dma_wait3A_340 = tpu.memref_slice %arg8[%dma_wait3A_338, %dma_wait3A_339] : memref<80x128xi32, #tpu.memory_space<vmem>> -> memref<1x128xi32, #tpu.memory_space<vmem>>
      %dma_wait3A_341 = tpu.memref_squeeze %dma_wait3A_340 : memref<1x128xi32, #tpu.memory_space<vmem>> -> memref<128xi32, #tpu.memory_space<vmem>>
      %dma_wait3A_342 = arith.constant 0 : i32
      %dma_wait3A_343 = arith.constant 0 : i32
      %dma_wait3A_344 = tpu.memref_slice %arg18[%dma_wait3A_342, %dma_wait3A_343] : memref<10240x64xf32, #tpu.memory_space<vmem_shared>> -> memref<10240x64xf32, #tpu.memory_space<vmem_shared>>
      tpu.wait_indirect_dma semaphore(%arg24 : memref<!tpu.dma_semaphore, #tpu.memory_space<semaphore_mem>>) src(%arg14 : memref<128x64xf32, #tpu.memory_space<vmem>>) dst(%dma_wait3A_344 : memref<10240x64xf32, #tpu.memory_space<vmem_shared>>)
      %dma_start3A_345 = arith.constant 0 : i32
      %dma_start3A_346 = tpu.memref_slice %arg7[%add3A_337, %dma_start3A_345] : memref<80x128xi32, #tpu.memory_space<vmem>> -> memref<1x128xi32, #tpu.memory_space<vmem>>
      %dma_start3A_347 = tpu.memref_squeeze %dma_start3A_346 : memref<1x128xi32, #tpu.memory_space<vmem>> -> memref<128xi32, #tpu.memory_space<vmem>>
      %dma_start3A_348 = arith.constant 0 : i32
      %dma_start3A_349 = arith.constant 0 : i32
      %dma_start3A_350 = tpu.memref_slice %arg17[%dma_start3A_348, %dma_start3A_349] : memref<10240x32xi32, #tpu.memory_space<vmem_shared>> -> memref<10240x32xi32, #tpu.memory_space<vmem_shared>>
      tpu.enqueue_indirect_dma source(%dma_start3A_350 : memref<10240x32xi32, #tpu.memory_space<vmem_shared>>) target(%arg10 : memref<128x32xi32, #tpu.memory_space<vmem>>) offsets(%dma_start3A_347 : memref<128xi32, #tpu.memory_space<vmem>>) semaphore(%arg20 : memref<!tpu.dma_semaphore, #tpu.memory_space<semaphore_mem>>)
      %mul3A_351 = arith.constant 4 : i32
      %mul3A_352 = arith.muli %scan3A_316, %mul3A_351 : i32
      %add3A_353 = arith.constant 2 : i32
      %add3A_354 = arith.addi %mul3A_352, %add3A_353 : i32
      %dma_wait3A_355 = arith.constant 0 : i32
      %dma_wait3A_356 = arith.constant 0 : i32
      %dma_wait3A_357 = tpu.memref_slice %arg8[%dma_wait3A_355, %dma_wait3A_356] : memref<80x128xi32, #tpu.memory_space<vmem>> -> memref<1x128xi32, #tpu.memory_space<vmem>>
      %dma_wait3A_358 = tpu.memref_squeeze %dma_wait3A_357 : memref<1x128xi32, #tpu.memory_space<vmem>> -> memref<128xi32, #tpu.memory_space<vmem>>
      %dma_wait3A_359 = arith.constant 0 : i32
      %dma_wait3A_360 = arith.constant 0 : i32
      %dma_wait3A_361 = tpu.memref_slice %arg18[%dma_wait3A_359, %dma_wait3A_360] : memref<10240x64xf32, #tpu.memory_space<vmem_shared>> -> memref<10240x64xf32, #tpu.memory_space<vmem_shared>>
      tpu.wait_indirect_dma semaphore(%arg25 : memref<!tpu.dma_semaphore, #tpu.memory_space<semaphore_mem>>) src(%arg15 : memref<128x64xf32, #tpu.memory_space<vmem>>) dst(%dma_wait3A_361 : memref<10240x64xf32, #tpu.memory_space<vmem_shared>>)
      %dma_start3A_362 = arith.constant 0 : i32
      %dma_start3A_363 = tpu.memref_slice %arg7[%add3A_354, %dma_start3A_362] : memref<80x128xi32, #tpu.memory_space<vmem>> -> memref<1x128xi32, #tpu.memory_space<vmem>>
      %dma_start3A_364 = tpu.memref_squeeze %dma_start3A_363 : memref<1x128xi32, #tpu.memory_space<vmem>> -> memref<128xi32, #tpu.memory_space<vmem>>
      %dma_start3A_365 = arith.constant 0 : i32
      %dma_start3A_366 = arith.constant 0 : i32
      %dma_start3A_367 = tpu.memref_slice %arg17[%dma_start3A_365, %dma_start3A_366] : memref<10240x32xi32, #tpu.memory_space<vmem_shared>> -> memref<10240x32xi32, #tpu.memory_space<vmem_shared>>
      tpu.enqueue_indirect_dma source(%dma_start3A_367 : memref<10240x32xi32, #tpu.memory_space<vmem_shared>>) target(%arg11 : memref<128x32xi32, #tpu.memory_space<vmem>>) offsets(%dma_start3A_364 : memref<128xi32, #tpu.memory_space<vmem>>) semaphore(%arg21 : memref<!tpu.dma_semaphore, #tpu.memory_space<semaphore_mem>>)
      %mul3A_368 = arith.constant 4 : i32
      %mul3A_369 = arith.muli %scan3A_316, %mul3A_368 : i32
      %add3A_370 = arith.constant 3 : i32
      %add3A_371 = arith.addi %mul3A_369, %add3A_370 : i32
      %dma_wait3A_372 = arith.constant 0 : i32
      %dma_wait3A_373 = arith.constant 0 : i32
      %dma_wait3A_374 = tpu.memref_slice %arg8[%dma_wait3A_372, %dma_wait3A_373] : memref<80x128xi32, #tpu.memory_space<vmem>> -> memref<1x128xi32, #tpu.memory_space<vmem>>
      %dma_wait3A_375 = tpu.memref_squeeze %dma_wait3A_374 : memref<1x128xi32, #tpu.memory_space<vmem>> -> memref<128xi32, #tpu.memory_space<vmem>>
      %dma_wait3A_376 = arith.constant 0 : i32
      %dma_wait3A_377 = arith.constant 0 : i32
      %dma_wait3A_378 = tpu.memref_slice %arg18[%dma_wait3A_376, %dma_wait3A_377] : memref<10240x64xf32, #tpu.memory_space<vmem_shared>> -> memref<10240x64xf32, #tpu.memory_space<vmem_shared>>
      tpu.wait_indirect_dma semaphore(%arg26 : memref<!tpu.dma_semaphore, #tpu.memory_space<semaphore_mem>>) src(%arg16 : memref<128x64xf32, #tpu.memory_space<vmem>>) dst(%dma_wait3A_378 : memref<10240x64xf32, #tpu.memory_space<vmem_shared>>)
      %dma_start3A_379 = arith.constant 0 : i32
      %dma_start3A_380 = tpu.memref_slice %arg7[%add3A_371, %dma_start3A_379] : memref<80x128xi32, #tpu.memory_space<vmem>> -> memref<1x128xi32, #tpu.memory_space<vmem>>
      %dma_start3A_381 = tpu.memref_squeeze %dma_start3A_380 : memref<1x128xi32, #tpu.memory_space<vmem>> -> memref<128xi32, #tpu.memory_space<vmem>>
      %dma_start3A_382 = arith.constant 0 : i32
      %dma_start3A_383 = arith.constant 0 : i32
      %dma_start3A_384 = tpu.memref_slice %arg17[%dma_start3A_382, %dma_start3A_383] : memref<10240x32xi32, #tpu.memory_space<vmem_shared>> -> memref<10240x32xi32, #tpu.memory_space<vmem_shared>>
      tpu.enqueue_indirect_dma source(%dma_start3A_384 : memref<10240x32xi32, #tpu.memory_space<vmem_shared>>) target(%arg12 : memref<128x32xi32, #tpu.memory_space<vmem>>) offsets(%dma_start3A_381 : memref<128xi32, #tpu.memory_space<vmem>>) semaphore(%arg22 : memref<!tpu.dma_semaphore, #tpu.memory_space<semaphore_mem>>)
      %mul3A_385 = arith.constant 4 : i32
      %mul3A_386 = arith.muli %scan3A_316, %mul3A_385 : i32
      %add3A_387 = arith.constant 0 : i32
      %add3A_388 = arith.addi %mul3A_386, %add3A_387 : i32
      %dma_wait3A_389 = arith.constant 0 : i32
      %dma_wait3A_390 = arith.constant 0 : i32
      %dma_wait3A_391 = tpu.memref_slice %arg7[%dma_wait3A_389, %dma_wait3A_390] : memref<80x128xi32, #tpu.memory_space<vmem>> -> memref<1x128xi32, #tpu.memory_space<vmem>>
      %dma_wait3A_392 = tpu.memref_squeeze %dma_wait3A_391 : memref<1x128xi32, #tpu.memory_space<vmem>> -> memref<128xi32, #tpu.memory_space<vmem>>
      %dma_wait3A_393 = arith.constant 0 : i32
      %dma_wait3A_394 = arith.constant 0 : i32
      %dma_wait3A_395 = tpu.memref_slice %arg17[%dma_wait3A_393, %dma_wait3A_394] : memref<10240x32xi32, #tpu.memory_space<vmem_shared>> -> memref<10240x32xi32, #tpu.memory_space<vmem_shared>>
      tpu.wait_indirect_dma semaphore(%arg19 : memref<!tpu.dma_semaphore, #tpu.memory_space<semaphore_mem>>) src(%dma_wait3A_395 : memref<10240x32xi32, #tpu.memory_space<vmem_shared>>) dst(%arg9 : memref<128x32xi32, #tpu.memory_space<vmem>>)
      %scan3A_396 = arith.constant 0 : i32
      %scan3A_397 = arith.constant -65536 : i32
      %scan3A_398 = arith.constant 0 : i32
      %scan3A_399 = arith.constant 128 : i32
      %scan3A_400 = arith.addi %scan3A_398, %scan3A_399 : i32
      %scan3A_401 = arith.constant 1 : i32
      scf.for %scan3A_481 = %scan3A_398 to %scan3A_400 step %scan3A_401  : i32 {
        %get3A = arith.index_cast %scan3A_481 : i32 to index
        %get3A_482 = arith.constant 0 : index
        %get3A_483 = tpu.vector_load %arg9[%get3A, %get3A_482] {strides = array<i32>} : memref<128x32xi32, #tpu.memory_space<vmem>>, vector<16xi32>,
        %shift_left3A = arith.constant 16 : i32
        %shift_left3A_484 = vector.broadcast %shift_left3A : i32 to vector<16xi32>
        %shift_left3A_485 = arith.shli %get3A_483, %shift_left3A_484 : vector<16xi32>
        %bitcast3A = vector.bitcast %shift_left3A_485 : vector<16xi32> to vector<16xf32>
        %and3A = vector.broadcast %scan3A_397 : i32 to vector<16xi32>
        %and3A_486 = arith.andi %get3A_483, %and3A : vector<16xi32>
        %bitcast3A_487 = vector.bitcast %and3A_486 : vector<16xi32> to vector<16xf32>
        %swap3A = arith.index_cast %scan3A_481 : i32 to index
        %swap3A_488 = arith.constant 0 : index
        %swap3A_489 = tpu.vector_load %arg13[%swap3A, %swap3A_488] {strides = array<i32>} : memref<128x64xf32, #tpu.memory_space<vmem>>, vector<16xf32>,
        tpu.vector_store %arg13[%swap3A, %swap3A_488], %bitcast3A {strides = array<i32>} : memref<128x64xf32, #tpu.memory_space<vmem>>, vector<16xf32>,
        %swap3A_490 = arith.index_cast %scan3A_481 : i32 to index
        %swap3A_491 = arith.constant 16 : index
        %swap3A_492 = tpu.vector_load %arg13[%swap3A_490, %swap3A_491] {strides = array<i32>} : memref<128x64xf32, #tpu.memory_space<vmem>>, vector<16xf32>,
        tpu.vector_store %arg13[%swap3A_490, %swap3A_491], %bitcast3A_487 {strides = array<i32>} : memref<128x64xf32, #tpu.memory_space<vmem>>, vector<16xf32>,
        %get3A_493 = arith.index_cast %scan3A_481 : i32 to index
        %get3A_494 = arith.constant 16 : index
        %get3A_495 = tpu.vector_load %arg9[%get3A_493, %get3A_494] {strides = array<i32>} : memref<128x32xi32, #tpu.memory_space<vmem>>, vector<16xi32>,
        %shift_left3A_496 = arith.constant 16 : i32
        %shift_left3A_497 = vector.broadcast %shift_left3A_496 : i32 to vector<16xi32>
        %shift_left3A_498 = arith.shli %get3A_495, %shift_left3A_497 : vector<16xi32>
        %bitcast3A_499 = vector.bitcast %shift_left3A_498 : vector<16xi32> to vector<16xf32>
        %and3A_500 = vector.broadcast %scan3A_397 : i32 to vector<16xi32>
        %and3A_501 = arith.andi %get3A_495, %and3A_500 : vector<16xi32>
        %bitcast3A_502 = vector.bitcast %and3A_501 : vector<16xi32> to vector<16xf32>
        %swap3A_503 = arith.index_cast %scan3A_481 : i32 to index
        %swap3A_504 = arith.constant 32 : index
        %swap3A_505 = tpu.vector_load %arg13[%swap3A_503, %swap3A_504] {strides = array<i32>} : memref<128x64xf32, #tpu.memory_space<vmem>>, vector<16xf32>,
        tpu.vector_store %arg13[%swap3A_503, %swap3A_504], %bitcast3A_499 {strides = array<i32>} : memref<128x64xf32, #tpu.memory_space<vmem>>, vector<16xf32>,
        %swap3A_506 = arith.index_cast %scan3A_481 : i32 to index
        %swap3A_507 = arith.constant 48 : index
        %swap3A_508 = tpu.vector_load %arg13[%swap3A_506, %swap3A_507] {strides = array<i32>} : memref<128x64xf32, #tpu.memory_space<vmem>>, vector<16xf32>,
        tpu.vector_store %arg13[%swap3A_506, %swap3A_507], %bitcast3A_502 {strides = array<i32>} : memref<128x64xf32, #tpu.memory_space<vmem>>, vector<16xf32>,
      }
      %scan3A_402 = arith.constant 128 : i32
      %dma_start3A_403 = arith.constant 0 : i32
      %dma_start3A_404 = tpu.memref_slice %arg8[%add3A_388, %dma_start3A_403] : memref<80x128xi32, #tpu.memory_space<vmem>> -> memref<1x128xi32, #tpu.memory_space<vmem>>
      %dma_start3A_405 = tpu.memref_squeeze %dma_start3A_404 : memref<1x128xi32, #tpu.memory_space<vmem>> -> memref<128xi32, #tpu.memory_space<vmem>>
      %dma_start3A_406 = arith.constant 0 : i32
      %dma_start3A_407 = arith.constant 0 : i32
      %dma_start3A_408 = tpu.memref_slice %arg18[%dma_start3A_406, %dma_start3A_407] : memref<10240x64xf32, #tpu.memory_space<vmem_shared>> -> memref<10240x64xf32, #tpu.memory_space<vmem_shared>>
      tpu.enqueue_indirect_dma source(%arg13 : memref<128x64xf32, #tpu.memory_space<vmem>>) target(%dma_start3A_408 : memref<10240x64xf32, #tpu.memory_space<vmem_shared>>) offsets(%dma_start3A_405 : memref<128xi32, #tpu.memory_space<vmem>>) semaphore(%arg23 : memref<!tpu.dma_semaphore, #tpu.memory_space<semaphore_mem>>) {add = true}
      %mul3A_409 = arith.constant 4 : i32
      %mul3A_410 = arith.muli %scan3A_316, %mul3A_409 : i32
      %add3A_411 = arith.constant 1 : i32
      %add3A_412 = arith.addi %mul3A_410, %add3A_411 : i32
      %dma_wait3A_413 = arith.constant 0 : i32
      %dma_wait3A_414 = arith.constant 0 : i32
      %dma_wait3A_415 = tpu.memref_slice %arg7[%dma_wait3A_413, %dma_wait3A_414] : memref<80x128xi32, #tpu.memory_space<vmem>> -> memref<1x128xi32, #tpu.memory_space<vmem>>
      %dma_wait3A_416 = tpu.memref_squeeze %dma_wait3A_415 : memref<1x128xi32, #tpu.memory_space<vmem>> -> memref<128xi32, #tpu.memory_space<vmem>>
      %dma_wait3A_417 = arith.constant 0 : i32
      %dma_wait3A_418 = arith.constant 0 : i32
      %dma_wait3A_419 = tpu.memref_slice %arg17[%dma_wait3A_417, %dma_wait3A_418] : memref<10240x32xi32, #tpu.memory_space<vmem_shared>> -> memref<10240x32xi32, #tpu.memory_space<vmem_shared>>
      tpu.wait_indirect_dma semaphore(%arg20 : memref<!tpu.dma_semaphore, #tpu.memory_space<semaphore_mem>>) src(%dma_wait3A_419 : memref<10240x32xi32, #tpu.memory_space<vmem_shared>>) dst(%arg10 : memref<128x32xi32, #tpu.memory_space<vmem>>)
      %scan3A_420 = arith.constant 0 : i32
      %scan3A_421 = arith.constant -65536 : i32
      %scan3A_422 = arith.constant 0 : i32
      %scan3A_423 = arith.constant 128 : i32
      %scan3A_424 = arith.addi %scan3A_422, %scan3A_423 : i32
      %scan3A_425 = arith.constant 1 : i32
      scf.for %scan3A_481 = %scan3A_422 to %scan3A_424 step %scan3A_425  : i32 {
        %get3A = arith.index_cast %scan3A_481 : i32 to index
        %get3A_482 = arith.constant 0 : index
        %get3A_483 = tpu.vector_load %arg10[%get3A, %get3A_482] {strides = array<i32>} : memref<128x32xi32, #tpu.memory_space<vmem>>, vector<16xi32>,
        %shift_left3A = arith.constant 16 : i32
        %shift_left3A_484 = vector.broadcast %shift_left3A : i32 to vector<16xi32>
        %shift_left3A_485 = arith.shli %get3A_483, %shift_left3A_484 : vector<16xi32>
        %bitcast3A = vector.bitcast %shift_left3A_485 : vector<16xi32> to vector<16xf32>
        %and3A = vector.broadcast %scan3A_421 : i32 to vector<16xi32>
        %and3A_486 = arith.andi %get3A_483, %and3A : vector<16xi32>
        %bitcast3A_487 = vector.bitcast %and3A_486 : vector<16xi32> to vector<16xf32>
        %swap3A = arith.index_cast %scan3A_481 : i32 to index
        %swap3A_488 = arith.constant 0 : index
        %swap3A_489 = tpu.vector_load %arg14[%swap3A, %swap3A_488] {strides = array<i32>} : memref<128x64xf32, #tpu.memory_space<vmem>>, vector<16xf32>,
        tpu.vector_store %arg14[%swap3A, %swap3A_488], %bitcast3A {strides = array<i32>} : memref<128x64xf32, #tpu.memory_space<vmem>>, vector<16xf32>,
        %swap3A_490 = arith.index_cast %scan3A_481 : i32 to index
        %swap3A_491 = arith.constant 16 : index
        %swap3A_492 = tpu.vector_load %arg14[%swap3A_490, %swap3A_491] {strides = array<i32>} : memref<128x64xf32, #tpu.memory_space<vmem>>, vector<16xf32>,
        tpu.vector_store %arg14[%swap3A_490, %swap3A_491], %bitcast3A_487 {strides = array<i32>} : memref<128x64xf32, #tpu.memory_space<vmem>>, vector<16xf32>,
        %get3A_493 = arith.index_cast %scan3A_481 : i32 to index
        %get3A_494 = arith.constant 16 : index
        %get3A_495 = tpu.vector_load %arg10[%get3A_493, %get3A_494] {strides = array<i32>} : memref<128x32xi32, #tpu.memory_space<vmem>>, vector<16xi32>,
        %shift_left3A_496 = arith.constant 16 : i32
        %shift_left3A_497 = vector.broadcast %shift_left3A_496 : i32 to vector<16xi32>
        %shift_left3A_498 = arith.shli %get3A_495, %shift_left3A_497 : vector<16xi32>
        %bitcast3A_499 = vector.bitcast %shift_left3A_498 : vector<16xi32> to vector<16xf32>
        %and3A_500 = vector.broadcast %scan3A_421 : i32 to vector<16xi32>
        %and3A_501 = arith.andi %get3A_495, %and3A_500 : vector<16xi32>
        %bitcast3A_502 = vector.bitcast %and3A_501 : vector<16xi32> to vector<16xf32>
        %swap3A_503 = arith.index_cast %scan3A_481 : i32 to index
        %swap3A_504 = arith.constant 32 : index
        %swap3A_505 = tpu.vector_load %arg14[%swap3A_503, %swap3A_504] {strides = array<i32>} : memref<128x64xf32, #tpu.memory_space<vmem>>, vector<16xf32>,
        tpu.vector_store %arg14[%swap3A_503, %swap3A_504], %bitcast3A_499 {strides = array<i32>} : memref<128x64xf32, #tpu.memory_space<vmem>>, vector<16xf32>,
        %swap3A_506 = arith.index_cast %scan3A_481 : i32 to index
        %swap3A_507 = arith.constant 48 : index
        %swap3A_508 = tpu.vector_load %arg14[%swap3A_506, %swap3A_507] {strides = array<i32>} : memref<128x64xf32, #tpu.memory_space<vmem>>, vector<16xf32>,
        tpu.vector_store %arg14[%swap3A_506, %swap3A_507], %bitcast3A_502 {strides = array<i32>} : memref<128x64xf32, #tpu.memory_space<vmem>>, vector<16xf32>,
      }
      %scan3A_426 = arith.constant 128 : i32
      %dma_start3A_427 = arith.constant 0 : i32
      %dma_start3A_428 = tpu.memref_slice %arg8[%add3A_412, %dma_start3A_427] : memref<80x128xi32, #tpu.memory_space<vmem>> -> memref<1x128xi32, #tpu.memory_space<vmem>>
      %dma_start3A_429 = tpu.memref_squeeze %dma_start3A_428 : memref<1x128xi32, #tpu.memory_space<vmem>> -> memref<128xi32, #tpu.memory_space<vmem>>
      %dma_start3A_430 = arith.constant 0 : i32
      %dma_start3A_431 = arith.constant 0 : i32
      %dma_start3A_432 = tpu.memref_slice %arg18[%dma_start3A_430, %dma_start3A_431] : memref<10240x64xf32, #tpu.memory_space<vmem_shared>> -> memref<10240x64xf32, #tpu.memory_space<vmem_shared>>
      tpu.enqueue_indirect_dma source(%arg14 : memref<128x64xf32, #tpu.memory_space<vmem>>) target(%dma_start3A_432 : memref<10240x64xf32, #tpu.memory_space<vmem_shared>>) offsets(%dma_start3A_429 : memref<128xi32, #tpu.memory_space<vmem>>) semaphore(%arg24 : memref<!tpu.dma_semaphore, #tpu.memory_space<semaphore_mem>>) {add = true}
      %mul3A_433 = arith.constant 4 : i32
      %mul3A_434 = arith.muli %scan3A_316, %mul3A_433 : i32
      %add3A_435 = arith.constant 2 : i32
      %add3A_436 = arith.addi %mul3A_434, %add3A_435 : i32
      %dma_wait3A_437 = arith.constant 0 : i32
      %dma_wait3A_438 = arith.constant 0 : i32
      %dma_wait3A_439 = tpu.memref_slice %arg7[%dma_wait3A_437, %dma_wait3A_438] : memref<80x128xi32, #tpu.memory_space<vmem>> -> memref<1x128xi32, #tpu.memory_space<vmem>>
      %dma_wait3A_440 = tpu.memref_squeeze %dma_wait3A_439 : memref<1x128xi32, #tpu.memory_space<vmem>> -> memref<128xi32, #tpu.memory_space<vmem>>
      %dma_wait3A_441 = arith.constant 0 : i32
      %dma_wait3A_442 = arith.constant 0 : i32
      %dma_wait3A_443 = tpu.memref_slice %arg17[%dma_wait3A_441, %dma_wait3A_442] : memref<10240x32xi32, #tpu.memory_space<vmem_shared>> -> memref<10240x32xi32, #tpu.memory_space<vmem_shared>>
      tpu.wait_indirect_dma semaphore(%arg21 : memref<!tpu.dma_semaphore, #tpu.memory_space<semaphore_mem>>) src(%dma_wait3A_443 : memref<10240x32xi32, #tpu.memory_space<vmem_shared>>) dst(%arg11 : memref<128x32xi32, #tpu.memory_space<vmem>>)
      %scan3A_444 = arith.constant 0 : i32
      %scan3A_445 = arith.constant -65536 : i32
      %scan3A_446 = arith.constant 0 : i32
      %scan3A_447 = arith.constant 128 : i32
      %scan3A_448 = arith.addi %scan3A_446, %scan3A_447 : i32
      %scan3A_449 = arith.constant 1 : i32
      scf.for %scan3A_481 = %scan3A_446 to %scan3A_448 step %scan3A_449  : i32 {
        %get3A = arith.index_cast %scan3A_481 : i32 to index
        %get3A_482 = arith.constant 0 : index
        %get3A_483 = tpu.vector_load %arg11[%get3A, %get3A_482] {strides = array<i32>} : memref<128x32xi32, #tpu.memory_space<vmem>>, vector<16xi32>,
        %shift_left3A = arith.constant 16 : i32
        %shift_left3A_484 = vector.broadcast %shift_left3A : i32 to vector<16xi32>
        %shift_left3A_485 = arith.shli %get3A_483, %shift_left3A_484 : vector<16xi32>
        %bitcast3A = vector.bitcast %shift_left3A_485 : vector<16xi32> to vector<16xf32>
        %and3A = vector.broadcast %scan3A_445 : i32 to vector<16xi32>
        %and3A_486 = arith.andi %get3A_483, %and3A : vector<16xi32>
        %bitcast3A_487 = vector.bitcast %and3A_486 : vector<16xi32> to vector<16xf32>
        %swap3A = arith.index_cast %scan3A_481 : i32 to index
        %swap3A_488 = arith.constant 0 : index
        %swap3A_489 = tpu.vector_load %arg15[%swap3A, %swap3A_488] {strides = array<i32>} : memref<128x64xf32, #tpu.memory_space<vmem>>, vector<16xf32>,
        tpu.vector_store %arg15[%swap3A, %swap3A_488], %bitcast3A {strides = array<i32>} : memref<128x64xf32, #tpu.memory_space<vmem>>, vector<16xf32>,
        %swap3A_490 = arith.index_cast %scan3A_481 : i32 to index
        %swap3A_491 = arith.constant 16 : index
        %swap3A_492 = tpu.vector_load %arg15[%swap3A_490, %swap3A_491] {strides = array<i32>} : memref<128x64xf32, #tpu.memory_space<vmem>>, vector<16xf32>,
        tpu.vector_store %arg15[%swap3A_490, %swap3A_491], %bitcast3A_487 {strides = array<i32>} : memref<128x64xf32, #tpu.memory_space<vmem>>, vector<16xf32>,
        %get3A_493 = arith.index_cast %scan3A_481 : i32 to index
        %get3A_494 = arith.constant 16 : index
        %get3A_495 = tpu.vector_load %arg11[%get3A_493, %get3A_494] {strides = array<i32>} : memref<128x32xi32, #tpu.memory_space<vmem>>, vector<16xi32>,
        %shift_left3A_496 = arith.constant 16 : i32
        %shift_left3A_497 = vector.broadcast %shift_left3A_496 : i32 to vector<16xi32>
        %shift_left3A_498 = arith.shli %get3A_495, %shift_left3A_497 : vector<16xi32>
        %bitcast3A_499 = vector.bitcast %shift_left3A_498 : vector<16xi32> to vector<16xf32>
        %and3A_500 = vector.broadcast %scan3A_445 : i32 to vector<16xi32>
        %and3A_501 = arith.andi %get3A_495, %and3A_500 : vector<16xi32>
        %bitcast3A_502 = vector.bitcast %and3A_501 : vector<16xi32> to vector<16xf32>
        %swap3A_503 = arith.index_cast %scan3A_481 : i32 to index
        %swap3A_504 = arith.constant 32 : index
        %swap3A_505 = tpu.vector_load %arg15[%swap3A_503, %swap3A_504] {strides = array<i32>} : memref<128x64xf32, #tpu.memory_space<vmem>>, vector<16xf32>,
        tpu.vector_store %arg15[%swap3A_503, %swap3A_504], %bitcast3A_499 {strides = array<i32>} : memref<128x64xf32, #tpu.memory_space<vmem>>, vector<16xf32>,
        %swap3A_506 = arith.index_cast %scan3A_481 : i32 to index
        %swap3A_507 = arith.constant 48 : index
        %swap3A_508 = tpu.vector_load %arg15[%swap3A_506, %swap3A_507] {strides = array<i32>} : memref<128x64xf32, #tpu.memory_space<vmem>>, vector<16xf32>,
        tpu.vector_store %arg15[%swap3A_506, %swap3A_507], %bitcast3A_502 {strides = array<i32>} : memref<128x64xf32, #tpu.memory_space<vmem>>, vector<16xf32>,
      }
      %scan3A_450 = arith.constant 128 : i32
      %dma_start3A_451 = arith.constant 0 : i32
      %dma_start3A_452 = tpu.memref_slice %arg8[%add3A_436, %dma_start3A_451] : memref<80x128xi32, #tpu.memory_space<vmem>> -> memref<1x128xi32, #tpu.memory_space<vmem>>
      %dma_start3A_453 = tpu.memref_squeeze %dma_start3A_452 : memref<1x128xi32, #tpu.memory_space<vmem>> -> memref<128xi32, #tpu.memory_space<vmem>>
      %dma_start3A_454 = arith.constant 0 : i32
      %dma_start3A_455 = arith.constant 0 : i32
      %dma_start3A_456 = tpu.memref_slice %arg18[%dma_start3A_454, %dma_start3A_455] : memref<10240x64xf32, #tpu.memory_space<vmem_shared>> -> memref<10240x64xf32, #tpu.memory_space<vmem_shared>>
      tpu.enqueue_indirect_dma source(%arg15 : memref<128x64xf32, #tpu.memory_space<vmem>>) target(%dma_start3A_456 : memref<10240x64xf32, #tpu.memory_space<vmem_shared>>) offsets(%dma_start3A_453 : memref<128xi32, #tpu.memory_space<vmem>>) semaphore(%arg25 : memref<!tpu.dma_semaphore, #tpu.memory_space<semaphore_mem>>) {add = true}
      %mul3A_457 = arith.constant 4 : i32
      %mul3A_458 = arith.muli %scan3A_316, %mul3A_457 : i32
      %add3A_459 = arith.constant 3 : i32
      %add3A_460 = arith.addi %mul3A_458, %add3A_459 : i32
      %dma_wait3A_461 = arith.constant 0 : i32
      %dma_wait3A_462 = arith.constant 0 : i32
      %dma_wait3A_463 = tpu.memref_slice %arg7[%dma_wait3A_461, %dma_wait3A_462] : memref<80x128xi32, #tpu.memory_space<vmem>> -> memref<1x128xi32, #tpu.memory_space<vmem>>
      %dma_wait3A_464 = tpu.memref_squeeze %dma_wait3A_463 : memref<1x128xi32, #tpu.memory_space<vmem>> -> memref<128xi32, #tpu.memory_space<vmem>>
      %dma_wait3A_465 = arith.constant 0 : i32
      %dma_wait3A_466 = arith.constant 0 : i32
      %dma_wait3A_467 = tpu.memref_slice %arg17[%dma_wait3A_465, %dma_wait3A_466] : memref<10240x32xi32, #tpu.memory_space<vmem_shared>> -> memref<10240x32xi32, #tpu.memory_space<vmem_shared>>
      tpu.wait_indirect_dma semaphore(%arg22 : memref<!tpu.dma_semaphore, #tpu.memory_space<semaphore_mem>>) src(%dma_wait3A_467 : memref<10240x32xi32, #tpu.memory_space<vmem_shared>>) dst(%arg12 : memref<128x32xi32, #tpu.memory_space<vmem>>)
      %scan3A_468 = arith.constant 0 : i32
      %scan3A_469 = arith.constant -65536 : i32
      %scan3A_470 = arith.constant 0 : i32
      %scan3A_471 = arith.constant 128 : i32
      %scan3A_472 = arith.addi %scan3A_470, %scan3A_471 : i32
      %scan3A_473 = arith.constant 1 : i32
      scf.for %scan3A_481 = %scan3A_470 to %scan3A_472 step %scan3A_473  : i32 {
        %get3A = arith.index_cast %scan3A_481 : i32 to index
        %get3A_482 = arith.constant 0 : index
        %get3A_483 = tpu.vector_load %arg12[%get3A, %get3A_482] {strides = array<i32>} : memref<128x32xi32, #tpu.memory_space<vmem>>, vector<16xi32>,
        %shift_left3A = arith.constant 16 : i32
        %shift_left3A_484 = vector.broadcast %shift_left3A : i32 to vector<16xi32>
        %shift_left3A_485 = arith.shli %get3A_483, %shift_left3A_484 : vector<16xi32>
        %bitcast3A = vector.bitcast %shift_left3A_485 : vector<16xi32> to vector<16xf32>
        %and3A = vector.broadcast %scan3A_469 : i32 to vector<16xi32>
        %and3A_486 = arith.andi %get3A_483, %and3A : vector<16xi32>
        %bitcast3A_487 = vector.bitcast %and3A_486 : vector<16xi32> to vector<16xf32>
        %swap3A = arith.index_cast %scan3A_481 : i32 to index
        %swap3A_488 = arith.constant 0 : index
        %swap3A_489 = tpu.vector_load %arg16[%swap3A, %swap3A_488] {strides = array<i32>} : memref<128x64xf32, #tpu.memory_space<vmem>>, vector<16xf32>,
        tpu.vector_store %arg16[%swap3A, %swap3A_488], %bitcast3A {strides = array<i32>} : memref<128x64xf32, #tpu.memory_space<vmem>>, vector<16xf32>,
        %swap3A_490 = arith.index_cast %scan3A_481 : i32 to index
        %swap3A_491 = arith.constant 16 : index
        %swap3A_492 = tpu.vector_load %arg16[%swap3A_490, %swap3A_491] {strides = array<i32>} : memref<128x64xf32, #tpu.memory_space<vmem>>, vector<16xf32>,
        tpu.vector_store %arg16[%swap3A_490, %swap3A_491], %bitcast3A_487 {strides = array<i32>} : memref<128x64xf32, #tpu.memory_space<vmem>>, vector<16xf32>,
        %get3A_493 = arith.index_cast %scan3A_481 : i32 to index
        %get3A_494 = arith.constant 16 : index
        %get3A_495 = tpu.vector_load %arg12[%get3A_493, %get3A_494] {strides = array<i32>} : memref<128x32xi32, #tpu.memory_space<vmem>>, vector<16xi32>,
        %shift_left3A_496 = arith.constant 16 : i32
        %shift_left3A_497 = vector.broadcast %shift_left3A_496 : i32 to vector<16xi32>
        %shift_left3A_498 = arith.shli %get3A_495, %shift_left3A_497 : vector<16xi32>
        %bitcast3A_499 = vector.bitcast %shift_left3A_498 : vector<16xi32> to vector<16xf32>
        %and3A_500 = vector.broadcast %scan3A_469 : i32 to vector<16xi32>
        %and3A_501 = arith.andi %get3A_495, %and3A_500 : vector<16xi32>
        %bitcast3A_502 = vector.bitcast %and3A_501 : vector<16xi32> to vector<16xf32>
        %swap3A_503 = arith.index_cast %scan3A_481 : i32 to index
        %swap3A_504 = arith.constant 32 : index
        %swap3A_505 = tpu.vector_load %arg16[%swap3A_503, %swap3A_504] {strides = array<i32>} : memref<128x64xf32, #tpu.memory_space<vmem>>, vector<16xf32>,
        tpu.vector_store %arg16[%swap3A_503, %swap3A_504], %bitcast3A_499 {strides = array<i32>} : memref<128x64xf32, #tpu.memory_space<vmem>>, vector<16xf32>,
        %swap3A_506 = arith.index_cast %scan3A_481 : i32 to index
        %swap3A_507 = arith.constant 48 : index
        %swap3A_508 = tpu.vector_load %arg16[%swap3A_506, %swap3A_507] {strides = array<i32>} : memref<128x64xf32, #tpu.memory_space<vmem>>, vector<16xf32>,
        tpu.vector_store %arg16[%swap3A_506, %swap3A_507], %bitcast3A_502 {strides = array<i32>} : memref<128x64xf32, #tpu.memory_space<vmem>>, vector<16xf32>,
      }
      %scan3A_474 = arith.constant 128 : i32
      %dma_start3A_475 = arith.constant 0 : i32
      %dma_start3A_476 = tpu.memref_slice %arg8[%add3A_460, %dma_start3A_475] : memref<80x128xi32, #tpu.memory_space<vmem>> -> memref<1x128xi32, #tpu.memory_space<vmem>>
      %dma_start3A_477 = tpu.memref_squeeze %dma_start3A_476 : memref<1x128xi32, #tpu.memory_space<vmem>> -> memref<128xi32, #tpu.memory_space<vmem>>
      %dma_start3A_478 = arith.constant 0 : i32
      %dma_start3A_479 = arith.constant 0 : i32
      %dma_start3A_480 = tpu.memref_slice %arg18[%dma_start3A_478, %dma_start3A_479] : memref<10240x64xf32, #tpu.memory_space<vmem_shared>> -> memref<10240x64xf32, #tpu.memory_space<vmem_shared>>
      tpu.enqueue_indirect_dma source(%arg16 : memref<128x64xf32, #tpu.memory_space<vmem>>) target(%dma_start3A_480 : memref<10240x64xf32, #tpu.memory_space<vmem_shared>>) offsets(%dma_start3A_477 : memref<128xi32, #tpu.memory_space<vmem>>) semaphore(%arg26 : memref<!tpu.dma_semaphore, #tpu.memory_space<semaphore_mem>>) {add = true}
    }
    %scan3A_135 = arith.constant 19 : i32
    %dma_wait3A_136 = arith.constant 0 : i32
    %dma_wait3A_137 = arith.constant 0 : i32
    %dma_wait3A_138 = tpu.memref_slice %arg8[%dma_wait3A_136, %dma_wait3A_137] : memref<80x128xi32, #tpu.memory_space<vmem>> -> memref<1x128xi32, #tpu.memory_space<vmem>>
    %dma_wait3A_139 = tpu.memref_squeeze %dma_wait3A_138 : memref<1x128xi32, #tpu.memory_space<vmem>> -> memref<128xi32, #tpu.memory_space<vmem>>
    %dma_wait3A_140 = arith.constant 0 : i32
    %dma_wait3A_141 = arith.constant 0 : i32
    %dma_wait3A_142 = tpu.memref_slice %arg18[%dma_wait3A_140, %dma_wait3A_141] : memref<10240x64xf32, #tpu.memory_space<vmem_shared>> -> memref<10240x64xf32, #tpu.memory_space<vmem_shared>>
    tpu.wait_indirect_dma semaphore(%arg23 : memref<!tpu.dma_semaphore, #tpu.memory_space<semaphore_mem>>) src(%arg13 : memref<128x64xf32, #tpu.memory_space<vmem>>) dst(%dma_wait3A_142 : memref<10240x64xf32, #tpu.memory_space<vmem_shared>>)
    %dma_wait3A_143 = arith.constant 0 : i32
    %dma_wait3A_144 = arith.constant 0 : i32
    %dma_wait3A_145 = tpu.memref_slice %arg8[%dma_wait3A_143, %dma_wait3A_144] : memref<80x128xi32, #tpu.memory_space<vmem>> -> memref<1x128xi32, #tpu.memory_space<vmem>>
    %dma_wait3A_146 = tpu.memref_squeeze %dma_wait3A_145 : memref<1x128xi32, #tpu.memory_space<vmem>> -> memref<128xi32, #tpu.memory_space<vmem>>
    %dma_wait3A_147 = arith.constant 0 : i32
    %dma_wait3A_148 = arith.constant 0 : i32
    %dma_wait3A_149 = tpu.memref_slice %arg18[%dma_wait3A_147, %dma_wait3A_148] : memref<10240x64xf32, #tpu.memory_space<vmem_shared>> -> memref<10240x64xf32, #tpu.memory_space<vmem_shared>>
    tpu.wait_indirect_dma semaphore(%arg24 : memref<!tpu.dma_semaphore, #tpu.memory_space<semaphore_mem>>) src(%arg14 : memref<128x64xf32, #tpu.memory_space<vmem>>) dst(%dma_wait3A_149 : memref<10240x64xf32, #tpu.memory_space<vmem_shared>>)
    %dma_wait3A_150 = arith.constant 0 : i32
    %dma_wait3A_151 = arith.constant 0 : i32
    %dma_wait3A_152 = tpu.memref_slice %arg8[%dma_wait3A_150, %dma_wait3A_151] : memref<80x128xi32, #tpu.memory_space<vmem>> -> memref<1x128xi32, #tpu.memory_space<vmem>>
    %dma_wait3A_153 = tpu.memref_squeeze %dma_wait3A_152 : memref<1x128xi32, #tpu.memory_space<vmem>> -> memref<128xi32, #tpu.memory_space<vmem>>
    %dma_wait3A_154 = arith.constant 0 : i32
    %dma_wait3A_155 = arith.constant 0 : i32
    %dma_wait3A_156 = tpu.memref_slice %arg18[%dma_wait3A_154, %dma_wait3A_155] : memref<10240x64xf32, #tpu.memory_space<vmem_shared>> -> memref<10240x64xf32, #tpu.memory_space<vmem_shared>>
    tpu.wait_indirect_dma semaphore(%arg25 : memref<!tpu.dma_semaphore, #tpu.memory_space<semaphore_mem>>) src(%arg15 : memref<128x64xf32, #tpu.memory_space<vmem>>) dst(%dma_wait3A_156 : memref<10240x64xf32, #tpu.memory_space<vmem_shared>>)
    %dma_wait3A_157 = arith.constant 0 : i32
    %dma_wait3A_158 = arith.constant 0 : i32
    %dma_wait3A_159 = tpu.memref_slice %arg8[%dma_wait3A_157, %dma_wait3A_158] : memref<80x128xi32, #tpu.memory_space<vmem>> -> memref<1x128xi32, #tpu.memory_space<vmem>>
    %dma_wait3A_160 = tpu.memref_squeeze %dma_wait3A_159 : memref<1x128xi32, #tpu.memory_space<vmem>> -> memref<128xi32, #tpu.memory_space<vmem>>
    %dma_wait3A_161 = arith.constant 0 : i32
    %dma_wait3A_162 = arith.constant 0 : i32
    %dma_wait3A_163 = tpu.memref_slice %arg18[%dma_wait3A_161, %dma_wait3A_162] : memref<10240x64xf32, #tpu.memory_space<vmem_shared>> -> memref<10240x64xf32, #tpu.memory_space<vmem_shared>>
    tpu.wait_indirect_dma semaphore(%arg26 : memref<!tpu.dma_semaphore, #tpu.memory_space<semaphore_mem>>) src(%arg16 : memref<128x64xf32, #tpu.memory_space<vmem>>) dst(%dma_wait3A_163 : memref<10240x64xf32, #tpu.memory_space<vmem_shared>>)
    %barrier3A_164 = arith.constant 0 : index
    tpu.barrier barrier_id(%barrier3A_164)
    %run_scoped3A = arith.constant 0 : i32
    "tpu.region"() ({
      %run_scoped3A_316 = tpu.sem_alloc : memref<!tpu.dma_semaphore, #tpu.memory_space<semaphore_mem>>
      %dma_start3A_317 = arith.constant 0 : i32
      %dma_start3A_318 = arith.constant 0 : i32
      %dma_start3A_319 = tpu.memref_slice %arg6[%run_scoped3A, %arg0, %dma_start3A_317, %dma_start3A_318] : memref<2x2x10240x64xf32, #tpu.memory_space<hbm>> -> memref<1x1x10240x64xf32, #tpu.memory_space<hbm>>
      %dma_start3A_320 = tpu.memref_squeeze %dma_start3A_319 : memref<1x1x10240x64xf32, #tpu.memory_space<hbm>> -> memref<10240x64xf32, #tpu.memory_space<hbm>>
      %dma_start3A_321 = arith.constant 0 : i32
      %dma_start3A_322 = tpu.memref_slice %dma_start3A_320[%mul3A_2, %dma_start3A_321] : memref<10240x64xf32, #tpu.memory_space<hbm>> -> memref<640x64xf32, #tpu.memory_space<hbm>>
      %dma_start3A_323 = arith.constant 0 : i32
      %dma_start3A_324 = tpu.memref_slice %arg18[%mul3A_2, %dma_start3A_323] : memref<10240x64xf32, #tpu.memory_space<vmem_shared>> -> memref<640x64xf32, #tpu.memory_space<vmem_shared>>
      tpu.enqueue_dma source(%dma_start3A_324 : memref<640x64xf32, #tpu.memory_space<vmem_shared>>) target(%dma_start3A_322 : memref<640x64xf32, #tpu.memory_space<hbm>>) target_semaphore(%run_scoped3A_316 : memref<!tpu.dma_semaphore, #tpu.memory_space<semaphore_mem>>)
      %dma_wait3A_325 = arith.constant 0 : i32
      %dma_wait3A_326 = arith.constant 0 : i32
      %dma_wait3A_327 = tpu.memref_slice %arg6[%run_scoped3A, %arg0, %dma_wait3A_325, %dma_wait3A_326] : memref<2x2x10240x64xf32, #tpu.memory_space<hbm>> -> memref<1x1x10240x64xf32, #tpu.memory_space<hbm>>
      %dma_wait3A_328 = tpu.memref_squeeze %dma_wait3A_327 : memref<1x1x10240x64xf32, #tpu.memory_space<hbm>> -> memref<10240x64xf32, #tpu.memory_space<hbm>>
      %dma_wait3A_329 = arith.constant 0 : i32
      %dma_wait3A_330 = tpu.memref_slice %dma_wait3A_328[%mul3A_2, %dma_wait3A_329] : memref<10240x64xf32, #tpu.memory_space<hbm>> -> memref<640x64xf32, #tpu.memory_space<hbm>>
      %dma_wait3A_331 = arith.constant 0 : i32
      %dma_wait3A_332 = tpu.memref_slice %arg18[%mul3A_2, %dma_wait3A_331] : memref<10240x64xf32, #tpu.memory_space<vmem_shared>> -> memref<640x64xf32, #tpu.memory_space<vmem_shared>>
      tpu.wait_dma2 semaphore(%run_scoped3A_316 : memref<!tpu.dma_semaphore, #tpu.memory_space<semaphore_mem>>) src(%dma_wait3A_332 : memref<640x64xf32, #tpu.memory_space<vmem_shared>>) dst(%dma_wait3A_330 : memref<640x64xf32, #tpu.memory_space<hbm>>)
      tpu.yield
    }) : () -> ()
    %add3A_165 = arith.constant 10240 : i32
    %add3A_166 = arith.addi %add3A_165, %mul3A_2 : i32
    "tpu.region"() ({
      %run_scoped3A_316 = tpu.sem_alloc : memref<!tpu.dma_semaphore, #tpu.memory_space<semaphore_mem>>
      %dma_start3A_317 = arith.constant 0 : i32
      %dma_start3A_318 = tpu.memref_slice %arg17[%mul3A_2, %dma_start3A_317] : memref<10240x32xi32, #tpu.memory_space<vmem_shared>> -> memref<640x32xi32, #tpu.memory_space<vmem_shared>>
      %dma_start3A_319 = arith.constant 0 : i32
      %dma_start3A_320 = tpu.memref_slice %arg2[%add3A_166, %dma_start3A_319] : memref<20480x32xi32, #tpu.memory_space<hbm>> -> memref<640x32xi32, #tpu.memory_space<hbm>>
      tpu.enqueue_dma source(%dma_start3A_320 : memref<640x32xi32, #tpu.memory_space<hbm>>) target(%dma_start3A_318 : memref<640x32xi32, #tpu.memory_space<vmem_shared>>) target_semaphore(%run_scoped3A_316 : memref<!tpu.dma_semaphore, #tpu.memory_space<semaphore_mem>>)
      %dma_wait3A_321 = arith.constant 0 : i32
      %dma_wait3A_322 = tpu.memref_slice %arg17[%mul3A_2, %dma_wait3A_321] : memref<10240x32xi32, #tpu.memory_space<vmem_shared>> -> memref<640x32xi32, #tpu.memory_space<vmem_shared>>
      %dma_wait3A_323 = arith.constant 0 : i32
      %dma_wait3A_324 = tpu.memref_slice %arg2[%add3A_166, %dma_wait3A_323] : memref<20480x32xi32, #tpu.memory_space<hbm>> -> memref<640x32xi32, #tpu.memory_space<hbm>>
      tpu.wait_dma2 semaphore(%run_scoped3A_316 : memref<!tpu.dma_semaphore, #tpu.memory_space<semaphore_mem>>) src(%dma_wait3A_324 : memref<640x32xi32, #tpu.memory_space<hbm>>) dst(%dma_wait3A_322 : memref<640x32xi32, #tpu.memory_space<vmem_shared>>)
      tpu.yield
    }) : () -> ()
    "tpu.region"() ({
      %run_scoped3A_316 = tpu.sem_alloc : memref<!tpu.dma_semaphore, #tpu.memory_space<semaphore_mem>>
      %dma_start3A_317 = arith.constant 0 : i32
      %dma_start3A_318 = tpu.memref_slice %arg18[%mul3A_2, %dma_start3A_317] : memref<10240x64xf32, #tpu.memory_space<vmem_shared>> -> memref<640x64xf32, #tpu.memory_space<vmem_shared>>
      tpu.enqueue_dma source(%arg5 : memref<640x64xf32, #tpu.memory_space<hbm>>) target(%dma_start3A_318 : memref<640x64xf32, #tpu.memory_space<vmem_shared>>) target_semaphore(%run_scoped3A_316 : memref<!tpu.dma_semaphore, #tpu.memory_space<semaphore_mem>>)
      %dma_wait3A_319 = arith.constant 0 : i32
      %dma_wait3A_320 = tpu.memref_slice %arg18[%mul3A_2, %dma_wait3A_319] : memref<10240x64xf32, #tpu.memory_space<vmem_shared>> -> memref<640x64xf32, #tpu.memory_space<vmem_shared>>
      tpu.wait_dma2 semaphore(%run_scoped3A_316 : memref<!tpu.dma_semaphore, #tpu.memory_space<semaphore_mem>>) src(%arg5 : memref<640x64xf32, #tpu.memory_space<hbm>>) dst(%dma_wait3A_320 : memref<640x64xf32, #tpu.memory_space<vmem_shared>>)
      tpu.yield
    }) : () -> ()
    %barrier3A_167 = arith.constant 0 : index
    tpu.barrier barrier_id(%barrier3A_167)
    %dma_start3A_168 = arith.constant 0 : i32
    %dma_start3A_169 = arith.constant 0 : i32
    %dma_start3A_170 = tpu.memref_slice %arg7[%dma_start3A_168, %dma_start3A_169] : memref<80x128xi32, #tpu.memory_space<vmem>> -> memref<1x128xi32, #tpu.memory_space<vmem>>
    %dma_start3A_171 = tpu.memref_squeeze %dma_start3A_170 : memref<1x128xi32, #tpu.memory_space<vmem>> -> memref<128xi32, #tpu.memory_space<vmem>>
    %dma_start3A_172 = arith.constant 0 : i32
    %dma_start3A_173 = arith.constant 0 : i32
    %dma_start3A_174 = tpu.memref_slice %arg17[%dma_start3A_172, %dma_start3A_173] : memref<10240x32xi32, #tpu.memory_space<vmem_shared>> -> memref<10240x32xi32, #tpu.memory_space<vmem_shared>>
    tpu.enqueue_indirect_dma source(%dma_start3A_174 : memref<10240x32xi32, #tpu.memory_space<vmem_shared>>) target(%arg9 : memref<128x32xi32, #tpu.memory_space<vmem>>) offsets(%dma_start3A_171 : memref<128xi32, #tpu.memory_space<vmem>>) semaphore(%arg19 : memref<!tpu.dma_semaphore, #tpu.memory_space<semaphore_mem>>)
    %dma_start3A_175 = arith.constant 1 : i32
    %dma_start3A_176 = arith.constant 0 : i32
    %dma_start3A_177 = tpu.memref_slice %arg7[%dma_start3A_175, %dma_start3A_176] : memref<80x128xi32, #tpu.memory_space<vmem>> -> memref<1x128xi32, #tpu.memory_space<vmem>>
    %dma_start3A_178 = tpu.memref_squeeze %dma_start3A_177 : memref<1x128xi32, #tpu.memory_space<vmem>> -> memref<128xi32, #tpu.memory_space<vmem>>
    %dma_start3A_179 = arith.constant 0 : i32
    %dma_start3A_180 = arith.constant 0 : i32
    %dma_start3A_181 = tpu.memref_slice %arg17[%dma_start3A_179, %dma_start3A_180] : memref<10240x32xi32, #tpu.memory_space<vmem_shared>> -> memref<10240x32xi32, #tpu.memory_space<vmem_shared>>
    tpu.enqueue_indirect_dma source(%dma_start3A_181 : memref<10240x32xi32, #tpu.memory_space<vmem_shared>>) target(%arg10 : memref<128x32xi32, #tpu.memory_space<vmem>>) offsets(%dma_start3A_178 : memref<128xi32, #tpu.memory_space<vmem>>) semaphore(%arg20 : memref<!tpu.dma_semaphore, #tpu.memory_space<semaphore_mem>>)
    %dma_start3A_182 = arith.constant 2 : i32
    %dma_start3A_183 = arith.constant 0 : i32
    %dma_start3A_184 = tpu.memref_slice %arg7[%dma_start3A_182, %dma_start3A_183] : memref<80x128xi32, #tpu.memory_space<vmem>> -> memref<1x128xi32, #tpu.memory_space<vmem>>
    %dma_start3A_185 = tpu.memref_squeeze %dma_start3A_184 : memref<1x128xi32, #tpu.memory_space<vmem>> -> memref<128xi32, #tpu.memory_space<vmem>>
    %dma_start3A_186 = arith.constant 0 : i32
    %dma_start3A_187 = arith.constant 0 : i32
    %dma_start3A_188 = tpu.memref_slice %arg17[%dma_start3A_186, %dma_start3A_187] : memref<10240x32xi32, #tpu.memory_space<vmem_shared>> -> memref<10240x32xi32, #tpu.memory_space<vmem_shared>>
    tpu.enqueue_indirect_dma source(%dma_start3A_188 : memref<10240x32xi32, #tpu.memory_space<vmem_shared>>) target(%arg11 : memref<128x32xi32, #tpu.memory_space<vmem>>) offsets(%dma_start3A_185 : memref<128xi32, #tpu.memory_space<vmem>>) semaphore(%arg21 : memref<!tpu.dma_semaphore, #tpu.memory_space<semaphore_mem>>)
    %dma_start3A_189 = arith.constant 3 : i32
    %dma_start3A_190 = arith.constant 0 : i32
    %dma_start3A_191 = tpu.memref_slice %arg7[%dma_start3A_189, %dma_start3A_190] : memref<80x128xi32, #tpu.memory_space<vmem>> -> memref<1x128xi32, #tpu.memory_space<vmem>>
    %dma_start3A_192 = tpu.memref_squeeze %dma_start3A_191 : memref<1x128xi32, #tpu.memory_space<vmem>> -> memref<128xi32, #tpu.memory_space<vmem>>
    %dma_start3A_193 = arith.constant 0 : i32
    %dma_start3A_194 = arith.constant 0 : i32
    %dma_start3A_195 = tpu.memref_slice %arg17[%dma_start3A_193, %dma_start3A_194] : memref<10240x32xi32, #tpu.memory_space<vmem_shared>> -> memref<10240x32xi32, #tpu.memory_space<vmem_shared>>
    tpu.enqueue_indirect_dma source(%dma_start3A_195 : memref<10240x32xi32, #tpu.memory_space<vmem_shared>>) target(%arg12 : memref<128x32xi32, #tpu.memory_space<vmem>>) offsets(%dma_start3A_192 : memref<128xi32, #tpu.memory_space<vmem>>) semaphore(%arg22 : memref<!tpu.dma_semaphore, #tpu.memory_space<semaphore_mem>>)
    %dma_wait3A_196 = arith.constant 0 : i32
    %dma_wait3A_197 = arith.constant 0 : i32
    %dma_wait3A_198 = tpu.memref_slice %arg7[%dma_wait3A_196, %dma_wait3A_197] : memref<80x128xi32, #tpu.memory_space<vmem>> -> memref<1x128xi32, #tpu.memory_space<vmem>>
    %dma_wait3A_199 = tpu.memref_squeeze %dma_wait3A_198 : memref<1x128xi32, #tpu.memory_space<vmem>> -> memref<128xi32, #tpu.memory_space<vmem>>
    %dma_wait3A_200 = arith.constant 0 : i32
    %dma_wait3A_201 = arith.constant 0 : i32
    %dma_wait3A_202 = tpu.memref_slice %arg17[%dma_wait3A_200, %dma_wait3A_201] : memref<10240x32xi32, #tpu.memory_space<vmem_shared>> -> memref<10240x32xi32, #tpu.memory_space<vmem_shared>>
    tpu.wait_indirect_dma semaphore(%arg19 : memref<!tpu.dma_semaphore, #tpu.memory_space<semaphore_mem>>) src(%dma_wait3A_202 : memref<10240x32xi32, #tpu.memory_space<vmem_shared>>) dst(%arg9 : memref<128x32xi32, #tpu.memory_space<vmem>>)
    %scan3A_203 = arith.constant 0 : i32
    %scan3A_204 = arith.constant -65536 : i32
    %scan3A_205 = arith.constant 0 : i32
    %scan3A_206 = arith.constant 128 : i32
    %scan3A_207 = arith.addi %scan3A_205, %scan3A_206 : i32
    %scan3A_208 = arith.constant 1 : i32
    scf.for %scan3A_316 = %scan3A_205 to %scan3A_207 step %scan3A_208  : i32 {
      %get3A = arith.index_cast %scan3A_316 : i32 to index
      %get3A_317 = arith.constant 0 : index
      %get3A_318 = tpu.vector_load %arg9[%get3A, %get3A_317] {strides = array<i32>} : memref<128x32xi32, #tpu.memory_space<vmem>>, vector<16xi32>,
      %shift_left3A = arith.constant 16 : i32
      %shift_left3A_319 = vector.broadcast %shift_left3A : i32 to vector<16xi32>
      %shift_left3A_320 = arith.shli %get3A_318, %shift_left3A_319 : vector<16xi32>
      %bitcast3A = vector.bitcast %shift_left3A_320 : vector<16xi32> to vector<16xf32>
      %and3A = vector.broadcast %scan3A_204 : i32 to vector<16xi32>
      %and3A_321 = arith.andi %get3A_318, %and3A : vector<16xi32>
      %bitcast3A_322 = vector.bitcast %and3A_321 : vector<16xi32> to vector<16xf32>
      %swap3A = arith.index_cast %scan3A_316 : i32 to index
      %swap3A_323 = arith.constant 0 : index
      %swap3A_324 = tpu.vector_load %arg13[%swap3A, %swap3A_323] {strides = array<i32>} : memref<128x64xf32, #tpu.memory_space<vmem>>, vector<16xf32>,
      tpu.vector_store %arg13[%swap3A, %swap3A_323], %bitcast3A {strides = array<i32>} : memref<128x64xf32, #tpu.memory_space<vmem>>, vector<16xf32>,
      %swap3A_325 = arith.index_cast %scan3A_316 : i32 to index
      %swap3A_326 = arith.constant 16 : index
      %swap3A_327 = tpu.vector_load %arg13[%swap3A_325, %swap3A_326] {strides = array<i32>} : memref<128x64xf32, #tpu.memory_space<vmem>>, vector<16xf32>,
      tpu.vector_store %arg13[%swap3A_325, %swap3A_326], %bitcast3A_322 {strides = array<i32>} : memref<128x64xf32, #tpu.memory_space<vmem>>, vector<16xf32>,
      %get3A_328 = arith.index_cast %scan3A_316 : i32 to index
      %get3A_329 = arith.constant 16 : index
      %get3A_330 = tpu.vector_load %arg9[%get3A_328, %get3A_329] {strides = array<i32>} : memref<128x32xi32, #tpu.memory_space<vmem>>, vector<16xi32>,
      %shift_left3A_331 = arith.constant 16 : i32
      %shift_left3A_332 = vector.broadcast %shift_left3A_331 : i32 to vector<16xi32>
      %shift_left3A_333 = arith.shli %get3A_330, %shift_left3A_332 : vector<16xi32>
      %bitcast3A_334 = vector.bitcast %shift_left3A_333 : vector<16xi32> to vector<16xf32>
      %and3A_335 = vector.broadcast %scan3A_204 : i32 to vector<16xi32>
      %and3A_336 = arith.andi %get3A_330, %and3A_335 : vector<16xi32>
      %bitcast3A_337 = vector.bitcast %and3A_336 : vector<16xi32> to vector<16xf32>
      %swap3A_338 = arith.index_cast %scan3A_316 : i32 to index
      %swap3A_339 = arith.constant 32 : index
      %swap3A_340 = tpu.vector_load %arg13[%swap3A_338, %swap3A_339] {strides = array<i32>} : memref<128x64xf32, #tpu.memory_space<vmem>>, vector<16xf32>,
      tpu.vector_store %arg13[%swap3A_338, %swap3A_339], %bitcast3A_334 {strides = array<i32>} : memref<128x64xf32, #tpu.memory_space<vmem>>, vector<16xf32>,
      %swap3A_341 = arith.index_cast %scan3A_316 : i32 to index
      %swap3A_342 = arith.constant 48 : index
      %swap3A_343 = tpu.vector_load %arg13[%swap3A_341, %swap3A_342] {strides = array<i32>} : memref<128x64xf32, #tpu.memory_space<vmem>>, vector<16xf32>,
      tpu.vector_store %arg13[%swap3A_341, %swap3A_342], %bitcast3A_337 {strides = array<i32>} : memref<128x64xf32, #tpu.memory_space<vmem>>, vector<16xf32>,
    }
    %scan3A_209 = arith.constant 128 : i32
    %dma_start3A_210 = arith.constant 0 : i32
    %dma_start3A_211 = arith.constant 0 : i32
    %dma_start3A_212 = tpu.memref_slice %arg8[%dma_start3A_210, %dma_start3A_211] : memref<80x128xi32, #tpu.memory_space<vmem>> -> memref<1x128xi32, #tpu.memory_space<vmem>>
    %dma_start3A_213 = tpu.memref_squeeze %dma_start3A_212 : memref<1x128xi32, #tpu.memory_space<vmem>> -> memref<128xi32, #tpu.memory_space<vmem>>
    %dma_start3A_214 = arith.constant 0 : i32
    %dma_start3A_215 = arith.constant 0 : i32
    %dma_start3A_216 = tpu.memref_slice %arg18[%dma_start3A_214, %dma_start3A_215] : memref<10240x64xf32, #tpu.memory_space<vmem_shared>> -> memref<10240x64xf32, #tpu.memory_space<vmem_shared>>
    tpu.enqueue_indirect_dma source(%arg13 : memref<128x64xf32, #tpu.memory_space<vmem>>) target(%dma_start3A_216 : memref<10240x64xf32, #tpu.memory_space<vmem_shared>>) offsets(%dma_start3A_213 : memref<128xi32, #tpu.memory_space<vmem>>) semaphore(%arg23 : memref<!tpu.dma_semaphore, #tpu.memory_space<semaphore_mem>>) {add = true}
    %dma_wait3A_217 = arith.constant 0 : i32
    %dma_wait3A_218 = arith.constant 0 : i32
    %dma_wait3A_219 = tpu.memref_slice %arg7[%dma_wait3A_217, %dma_wait3A_218] : memref<80x128xi32, #tpu.memory_space<vmem>> -> memref<1x128xi32, #tpu.memory_space<vmem>>
    %dma_wait3A_220 = tpu.memref_squeeze %dma_wait3A_219 : memref<1x128xi32, #tpu.memory_space<vmem>> -> memref<128xi32, #tpu.memory_space<vmem>>
    %dma_wait3A_221 = arith.constant 0 : i32
    %dma_wait3A_222 = arith.constant 0 : i32
    %dma_wait3A_223 = tpu.memref_slice %arg17[%dma_wait3A_221, %dma_wait3A_222] : memref<10240x32xi32, #tpu.memory_space<vmem_shared>> -> memref<10240x32xi32, #tpu.memory_space<vmem_shared>>
    tpu.wait_indirect_dma semaphore(%arg20 : memref<!tpu.dma_semaphore, #tpu.memory_space<semaphore_mem>>) src(%dma_wait3A_223 : memref<10240x32xi32, #tpu.memory_space<vmem_shared>>) dst(%arg10 : memref<128x32xi32, #tpu.memory_space<vmem>>)
    %scan3A_224 = arith.constant 0 : i32
    %scan3A_225 = arith.constant -65536 : i32
    %scan3A_226 = arith.constant 0 : i32
    %scan3A_227 = arith.constant 128 : i32
    %scan3A_228 = arith.addi %scan3A_226, %scan3A_227 : i32
    %scan3A_229 = arith.constant 1 : i32
    scf.for %scan3A_316 = %scan3A_226 to %scan3A_228 step %scan3A_229  : i32 {
      %get3A = arith.index_cast %scan3A_316 : i32 to index
      %get3A_317 = arith.constant 0 : index
      %get3A_318 = tpu.vector_load %arg10[%get3A, %get3A_317] {strides = array<i32>} : memref<128x32xi32, #tpu.memory_space<vmem>>, vector<16xi32>,
      %shift_left3A = arith.constant 16 : i32
      %shift_left3A_319 = vector.broadcast %shift_left3A : i32 to vector<16xi32>
      %shift_left3A_320 = arith.shli %get3A_318, %shift_left3A_319 : vector<16xi32>
      %bitcast3A = vector.bitcast %shift_left3A_320 : vector<16xi32> to vector<16xf32>
      %and3A = vector.broadcast %scan3A_225 : i32 to vector<16xi32>
      %and3A_321 = arith.andi %get3A_318, %and3A : vector<16xi32>
      %bitcast3A_322 = vector.bitcast %and3A_321 : vector<16xi32> to vector<16xf32>
      %swap3A = arith.index_cast %scan3A_316 : i32 to index
      %swap3A_323 = arith.constant 0 : index
      %swap3A_324 = tpu.vector_load %arg14[%swap3A, %swap3A_323] {strides = array<i32>} : memref<128x64xf32, #tpu.memory_space<vmem>>, vector<16xf32>,
      tpu.vector_store %arg14[%swap3A, %swap3A_323], %bitcast3A {strides = array<i32>} : memref<128x64xf32, #tpu.memory_space<vmem>>, vector<16xf32>,
      %swap3A_325 = arith.index_cast %scan3A_316 : i32 to index
      %swap3A_326 = arith.constant 16 : index
      %swap3A_327 = tpu.vector_load %arg14[%swap3A_325, %swap3A_326] {strides = array<i32>} : memref<128x64xf32, #tpu.memory_space<vmem>>, vector<16xf32>,
      tpu.vector_store %arg14[%swap3A_325, %swap3A_326], %bitcast3A_322 {strides = array<i32>} : memref<128x64xf32, #tpu.memory_space<vmem>>, vector<16xf32>,
      %get3A_328 = arith.index_cast %scan3A_316 : i32 to index
      %get3A_329 = arith.constant 16 : index
      %get3A_330 = tpu.vector_load %arg10[%get3A_328, %get3A_329] {strides = array<i32>} : memref<128x32xi32, #tpu.memory_space<vmem>>, vector<16xi32>,
      %shift_left3A_331 = arith.constant 16 : i32
      %shift_left3A_332 = vector.broadcast %shift_left3A_331 : i32 to vector<16xi32>
      %shift_left3A_333 = arith.shli %get3A_330, %shift_left3A_332 : vector<16xi32>
      %bitcast3A_334 = vector.bitcast %shift_left3A_333 : vector<16xi32> to vector<16xf32>
      %and3A_335 = vector.broadcast %scan3A_225 : i32 to vector<16xi32>
      %and3A_336 = arith.andi %get3A_330, %and3A_335 : vector<16xi32>
      %bitcast3A_337 = vector.bitcast %and3A_336 : vector<16xi32> to vector<16xf32>
      %swap3A_338 = arith.index_cast %scan3A_316 : i32 to index
      %swap3A_339 = arith.constant 32 : index
      %swap3A_340 = tpu.vector_load %arg14[%swap3A_338, %swap3A_339] {strides = array<i32>} : memref<128x64xf32, #tpu.memory_space<vmem>>, vector<16xf32>,
      tpu.vector_store %arg14[%swap3A_338, %swap3A_339], %bitcast3A_334 {strides = array<i32>} : memref<128x64xf32, #tpu.memory_space<vmem>>, vector<16xf32>,
      %swap3A_341 = arith.index_cast %scan3A_316 : i32 to index
      %swap3A_342 = arith.constant 48 : index
      %swap3A_343 = tpu.vector_load %arg14[%swap3A_341, %swap3A_342] {strides = array<i32>} : memref<128x64xf32, #tpu.memory_space<vmem>>, vector<16xf32>,
      tpu.vector_store %arg14[%swap3A_341, %swap3A_342], %bitcast3A_337 {strides = array<i32>} : memref<128x64xf32, #tpu.memory_space<vmem>>, vector<16xf32>,
    }
    %scan3A_230 = arith.constant 128 : i32
    %dma_start3A_231 = arith.constant 1 : i32
    %dma_start3A_232 = arith.constant 0 : i32
    %dma_start3A_233 = tpu.memref_slice %arg8[%dma_start3A_231, %dma_start3A_232] : memref<80x128xi32, #tpu.memory_space<vmem>> -> memref<1x128xi32, #tpu.memory_space<vmem>>
    %dma_start3A_234 = tpu.memref_squeeze %dma_start3A_233 : memref<1x128xi32, #tpu.memory_space<vmem>> -> memref<128xi32, #tpu.memory_space<vmem>>
    %dma_start3A_235 = arith.constant 0 : i32
    %dma_start3A_236 = arith.constant 0 : i32
    %dma_start3A_237 = tpu.memref_slice %arg18[%dma_start3A_235, %dma_start3A_236] : memref<10240x64xf32, #tpu.memory_space<vmem_shared>> -> memref<10240x64xf32, #tpu.memory_space<vmem_shared>>
    tpu.enqueue_indirect_dma source(%arg14 : memref<128x64xf32, #tpu.memory_space<vmem>>) target(%dma_start3A_237 : memref<10240x64xf32, #tpu.memory_space<vmem_shared>>) offsets(%dma_start3A_234 : memref<128xi32, #tpu.memory_space<vmem>>) semaphore(%arg24 : memref<!tpu.dma_semaphore, #tpu.memory_space<semaphore_mem>>) {add = true}
    %dma_wait3A_238 = arith.constant 0 : i32
    %dma_wait3A_239 = arith.constant 0 : i32
    %dma_wait3A_240 = tpu.memref_slice %arg7[%dma_wait3A_238, %dma_wait3A_239] : memref<80x128xi32, #tpu.memory_space<vmem>> -> memref<1x128xi32, #tpu.memory_space<vmem>>
    %dma_wait3A_241 = tpu.memref_squeeze %dma_wait3A_240 : memref<1x128xi32, #tpu.memory_space<vmem>> -> memref<128xi32, #tpu.memory_space<vmem>>
    %dma_wait3A_242 = arith.constant 0 : i32
    %dma_wait3A_243 = arith.constant 0 : i32
    %dma_wait3A_244 = tpu.memref_slice %arg17[%dma_wait3A_242, %dma_wait3A_243] : memref<10240x32xi32, #tpu.memory_space<vmem_shared>> -> memref<10240x32xi32, #tpu.memory_space<vmem_shared>>
    tpu.wait_indirect_dma semaphore(%arg21 : memref<!tpu.dma_semaphore, #tpu.memory_space<semaphore_mem>>) src(%dma_wait3A_244 : memref<10240x32xi32, #tpu.memory_space<vmem_shared>>) dst(%arg11 : memref<128x32xi32, #tpu.memory_space<vmem>>)
    %scan3A_245 = arith.constant 0 : i32
    %scan3A_246 = arith.constant -65536 : i32
    %scan3A_247 = arith.constant 0 : i32
    %scan3A_248 = arith.constant 128 : i32
    %scan3A_249 = arith.addi %scan3A_247, %scan3A_248 : i32
    %scan3A_250 = arith.constant 1 : i32
    scf.for %scan3A_316 = %scan3A_247 to %scan3A_249 step %scan3A_250  : i32 {
      %get3A = arith.index_cast %scan3A_316 : i32 to index
      %get3A_317 = arith.constant 0 : index
      %get3A_318 = tpu.vector_load %arg11[%get3A, %get3A_317] {strides = array<i32>} : memref<128x32xi32, #tpu.memory_space<vmem>>, vector<16xi32>,
      %shift_left3A = arith.constant 16 : i32
      %shift_left3A_319 = vector.broadcast %shift_left3A : i32 to vector<16xi32>
      %shift_left3A_320 = arith.shli %get3A_318, %shift_left3A_319 : vector<16xi32>
      %bitcast3A = vector.bitcast %shift_left3A_320 : vector<16xi32> to vector<16xf32>
      %and3A = vector.broadcast %scan3A_246 : i32 to vector<16xi32>
      %and3A_321 = arith.andi %get3A_318, %and3A : vector<16xi32>
      %bitcast3A_322 = vector.bitcast %and3A_321 : vector<16xi32> to vector<16xf32>
      %swap3A = arith.index_cast %scan3A_316 : i32 to index
      %swap3A_323 = arith.constant 0 : index
      %swap3A_324 = tpu.vector_load %arg15[%swap3A, %swap3A_323] {strides = array<i32>} : memref<128x64xf32, #tpu.memory_space<vmem>>, vector<16xf32>,
      tpu.vector_store %arg15[%swap3A, %swap3A_323], %bitcast3A {strides = array<i32>} : memref<128x64xf32, #tpu.memory_space<vmem>>, vector<16xf32>,
      %swap3A_325 = arith.index_cast %scan3A_316 : i32 to index
      %swap3A_326 = arith.constant 16 : index
      %swap3A_327 = tpu.vector_load %arg15[%swap3A_325, %swap3A_326] {strides = array<i32>} : memref<128x64xf32, #tpu.memory_space<vmem>>, vector<16xf32>,
      tpu.vector_store %arg15[%swap3A_325, %swap3A_326], %bitcast3A_322 {strides = array<i32>} : memref<128x64xf32, #tpu.memory_space<vmem>>, vector<16xf32>,
      %get3A_328 = arith.index_cast %scan3A_316 : i32 to index
      %get3A_329 = arith.constant 16 : index
      %get3A_330 = tpu.vector_load %arg11[%get3A_328, %get3A_329] {strides = array<i32>} : memref<128x32xi32, #tpu.memory_space<vmem>>, vector<16xi32>,
      %shift_left3A_331 = arith.constant 16 : i32
      %shift_left3A_332 = vector.broadcast %shift_left3A_331 : i32 to vector<16xi32>
      %shift_left3A_333 = arith.shli %get3A_330, %shift_left3A_332 : vector<16xi32>
      %bitcast3A_334 = vector.bitcast %shift_left3A_333 : vector<16xi32> to vector<16xf32>
      %and3A_335 = vector.broadcast %scan3A_246 : i32 to vector<16xi32>
      %and3A_336 = arith.andi %get3A_330, %and3A_335 : vector<16xi32>
      %bitcast3A_337 = vector.bitcast %and3A_336 : vector<16xi32> to vector<16xf32>
      %swap3A_338 = arith.index_cast %scan3A_316 : i32 to index
      %swap3A_339 = arith.constant 32 : index
      %swap3A_340 = tpu.vector_load %arg15[%swap3A_338, %swap3A_339] {strides = array<i32>} : memref<128x64xf32, #tpu.memory_space<vmem>>, vector<16xf32>,
      tpu.vector_store %arg15[%swap3A_338, %swap3A_339], %bitcast3A_334 {strides = array<i32>} : memref<128x64xf32, #tpu.memory_space<vmem>>, vector<16xf32>,
      %swap3A_341 = arith.index_cast %scan3A_316 : i32 to index
      %swap3A_342 = arith.constant 48 : index
      %swap3A_343 = tpu.vector_load %arg15[%swap3A_341, %swap3A_342] {strides = array<i32>} : memref<128x64xf32, #tpu.memory_space<vmem>>, vector<16xf32>,
      tpu.vector_store %arg15[%swap3A_341, %swap3A_342], %bitcast3A_337 {strides = array<i32>} : memref<128x64xf32, #tpu.memory_space<vmem>>, vector<16xf32>,
    }
    %scan3A_251 = arith.constant 128 : i32
    %dma_start3A_252 = arith.constant 2 : i32
    %dma_start3A_253 = arith.constant 0 : i32
    %dma_start3A_254 = tpu.memref_slice %arg8[%dma_start3A_252, %dma_start3A_253] : memref<80x128xi32, #tpu.memory_space<vmem>> -> memref<1x128xi32, #tpu.memory_space<vmem>>
    %dma_start3A_255 = tpu.memref_squeeze %dma_start3A_254 : memref<1x128xi32, #tpu.memory_space<vmem>> -> memref<128xi32, #tpu.memory_space<vmem>>
    %dma_start3A_256 = arith.constant 0 : i32
    %dma_start3A_257 = arith.constant 0 : i32
    %dma_start3A_258 = tpu.memref_slice %arg18[%dma_start3A_256, %dma_start3A_257] : memref<10240x64xf32, #tpu.memory_space<vmem_shared>> -> memref<10240x64xf32, #tpu.memory_space<vmem_shared>>
    tpu.enqueue_indirect_dma source(%arg15 : memref<128x64xf32, #tpu.memory_space<vmem>>) target(%dma_start3A_258 : memref<10240x64xf32, #tpu.memory_space<vmem_shared>>) offsets(%dma_start3A_255 : memref<128xi32, #tpu.memory_space<vmem>>) semaphore(%arg25 : memref<!tpu.dma_semaphore, #tpu.memory_space<semaphore_mem>>) {add = true}
    %dma_wait3A_259 = arith.constant 0 : i32
    %dma_wait3A_260 = arith.constant 0 : i32
    %dma_wait3A_261 = tpu.memref_slice %arg7[%dma_wait3A_259, %dma_wait3A_260] : memref<80x128xi32, #tpu.memory_space<vmem>> -> memref<1x128xi32, #tpu.memory_space<vmem>>
    %dma_wait3A_262 = tpu.memref_squeeze %dma_wait3A_261 : memref<1x128xi32, #tpu.memory_space<vmem>> -> memref<128xi32, #tpu.memory_space<vmem>>
    %dma_wait3A_263 = arith.constant 0 : i32
    %dma_wait3A_264 = arith.constant 0 : i32
    %dma_wait3A_265 = tpu.memref_slice %arg17[%dma_wait3A_263, %dma_wait3A_264] : memref<10240x32xi32, #tpu.memory_space<vmem_shared>> -> memref<10240x32xi32, #tpu.memory_space<vmem_shared>>
    tpu.wait_indirect_dma semaphore(%arg22 : memref<!tpu.dma_semaphore, #tpu.memory_space<semaphore_mem>>) src(%dma_wait3A_265 : memref<10240x32xi32, #tpu.memory_space<vmem_shared>>) dst(%arg12 : memref<128x32xi32, #tpu.memory_space<vmem>>)
    %scan3A_266 = arith.constant 0 : i32
    %scan3A_267 = arith.constant -65536 : i32
    %scan3A_268 = arith.constant 0 : i32
    %scan3A_269 = arith.constant 128 : i32
    %scan3A_270 = arith.addi %scan3A_268, %scan3A_269 : i32
    %scan3A_271 = arith.constant 1 : i32
    scf.for %scan3A_316 = %scan3A_268 to %scan3A_270 step %scan3A_271  : i32 {
      %get3A = arith.index_cast %scan3A_316 : i32 to index
      %get3A_317 = arith.constant 0 : index
      %get3A_318 = tpu.vector_load %arg12[%get3A, %get3A_317] {strides = array<i32>} : memref<128x32xi32, #tpu.memory_space<vmem>>, vector<16xi32>,
      %shift_left3A = arith.constant 16 : i32
      %shift_left3A_319 = vector.broadcast %shift_left3A : i32 to vector<16xi32>
      %shift_left3A_320 = arith.shli %get3A_318, %shift_left3A_319 : vector<16xi32>
      %bitcast3A = vector.bitcast %shift_left3A_320 : vector<16xi32> to vector<16xf32>
      %and3A = vector.broadcast %scan3A_267 : i32 to vector<16xi32>
      %and3A_321 = arith.andi %get3A_318, %and3A : vector<16xi32>
      %bitcast3A_322 = vector.bitcast %and3A_321 : vector<16xi32> to vector<16xf32>
      %swap3A = arith.index_cast %scan3A_316 : i32 to index
      %swap3A_323 = arith.constant 0 : index
      %swap3A_324 = tpu.vector_load %arg16[%swap3A, %swap3A_323] {strides = array<i32>} : memref<128x64xf32, #tpu.memory_space<vmem>>, vector<16xf32>,
      tpu.vector_store %arg16[%swap3A, %swap3A_323], %bitcast3A {strides = array<i32>} : memref<128x64xf32, #tpu.memory_space<vmem>>, vector<16xf32>,
      %swap3A_325 = arith.index_cast %scan3A_316 : i32 to index
      %swap3A_326 = arith.constant 16 : index
      %swap3A_327 = tpu.vector_load %arg16[%swap3A_325, %swap3A_326] {strides = array<i32>} : memref<128x64xf32, #tpu.memory_space<vmem>>, vector<16xf32>,
      tpu.vector_store %arg16[%swap3A_325, %swap3A_326], %bitcast3A_322 {strides = array<i32>} : memref<128x64xf32, #tpu.memory_space<vmem>>, vector<16xf32>,
      %get3A_328 = arith.index_cast %scan3A_316 : i32 to index
      %get3A_329 = arith.constant 16 : index
      %get3A_330 = tpu.vector_load %arg12[%get3A_328, %get3A_329] {strides = array<i32>} : memref<128x32xi32, #tpu.memory_space<vmem>>, vector<16xi32>,
      %shift_left3A_331 = arith.constant 16 : i32
      %shift_left3A_332 = vector.broadcast %shift_left3A_331 : i32 to vector<16xi32>
      %shift_left3A_333 = arith.shli %get3A_330, %shift_left3A_332 : vector<16xi32>
      %bitcast3A_334 = vector.bitcast %shift_left3A_333 : vector<16xi32> to vector<16xf32>
      %and3A_335 = vector.broadcast %scan3A_267 : i32 to vector<16xi32>
      %and3A_336 = arith.andi %get3A_330, %and3A_335 : vector<16xi32>
      %bitcast3A_337 = vector.bitcast %and3A_336 : vector<16xi32> to vector<16xf32>
      %swap3A_338 = arith.index_cast %scan3A_316 : i32 to index
      %swap3A_339 = arith.constant 32 : index
      %swap3A_340 = tpu.vector_load %arg16[%swap3A_338, %swap3A_339] {strides = array<i32>} : memref<128x64xf32, #tpu.memory_space<vmem>>, vector<16xf32>,
      tpu.vector_store %arg16[%swap3A_338, %swap3A_339], %bitcast3A_334 {strides = array<i32>} : memref<128x64xf32, #tpu.memory_space<vmem>>, vector<16xf32>,
      %swap3A_341 = arith.index_cast %scan3A_316 : i32 to index
      %swap3A_342 = arith.constant 48 : index
      %swap3A_343 = tpu.vector_load %arg16[%swap3A_341, %swap3A_342] {strides = array<i32>} : memref<128x64xf32, #tpu.memory_space<vmem>>, vector<16xf32>,
      tpu.vector_store %arg16[%swap3A_341, %swap3A_342], %bitcast3A_337 {strides = array<i32>} : memref<128x64xf32, #tpu.memory_space<vmem>>, vector<16xf32>,
    }
    %scan3A_272 = arith.constant 128 : i32
    %dma_start3A_273 = arith.constant 3 : i32
    %dma_start3A_274 = arith.constant 0 : i32
    %dma_start3A_275 = tpu.memref_slice %arg8[%dma_start3A_273, %dma_start3A_274] : memref<80x128xi32, #tpu.memory_space<vmem>> -> memref<1x128xi32, #tpu.memory_space<vmem>>
    %dma_start3A_276 = tpu.memref_squeeze %dma_start3A_275 : memref<1x128xi32, #tpu.memory_space<vmem>> -> memref<128xi32, #tpu.memory_space<vmem>>
    %dma_start3A_277 = arith.constant 0 : i32
    %dma_start3A_278 = arith.constant 0 : i32
    %dma_start3A_279 = tpu.memref_slice %arg18[%dma_start3A_277, %dma_start3A_278] : memref<10240x64xf32, #tpu.memory_space<vmem_shared>> -> memref<10240x64xf32, #tpu.memory_space<vmem_shared>>
    tpu.enqueue_indirect_dma source(%arg16 : memref<128x64xf32, #tpu.memory_space<vmem>>) target(%dma_start3A_279 : memref<10240x64xf32, #tpu.memory_space<vmem_shared>>) offsets(%dma_start3A_276 : memref<128xi32, #tpu.memory_space<vmem>>) semaphore(%arg26 : memref<!tpu.dma_semaphore, #tpu.memory_space<semaphore_mem>>) {add = true}
    %scan3A_280 = arith.constant 0 : i32
    %scan3A_281 = arith.constant 1 : i32
    %scan3A_282 = arith.constant 19 : i32
    %scan3A_283 = arith.addi %scan3A_281, %scan3A_282 : i32
    %scan3A_284 = arith.constant 1 : i32
    scf.for %scan3A_316 = %scan3A_281 to %scan3A_283 step %scan3A_284  : i32 {
      %mul3A_317 = arith.constant 4 : i32
      %mul3A_318 = arith.muli %scan3A_316, %mul3A_317 : i32
      %add3A_319 = arith.constant 0 : i32
      %add3A_320 = arith.addi %mul3A_318, %add3A_319 : i32
      %dma_wait3A_321 = arith.constant 0 : i32
      %dma_wait3A_322 = arith.constant 0 : i32
      %dma_wait3A_323 = tpu.memref_slice %arg8[%dma_wait3A_321, %dma_wait3A_322] : memref<80x128xi32, #tpu.memory_space<vmem>> -> memref<1x128xi32, #tpu.memory_space<vmem>>
      %dma_wait3A_324 = tpu.memref_squeeze %dma_wait3A_323 : memref<1x128xi32, #tpu.memory_space<vmem>> -> memref<128xi32, #tpu.memory_space<vmem>>
      %dma_wait3A_325 = arith.constant 0 : i32
      %dma_wait3A_326 = arith.constant 0 : i32
      %dma_wait3A_327 = tpu.memref_slice %arg18[%dma_wait3A_325, %dma_wait3A_326] : memref<10240x64xf32, #tpu.memory_space<vmem_shared>> -> memref<10240x64xf32, #tpu.memory_space<vmem_shared>>
      tpu.wait_indirect_dma semaphore(%arg23 : memref<!tpu.dma_semaphore, #tpu.memory_space<semaphore_mem>>) src(%arg13 : memref<128x64xf32, #tpu.memory_space<vmem>>) dst(%dma_wait3A_327 : memref<10240x64xf32, #tpu.memory_space<vmem_shared>>)
      %dma_start3A_328 = arith.constant 0 : i32
      %dma_start3A_329 = tpu.memref_slice %arg7[%add3A_320, %dma_start3A_328] : memref<80x128xi32, #tpu.memory_space<vmem>> -> memref<1x128xi32, #tpu.memory_space<vmem>>
      %dma_start3A_330 = tpu.memref_squeeze %dma_start3A_329 : memref<1x128xi32, #tpu.memory_space<vmem>> -> memref<128xi32, #tpu.memory_space<vmem>>
      %dma_start3A_331 = arith.constant 0 : i32
      %dma_start3A_332 = arith.constant 0 : i32
      %dma_start3A_333 = tpu.memref_slice %arg17[%dma_start3A_331, %dma_start3A_332] : memref<10240x32xi32, #tpu.memory_space<vmem_shared>> -> memref<10240x32xi32, #tpu.memory_space<vmem_shared>>
      tpu.enqueue_indirect_dma source(%dma_start3A_333 : memref<10240x32xi32, #tpu.memory_space<vmem_shared>>) target(%arg9 : memref<128x32xi32, #tpu.memory_space<vmem>>) offsets(%dma_start3A_330 : memref<128xi32, #tpu.memory_space<vmem>>) semaphore(%arg19 : memref<!tpu.dma_semaphore, #tpu.memory_space<semaphore_mem>>)
      %mul3A_334 = arith.constant 4 : i32
      %mul3A_335 = arith.muli %scan3A_316, %mul3A_334 : i32
      %add3A_336 = arith.constant 1 : i32
      %add3A_337 = arith.addi %mul3A_335, %add3A_336 : i32
      %dma_wait3A_338 = arith.constant 0 : i32
      %dma_wait3A_339 = arith.constant 0 : i32
      %dma_wait3A_340 = tpu.memref_slice %arg8[%dma_wait3A_338, %dma_wait3A_339] : memref<80x128xi32, #tpu.memory_space<vmem>> -> memref<1x128xi32, #tpu.memory_space<vmem>>
      %dma_wait3A_341 = tpu.memref_squeeze %dma_wait3A_340 : memref<1x128xi32, #tpu.memory_space<vmem>> -> memref<128xi32, #tpu.memory_space<vmem>>
      %dma_wait3A_342 = arith.constant 0 : i32
      %dma_wait3A_343 = arith.constant 0 : i32
      %dma_wait3A_344 = tpu.memref_slice %arg18[%dma_wait3A_342, %dma_wait3A_343] : memref<10240x64xf32, #tpu.memory_space<vmem_shared>> -> memref<10240x64xf32, #tpu.memory_space<vmem_shared>>
      tpu.wait_indirect_dma semaphore(%arg24 : memref<!tpu.dma_semaphore, #tpu.memory_space<semaphore_mem>>) src(%arg14 : memref<128x64xf32, #tpu.memory_space<vmem>>) dst(%dma_wait3A_344 : memref<10240x64xf32, #tpu.memory_space<vmem_shared>>)
      %dma_start3A_345 = arith.constant 0 : i32
      %dma_start3A_346 = tpu.memref_slice %arg7[%add3A_337, %dma_start3A_345] : memref<80x128xi32, #tpu.memory_space<vmem>> -> memref<1x128xi32, #tpu.memory_space<vmem>>
      %dma_start3A_347 = tpu.memref_squeeze %dma_start3A_346 : memref<1x128xi32, #tpu.memory_space<vmem>> -> memref<128xi32, #tpu.memory_space<vmem>>
      %dma_start3A_348 = arith.constant 0 : i32
      %dma_start3A_349 = arith.constant 0 : i32
      %dma_start3A_350 = tpu.memref_slice %arg17[%dma_start3A_348, %dma_start3A_349] : memref<10240x32xi32, #tpu.memory_space<vmem_shared>> -> memref<10240x32xi32, #tpu.memory_space<vmem_shared>>
      tpu.enqueue_indirect_dma source(%dma_start3A_350 : memref<10240x32xi32, #tpu.memory_space<vmem_shared>>) target(%arg10 : memref<128x32xi32, #tpu.memory_space<vmem>>) offsets(%dma_start3A_347 : memref<128xi32, #tpu.memory_space<vmem>>) semaphore(%arg20 : memref<!tpu.dma_semaphore, #tpu.memory_space<semaphore_mem>>)
      %mul3A_351 = arith.constant 4 : i32
      %mul3A_352 = arith.muli %scan3A_316, %mul3A_351 : i32
      %add3A_353 = arith.constant 2 : i32
      %add3A_354 = arith.addi %mul3A_352, %add3A_353 : i32
      %dma_wait3A_355 = arith.constant 0 : i32
      %dma_wait3A_356 = arith.constant 0 : i32
      %dma_wait3A_357 = tpu.memref_slice %arg8[%dma_wait3A_355, %dma_wait3A_356] : memref<80x128xi32, #tpu.memory_space<vmem>> -> memref<1x128xi32, #tpu.memory_space<vmem>>
      %dma_wait3A_358 = tpu.memref_squeeze %dma_wait3A_357 : memref<1x128xi32, #tpu.memory_space<vmem>> -> memref<128xi32, #tpu.memory_space<vmem>>
      %dma_wait3A_359 = arith.constant 0 : i32
      %dma_wait3A_360 = arith.constant 0 : i32
      %dma_wait3A_361 = tpu.memref_slice %arg18[%dma_wait3A_359, %dma_wait3A_360] : memref<10240x64xf32, #tpu.memory_space<vmem_shared>> -> memref<10240x64xf32, #tpu.memory_space<vmem_shared>>
      tpu.wait_indirect_dma semaphore(%arg25 : memref<!tpu.dma_semaphore, #tpu.memory_space<semaphore_mem>>) src(%arg15 : memref<128x64xf32, #tpu.memory_space<vmem>>) dst(%dma_wait3A_361 : memref<10240x64xf32, #tpu.memory_space<vmem_shared>>)
      %dma_start3A_362 = arith.constant 0 : i32
      %dma_start3A_363 = tpu.memref_slice %arg7[%add3A_354, %dma_start3A_362] : memref<80x128xi32, #tpu.memory_space<vmem>> -> memref<1x128xi32, #tpu.memory_space<vmem>>
      %dma_start3A_364 = tpu.memref_squeeze %dma_start3A_363 : memref<1x128xi32, #tpu.memory_space<vmem>> -> memref<128xi32, #tpu.memory_space<vmem>>
      %dma_start3A_365 = arith.constant 0 : i32
      %dma_start3A_366 = arith.constant 0 : i32
      %dma_start3A_367 = tpu.memref_slice %arg17[%dma_start3A_365, %dma_start3A_366] : memref<10240x32xi32, #tpu.memory_space<vmem_shared>> -> memref<10240x32xi32, #tpu.memory_space<vmem_shared>>
      tpu.enqueue_indirect_dma source(%dma_start3A_367 : memref<10240x32xi32, #tpu.memory_space<vmem_shared>>) target(%arg11 : memref<128x32xi32, #tpu.memory_space<vmem>>) offsets(%dma_start3A_364 : memref<128xi32, #tpu.memory_space<vmem>>) semaphore(%arg21 : memref<!tpu.dma_semaphore, #tpu.memory_space<semaphore_mem>>)
      %mul3A_368 = arith.constant 4 : i32
      %mul3A_369 = arith.muli %scan3A_316, %mul3A_368 : i32
      %add3A_370 = arith.constant 3 : i32
      %add3A_371 = arith.addi %mul3A_369, %add3A_370 : i32
      %dma_wait3A_372 = arith.constant 0 : i32
      %dma_wait3A_373 = arith.constant 0 : i32
      %dma_wait3A_374 = tpu.memref_slice %arg8[%dma_wait3A_372, %dma_wait3A_373] : memref<80x128xi32, #tpu.memory_space<vmem>> -> memref<1x128xi32, #tpu.memory_space<vmem>>
      %dma_wait3A_375 = tpu.memref_squeeze %dma_wait3A_374 : memref<1x128xi32, #tpu.memory_space<vmem>> -> memref<128xi32, #tpu.memory_space<vmem>>
      %dma_wait3A_376 = arith.constant 0 : i32
      %dma_wait3A_377 = arith.constant 0 : i32
      %dma_wait3A_378 = tpu.memref_slice %arg18[%dma_wait3A_376, %dma_wait3A_377] : memref<10240x64xf32, #tpu.memory_space<vmem_shared>> -> memref<10240x64xf32, #tpu.memory_space<vmem_shared>>
      tpu.wait_indirect_dma semaphore(%arg26 : memref<!tpu.dma_semaphore, #tpu.memory_space<semaphore_mem>>) src(%arg16 : memref<128x64xf32, #tpu.memory_space<vmem>>) dst(%dma_wait3A_378 : memref<10240x64xf32, #tpu.memory_space<vmem_shared>>)
      %dma_start3A_379 = arith.constant 0 : i32
      %dma_start3A_380 = tpu.memref_slice %arg7[%add3A_371, %dma_start3A_379] : memref<80x128xi32, #tpu.memory_space<vmem>> -> memref<1x128xi32, #tpu.memory_space<vmem>>
      %dma_start3A_381 = tpu.memref_squeeze %dma_start3A_380 : memref<1x128xi32, #tpu.memory_space<vmem>> -> memref<128xi32, #tpu.memory_space<vmem>>
      %dma_start3A_382 = arith.constant 0 : i32
      %dma_start3A_383 = arith.constant 0 : i32
      %dma_start3A_384 = tpu.memref_slice %arg17[%dma_start3A_382, %dma_start3A_383] : memref<10240x32xi32, #tpu.memory_space<vmem_shared>> -> memref<10240x32xi32, #tpu.memory_space<vmem_shared>>
      tpu.enqueue_indirect_dma source(%dma_start3A_384 : memref<10240x32xi32, #tpu.memory_space<vmem_shared>>) target(%arg12 : memref<128x32xi32, #tpu.memory_space<vmem>>) offsets(%dma_start3A_381 : memref<128xi32, #tpu.memory_space<vmem>>) semaphore(%arg22 : memref<!tpu.dma_semaphore, #tpu.memory_space<semaphore_mem>>)
      %mul3A_385 = arith.constant 4 : i32
      %mul3A_386 = arith.muli %scan3A_316, %mul3A_385 : i32
      %add3A_387 = arith.constant 0 : i32
      %add3A_388 = arith.addi %mul3A_386, %add3A_387 : i32
      %dma_wait3A_389 = arith.constant 0 : i32
      %dma_wait3A_390 = arith.constant 0 : i32
      %dma_wait3A_391 = tpu.memref_slice %arg7[%dma_wait3A_389, %dma_wait3A_390] : memref<80x128xi32, #tpu.memory_space<vmem>> -> memref<1x128xi32, #tpu.memory_space<vmem>>
      %dma_wait3A_392 = tpu.memref_squeeze %dma_wait3A_391 : memref<1x128xi32, #tpu.memory_space<vmem>> -> memref<128xi32, #tpu.memory_space<vmem>>
      %dma_wait3A_393 = arith.constant 0 : i32
      %dma_wait3A_394 = arith.constant 0 : i32
      %dma_wait3A_395 = tpu.memref_slice %arg17[%dma_wait3A_393, %dma_wait3A_394] : memref<10240x32xi32, #tpu.memory_space<vmem_shared>> -> memref<10240x32xi32, #tpu.memory_space<vmem_shared>>
      tpu.wait_indirect_dma semaphore(%arg19 : memref<!tpu.dma_semaphore, #tpu.memory_space<semaphore_mem>>) src(%dma_wait3A_395 : memref<10240x32xi32, #tpu.memory_space<vmem_shared>>) dst(%arg9 : memref<128x32xi32, #tpu.memory_space<vmem>>)
      %scan3A_396 = arith.constant 0 : i32
      %scan3A_397 = arith.constant -65536 : i32
      %scan3A_398 = arith.constant 0 : i32
      %scan3A_399 = arith.constant 128 : i32
      %scan3A_400 = arith.addi %scan3A_398, %scan3A_399 : i32
      %scan3A_401 = arith.constant 1 : i32
      scf.for %scan3A_481 = %scan3A_398 to %scan3A_400 step %scan3A_401  : i32 {
        %get3A = arith.index_cast %scan3A_481 : i32 to index
        %get3A_482 = arith.constant 0 : index
        %get3A_483 = tpu.vector_load %arg9[%get3A, %get3A_482] {strides = array<i32>} : memref<128x32xi32, #tpu.memory_space<vmem>>, vector<16xi32>,
        %shift_left3A = arith.constant 16 : i32
        %shift_left3A_484 = vector.broadcast %shift_left3A : i32 to vector<16xi32>
        %shift_left3A_485 = arith.shli %get3A_483, %shift_left3A_484 : vector<16xi32>
        %bitcast3A = vector.bitcast %shift_left3A_485 : vector<16xi32> to vector<16xf32>
        %and3A = vector.broadcast %scan3A_397 : i32 to vector<16xi32>
        %and3A_486 = arith.andi %get3A_483, %and3A : vector<16xi32>
        %bitcast3A_487 = vector.bitcast %and3A_486 : vector<16xi32> to vector<16xf32>
        %swap3A = arith.index_cast %scan3A_481 : i32 to index
        %swap3A_488 = arith.constant 0 : index
        %swap3A_489 = tpu.vector_load %arg13[%swap3A, %swap3A_488] {strides = array<i32>} : memref<128x64xf32, #tpu.memory_space<vmem>>, vector<16xf32>,
        tpu.vector_store %arg13[%swap3A, %swap3A_488], %bitcast3A {strides = array<i32>} : memref<128x64xf32, #tpu.memory_space<vmem>>, vector<16xf32>,
        %swap3A_490 = arith.index_cast %scan3A_481 : i32 to index
        %swap3A_491 = arith.constant 16 : index
        %swap3A_492 = tpu.vector_load %arg13[%swap3A_490, %swap3A_491] {strides = array<i32>} : memref<128x64xf32, #tpu.memory_space<vmem>>, vector<16xf32>,
        tpu.vector_store %arg13[%swap3A_490, %swap3A_491], %bitcast3A_487 {strides = array<i32>} : memref<128x64xf32, #tpu.memory_space<vmem>>, vector<16xf32>,
        %get3A_493 = arith.index_cast %scan3A_481 : i32 to index
        %get3A_494 = arith.constant 16 : index
        %get3A_495 = tpu.vector_load %arg9[%get3A_493, %get3A_494] {strides = array<i32>} : memref<128x32xi32, #tpu.memory_space<vmem>>, vector<16xi32>,
        %shift_left3A_496 = arith.constant 16 : i32
        %shift_left3A_497 = vector.broadcast %shift_left3A_496 : i32 to vector<16xi32>
        %shift_left3A_498 = arith.shli %get3A_495, %shift_left3A_497 : vector<16xi32>
        %bitcast3A_499 = vector.bitcast %shift_left3A_498 : vector<16xi32> to vector<16xf32>
        %and3A_500 = vector.broadcast %scan3A_397 : i32 to vector<16xi32>
        %and3A_501 = arith.andi %get3A_495, %and3A_500 : vector<16xi32>
        %bitcast3A_502 = vector.bitcast %and3A_501 : vector<16xi32> to vector<16xf32>
        %swap3A_503 = arith.index_cast %scan3A_481 : i32 to index
        %swap3A_504 = arith.constant 32 : index
        %swap3A_505 = tpu.vector_load %arg13[%swap3A_503, %swap3A_504] {strides = array<i32>} : memref<128x64xf32, #tpu.memory_space<vmem>>, vector<16xf32>,
        tpu.vector_store %arg13[%swap3A_503, %swap3A_504], %bitcast3A_499 {strides = array<i32>} : memref<128x64xf32, #tpu.memory_space<vmem>>, vector<16xf32>,
        %swap3A_506 = arith.index_cast %scan3A_481 : i32 to index
        %swap3A_507 = arith.constant 48 : index
        %swap3A_508 = tpu.vector_load %arg13[%swap3A_506, %swap3A_507] {strides = array<i32>} : memref<128x64xf32, #tpu.memory_space<vmem>>, vector<16xf32>,
        tpu.vector_store %arg13[%swap3A_506, %swap3A_507], %bitcast3A_502 {strides = array<i32>} : memref<128x64xf32, #tpu.memory_space<vmem>>, vector<16xf32>,
      }
      %scan3A_402 = arith.constant 128 : i32
      %dma_start3A_403 = arith.constant 0 : i32
      %dma_start3A_404 = tpu.memref_slice %arg8[%add3A_388, %dma_start3A_403] : memref<80x128xi32, #tpu.memory_space<vmem>> -> memref<1x128xi32, #tpu.memory_space<vmem>>
      %dma_start3A_405 = tpu.memref_squeeze %dma_start3A_404 : memref<1x128xi32, #tpu.memory_space<vmem>> -> memref<128xi32, #tpu.memory_space<vmem>>
      %dma_start3A_406 = arith.constant 0 : i32
      %dma_start3A_407 = arith.constant 0 : i32
      %dma_start3A_408 = tpu.memref_slice %arg18[%dma_start3A_406, %dma_start3A_407] : memref<10240x64xf32, #tpu.memory_space<vmem_shared>> -> memref<10240x64xf32, #tpu.memory_space<vmem_shared>>
      tpu.enqueue_indirect_dma source(%arg13 : memref<128x64xf32, #tpu.memory_space<vmem>>) target(%dma_start3A_408 : memref<10240x64xf32, #tpu.memory_space<vmem_shared>>) offsets(%dma_start3A_405 : memref<128xi32, #tpu.memory_space<vmem>>) semaphore(%arg23 : memref<!tpu.dma_semaphore, #tpu.memory_space<semaphore_mem>>) {add = true}
      %mul3A_409 = arith.constant 4 : i32
      %mul3A_410 = arith.muli %scan3A_316, %mul3A_409 : i32
      %add3A_411 = arith.constant 1 : i32
      %add3A_412 = arith.addi %mul3A_410, %add3A_411 : i32
      %dma_wait3A_413 = arith.constant 0 : i32
      %dma_wait3A_414 = arith.constant 0 : i32
      %dma_wait3A_415 = tpu.memref_slice %arg7[%dma_wait3A_413, %dma_wait3A_414] : memref<80x128xi32, #tpu.memory_space<vmem>> -> memref<1x128xi32, #tpu.memory_space<vmem>>
      %dma_wait3A_416 = tpu.memref_squeeze %dma_wait3A_415 : memref<1x128xi32, #tpu.memory_space<vmem>> -> memref<128xi32, #tpu.memory_space<vmem>>
      %dma_wait3A_417 = arith.constant 0 : i32
      %dma_wait3A_418 = arith.constant 0 : i32
      %dma_wait3A_419 = tpu.memref_slice %arg17[%dma_wait3A_417, %dma_wait3A_418] : memref<10240x32xi32, #tpu.memory_space<vmem_shared>> -> memref<10240x32xi32, #tpu.memory_space<vmem_shared>>
      tpu.wait_indirect_dma semaphore(%arg20 : memref<!tpu.dma_semaphore, #tpu.memory_space<semaphore_mem>>) src(%dma_wait3A_419 : memref<10240x32xi32, #tpu.memory_space<vmem_shared>>) dst(%arg10 : memref<128x32xi32, #tpu.memory_space<vmem>>)
      %scan3A_420 = arith.constant 0 : i32
      %scan3A_421 = arith.constant -65536 : i32
      %scan3A_422 = arith.constant 0 : i32
      %scan3A_423 = arith.constant 128 : i32
      %scan3A_424 = arith.addi %scan3A_422, %scan3A_423 : i32
      %scan3A_425 = arith.constant 1 : i32
      scf.for %scan3A_481 = %scan3A_422 to %scan3A_424 step %scan3A_425  : i32 {
        %get3A = arith.index_cast %scan3A_481 : i32 to index
        %get3A_482 = arith.constant 0 : index
        %get3A_483 = tpu.vector_load %arg10[%get3A, %get3A_482] {strides = array<i32>} : memref<128x32xi32, #tpu.memory_space<vmem>>, vector<16xi32>,
        %shift_left3A = arith.constant 16 : i32
        %shift_left3A_484 = vector.broadcast %shift_left3A : i32 to vector<16xi32>
        %shift_left3A_485 = arith.shli %get3A_483, %shift_left3A_484 : vector<16xi32>
        %bitcast3A = vector.bitcast %shift_left3A_485 : vector<16xi32> to vector<16xf32>
        %and3A = vector.broadcast %scan3A_421 : i32 to vector<16xi32>
        %and3A_486 = arith.andi %get3A_483, %and3A : vector<16xi32>
        %bitcast3A_487 = vector.bitcast %and3A_486 : vector<16xi32> to vector<16xf32>
        %swap3A = arith.index_cast %scan3A_481 : i32 to index
        %swap3A_488 = arith.constant 0 : index
        %swap3A_489 = tpu.vector_load %arg14[%swap3A, %swap3A_488] {strides = array<i32>} : memref<128x64xf32, #tpu.memory_space<vmem>>, vector<16xf32>,
        tpu.vector_store %arg14[%swap3A, %swap3A_488], %bitcast3A {strides = array<i32>} : memref<128x64xf32, #tpu.memory_space<vmem>>, vector<16xf32>,
        %swap3A_490 = arith.index_cast %scan3A_481 : i32 to index
        %swap3A_491 = arith.constant 16 : index
        %swap3A_492 = tpu.vector_load %arg14[%swap3A_490, %swap3A_491] {strides = array<i32>} : memref<128x64xf32, #tpu.memory_space<vmem>>, vector<16xf32>,
        tpu.vector_store %arg14[%swap3A_490, %swap3A_491], %bitcast3A_487 {strides = array<i32>} : memref<128x64xf32, #tpu.memory_space<vmem>>, vector<16xf32>,
        %get3A_493 = arith.index_cast %scan3A_481 : i32 to index
        %get3A_494 = arith.constant 16 : index
        %get3A_495 = tpu.vector_load %arg10[%get3A_493, %get3A_494] {strides = array<i32>} : memref<128x32xi32, #tpu.memory_space<vmem>>, vector<16xi32>,
        %shift_left3A_496 = arith.constant 16 : i32
        %shift_left3A_497 = vector.broadcast %shift_left3A_496 : i32 to vector<16xi32>
        %shift_left3A_498 = arith.shli %get3A_495, %shift_left3A_497 : vector<16xi32>
        %bitcast3A_499 = vector.bitcast %shift_left3A_498 : vector<16xi32> to vector<16xf32>
        %and3A_500 = vector.broadcast %scan3A_421 : i32 to vector<16xi32>
        %and3A_501 = arith.andi %get3A_495, %and3A_500 : vector<16xi32>
        %bitcast3A_502 = vector.bitcast %and3A_501 : vector<16xi32> to vector<16xf32>
        %swap3A_503 = arith.index_cast %scan3A_481 : i32 to index
        %swap3A_504 = arith.constant 32 : index
        %swap3A_505 = tpu.vector_load %arg14[%swap3A_503, %swap3A_504] {strides = array<i32>} : memref<128x64xf32, #tpu.memory_space<vmem>>, vector<16xf32>,
        tpu.vector_store %arg14[%swap3A_503, %swap3A_504], %bitcast3A_499 {strides = array<i32>} : memref<128x64xf32, #tpu.memory_space<vmem>>, vector<16xf32>,
        %swap3A_506 = arith.index_cast %scan3A_481 : i32 to index
        %swap3A_507 = arith.constant 48 : index
        %swap3A_508 = tpu.vector_load %arg14[%swap3A_506, %swap3A_507] {strides = array<i32>} : memref<128x64xf32, #tpu.memory_space<vmem>>, vector<16xf32>,
        tpu.vector_store %arg14[%swap3A_506, %swap3A_507], %bitcast3A_502 {strides = array<i32>} : memref<128x64xf32, #tpu.memory_space<vmem>>, vector<16xf32>,
      }
      %scan3A_426 = arith.constant 128 : i32
      %dma_start3A_427 = arith.constant 0 : i32
      %dma_start3A_428 = tpu.memref_slice %arg8[%add3A_412, %dma_start3A_427] : memref<80x128xi32, #tpu.memory_space<vmem>> -> memref<1x128xi32, #tpu.memory_space<vmem>>
      %dma_start3A_429 = tpu.memref_squeeze %dma_start3A_428 : memref<1x128xi32, #tpu.memory_space<vmem>> -> memref<128xi32, #tpu.memory_space<vmem>>
      %dma_start3A_430 = arith.constant 0 : i32
      %dma_start3A_431 = arith.constant 0 : i32
      %dma_start3A_432 = tpu.memref_slice %arg18[%dma_start3A_430, %dma_start3A_431] : memref<10240x64xf32, #tpu.memory_space<vmem_shared>> -> memref<10240x64xf32, #tpu.memory_space<vmem_shared>>
      tpu.enqueue_indirect_dma source(%arg14 : memref<128x64xf32, #tpu.memory_space<vmem>>) target(%dma_start3A_432 : memref<10240x64xf32, #tpu.memory_space<vmem_shared>>) offsets(%dma_start3A_429 : memref<128xi32, #tpu.memory_space<vmem>>) semaphore(%arg24 : memref<!tpu.dma_semaphore, #tpu.memory_space<semaphore_mem>>) {add = true}
      %mul3A_433 = arith.constant 4 : i32
      %mul3A_434 = arith.muli %scan3A_316, %mul3A_433 : i32
      %add3A_435 = arith.constant 2 : i32
      %add3A_436 = arith.addi %mul3A_434, %add3A_435 : i32
      %dma_wait3A_437 = arith.constant 0 : i32
      %dma_wait3A_438 = arith.constant 0 : i32
      %dma_wait3A_439 = tpu.memref_slice %arg7[%dma_wait3A_437, %dma_wait3A_438] : memref<80x128xi32, #tpu.memory_space<vmem>> -> memref<1x128xi32, #tpu.memory_space<vmem>>
      %dma_wait3A_440 = tpu.memref_squeeze %dma_wait3A_439 : memref<1x128xi32, #tpu.memory_space<vmem>> -> memref<128xi32, #tpu.memory_space<vmem>>
      %dma_wait3A_441 = arith.constant 0 : i32
      %dma_wait3A_442 = arith.constant 0 : i32
      %dma_wait3A_443 = tpu.memref_slice %arg17[%dma_wait3A_441, %dma_wait3A_442] : memref<10240x32xi32, #tpu.memory_space<vmem_shared>> -> memref<10240x32xi32, #tpu.memory_space<vmem_shared>>
      tpu.wait_indirect_dma semaphore(%arg21 : memref<!tpu.dma_semaphore, #tpu.memory_space<semaphore_mem>>) src(%dma_wait3A_443 : memref<10240x32xi32, #tpu.memory_space<vmem_shared>>) dst(%arg11 : memref<128x32xi32, #tpu.memory_space<vmem>>)
      %scan3A_444 = arith.constant 0 : i32
      %scan3A_445 = arith.constant -65536 : i32
      %scan3A_446 = arith.constant 0 : i32
      %scan3A_447 = arith.constant 128 : i32
      %scan3A_448 = arith.addi %scan3A_446, %scan3A_447 : i32
      %scan3A_449 = arith.constant 1 : i32
      scf.for %scan3A_481 = %scan3A_446 to %scan3A_448 step %scan3A_449  : i32 {
        %get3A = arith.index_cast %scan3A_481 : i32 to index
        %get3A_482 = arith.constant 0 : index
        %get3A_483 = tpu.vector_load %arg11[%get3A, %get3A_482] {strides = array<i32>} : memref<128x32xi32, #tpu.memory_space<vmem>>, vector<16xi32>,
        %shift_left3A = arith.constant 16 : i32
        %shift_left3A_484 = vector.broadcast %shift_left3A : i32 to vector<16xi32>
        %shift_left3A_485 = arith.shli %get3A_483, %shift_left3A_484 : vector<16xi32>
        %bitcast3A = vector.bitcast %shift_left3A_485 : vector<16xi32> to vector<16xf32>
        %and3A = vector.broadcast %scan3A_445 : i32 to vector<16xi32>
        %and3A_486 = arith.andi %get3A_483, %and3A : vector<16xi32>
        %bitcast3A_487 = vector.bitcast %and3A_486 : vector<16xi32> to vector<16xf32>
        %swap3A = arith.index_cast %scan3A_481 : i32 to index
        %swap3A_488 = arith.constant 0 : index
        %swap3A_489 = tpu.vector_load %arg15[%swap3A, %swap3A_488] {strides = array<i32>} : memref<128x64xf32, #tpu.memory_space<vmem>>, vector<16xf32>,
        tpu.vector_store %arg15[%swap3A, %swap3A_488], %bitcast3A {strides = array<i32>} : memref<128x64xf32, #tpu.memory_space<vmem>>, vector<16xf32>,
        %swap3A_490 = arith.index_cast %scan3A_481 : i32 to index
        %swap3A_491 = arith.constant 16 : index
        %swap3A_492 = tpu.vector_load %arg15[%swap3A_490, %swap3A_491] {strides = array<i32>} : memref<128x64xf32, #tpu.memory_space<vmem>>, vector<16xf32>,
        tpu.vector_store %arg15[%swap3A_490, %swap3A_491], %bitcast3A_487 {strides = array<i32>} : memref<128x64xf32, #tpu.memory_space<vmem>>, vector<16xf32>,
        %get3A_493 = arith.index_cast %scan3A_481 : i32 to index
        %get3A_494 = arith.constant 16 : index
        %get3A_495 = tpu.vector_load %arg11[%get3A_493, %get3A_494] {strides = array<i32>} : memref<128x32xi32, #tpu.memory_space<vmem>>, vector<16xi32>,
        %shift_left3A_496 = arith.constant 16 : i32
        %shift_left3A_497 = vector.broadcast %shift_left3A_496 : i32 to vector<16xi32>
        %shift_left3A_498 = arith.shli %get3A_495, %shift_left3A_497 : vector<16xi32>
        %bitcast3A_499 = vector.bitcast %shift_left3A_498 : vector<16xi32> to vector<16xf32>
        %and3A_500 = vector.broadcast %scan3A_445 : i32 to vector<16xi32>
        %and3A_501 = arith.andi %get3A_495, %and3A_500 : vector<16xi32>
        %bitcast3A_502 = vector.bitcast %and3A_501 : vector<16xi32> to vector<16xf32>
        %swap3A_503 = arith.index_cast %scan3A_481 : i32 to index
        %swap3A_504 = arith.constant 32 : index
        %swap3A_505 = tpu.vector_load %arg15[%swap3A_503, %swap3A_504] {strides = array<i32>} : memref<128x64xf32, #tpu.memory_space<vmem>>, vector<16xf32>,
        tpu.vector_store %arg15[%swap3A_503, %swap3A_504], %bitcast3A_499 {strides = array<i32>} : memref<128x64xf32, #tpu.memory_space<vmem>>, vector<16xf32>,
        %swap3A_506 = arith.index_cast %scan3A_481 : i32 to index
        %swap3A_507 = arith.constant 48 : index
        %swap3A_508 = tpu.vector_load %arg15[%swap3A_506, %swap3A_507] {strides = array<i32>} : memref<128x64xf32, #tpu.memory_space<vmem>>, vector<16xf32>,
        tpu.vector_store %arg15[%swap3A_506, %swap3A_507], %bitcast3A_502 {strides = array<i32>} : memref<128x64xf32, #tpu.memory_space<vmem>>, vector<16xf32>,
      }
      %scan3A_450 = arith.constant 128 : i32
      %dma_start3A_451 = arith.constant 0 : i32
      %dma_start3A_452 = tpu.memref_slice %arg8[%add3A_436, %dma_start3A_451] : memref<80x128xi32, #tpu.memory_space<vmem>> -> memref<1x128xi32, #tpu.memory_space<vmem>>
      %dma_start3A_453 = tpu.memref_squeeze %dma_start3A_452 : memref<1x128xi32, #tpu.memory_space<vmem>> -> memref<128xi32, #tpu.memory_space<vmem>>
      %dma_start3A_454 = arith.constant 0 : i32
      %dma_start3A_455 = arith.constant 0 : i32
      %dma_start3A_456 = tpu.memref_slice %arg18[%dma_start3A_454, %dma_start3A_455] : memref<10240x64xf32, #tpu.memory_space<vmem_shared>> -> memref<10240x64xf32, #tpu.memory_space<vmem_shared>>
      tpu.enqueue_indirect_dma source(%arg15 : memref<128x64xf32, #tpu.memory_space<vmem>>) target(%dma_start3A_456 : memref<10240x64xf32, #tpu.memory_space<vmem_shared>>) offsets(%dma_start3A_453 : memref<128xi32, #tpu.memory_space<vmem>>) semaphore(%arg25 : memref<!tpu.dma_semaphore, #tpu.memory_space<semaphore_mem>>) {add = true}
      %mul3A_457 = arith.constant 4 : i32
      %mul3A_458 = arith.muli %scan3A_316, %mul3A_457 : i32
      %add3A_459 = arith.constant 3 : i32
      %add3A_460 = arith.addi %mul3A_458, %add3A_459 : i32
      %dma_wait3A_461 = arith.constant 0 : i32
      %dma_wait3A_462 = arith.constant 0 : i32
      %dma_wait3A_463 = tpu.memref_slice %arg7[%dma_wait3A_461, %dma_wait3A_462] : memref<80x128xi32, #tpu.memory_space<vmem>> -> memref<1x128xi32, #tpu.memory_space<vmem>>
      %dma_wait3A_464 = tpu.memref_squeeze %dma_wait3A_463 : memref<1x128xi32, #tpu.memory_space<vmem>> -> memref<128xi32, #tpu.memory_space<vmem>>
      %dma_wait3A_465 = arith.constant 0 : i32
      %dma_wait3A_466 = arith.constant 0 : i32
      %dma_wait3A_467 = tpu.memref_slice %arg17[%dma_wait3A_465, %dma_wait3A_466] : memref<10240x32xi32, #tpu.memory_space<vmem_shared>> -> memref<10240x32xi32, #tpu.memory_space<vmem_shared>>
      tpu.wait_indirect_dma semaphore(%arg22 : memref<!tpu.dma_semaphore, #tpu.memory_space<semaphore_mem>>) src(%dma_wait3A_467 : memref<10240x32xi32, #tpu.memory_space<vmem_shared>>) dst(%arg12 : memref<128x32xi32, #tpu.memory_space<vmem>>)
      %scan3A_468 = arith.constant 0 : i32
      %scan3A_469 = arith.constant -65536 : i32
      %scan3A_470 = arith.constant 0 : i32
      %scan3A_471 = arith.constant 128 : i32
      %scan3A_472 = arith.addi %scan3A_470, %scan3A_471 : i32
      %scan3A_473 = arith.constant 1 : i32
      scf.for %scan3A_481 = %scan3A_470 to %scan3A_472 step %scan3A_473  : i32 {
        %get3A = arith.index_cast %scan3A_481 : i32 to index
        %get3A_482 = arith.constant 0 : index
        %get3A_483 = tpu.vector_load %arg12[%get3A, %get3A_482] {strides = array<i32>} : memref<128x32xi32, #tpu.memory_space<vmem>>, vector<16xi32>,
        %shift_left3A = arith.constant 16 : i32
        %shift_left3A_484 = vector.broadcast %shift_left3A : i32 to vector<16xi32>
        %shift_left3A_485 = arith.shli %get3A_483, %shift_left3A_484 : vector<16xi32>
        %bitcast3A = vector.bitcast %shift_left3A_485 : vector<16xi32> to vector<16xf32>
        %and3A = vector.broadcast %scan3A_469 : i32 to vector<16xi32>
        %and3A_486 = arith.andi %get3A_483, %and3A : vector<16xi32>
        %bitcast3A_487 = vector.bitcast %and3A_486 : vector<16xi32> to vector<16xf32>
        %swap3A = arith.index_cast %scan3A_481 : i32 to index
        %swap3A_488 = arith.constant 0 : index
        %swap3A_489 = tpu.vector_load %arg16[%swap3A, %swap3A_488] {strides = array<i32>} : memref<128x64xf32, #tpu.memory_space<vmem>>, vector<16xf32>,
        tpu.vector_store %arg16[%swap3A, %swap3A_488], %bitcast3A {strides = array<i32>} : memref<128x64xf32, #tpu.memory_space<vmem>>, vector<16xf32>,
        %swap3A_490 = arith.index_cast %scan3A_481 : i32 to index
        %swap3A_491 = arith.constant 16 : index
        %swap3A_492 = tpu.vector_load %arg16[%swap3A_490, %swap3A_491] {strides = array<i32>} : memref<128x64xf32, #tpu.memory_space<vmem>>, vector<16xf32>,
        tpu.vector_store %arg16[%swap3A_490, %swap3A_491], %bitcast3A_487 {strides = array<i32>} : memref<128x64xf32, #tpu.memory_space<vmem>>, vector<16xf32>,
        %get3A_493 = arith.index_cast %scan3A_481 : i32 to index
        %get3A_494 = arith.constant 16 : index
        %get3A_495 = tpu.vector_load %arg12[%get3A_493, %get3A_494] {strides = array<i32>} : memref<128x32xi32, #tpu.memory_space<vmem>>, vector<16xi32>,
        %shift_left3A_496 = arith.constant 16 : i32
        %shift_left3A_497 = vector.broadcast %shift_left3A_496 : i32 to vector<16xi32>
        %shift_left3A_498 = arith.shli %get3A_495, %shift_left3A_497 : vector<16xi32>
        %bitcast3A_499 = vector.bitcast %shift_left3A_498 : vector<16xi32> to vector<16xf32>
        %and3A_500 = vector.broadcast %scan3A_469 : i32 to vector<16xi32>
        %and3A_501 = arith.andi %get3A_495, %and3A_500 : vector<16xi32>
        %bitcast3A_502 = vector.bitcast %and3A_501 : vector<16xi32> to vector<16xf32>
        %swap3A_503 = arith.index_cast %scan3A_481 : i32 to index
        %swap3A_504 = arith.constant 32 : index
        %swap3A_505 = tpu.vector_load %arg16[%swap3A_503, %swap3A_504] {strides = array<i32>} : memref<128x64xf32, #tpu.memory_space<vmem>>, vector<16xf32>,
        tpu.vector_store %arg16[%swap3A_503, %swap3A_504], %bitcast3A_499 {strides = array<i32>} : memref<128x64xf32, #tpu.memory_space<vmem>>, vector<16xf32>,
        %swap3A_506 = arith.index_cast %scan3A_481 : i32 to index
        %swap3A_507 = arith.constant 48 : index
        %swap3A_508 = tpu.vector_load %arg16[%swap3A_506, %swap3A_507] {strides = array<i32>} : memref<128x64xf32, #tpu.memory_space<vmem>>, vector<16xf32>,
        tpu.vector_store %arg16[%swap3A_506, %swap3A_507], %bitcast3A_502 {strides = array<i32>} : memref<128x64xf32, #tpu.memory_space<vmem>>, vector<16xf32>,
      }
      %scan3A_474 = arith.constant 128 : i32
      %dma_start3A_475 = arith.constant 0 : i32
      %dma_start3A_476 = tpu.memref_slice %arg8[%add3A_460, %dma_start3A_475] : memref<80x128xi32, #tpu.memory_space<vmem>> -> memref<1x128xi32, #tpu.memory_space<vmem>>
      %dma_start3A_477 = tpu.memref_squeeze %dma_start3A_476 : memref<1x128xi32, #tpu.memory_space<vmem>> -> memref<128xi32, #tpu.memory_space<vmem>>
      %dma_start3A_478 = arith.constant 0 : i32
      %dma_start3A_479 = arith.constant 0 : i32
      %dma_start3A_480 = tpu.memref_slice %arg18[%dma_start3A_478, %dma_start3A_479] : memref<10240x64xf32, #tpu.memory_space<vmem_shared>> -> memref<10240x64xf32, #tpu.memory_space<vmem_shared>>
      tpu.enqueue_indirect_dma source(%arg16 : memref<128x64xf32, #tpu.memory_space<vmem>>) target(%dma_start3A_480 : memref<10240x64xf32, #tpu.memory_space<vmem_shared>>) offsets(%dma_start3A_477 : memref<128xi32, #tpu.memory_space<vmem>>) semaphore(%arg26 : memref<!tpu.dma_semaphore, #tpu.memory_space<semaphore_mem>>) {add = true}
    }
    %scan3A_285 = arith.constant 19 : i32
    %dma_wait3A_286 = arith.constant 0 : i32
    %dma_wait3A_287 = arith.constant 0 : i32
    %dma_wait3A_288 = tpu.memref_slice %arg8[%dma_wait3A_286, %dma_wait3A_287] : memref<80x128xi32, #tpu.memory_space<vmem>> -> memref<1x128xi32, #tpu.memory_space<vmem>>
    %dma_wait3A_289 = tpu.memref_squeeze %dma_wait3A_288 : memref<1x128xi32, #tpu.memory_space<vmem>> -> memref<128xi32, #tpu.memory_space<vmem>>
    %dma_wait3A_290 = arith.constant 0 : i32
    %dma_wait3A_291 = arith.constant 0 : i32
    %dma_wait3A_292 = tpu.memref_slice %arg18[%dma_wait3A_290, %dma_wait3A_291] : memref<10240x64xf32, #tpu.memory_space<vmem_shared>> -> memref<10240x64xf32, #tpu.memory_space<vmem_shared>>
    tpu.wait_indirect_dma semaphore(%arg23 : memref<!tpu.dma_semaphore, #tpu.memory_space<semaphore_mem>>) src(%arg13 : memref<128x64xf32, #tpu.memory_space<vmem>>) dst(%dma_wait3A_292 : memref<10240x64xf32, #tpu.memory_space<vmem_shared>>)
    %dma_wait3A_293 = arith.constant 0 : i32
    %dma_wait3A_294 = arith.constant 0 : i32
    %dma_wait3A_295 = tpu.memref_slice %arg8[%dma_wait3A_293, %dma_wait3A_294] : memref<80x128xi32, #tpu.memory_space<vmem>> -> memref<1x128xi32, #tpu.memory_space<vmem>>
    %dma_wait3A_296 = tpu.memref_squeeze %dma_wait3A_295 : memref<1x128xi32, #tpu.memory_space<vmem>> -> memref<128xi32, #tpu.memory_space<vmem>>
    %dma_wait3A_297 = arith.constant 0 : i32
    %dma_wait3A_298 = arith.constant 0 : i32
    %dma_wait3A_299 = tpu.memref_slice %arg18[%dma_wait3A_297, %dma_wait3A_298] : memref<10240x64xf32, #tpu.memory_space<vmem_shared>> -> memref<10240x64xf32, #tpu.memory_space<vmem_shared>>
    tpu.wait_indirect_dma semaphore(%arg24 : memref<!tpu.dma_semaphore, #tpu.memory_space<semaphore_mem>>) src(%arg14 : memref<128x64xf32, #tpu.memory_space<vmem>>) dst(%dma_wait3A_299 : memref<10240x64xf32, #tpu.memory_space<vmem_shared>>)
    %dma_wait3A_300 = arith.constant 0 : i32
    %dma_wait3A_301 = arith.constant 0 : i32
    %dma_wait3A_302 = tpu.memref_slice %arg8[%dma_wait3A_300, %dma_wait3A_301] : memref<80x128xi32, #tpu.memory_space<vmem>> -> memref<1x128xi32, #tpu.memory_space<vmem>>
    %dma_wait3A_303 = tpu.memref_squeeze %dma_wait3A_302 : memref<1x128xi32, #tpu.memory_space<vmem>> -> memref<128xi32, #tpu.memory_space<vmem>>
    %dma_wait3A_304 = arith.constant 0 : i32
    %dma_wait3A_305 = arith.constant 0 : i32
    %dma_wait3A_306 = tpu.memref_slice %arg18[%dma_wait3A_304, %dma_wait3A_305] : memref<10240x64xf32, #tpu.memory_space<vmem_shared>> -> memref<10240x64xf32, #tpu.memory_space<vmem_shared>>
    tpu.wait_indirect_dma semaphore(%arg25 : memref<!tpu.dma_semaphore, #tpu.memory_space<semaphore_mem>>) src(%arg15 : memref<128x64xf32, #tpu.memory_space<vmem>>) dst(%dma_wait3A_306 : memref<10240x64xf32, #tpu.memory_space<vmem_shared>>)
    %dma_wait3A_307 = arith.constant 0 : i32
    %dma_wait3A_308 = arith.constant 0 : i32
    %dma_wait3A_309 = tpu.memref_slice %arg8[%dma_wait3A_307, %dma_wait3A_308] : memref<80x128xi32, #tpu.memory_space<vmem>> -> memref<1x128xi32, #tpu.memory_space<vmem>>
    %dma_wait3A_310 = tpu.memref_squeeze %dma_wait3A_309 : memref<1x128xi32, #tpu.memory_space<vmem>> -> memref<128xi32, #tpu.memory_space<vmem>>
    %dma_wait3A_311 = arith.constant 0 : i32
    %dma_wait3A_312 = arith.constant 0 : i32
    %dma_wait3A_313 = tpu.memref_slice %arg18[%dma_wait3A_311, %dma_wait3A_312] : memref<10240x64xf32, #tpu.memory_space<vmem_shared>> -> memref<10240x64xf32, #tpu.memory_space<vmem_shared>>
    tpu.wait_indirect_dma semaphore(%arg26 : memref<!tpu.dma_semaphore, #tpu.memory_space<semaphore_mem>>) src(%arg16 : memref<128x64xf32, #tpu.memory_space<vmem>>) dst(%dma_wait3A_313 : memref<10240x64xf32, #tpu.memory_space<vmem_shared>>)
    %barrier3A_314 = arith.constant 0 : index
    tpu.barrier barrier_id(%barrier3A_314)
    %run_scoped3A_315 = arith.constant 1 : i32
    "tpu.region"() ({
      %run_scoped3A_316 = tpu.sem_alloc : memref<!tpu.dma_semaphore, #tpu.memory_space<semaphore_mem>>
      %dma_start3A_317 = arith.constant 0 : i32
      %dma_start3A_318 = arith.constant 0 : i32
      %dma_start3A_319 = tpu.memref_slice %arg6[%run_scoped3A_315, %arg0, %dma_start3A_317, %dma_start3A_318] : memref<2x2x10240x64xf32, #tpu.memory_space<hbm>> -> memref<1x1x10240x64xf32, #tpu.memory_space<hbm>>
      %dma_start3A_320 = tpu.memref_squeeze %dma_start3A_319 : memref<1x1x10240x64xf32, #tpu.memory_space<hbm>> -> memref<10240x64xf32, #tpu.memory_space<hbm>>
      %dma_start3A_321 = arith.constant 0 : i32
      %dma_start3A_322 = tpu.memref_slice %dma_start3A_320[%mul3A_2, %dma_start3A_321] : memref<10240x64xf32, #tpu.memory_space<hbm>> -> memref<640x64xf32, #tpu.memory_space<hbm>>
      %dma_start3A_323 = arith.constant 0 : i32
      %dma_start3A_324 = tpu.memref_slice %arg18[%mul3A_2, %dma_start3A_323] : memref<10240x64xf32, #tpu.memory_space<vmem_shared>> -> memref<640x64xf32, #tpu.memory_space<vmem_shared>>
      tpu.enqueue_dma source(%dma_start3A_324 : memref<640x64xf32, #tpu.memory_space<vmem_shared>>) target(%dma_start3A_322 : memref<640x64xf32, #tpu.memory_space<hbm>>) target_semaphore(%run_scoped3A_316 : memref<!tpu.dma_semaphore, #tpu.memory_space<semaphore_mem>>)
      %dma_wait3A_325 = arith.constant 0 : i32
      %dma_wait3A_326 = arith.constant 0 : i32
      %dma_wait3A_327 = tpu.memref_slice %arg6[%run_scoped3A_315, %arg0, %dma_wait3A_325, %dma_wait3A_326] : memref<2x2x10240x64xf32, #tpu.memory_space<hbm>> -> memref<1x1x10240x64xf32, #tpu.memory_space<hbm>>
      %dma_wait3A_328 = tpu.memref_squeeze %dma_wait3A_327 : memref<1x1x10240x64xf32, #tpu.memory_space<hbm>> -> memref<10240x64xf32, #tpu.memory_space<hbm>>
      %dma_wait3A_329 = arith.constant 0 : i32
      %dma_wait3A_330 = tpu.memref_slice %dma_wait3A_328[%mul3A_2, %dma_wait3A_329] : memref<10240x64xf32, #tpu.memory_space<hbm>> -> memref<640x64xf32, #tpu.memory_space<hbm>>
      %dma_wait3A_331 = arith.constant 0 : i32
      %dma_wait3A_332 = tpu.memref_slice %arg18[%mul3A_2, %dma_wait3A_331] : memref<10240x64xf32, #tpu.memory_space<vmem_shared>> -> memref<640x64xf32, #tpu.memory_space<vmem_shared>>
      tpu.wait_dma2 semaphore(%run_scoped3A_316 : memref<!tpu.dma_semaphore, #tpu.memory_space<semaphore_mem>>) src(%dma_wait3A_332 : memref<640x64xf32, #tpu.memory_space<vmem_shared>>) dst(%dma_wait3A_330 : memref<640x64xf32, #tpu.memory_space<hbm>>)
      tpu.yield
    }) : () -> ()
    return
  }
}

module attributes {stable_mosaic.version = 14 : i64} {
  func.func @_dense1_body(%arg0: i32, %arg1: memref<640x128xf32, #tpu.memory_space<vmem>>, %arg2: memref<128x128xf32, #tpu.memory_space<vmem>>, %arg3: memref<128x128xf32, #tpu.memory_space<vmem>>, %arg4: memref<1x128xf32, #tpu.memory_space<vmem>>, %arg5: memref<2x640x64xbf16, #tpu.memory_space<vmem>>, %arg6: memref<640x128xf32, #tpu.memory_space<vmem>>) attributes {dimension_semantics = [#tpu.dimension_semantics<arbitrary>], iteration_bounds = array<i64: 16>, scalar_prefetch = 0 : i64, scratch_operands = 0 : i64, tpu.core_type = #tpu.core_type<tc>, window_params = [{transform_indices = @transform_0, window_bounds = array<i64: 640, 128>}, {pipeline_mode = #tpu.pipeline_mode<synchronous>, transform_indices = @transform_1, window_bounds = array<i64: 128, 128>}, {pipeline_mode = #tpu.pipeline_mode<synchronous>, transform_indices = @transform_2, window_bounds = array<i64: 128, 128>}, {pipeline_mode = #tpu.pipeline_mode<synchronous>, transform_indices = @transform_3, window_bounds = array<i64: 1, 128>}, {transform_indices = @transform_4, window_bounds = array<i64: 2, 640, 64>}, {transform_indices = @transform_5, window_bounds = array<i64: 640, 128>}]} {
    %get3A = arith.constant 0 : index
    %get3A_0 = arith.constant 0 : index
    %get3A_1 = vector.load %arg1[%get3A, %get3A_0] : memref<640x128xf32, #tpu.memory_space<vmem>>, vector<640x128xf32>
    %get3A_2 = arith.constant 0 : index
    %get3A_3 = arith.constant 0 : index
    %get3A_4 = vector.load %arg2[%get3A_2, %get3A_3] : memref<128x128xf32, #tpu.memory_space<vmem>>, vector<128x128xf32>
    %dot_general3A = arith.constant dense<0.000000e+00> : vector<640x128xf32>
    %dot_general3A_5 = tpu.matmul %get3A_1, %get3A_4, %dot_general3A {dimension_numbers = #tpu.dot_dimension_numbers<[1], [0], [0], [1], [0, 0, 1, 1], [], []>, transpose_lhs_hint = false} : vector<640x128xf32>, vector<128x128xf32>, vector<640x128xf32> -> vector<640x128xf32>
    %convert_element_type3A = arith.truncf %dot_general3A_5 : vector<640x128xf32> to vector<640x128xbf16>
    %slice3A = vector.extract_strided_slice %convert_element_type3A {offsets = [0, 0], sizes = [640, 64], strides = [1, 1]} : vector<640x128xbf16> to vector<640x64xbf16>
    %swap3A = arith.constant 0 : index
    %swap3A_6 = arith.constant 0 : index
    %swap3A_7 = arith.constant 0 : index
    %swap3A_8 = vector.load %arg5[%swap3A, %swap3A_6, %swap3A_7] : memref<2x640x64xbf16, #tpu.memory_space<vmem>>, vector<1x640x64xbf16>
    %swap3A_9 = vector.shape_cast %swap3A_8 : vector<1x640x64xbf16> to vector<640x64xbf16>
    %swap3A_10 = vector.shape_cast %slice3A : vector<640x64xbf16> to vector<1x640x64xbf16>
    tpu.vector_store %arg5[%swap3A, %swap3A_6, %swap3A_7], %swap3A_10 {strides = array<i32>} : memref<2x640x64xbf16, #tpu.memory_space<vmem>>, vector<1x640x64xbf16>,
    %slice3A_11 = vector.extract_strided_slice %convert_element_type3A {offsets = [0, 64], sizes = [640, 64], strides = [1, 1]} : vector<640x128xbf16> to vector<640x64xbf16>
    %swap3A_12 = arith.constant 1 : index
    %swap3A_13 = arith.constant 0 : index
    %swap3A_14 = arith.constant 0 : index
    %swap3A_15 = vector.load %arg5[%swap3A_12, %swap3A_13, %swap3A_14] : memref<2x640x64xbf16, #tpu.memory_space<vmem>>, vector<1x640x64xbf16>
    %swap3A_16 = vector.shape_cast %swap3A_15 : vector<1x640x64xbf16> to vector<640x64xbf16>
    %swap3A_17 = vector.shape_cast %slice3A_11 : vector<640x64xbf16> to vector<1x640x64xbf16>
    tpu.vector_store %arg5[%swap3A_12, %swap3A_13, %swap3A_14], %swap3A_17 {strides = array<i32>} : memref<2x640x64xbf16, #tpu.memory_space<vmem>>, vector<1x640x64xbf16>,
    %get3A_18 = arith.constant 0 : index
    %get3A_19 = arith.constant 0 : index
    %get3A_20 = vector.load %arg3[%get3A_18, %get3A_19] : memref<128x128xf32, #tpu.memory_space<vmem>>, vector<128x128xf32>
    %dot_general3A_21 = arith.constant dense<0.000000e+00> : vector<640x128xf32>
    %dot_general3A_22 = tpu.matmul %get3A_1, %get3A_20, %dot_general3A_21 {dimension_numbers = #tpu.dot_dimension_numbers<[1], [0], [0], [1], [0, 0, 1, 1], [], []>, transpose_lhs_hint = false} : vector<640x128xf32>, vector<128x128xf32>, vector<640x128xf32> -> vector<640x128xf32>
    %get3A_23 = arith.constant 0 : index
    %get3A_24 = arith.constant 0 : index
    %get3A_25 = vector.load %arg4[%get3A_23, %get3A_24] : memref<1x128xf32, #tpu.memory_space<vmem>>, vector<1x128xf32>
    %add3A = vector.broadcast %get3A_25 : vector<1x128xf32> to vector<640x128xf32>
    %add3A_26 = arith.addf %dot_general3A_22, %add3A : vector<640x128xf32>
    %swap3A_27 = arith.constant 0 : index
    %swap3A_28 = arith.constant 0 : index
    %swap3A_29 = vector.load %arg6[%swap3A_27, %swap3A_28] : memref<640x128xf32, #tpu.memory_space<vmem>>, vector<640x128xf32>
    tpu.vector_store %arg6[%swap3A_27, %swap3A_28], %add3A_26 {strides = array<i32>} : memref<640x128xf32, #tpu.memory_space<vmem>>, vector<640x128xf32>,
    return
  }
  func.func @transform_0(%arg0: i32) -> (i32, i32) {
    %c0_i32 = arith.constant 0 : i32
    %c0_i32_0 = arith.constant 0 : i32
    return %arg0, %c0_i32 : i32, i32
  }
  func.func @transform_1(%arg0: i32) -> (i32, i32) {
    %c0_i32 = arith.constant 0 : i32
    %c0_i32_0 = arith.constant 0 : i32
    %c0_i32_1 = arith.constant 0 : i32
    return %c0_i32, %c0_i32_0 : i32, i32
  }
  func.func @transform_2(%arg0: i32) -> (i32, i32) {
    %c0_i32 = arith.constant 0 : i32
    %c0_i32_0 = arith.constant 0 : i32
    %c0_i32_1 = arith.constant 0 : i32
    return %c0_i32, %c0_i32_0 : i32, i32
  }
  func.func @transform_3(%arg0: i32) -> (i32, i32) {
    %c0_i32 = arith.constant 0 : i32
    %c0_i32_0 = arith.constant 0 : i32
    %c0_i32_1 = arith.constant 0 : i32
    return %c0_i32, %c0_i32_0 : i32, i32
  }
  func.func @transform_4(%arg0: i32) -> (i32, i32, i32) {
    %c0_i32 = arith.constant 0 : i32
    %c0_i32_0 = arith.constant 0 : i32
    %c0_i32_1 = arith.constant 0 : i32
    return %c0_i32, %arg0, %c0_i32_0 : i32, i32, i32
  }
  func.func @transform_5(%arg0: i32) -> (i32, i32) {
    %c0_i32 = arith.constant 0 : i32
    %c0_i32_0 = arith.constant 0 : i32
    return %arg0, %c0_i32 : i32, i32
  }
}

module attributes {stable_mosaic.version = 14 : i64} {
  func.func @_dense2a_body(%arg0: i32, %arg1: memref<2x2x640x64xf32, #tpu.memory_space<vmem>>, %arg2: memref<2x640xf32, #tpu.memory_space<vmem>>, %arg3: memref<640x128xf32, #tpu.memory_space<vmem>>, %arg4: memref<128x64xf32, #tpu.memory_space<vmem>>, %arg5: memref<640x64xbf16, #tpu.memory_space<vmem>>) attributes {dimension_semantics = [#tpu.dimension_semantics<arbitrary>], iteration_bounds = array<i64: 16>, scalar_prefetch = 0 : i64, scratch_operands = 0 : i64, tpu.core_type = #tpu.core_type<tc>, window_params = [{transform_indices = @transform_0, window_bounds = array<i64: 2, 2, 640, 64>}, {transform_indices = @transform_1, window_bounds = array<i64: 2, 640>}, {transform_indices = @transform_2, window_bounds = array<i64: 640, 128>}, {pipeline_mode = #tpu.pipeline_mode<synchronous>, transform_indices = @transform_3, window_bounds = array<i64: 128, 64>}, {transform_indices = @transform_4, window_bounds = array<i64: 640, 64>}]} {
    %get3A = arith.constant 0 : index
    %get3A_0 = arith.constant 0 : index
    %get3A_1 = arith.constant 0 : index
    %get3A_2 = arith.constant 0 : index
    %get3A_3 = vector.load %arg1[%get3A, %get3A_0, %get3A_1, %get3A_2] : memref<2x2x640x64xf32, #tpu.memory_space<vmem>>, vector<1x1x640x64xf32>
    %get3A_4 = vector.shape_cast %get3A_3 : vector<1x1x640x64xf32> to vector<640x64xf32>
    %get3A_5 = arith.constant 0 : index
    %get3A_6 = arith.constant 1 : index
    %get3A_7 = arith.constant 0 : index
    %get3A_8 = arith.constant 0 : index
    %get3A_9 = vector.load %arg1[%get3A_5, %get3A_6, %get3A_7, %get3A_8] : memref<2x2x640x64xf32, #tpu.memory_space<vmem>>, vector<1x1x640x64xf32>
    %get3A_10 = vector.shape_cast %get3A_9 : vector<1x1x640x64xf32> to vector<640x64xf32>
    %add3A = arith.addf %get3A_4, %get3A_10 : vector<640x64xf32>
    %get3A_11 = arith.constant 1 : index
    %get3A_12 = arith.constant 0 : index
    %get3A_13 = arith.constant 0 : index
    %get3A_14 = arith.constant 0 : index
    %get3A_15 = vector.load %arg1[%get3A_11, %get3A_12, %get3A_13, %get3A_14] : memref<2x2x640x64xf32, #tpu.memory_space<vmem>>, vector<1x1x640x64xf32>
    %get3A_16 = vector.shape_cast %get3A_15 : vector<1x1x640x64xf32> to vector<640x64xf32>
    %get3A_17 = arith.constant 1 : index
    %get3A_18 = arith.constant 1 : index
    %get3A_19 = arith.constant 0 : index
    %get3A_20 = arith.constant 0 : index
    %get3A_21 = vector.load %arg1[%get3A_17, %get3A_18, %get3A_19, %get3A_20] : memref<2x2x640x64xf32, #tpu.memory_space<vmem>>, vector<1x1x640x64xf32>
    %get3A_22 = vector.shape_cast %get3A_21 : vector<1x1x640x64xf32> to vector<640x64xf32>
    %add3A_23 = arith.addf %get3A_16, %get3A_22 : vector<640x64xf32>
    %concatenate3A = tpu.concatenate %add3A, %add3A_23 in 1 : vector<640x64xf32>, vector<640x64xf32> -> vector<640x128xf32>
    %get3A_24 = arith.constant 0 : index
    %get3A_25 = arith.constant 0 : index
    %get3A_26 = vector.load %arg2[%get3A_24, %get3A_25] : memref<2x640xf32, #tpu.memory_space<vmem>>, vector<1x640xf32>
    %get3A_27 = vector.shape_cast %get3A_26 : vector<1x640xf32> to vector<640xf32>
    %get3A_28 = arith.constant 1 : index
    %get3A_29 = arith.constant 0 : index
    %get3A_30 = vector.load %arg2[%get3A_28, %get3A_29] : memref<2x640xf32, #tpu.memory_space<vmem>>, vector<1x640xf32>
    %get3A_31 = vector.shape_cast %get3A_30 : vector<1x640xf32> to vector<640xf32>
    %add3A_32 = arith.addf %get3A_27, %get3A_31 : vector<640xf32>
    %max3A = arith.constant 1.000000e+00 : f32
    %max3A_33 = vector.broadcast %max3A : f32 to vector<640xf32>
    %max3A_34 = arith.maximumf %add3A_32, %max3A_33 : vector<640xf32>
    %div3A = arith.constant 1.000000e+00 : f32
    %div3A_35 = vector.broadcast %div3A : f32 to vector<640xf32>
    %div3A_36 = arith.divf %div3A_35, %max3A_34 : vector<640xf32>
    %broadcast_in_dim3A = vector.shape_cast %div3A_36 : vector<640xf32> to vector<640x1xf32>
    %mul3A = vector.broadcast %broadcast_in_dim3A : vector<640x1xf32> to vector<640x128xf32>
    %mul3A_37 = arith.mulf %concatenate3A, %mul3A : vector<640x128xf32>
    %get3A_38 = arith.constant 0 : index
    %get3A_39 = arith.constant 0 : index
    %get3A_40 = vector.load %arg3[%get3A_38, %get3A_39] : memref<640x128xf32, #tpu.memory_space<vmem>>, vector<640x128xf32>
    %add3A_41 = arith.addf %mul3A_37, %get3A_40 : vector<640x128xf32>
    %max3A_42 = arith.constant 0.000000e+00 : f32
    %max3A_43 = vector.broadcast %max3A_42 : f32 to vector<640x128xf32>
    %max3A_44 = arith.maximumf %add3A_41, %max3A_43 : vector<640x128xf32>
    %get3A_45 = arith.constant 0 : index
    %get3A_46 = arith.constant 0 : index
    %get3A_47 = vector.load %arg4[%get3A_45, %get3A_46] : memref<128x64xf32, #tpu.memory_space<vmem>>, vector<128x64xf32>
    %dot_general3A = arith.constant dense<0.000000e+00> : vector<640x64xf32>
    %dot_general3A_48 = tpu.matmul %max3A_44, %get3A_47, %dot_general3A {dimension_numbers = #tpu.dot_dimension_numbers<[1], [0], [0], [1], [0, 0, 1, 1], [], []>, transpose_lhs_hint = false} : vector<640x128xf32>, vector<128x64xf32>, vector<640x64xf32> -> vector<640x64xf32>
    %convert_element_type3A = arith.truncf %dot_general3A_48 : vector<640x64xf32> to vector<640x64xbf16>
    %swap3A = arith.constant 0 : index
    %swap3A_49 = arith.constant 0 : index
    %swap3A_50 = vector.load %arg5[%swap3A, %swap3A_49] : memref<640x64xbf16, #tpu.memory_space<vmem>>, vector<640x64xbf16>
    tpu.vector_store %arg5[%swap3A, %swap3A_49], %convert_element_type3A {strides = array<i32>} : memref<640x64xbf16, #tpu.memory_space<vmem>>, vector<640x64xbf16>,
    return
  }
  func.func @transform_0(%arg0: i32) -> (i32, i32, i32, i32) {
    %c0_i32 = arith.constant 0 : i32
    %c0_i32_0 = arith.constant 0 : i32
    %c0_i32_1 = arith.constant 0 : i32
    %c0_i32_2 = arith.constant 0 : i32
    return %c0_i32, %c0_i32_0, %arg0, %c0_i32_1 : i32, i32, i32, i32
  }
  func.func @transform_1(%arg0: i32) -> (i32, i32) {
    %c0_i32 = arith.constant 0 : i32
    %c0_i32_0 = arith.constant 0 : i32
    return %c0_i32, %arg0 : i32, i32
  }
  func.func @transform_2(%arg0: i32) -> (i32, i32) {
    %c0_i32 = arith.constant 0 : i32
    %c0_i32_0 = arith.constant 0 : i32
    return %arg0, %c0_i32 : i32, i32
  }
  func.func @transform_3(%arg0: i32) -> (i32, i32) {
    %c0_i32 = arith.constant 0 : i32
    %c0_i32_0 = arith.constant 0 : i32
    %c0_i32_1 = arith.constant 0 : i32
    return %c0_i32, %c0_i32_0 : i32, i32
  }
  func.func @transform_4(%arg0: i32) -> (i32, i32) {
    %c0_i32 = arith.constant 0 : i32
    %c0_i32_0 = arith.constant 0 : i32
    return %arg0, %c0_i32 : i32, i32
  }
}

module attributes {stable_mosaic.version = 14 : i64} {
  func.func @_dense2b_body(%arg0: i32, %arg1: memref<2x2x640x64xf32, #tpu.memory_space<vmem>>, %arg2: memref<2x640xf32, #tpu.memory_space<vmem>>, %arg3: memref<640x128xf32, #tpu.memory_space<vmem>>, %arg4: memref<128x64xf32, #tpu.memory_space<vmem>>, %arg5: memref<1x64xf32, #tpu.memory_space<vmem>>, %arg6: memref<640x64xf32, #tpu.memory_space<vmem>>) attributes {dimension_semantics = [#tpu.dimension_semantics<arbitrary>], iteration_bounds = array<i64: 16>, scalar_prefetch = 0 : i64, scratch_operands = 0 : i64, tpu.core_type = #tpu.core_type<tc>, window_params = [{transform_indices = @transform_0, window_bounds = array<i64: 2, 2, 640, 64>}, {transform_indices = @transform_1, window_bounds = array<i64: 2, 640>}, {transform_indices = @transform_2, window_bounds = array<i64: 640, 128>}, {pipeline_mode = #tpu.pipeline_mode<synchronous>, transform_indices = @transform_3, window_bounds = array<i64: 128, 64>}, {pipeline_mode = #tpu.pipeline_mode<synchronous>, transform_indices = @transform_4, window_bounds = array<i64: 1, 64>}, {transform_indices = @transform_5, window_bounds = array<i64: 640, 64>}]} {
    %get3A = arith.constant 0 : index
    %get3A_0 = arith.constant 0 : index
    %get3A_1 = arith.constant 0 : index
    %get3A_2 = arith.constant 0 : index
    %get3A_3 = vector.load %arg1[%get3A, %get3A_0, %get3A_1, %get3A_2] : memref<2x2x640x64xf32, #tpu.memory_space<vmem>>, vector<1x1x640x64xf32>
    %get3A_4 = vector.shape_cast %get3A_3 : vector<1x1x640x64xf32> to vector<640x64xf32>
    %get3A_5 = arith.constant 0 : index
    %get3A_6 = arith.constant 1 : index
    %get3A_7 = arith.constant 0 : index
    %get3A_8 = arith.constant 0 : index
    %get3A_9 = vector.load %arg1[%get3A_5, %get3A_6, %get3A_7, %get3A_8] : memref<2x2x640x64xf32, #tpu.memory_space<vmem>>, vector<1x1x640x64xf32>
    %get3A_10 = vector.shape_cast %get3A_9 : vector<1x1x640x64xf32> to vector<640x64xf32>
    %add3A = arith.addf %get3A_4, %get3A_10 : vector<640x64xf32>
    %get3A_11 = arith.constant 1 : index
    %get3A_12 = arith.constant 0 : index
    %get3A_13 = arith.constant 0 : index
    %get3A_14 = arith.constant 0 : index
    %get3A_15 = vector.load %arg1[%get3A_11, %get3A_12, %get3A_13, %get3A_14] : memref<2x2x640x64xf32, #tpu.memory_space<vmem>>, vector<1x1x640x64xf32>
    %get3A_16 = vector.shape_cast %get3A_15 : vector<1x1x640x64xf32> to vector<640x64xf32>
    %get3A_17 = arith.constant 1 : index
    %get3A_18 = arith.constant 1 : index
    %get3A_19 = arith.constant 0 : index
    %get3A_20 = arith.constant 0 : index
    %get3A_21 = vector.load %arg1[%get3A_17, %get3A_18, %get3A_19, %get3A_20] : memref<2x2x640x64xf32, #tpu.memory_space<vmem>>, vector<1x1x640x64xf32>
    %get3A_22 = vector.shape_cast %get3A_21 : vector<1x1x640x64xf32> to vector<640x64xf32>
    %add3A_23 = arith.addf %get3A_16, %get3A_22 : vector<640x64xf32>
    %concatenate3A = tpu.concatenate %add3A, %add3A_23 in 1 : vector<640x64xf32>, vector<640x64xf32> -> vector<640x128xf32>
    %get3A_24 = arith.constant 0 : index
    %get3A_25 = arith.constant 0 : index
    %get3A_26 = vector.load %arg2[%get3A_24, %get3A_25] : memref<2x640xf32, #tpu.memory_space<vmem>>, vector<1x640xf32>
    %get3A_27 = vector.shape_cast %get3A_26 : vector<1x640xf32> to vector<640xf32>
    %get3A_28 = arith.constant 1 : index
    %get3A_29 = arith.constant 0 : index
    %get3A_30 = vector.load %arg2[%get3A_28, %get3A_29] : memref<2x640xf32, #tpu.memory_space<vmem>>, vector<1x640xf32>
    %get3A_31 = vector.shape_cast %get3A_30 : vector<1x640xf32> to vector<640xf32>
    %add3A_32 = arith.addf %get3A_27, %get3A_31 : vector<640xf32>
    %max3A = arith.constant 1.000000e+00 : f32
    %max3A_33 = vector.broadcast %max3A : f32 to vector<640xf32>
    %max3A_34 = arith.maximumf %add3A_32, %max3A_33 : vector<640xf32>
    %div3A = arith.constant 1.000000e+00 : f32
    %div3A_35 = vector.broadcast %div3A : f32 to vector<640xf32>
    %div3A_36 = arith.divf %div3A_35, %max3A_34 : vector<640xf32>
    %broadcast_in_dim3A = vector.shape_cast %div3A_36 : vector<640xf32> to vector<640x1xf32>
    %mul3A = vector.broadcast %broadcast_in_dim3A : vector<640x1xf32> to vector<640x128xf32>
    %mul3A_37 = arith.mulf %concatenate3A, %mul3A : vector<640x128xf32>
    %get3A_38 = arith.constant 0 : index
    %get3A_39 = arith.constant 0 : index
    %get3A_40 = vector.load %arg3[%get3A_38, %get3A_39] : memref<640x128xf32, #tpu.memory_space<vmem>>, vector<640x128xf32>
    %add3A_41 = arith.addf %mul3A_37, %get3A_40 : vector<640x128xf32>
    %max3A_42 = arith.constant 0.000000e+00 : f32
    %max3A_43 = vector.broadcast %max3A_42 : f32 to vector<640x128xf32>
    %max3A_44 = arith.maximumf %add3A_41, %max3A_43 : vector<640x128xf32>
    %get3A_45 = arith.constant 0 : index
    %get3A_46 = arith.constant 0 : index
    %get3A_47 = vector.load %arg4[%get3A_45, %get3A_46] : memref<128x64xf32, #tpu.memory_space<vmem>>, vector<128x64xf32>
    %dot_general3A = arith.constant dense<0.000000e+00> : vector<640x64xf32>
    %dot_general3A_48 = tpu.matmul %max3A_44, %get3A_47, %dot_general3A {dimension_numbers = #tpu.dot_dimension_numbers<[1], [0], [0], [1], [0, 0, 1, 1], [], []>, transpose_lhs_hint = false} : vector<640x128xf32>, vector<128x64xf32>, vector<640x64xf32> -> vector<640x64xf32>
    %get3A_49 = arith.constant 0 : index
    %get3A_50 = arith.constant 0 : index
    %get3A_51 = vector.load %arg5[%get3A_49, %get3A_50] : memref<1x64xf32, #tpu.memory_space<vmem>>, vector<1x64xf32>
    %add3A_52 = vector.broadcast %get3A_51 : vector<1x64xf32> to vector<640x64xf32>
    %add3A_53 = arith.addf %dot_general3A_48, %add3A_52 : vector<640x64xf32>
    %swap3A = arith.constant 0 : index
    %swap3A_54 = arith.constant 0 : index
    %swap3A_55 = vector.load %arg6[%swap3A, %swap3A_54] : memref<640x64xf32, #tpu.memory_space<vmem>>, vector<640x64xf32>
    tpu.vector_store %arg6[%swap3A, %swap3A_54], %add3A_53 {strides = array<i32>} : memref<640x64xf32, #tpu.memory_space<vmem>>, vector<640x64xf32>,
    return
  }
  func.func @transform_0(%arg0: i32) -> (i32, i32, i32, i32) {
    %c0_i32 = arith.constant 0 : i32
    %c0_i32_0 = arith.constant 0 : i32
    %c0_i32_1 = arith.constant 0 : i32
    %c0_i32_2 = arith.constant 0 : i32
    return %c0_i32, %c0_i32_0, %arg0, %c0_i32_1 : i32, i32, i32, i32
  }
  func.func @transform_1(%arg0: i32) -> (i32, i32) {
    %c0_i32 = arith.constant 0 : i32
    %c0_i32_0 = arith.constant 0 : i32
    return %c0_i32, %arg0 : i32, i32
  }
  func.func @transform_2(%arg0: i32) -> (i32, i32) {
    %c0_i32 = arith.constant 0 : i32
    %c0_i32_0 = arith.constant 0 : i32
    return %arg0, %c0_i32 : i32, i32
  }
  func.func @transform_3(%arg0: i32) -> (i32, i32) {
    %c0_i32 = arith.constant 0 : i32
    %c0_i32_0 = arith.constant 0 : i32
    %c0_i32_1 = arith.constant 0 : i32
    return %c0_i32, %c0_i32_0 : i32, i32
  }
  func.func @transform_4(%arg0: i32) -> (i32, i32) {
    %c0_i32 = arith.constant 0 : i32
    %c0_i32_0 = arith.constant 0 : i32
    %c0_i32_1 = arith.constant 0 : i32
    return %c0_i32, %c0_i32_0 : i32, i32
  }
  func.func @transform_5(%arg0: i32) -> (i32, i32) {
    %c0_i32 = arith.constant 0 : i32
    %c0_i32_0 = arith.constant 0 : i32
    return %arg0, %c0_i32 : i32, i32
  }
}

module attributes {stable_mosaic.version = 14 : i64} {
  func.func @_dense3_body(%arg0: i32, %arg1: memref<2x640x64xf32, #tpu.memory_space<vmem>>, %arg2: memref<2x640xf32, #tpu.memory_space<vmem>>, %arg3: memref<640x64xf32, #tpu.memory_space<vmem>>, %arg4: memref<1x64xf32, #tpu.memory_space<vmem>>, %arg5: memref<1x1xf32, #tpu.memory_space<vmem>>, %arg6: memref<640x1xf32, #tpu.memory_space<vmem>>) attributes {dimension_semantics = [#tpu.dimension_semantics<arbitrary>], iteration_bounds = array<i64: 16>, scalar_prefetch = 0 : i64, scratch_operands = 0 : i64, tpu.core_type = #tpu.core_type<tc>, window_params = [{transform_indices = @transform_0, window_bounds = array<i64: 2, 640, 64>}, {transform_indices = @transform_1, window_bounds = array<i64: 2, 640>}, {transform_indices = @transform_2, window_bounds = array<i64: 640, 64>}, {pipeline_mode = #tpu.pipeline_mode<synchronous>, transform_indices = @transform_3, window_bounds = array<i64: 1, 64>}, {pipeline_mode = #tpu.pipeline_mode<synchronous>, transform_indices = @transform_4, window_bounds = array<i64: 1, 1>}, {transform_indices = @transform_5, window_bounds = array<i64: 640, 1>}]} {
    %get3A = arith.constant 0 : index
    %get3A_0 = arith.constant 0 : index
    %get3A_1 = arith.constant 0 : index
    %get3A_2 = vector.load %arg1[%get3A, %get3A_0, %get3A_1] : memref<2x640x64xf32, #tpu.memory_space<vmem>>, vector<1x640x64xf32>
    %get3A_3 = vector.shape_cast %get3A_2 : vector<1x640x64xf32> to vector<640x64xf32>
    %get3A_4 = arith.constant 1 : index
    %get3A_5 = arith.constant 0 : index
    %get3A_6 = arith.constant 0 : index
    %get3A_7 = vector.load %arg1[%get3A_4, %get3A_5, %get3A_6] : memref<2x640x64xf32, #tpu.memory_space<vmem>>, vector<1x640x64xf32>
    %get3A_8 = vector.shape_cast %get3A_7 : vector<1x640x64xf32> to vector<640x64xf32>
    %add3A = arith.addf %get3A_3, %get3A_8 : vector<640x64xf32>
    %get3A_9 = arith.constant 0 : index
    %get3A_10 = arith.constant 0 : index
    %get3A_11 = vector.load %arg2[%get3A_9, %get3A_10] : memref<2x640xf32, #tpu.memory_space<vmem>>, vector<1x640xf32>
    %get3A_12 = vector.shape_cast %get3A_11 : vector<1x640xf32> to vector<640xf32>
    %get3A_13 = arith.constant 1 : index
    %get3A_14 = arith.constant 0 : index
    %get3A_15 = vector.load %arg2[%get3A_13, %get3A_14] : memref<2x640xf32, #tpu.memory_space<vmem>>, vector<1x640xf32>
    %get3A_16 = vector.shape_cast %get3A_15 : vector<1x640xf32> to vector<640xf32>
    %add3A_17 = arith.addf %get3A_12, %get3A_16 : vector<640xf32>
    %max3A = arith.constant 1.000000e+00 : f32
    %max3A_18 = vector.broadcast %max3A : f32 to vector<640xf32>
    %max3A_19 = arith.maximumf %add3A_17, %max3A_18 : vector<640xf32>
    %div3A = arith.constant 1.000000e+00 : f32
    %div3A_20 = vector.broadcast %div3A : f32 to vector<640xf32>
    %div3A_21 = arith.divf %div3A_20, %max3A_19 : vector<640xf32>
    %broadcast_in_dim3A = vector.shape_cast %div3A_21 : vector<640xf32> to vector<640x1xf32>
    %mul3A = vector.broadcast %broadcast_in_dim3A : vector<640x1xf32> to vector<640x64xf32>
    %mul3A_22 = arith.mulf %add3A, %mul3A : vector<640x64xf32>
    %get3A_23 = arith.constant 0 : index
    %get3A_24 = arith.constant 0 : index
    %get3A_25 = vector.load %arg3[%get3A_23, %get3A_24] : memref<640x64xf32, #tpu.memory_space<vmem>>, vector<640x64xf32>
    %add3A_26 = arith.addf %mul3A_22, %get3A_25 : vector<640x64xf32>
    %max3A_27 = arith.constant 0.000000e+00 : f32
    %max3A_28 = vector.broadcast %max3A_27 : f32 to vector<640x64xf32>
    %max3A_29 = arith.maximumf %add3A_26, %max3A_28 : vector<640x64xf32>
    %get3A_30 = arith.constant 0 : index
    %get3A_31 = arith.constant 0 : index
    %get3A_32 = vector.load %arg4[%get3A_30, %get3A_31] : memref<1x64xf32, #tpu.memory_space<vmem>>, vector<1x64xf32>
    %mul3A_33 = vector.broadcast %get3A_32 : vector<1x64xf32> to vector<640x64xf32>
    %mul3A_34 = arith.mulf %max3A_29, %mul3A_33 : vector<640x64xf32>
    %reduce_sum3A = arith.constant dense<0.000000e+00> : vector<640xf32>
    %reduce_sum3A_35 = vector.multi_reduction <add>, %mul3A_34, %reduce_sum3A [1] : vector<640x64xf32> to vector<640xf32>
    %broadcast_in_dim3A_36 = vector.shape_cast %reduce_sum3A_35 : vector<640xf32> to vector<640x1xf32>
    %get3A_37 = arith.constant 0 : index
    %get3A_38 = arith.constant 0 : index
    %get3A_39 = vector.load %arg5[%get3A_37, %get3A_38] : memref<1x1xf32, #tpu.memory_space<vmem>>, vector<1x1xf32>
    %add3A_40 = vector.broadcast %get3A_39 : vector<1x1xf32> to vector<640x1xf32>
    %add3A_41 = arith.addf %broadcast_in_dim3A_36, %add3A_40 : vector<640x1xf32>
    %logistic3A = arith.negf %add3A_41 : vector<640x1xf32>
    %logistic3A_42 = math.exp %logistic3A : vector<640x1xf32>
    %logistic3A_43 = arith.constant 1.000000e+00 : f32
    %logistic3A_44 = vector.broadcast %logistic3A_43 : f32 to vector<640x1xf32>
    %logistic3A_45 = arith.addf %logistic3A_44, %logistic3A_42 : vector<640x1xf32>
    %logistic3A_46 = arith.divf %logistic3A_44, %logistic3A_45 : vector<640x1xf32>
    %swap3A = arith.constant 0 : index
    %swap3A_47 = arith.constant 0 : index
    %swap3A_48 = vector.load %arg6[%swap3A, %swap3A_47] : memref<640x1xf32, #tpu.memory_space<vmem>>, vector<640x1xf32>
    tpu.vector_store %arg6[%swap3A, %swap3A_47], %logistic3A_46 {strides = array<i32>} : memref<640x1xf32, #tpu.memory_space<vmem>>, vector<640x1xf32>,
    return
  }
  func.func @transform_0(%arg0: i32) -> (i32, i32, i32) {
    %c0_i32 = arith.constant 0 : i32
    %c0_i32_0 = arith.constant 0 : i32
    %c0_i32_1 = arith.constant 0 : i32
    return %c0_i32, %arg0, %c0_i32_0 : i32, i32, i32
  }
  func.func @transform_1(%arg0: i32) -> (i32, i32) {
    %c0_i32 = arith.constant 0 : i32
    %c0_i32_0 = arith.constant 0 : i32
    return %c0_i32, %arg0 : i32, i32
  }
  func.func @transform_2(%arg0: i32) -> (i32, i32) {
    %c0_i32 = arith.constant 0 : i32
    %c0_i32_0 = arith.constant 0 : i32
    return %arg0, %c0_i32 : i32, i32
  }
  func.func @transform_3(%arg0: i32) -> (i32, i32) {
    %c0_i32 = arith.constant 0 : i32
    %c0_i32_0 = arith.constant 0 : i32
    %c0_i32_1 = arith.constant 0 : i32
    return %c0_i32, %c0_i32_0 : i32, i32
  }
  func.func @transform_4(%arg0: i32) -> (i32, i32) {
    %c0_i32 = arith.constant 0 : i32
    %c0_i32_0 = arith.constant 0 : i32
    %c0_i32_1 = arith.constant 0 : i32
    return %c0_i32, %c0_i32_0 : i32, i32
  }
  func.func @transform_5(%arg0: i32) -> (i32, i32) {
    %c0_i32 = arith.constant 0 : i32
    %c0_i32_0 = arith.constant 0 : i32
    return %arg0, %c0_i32 : i32, i32
  }
}

</mosaic_0001>

<sc_bundles>
// kernel: kernel.12.cloned.1.call-start
scs
__scs_entry_jumppad:
0x0: {  	(pc) =	sbr.rel $0x88, $3  }
0x1: {  	(tag) =	ssettag $0x0;
	lr =	simm.s32 $0x1  }
0x2: {  	[smem:$0x3F97] =	sst lr;
	_ =	strace $0xD0000000  }
0x3: {  	_ = 	snop  }
0x4: {  	_ = 	snop  }
0x5: {  	_ = 	snop  }
0x6: {  	_ = 	snop  }
0x7: {  	_ = 	snop  }
__scs_overlays_trampoline_lowered:
0x8: {  	[smem:$0x3FA6] =	sst s0  }
0x9: {  	[smem:$0x3FA7] =	sst s1  }
0xa: {  	[smem:$0x3FA8] =	sst s2  }
0xb: {  	[smem:$0x3FA9] =	sst s3  }
0xc: {  	[smem:$0x3FAA] =	sst s4  }
0xd: {  	[smem:$0x3FAB] =	sst s5  }
0xe: {  	[smem:$0x3FAC] =	sst s6  }
0xf: {  	[smem:$0x3FAD] =	sst s7  }
0x10: {  	[smem:$0x3FAE] =	sst s8  }
0x11: {  	[smem:$0x3FAF] =	sst s9;
	s0 =	simm.s32 @!p0 $0x0  }
0x12: {  	s1 =	sld [smem:$0x3F95];
	s0 =	simm.s32 @p0 $0x1  }
0x13: {  	[smem:$0x3FB0] =	sst s0;
	s0 =	simm.s32 @!p1 $0x0  }
0x14: {  	s2 =	sld [smem:$0x3F94];
	s0 =	simm.s32 @p1 $0x1  }
0x15: {  	[smem:$0x3FB1] =	sst s0;
	s0 =	simm.s32 @!p2 $0x0  }
0x16: {  	s3 =	sld [smem:$0x3FDB];
	s0 =	simm.s32 @p2 $0x1  }
0x17: {  	s4 =	simm.s32 $0x1BF5;
	[smem:$0x3FB3] =	sst s0  }
0x18: {  	s0 =	sld [smem:$0x3F96];
	_ =	swait.ge [sflag:s4], $0x0  }
0x19: {  	s7 =	sld [smem:$0x3F97]  }
0x1a: {  	s8 =	sadd.s32 $0xFFFFE003, lr  }
0x1b: {  	s9 =	sadd.s32 $0xFFFFFEF7, lr;
	s5 =	simm.s32 $0xFFFFFFFF;
	p2 =	slt.u32 s8, $0xFFFFF086  }
0x1c: {  	p1 =	slt.u32 s9, $0xF7A;
	s5 =	simm.s32 @!p2 $0x0  }
0x1d: {  	s5 =	simm.s32 @p1 $0x1;
	p0 =	seq.s32 s7, s2  }
0x1e: {  	s7 =	smul.u32 @!p0 $0xF7A, s2;
	p2 =	seq.s32 @!p0 s5, $0x0  }
0x1f: {  	s9 =	smul.u32 $0xF7A, s1;
	s8 =	simm.s32 @!p0 $0x1BF5;
	p2 =	por !p2, p0  }
0x20: {  	[sflag:s8] =	ssyncset.s32 @!p0 $0xFFFFF086;
	s6 =	sadd.s32 @!p0 s3, s7;
	s7 =	simm.s32 @!p0 $0x108  }
0x21: {  	s3 =	sadd.s32 s3, s9;
	s6 =	sadd.s32 @!p0 $0x88, s6;
	s7 =	simm.s32 @p2 $0x1082  }
0x22: {  	[simem:s7], [sflag:s8] =	dma.local @!p0 [hbm:s6], $0xF7A  }
0x23: {  	s9 =	sor.u32 $0xD0000000, s2;
	s6 =	simm.s32 $0x108;
	_ =	swait.ge @!p0 [sflag:s8], $0x0  }
0x24: {  	s3 =	sadd.s32 $0x88, s3;
	s6 =	simm.s32 @!p1 $0x1082;
	[sflag:s4] =	ssyncset.s32 $0xFFFFF086  }
0x25: {  	[simem:s6], [sflag:s4] =	dma.local [hbm:s3], $0xF7A  }
0x26: {  	[smem:$0x3F97] =	sst s1;
	(tag) =	ssettag s2;
	_ =	strace s9  }
0x27: {  	s1 =	sld [smem:$0x3FA7]  }
0x28: {  	s2 =	sld [smem:$0x3FA8]  }
0x29: {  	s4 =	sld [smem:$0x3FAA]  }
0x2a: {  	p0 =	seq.s32 s5, $0x0;
	s5 =	sld [smem:$0x3FAB]  }
0x2b: {  	s6 =	sld [smem:$0x3FAC]  }
0x2c: {  	s7 =	sld [smem:$0x3FAD]  }
0x2d: {  	s3 =	simm.s32 $0x108;
	s8 =	sld [smem:$0x3FAE]  }
0x2e: {  	s3 =	simm.s32 @!p0 $0x1082;
	s9 =	sld [smem:$0x3FAF]  }
0x2f: {  	lr =	sadd.s32 s0, s3;
	s0 =	sld [smem:$0x3FA6]  }
0x30: {  	s3 =	sld [smem:$0x3FA9]  }
0x31: {  	[smem:$0x3FB2] =	sst s10  }
0x32: {  	s10 =	sld [smem:$0x3FB0];
	_ =	sdelay $0x3  }
0x33: {  	p0 =	seq.s32 s10, $0x1;
	s10 =	sld [smem:$0x3FB2];
	_ =	sdelay $0x3  }
0x34: {  	[smem:$0x3FB2] =	sst s10  }
0x35: {  	s10 =	sld [smem:$0x3FB1];
	_ =	sdelay $0x3  }
0x36: {  	p1 =	seq.s32 s10, $0x1;
	s10 =	sld [smem:$0x3FB2];
	_ =	sdelay $0x3  }
0x37: {  	[smem:$0x3FB2] =	sst s10  }
0x38: {  	s10 =	sld [smem:$0x3FB3]  }
0x39: {  	_ = 	snop;
	(pc) =	sbr.ind lr, $3  }
0x3a: {  	_ = 	snop  }
0x3b: {  	_ = 	snop  }
0x3c: {  	p2 =	seq.s32 s10, $0x1;
	s10 =	sld [smem:$0x3FB2]  }
0x3d: {  	_ =	shalt  }
0x3e: {  	_ =	shalt  }
0x3f: {  	_ =	shalt  }
0x40: {  	_ =	shalt  }
0x41: {  	_ =	shalt  }
0x42: {  	_ =	shalt  }
0x43: {  	_ =	shalt  }
0x44: {  	_ =	shalt  }
0x45: {  	_ =	shalt  }
0x46: {  	_ =	shalt  }
0x47: {  	_ =	shalt  }
0x48: {  	_ =	shalt  }
0x49: {  	_ =	shalt  }
0x4a: {  	_ =	shalt  }
0x4b: {  	_ =	shalt  }
0x4c: {  	_ =	shalt  }
0x4d: {  	_ =	shalt  }
0x4e: {  	_ =	shalt  }
0x4f: {  	_ =	shalt  }
0x50: {  	_ =	shalt  }
0x51: {  	_ =	shalt  }
0x52: {  	_ =	shalt  }
0x53: {  	_ =	shalt  }
0x54: {  	_ =	shalt  }
0x55: {  	_ =	shalt  }
0x56: {  	_ =	shalt  }
0x57: {  	_ =	shalt  }
0x58: {  	_ =	shalt  }
0x59: {  	_ =	shalt  }
0x5a: {  	_ =	shalt  }
0x5b: {  	_ =	shalt  }
0x5c: {  	_ =	shalt  }
0x5d: {  	_ =	shalt  }
0x5e: {  	_ =	shalt  }
0x5f: {  	_ =	shalt  }
0x60: {  	_ =	shalt  }
0x61: {  	_ =	shalt  }
0x62: {  	_ =	shalt  }
0x63: {  	_ =	shalt  }
0x64: {  	_ =	shalt  }
0x65: {  	_ =	shalt  }
0x66: {  	_ =	shalt  }
0x67: {  	_ =	shalt  }
0x68: {  	_ =	shalt  }
0x69: {  	_ =	shalt  }
0x6a: {  	_ =	shalt  }
0x6b: {  	_ =	shalt  }
0x6c: {  	_ =	shalt  }
0x6d: {  	_ =	shalt  }
0x6e: {  	_ =	shalt  }
0x6f: {  	_ =	shalt  }
0x70: {  	_ =	shalt  }
0x71: {  	_ =	shalt  }
0x72: {  	_ =	shalt  }
0x73: {  	_ =	shalt  }
0x74: {  	_ =	shalt  }
0x75: {  	_ =	shalt  }
0x76: {  	_ =	shalt  }
0x77: {  	_ =	shalt  }
0x78: {  	_ =	shalt  }
0x79: {  	_ =	shalt  }
0x7a: {  	_ =	shalt  }
0x7b: {  	_ =	shalt  }
0x7c: {  	_ =	shalt  }
0x7d: {  	_ =	shalt  }
0x7e: {  	_ =	shalt  }
0x7f: {  	_ =	shalt  }
0x80: {  	_ =	shalt  }
0x81: {  	_ =	shalt  }
0x82: {  	_ =	shalt  }
0x83: {  	_ =	shalt  }
0x84: {  	_ =	shalt  }
0x85: {  	_ =	shalt  }
0x86: {  	_ =	shalt  }
0x87: {  	_ =	shalt  }
.Lfunc_end0:
.L_simem_size_0:
called_computation.1_lowered:
.L_overlay_start_0:
0x88: {  	s2 =	sld [smem:$0x3FD9]  }
0x89: {  	s3 =	sld [smem:$0x3FFE];
	_ =	sdelay $0x1  }
0x8a: {  	s1 =	srdreg.scid  }
0x8b: {  	s0 =	sand.u32 $0x1, s1  }
0x8c: {  	s17 =	sshll.u32 s0, $0xA;
	s2 =	sadd.s32 s3, s2  }
0x8d: {  	s2 =	sadd.s32 s2, s17  }
0x8e: {  	[smem:$0x3FBE] =	sst s2  }
0x8f: {  	_ = 	snop  }
0x90: {  	(tm) =	ssettm $0x1  }
0x91: {  	s18 =	sld [smem:$0x3FFB];
	_ =	sdelay $0x3  }
0x92: {  	_ =	strace s18  }
0x93: {  	s2 =	sld [smem:$0x3FFC];
	_ =	sdelay $0x3  }
0x94: {  	_ =	strace s2  }
0x95: {  	s2 =	sld [smem:$0x3FFD];
	_ =	sdelay $0x3  }
0x96: {  	_ =	strace s2  }
0x97: {  	_ =	strace $0x8FFFFFFF  }
0x98: {  	s19 =	sld [smem:$0x3FDB];
	_ =	sdelay $0x1  }
0x99: {  	s20 =	simm.s32 $_scs_section_size  }
0x9a: {  	s4 =	simm.s32 $_size__tile_overlayer_lowered;
	s5 =	simm.s32 $_tile_overlayer_lowered  }
0x9b: {  	s6 =	simm.s32 $0x1BFF;
	s21 =	sshll.u32 s5, $0x1;
	s3 =	sadd.s32 s20, s19  }
0x9c: {  	s22 =	simm.s32 $0x0;
	s4 =	sshll.u32 s4, $0x1;
	s5 =	sadd.s32 s21, s3  }
0x9d: {  	[timem:s22], [sflag:s6] =	dma.local [hbm:s5], s4  }
0x9e: {  	_ =	swait.ge [sflag:s6], s4  }
0x9f: {  	s4 =	ssub.s32 $0x0, s4;
	[sflag:s6] =	ssyncset.done $0x0  }
0xa0: {  	[sflag:s6] =	ssyncadd.s32 s4;
	_ =	sdelay $0x1  }
0xa1: {  	s23 =	simm.s32 $0x1B8B  }
0xa2: {  	_ =	swait.ge [sflag:s23], $0x1  }
0xa3: {  	[sflag:s23] =	ssyncset.done $0x0  }
0xa4: {  	[sflag:s23] =	ssyncadd.s32 $0xFFFFFFFF  }
0xa5: {  	s4 =	sld [smem:$0x0]  }
0xa6: {  	s5 =	sand.u32 $0xFFFFFFFE, s1  }
0xa7: {  	p0 =	sne.s32 s1, s5  }
0xa8: {  	s5 =	sshll.u32 @p0 s5, $0xE  }
0xa9: {  	s5 =	sadd.s32 @p0 $0x11B8D, s5;
	s6 =	sshll.u32 @p0 s4, $0x11  }
0xaa: {  	s5 =	sor.u32 @p0 s6, s5  }
0xab: {  	[sflag:s5] =	ssyncadd.remote.s32 @p0 $0x1;
	_ =	sdelay $0x1  }
0xac: {  	s5 =	simm.s32 @p0 $0x1B8D  }
0xad: {  	_ =	swait.eq @p0 [sflag:s5], $0x1  }
0xae: {  	[sflag:s5] =	ssyncadd.s32 @p0 $0xFFFFFFFF  }
0xaf: {  	s6 =	sshll.u32 @!p0 s1, $0xE  }
0xb0: {  	s6 =	sor.u32 @!p0 $0x4000, s6;
	s5 =	simm.s32 @!p0 $0x1B8D  }
0xb1: {  	s4 =	sshll.u32 @!p0 s4, $0x11;
	s6 =	sadd.s32 @!p0 $0x11B8D, s6;
	_ =	swait.eq @!p0 [sflag:s5], $0x1  }
0xb2: {  	s4 =	sor.u32 @!p0 s4, s6;
	[sflag:s5] =	ssyncadd.s32 @!p0 $0xFFFFFFFF  }
0xb3: {  	s25 =	simm.s32 $0x1B8E;
	s24 =	sld [smem:$0x3FFE];
	[sflag:s4] =	ssyncadd.remote.s32 @!p0 $0x1  }
0xb4: {  	s26 =	simm.s32 $execute0_lowered;
	[smem:$0x3FD2] =	sst s25  }
0xb5: {  	s5 =	sshll.u32 s26, $0x1;
	_ =	strace $0x80000049;
	[dreg:$0x1] =	wrdreg $0xFFFFFFFF  }
0xb6: {  	s28 =	simm.s32 $_size_execute0_lowered;
	s3 =	sadd.s32 s3, s5;
	[dreg:$0x0] =	wrdreg $0x0  }
0xb7: {  	s5 =	sshll.u32 s28, $0x1;
	[dreg:$0x2] =	wrdreg s3  }
0xb8: {  	[dreg:$0x3] =	wrdreg s5  }
0xb9: {  	[dreg:$0x4] =	wrdreg $0xC0  }
0xba: {  	_ =	task [dreg:s22], $0x5FFFF  }
0xbb: {  	[dreg:$0x1] =	wrdreg $0xFFFFFFFF  }
0xbc: {  	[dreg:$0x0] =	wrdreg $0x60  }
0xbd: {  	[dreg:$0x2] =	wrdreg s24  }
0xbe: {  	[dreg:$0x3] =	wrdreg $0x110000  }
0xbf: {  	[dreg:$0x4] =	wrdreg $0x160000  }
0xc0: {  	[dreg:$0x5] =	wrdreg $0xA  }
0xc1: {  	_ =	task.clear_ibuf [dreg:s22], $0x6FFFF;
	_ =	strace $0x90000049  }
0xc2: {  	s29 =	simm.s32 $0xA;
	_ =	strace $0x8000004B  }
0xc3: {  	_ =	swait.ge [sflag:s29], $0x1  }
0xc4: {  	[sflag:s29] =	ssyncadd.s32 $0xFFFFFFFF  }
0xc5: {  	_ =	strace $0x9000004B  }
0xc6: {  	_ =	sfence  }
0xc7: {  	s30 =	sld [smem:$0x0];
	_ =	sdelay $0x2  }
0xc8: {  	s31 =	sshll.u32 s1, $0xD;
	s1 =	sshrl.u32 s1, $0x2  }
0xc9: {  	s4 =	sand.u32 $0x4000, s31;
	s1 =	sadd.s32 s1, s30  }
0xca: {  	s0 =	sor.u32 s4, s0;
	s1 =	sshll.u32 s1, $0x11  }
0xcb: {  	s0 =	sor.u32 s1, s0  }
0xcc: {  	s0 =	sadd.s32 $0x8F2B, s0  }
0xcd: {  	[sflag:s0] =	ssyncadd.remote.s32 $0x1  }
0xce: {  	_ =	sfence.sel $0xFFFF  }
0xcf: {  	[dreg:$0x0] =	wrdreg $0xFFFFFFFF;
	(pc) =	sbr.abs _section_cstart, $3  }
0xd0: {  	[dreg:$0x1] =	wrdreg $0xFFFFFFFF  }
0xd1: {  	_ =	task.clear_ibuf [dreg:s22], $0x2FFFF;
	_ =	strace $0x9FFFFFFF  }
0xd2: {  	(tm) =	ssettm $0x7FFFFFFF  }
0xd3: {  	_ =	shalt  }
tec
execute0_lowered:
.L_overlay_start_1:
0x0: {  	(tag) =	ssettag $0x1  }
0x1: {  	s0 =	rddreg [dreg:$0x0]  }
0x2: {  	s1 =	rddreg [dreg:$0x1];
	s2 =	srdreg.scid  }
0x3: {  	s3 =	rddreg [dreg:$0x2];
	s9 =	stileid.u32;
	s6 =	simm.s32 $0x0  }
0x4: {  	s12 =	simm.s32 $0xA;
	s28 =	simm.s32 $0x9000;
	s29 =	simm.s32 $0x2  }
0x5: {  	s31 =	simm.s32 $0xB000;
	s10 =	simm.s32 $0x7;
	s30 =	simm.s32 $0x8  }
0x6: {  	s2 =	sand.u32 $0x1, s2;
	s5 =	smul.u32 $0x5000, s9;
	[smem:$0x7FF] =	sst s6  }
0x7: {  	s8 =	sadd.s32 $0x29A00, s0;
	s18 =	smul.u32 $0xA000, s9;
	s24 =	sshll.u32 s9, $0x6  }
0x8: {  	s4 =	sshll.u32 s2, $0x4;
	_ =	strace $0x8000004A;
	s7 =	smul.u32 $0xA0000, s2  }
0x9: {  	s2 =	ssub.s32 $0x2, s2;
	[dreg:$0x4] =	wrdreg s8;
	s14 =	sor.u32 $0x1C0A, s24  }
0xa: {  	s4 =	sor.u32 s9, s4;
	s16 =	sshrl.u32 s5, $0x3;
	s17 =	sshrl.u32 s2, $0x1  }
0xb: {  	s20 =	sadd.s32 s5, s1;
	s22 =	sadd.s32 s18, s3;
	s9 =	simm.s32 $0x6  }
0xc: {  	s4 =	smul.u32 $0x500, s4;
	s6 =	sadd.s32 s16, s0;
	s7 =	sshrl.u32 s7, $0x3  }
0xd: {  	s2 =	ssub.s32 s2, s17;
	s25 =	sshrl.u32 s20, $0x3;
	s11 =	sshrl.u32 s22, $0x3  }
0xe: {  	s17 =	simm.s32 $0x80;
	s20 =	simm.s32 $0xF000;
	[dreg:$0xa] =	wrdreg s25  }
0xf: {  	s22 =	simm.s32 $0x5;
	s21 =	sadd.s32 $0xBA00, s6;
	[dreg:$0xb] =	wrdreg s11  }
0x10: {  	s6 =	sadd.s32 $0x15A00, s6;
	s2 =	smax.u32 s2, $0x1;
	[dreg:$0x7] =	wrdreg s21  }
0x11: {  	s25 =	simm.s32 $0x8000;
	s4 =	sadd.s32 s4, s0;
	[dreg:$0x8] =	wrdreg s6  }
0x12: {  	s0 =	sadd.s32 s7, s0;
	s7 =	sshrl.u32 s18, $0x3;
	[dreg:$0x9] =	wrdreg s2  }
0x13: {  	s18 =	simm.s32 $0x5000;
	s21 =	simm.s32 $0x7000;
	s6 =	simm.s32 $0xD000  }
0x14: {  	s2 =	simm.s32 $0x0;
	s19 =	sadd.s32 $0x1FA00, s4;
	s4 =	sadd.s32 $0x1000, s4  }
0x15: {  	s23 =	sadd.s32 $0x2AE00, s0;
	s0 =	sadd.s32 $0x52E00, s0;
	[dreg:$0x5] =	wrdreg s19  }
0x16: {  	[dreg:$0x6] =	wrdreg s4;
	s19 =	simm.s32 $0x6000;
	s26 =	sadd.s32 s7, s23  }
0x17: {  	s0 =	sadd.s32 s7, s0;
	s7 =	simm.s32 $0x4;
	[dreg:$0xc] =	wrdreg s26  }
0x18: {  	[dreg:$0xd] =	wrdreg s0;
	s26 =	simm.s32 $0x1;
	s0 =	simm.s32 $0x3  }
.LBB2_1:
0x19: {  	s4 =	simm.s32 $0x0;
	s5 =	rddreg [dreg:$0x5]  }
0x1a: {  	[tilespmem:s4], [sflag:$0x9] =	stream.linear.gather [hbm4b:s5+s4], $0x2800, $0x38;
	v63 =	vld [tilespmem:$0x0]  }
0x1b: {  	s23 =	rddreg [dreg:$0x6];
	s8 =	simm.s32 $0x2800  }
0x1c: {  	[tilespmem:s8], [sflag:$0xA] =	stream.linear.gather [hbm4b:s23+s4], $0x2800, $0x38;
	v63 =	vld [tilespmem:$0x0]  }
0x1d: {  	_ =	swait.ge [sflag:s12], $0x2800  }
0x1e: {  	[sflag:s12] =	ssyncset.done $0x0  }
0x1f: {  	s24 =	simm.s32 $0x9;
	[sflag:s12] =	ssyncadd.s32 $0xFFFFD800  }
0x20: {  	_ =	swait.ge [sflag:s24], $0x2800  }
0x21: {  	[sflag:s24] =	ssyncset.done $0x0;
	s8 =	rddreg [dreg:$0x7]  }
0x22: {  	s13 =	rddreg [dreg:$0xa];
	[sflag:s24] =	ssyncadd.s32 $0xFFFFD800  }
0x23: {  	[spmem:s13], [sflag:s14] =	dma.local [hbm:s8], $0xA00  }
0x24: {  	_ =	swait.ge [sflag:s12], $0xA00  }
0x25: {  	[sflag:s12] =	ssyncset.done $0x0  }
0x26: {  	s15 =	rddreg [dreg:$0x4];
	[sflag:s12] =	ssyncadd.s32 $0xFFFFF600  }
0x27: {  	[spmem:s11], [sflag:s14] =	dma.local [hbm:s15], $0x1400  }
0x28: {  	_ =	swait.ge [sflag:s12], $0x1400  }
0x29: {  	[sflag:s12] =	ssyncset.done $0x0  }
0x2a: {  	[sflag:s12] =	ssyncadd.s32 $0xFFFFEC00  }
0x2b: {  	[bflag:$0x0] =	sbarrier.arrive $0xFFFF  }
0x2c: {  	[tilespmem:s18], [sflag:$0x1] =	stream.indirect.gather [spmem:s1], $0x20, s4, s17, $0xb8;
	v63 =	vld [tilespmem:$0x0]  }
0x2d: {  	_ = 	snop  }
0x2e: {  	[tilespmem:s19], [sflag:$0x2] =	stream.indirect.gather [spmem:s1], $0x20, s17, s17, $0xb8;
	v63 =	vld [tilespmem:$0x0]  }
0x2f: {  	s16 =	simm.s32 $0x100  }
0x30: {  	[tilespmem:s21], [sflag:$0x3] =	stream.indirect.gather [spmem:s1], $0x20, s16, s17, $0xb8;
	v63 =	vld [tilespmem:$0x0]  }
0x31: {  	s23 =	simm.s32 $0x180  }
0x32: {  	[tilespmem:s25], [sflag:$0x4] =	stream.indirect.gather [spmem:s1], $0x20, s23, s17, $0xb8;
	v63 =	vld [tilespmem:$0x0]  }
0x33: {  	_ =	swait.ge [sflag:s26], $0x1000  }
0x34: {  	[sflag:s26] =	ssyncset.done $0x0  }
0x35: {  	s24 =	simm.s32 $0x0;
	[sflag:s26] =	ssyncadd.s32 $0xFFFFF000  }
0x36: {  	v0 =	vld [tilespmem:s24+$0x5000];
	_ =	sdelay $0x4  }
0x37: {  	s4 =	simm.s32 $0x9020;
	v1 =	vshll.u32 v0, $0x10  }
0x38: {  	v0 =	vand.u32 $0xFFFF0000, v0;
	[tilespmem:s4+$0xFFFFFFE0] =	vst v1  }
0x39: {  	[tilespmem:s4+$0xFFFFFFF0] =	vst v0  }
0x3a: {  	s5 =	simm.s32 $0x80;
	s8 =	simm.s32 $0x9020;
	v0 =	vld [tilespmem:s24+$0x5010]  }
.LBB2_2:
0x3b: {  	_ =	sdelay $0x2  }
0x3c: {  	p0 =	sne.s32 s5, $0x3F80  }
0x3d: {  	s4 =	sadd.s32 $0x40, s4;
	s11 =	smov.u32 s5;
	s5 =	sadd.s32 $0x80, s5;
	v1 =	vshll.u32 v0, $0x10;
	v0 =	vand.u32 $0xFFFF0000, v0  }
0x3e: {  	[tilespmem:s8+$0x0] =	vst v1  }
0x3f: {  	s11 =	sshra.s32 s11, $0x2;
	[tilespmem:s8+$0x10] =	vst v0;
	s8 =	smov.u32 s4  }
0x40: {  	v0 =	vld [tilespmem:s11+$0x5000];
	_ =	sdelay $0x3  }
.Ltmp0:
0x41: {  	(pc) =	sbr.rel @p0 .LBB2_2-.Ltmp0, $4  }
0x42: {  	v1 =	vshll.u32 v0, $0x10;
	v0 =	vand.u32 $0xFFFF0000, v0  }
0x43: {  	[tilespmem:s4+$0xFFFFFFE0] =	vst v1  }
0x44: {  	[tilespmem:s4+$0xFFFFFFF0] =	vst v0  }
0x45: {  	v0 =	vld [tilespmem:s11+$0x5010]  }
0x46: {  	_ =	sdelay $0x3  }
0x47: {  	v1 =	vshll.u32 v0, $0x10  }
0x48: {  	v0 =	vand.u32 $0xFFFF0000, v0;
	[tilespmem:s8+$0x0] =	vst v1  }
0x49: {  	s4 =	simm.s32 $0x2800;
	[tilespmem:s8+$0x10] =	vst v0  }
0x4a: {  	[spmem:s3] =	stream.indirect.scatter.add.f32 [tilespmem:s28], [sflag:$0x5], $0x40, s4, s17, $0xb8;
	v63 =	vld [tilespmem:$0x0]  }
0x4b: {  	_ =	swait.ge [sflag:s29], $0x1000  }
0x4c: {  	[sflag:s29] =	ssyncset.done $0x0  }
0x4d: {  	s24 =	simm.s32 $0x0;
	[sflag:s29] =	ssyncadd.s32 $0xFFFFF000  }
0x4e: {  	v0 =	vld [tilespmem:s24+$0x6000];
	_ =	sdelay $0x4  }
0x4f: {  	s4 =	simm.s32 $0xB020;
	v1 =	vshll.u32 v0, $0x10  }
0x50: {  	v0 =	vand.u32 $0xFFFF0000, v0;
	[tilespmem:s4+$0xFFFFFFE0] =	vst v1  }
0x51: {  	[tilespmem:s4+$0xFFFFFFF0] =	vst v0  }
0x52: {  	s5 =	simm.s32 $0x80;
	s8 =	simm.s32 $0xB020;
	v0 =	vld [tilespmem:s24+$0x6010]  }
.LBB2_4:
0x53: {  	_ =	sdelay $0x2  }
0x54: {  	p0 =	sne.s32 s5, $0x3F80  }
0x55: {  	s4 =	sadd.s32 $0x40, s4;
	s11 =	smov.u32 s5;
	s5 =	sadd.s32 $0x80, s5;
	v1 =	vshll.u32 v0, $0x10;
	v0 =	vand.u32 $0xFFFF0000, v0  }
0x56: {  	[tilespmem:s8+$0x0] =	vst v1  }
0x57: {  	s11 =	sshra.s32 s11, $0x2;
	[tilespmem:s8+$0x10] =	vst v0;
	s8 =	smov.u32 s4  }
0x58: {  	v0 =	vld [tilespmem:s11+$0x6000];
	_ =	sdelay $0x3  }
.Ltmp1:
0x59: {  	(pc) =	sbr.rel @p0 .LBB2_4-.Ltmp1, $4  }
0x5a: {  	v1 =	vshll.u32 v0, $0x10;
	v0 =	vand.u32 $0xFFFF0000, v0  }
0x5b: {  	[tilespmem:s4+$0xFFFFFFE0] =	vst v1  }
0x5c: {  	[tilespmem:s4+$0xFFFFFFF0] =	vst v0  }
0x5d: {  	v0 =	vld [tilespmem:s11+$0x6010]  }
0x5e: {  	_ =	sdelay $0x3  }
0x5f: {  	v1 =	vshll.u32 v0, $0x10  }
0x60: {  	v0 =	vand.u32 $0xFFFF0000, v0;
	[tilespmem:s8+$0x0] =	vst v1  }
0x61: {  	s4 =	simm.s32 $0x2880;
	[tilespmem:s8+$0x10] =	vst v0  }
0x62: {  	[spmem:s3] =	stream.indirect.scatter.add.f32 [tilespmem:s31], [sflag:$0x6], $0x40, s4, s17, $0xb8;
	v63 =	vld [tilespmem:$0x0]  }
0x63: {  	_ =	swait.ge [sflag:s0], $0x1000  }
0x64: {  	[sflag:s0] =	ssyncset.done $0x0  }
0x65: {  	s24 =	simm.s32 $0x0;
	[sflag:s0] =	ssyncadd.s32 $0xFFFFF000  }
0x66: {  	v0 =	vld [tilespmem:s24+$0x7000];
	_ =	sdelay $0x4  }
0x67: {  	s4 =	simm.s32 $0xD020;
	v1 =	vshll.u32 v0, $0x10  }
0x68: {  	v0 =	vand.u32 $0xFFFF0000, v0;
	[tilespmem:s4+$0xFFFFFFE0] =	vst v1  }
0x69: {  	[tilespmem:s4+$0xFFFFFFF0] =	vst v0  }
0x6a: {  	s5 =	simm.s32 $0x80;
	s8 =	simm.s32 $0xD020;
	v0 =	vld [tilespmem:s24+$0x7010]  }
.LBB2_6:
0x6b: {  	_ =	sdelay $0x2  }
0x6c: {  	p0 =	sne.s32 s5, $0x3F80  }
0x6d: {  	s4 =	sadd.s32 $0x40, s4;
	s11 =	smov.u32 s5;
	s5 =	sadd.s32 $0x80, s5;
	v1 =	vshll.u32 v0, $0x10;
	v0 =	vand.u32 $0xFFFF0000, v0  }
0x6e: {  	[tilespmem:s8+$0x0] =	vst v1  }
0x6f: {  	s11 =	sshra.s32 s11, $0x2;
	[tilespmem:s8+$0x10] =	vst v0;
	s8 =	smov.u32 s4  }
0x70: {  	v0 =	vld [tilespmem:s11+$0x7000];
	_ =	sdelay $0x3  }
.Ltmp2:
0x71: {  	(pc) =	sbr.rel @p0 .LBB2_6-.Ltmp2, $4  }
0x72: {  	v1 =	vshll.u32 v0, $0x10;
	v0 =	vand.u32 $0xFFFF0000, v0  }
0x73: {  	[tilespmem:s4+$0xFFFFFFE0] =	vst v1  }
0x74: {  	[tilespmem:s4+$0xFFFFFFF0] =	vst v0  }
0x75: {  	v0 =	vld [tilespmem:s11+$0x7010]  }
0x76: {  	_ =	sdelay $0x3  }
0x77: {  	v1 =	vshll.u32 v0, $0x10  }
0x78: {  	v0 =	vand.u32 $0xFFFF0000, v0;
	[tilespmem:s8+$0x0] =	vst v1  }
0x79: {  	s4 =	simm.s32 $0x2900;
	[tilespmem:s8+$0x10] =	vst v0  }
0x7a: {  	[spmem:s3] =	stream.indirect.scatter.add.f32 [tilespmem:s6], [sflag:$0x7], $0x40, s4, s17, $0xb8;
	v63 =	vld [tilespmem:$0x0]  }
0x7b: {  	_ =	swait.ge [sflag:s7], $0x1000  }
0x7c: {  	[sflag:s7] =	ssyncset.done $0x0  }
0x7d: {  	s24 =	simm.s32 $0x0;
	[sflag:s7] =	ssyncadd.s32 $0xFFFFF000  }
0x7e: {  	v0 =	vld [tilespmem:s24+$0x8000];
	_ =	sdelay $0x4  }
0x7f: {  	s4 =	simm.s32 $0xF020;
	v1 =	vshll.u32 v0, $0x10  }
0x80: {  	v0 =	vand.u32 $0xFFFF0000, v0;
	[tilespmem:s4+$0xFFFFFFE0] =	vst v1  }
0x81: {  	[tilespmem:s4+$0xFFFFFFF0] =	vst v0  }
0x82: {  	s5 =	simm.s32 $0x80;
	s8 =	simm.s32 $0xF020;
	v0 =	vld [tilespmem:s24+$0x8010]  }
.LBB2_8:
0x83: {  	_ =	sdelay $0x2  }
0x84: {  	p0 =	sne.s32 s5, $0x3F80  }
0x85: {  	s4 =	sadd.s32 $0x40, s4;
	s11 =	smov.u32 s5;
	s5 =	sadd.s32 $0x80, s5;
	v1 =	vshll.u32 v0, $0x10;
	v0 =	vand.u32 $0xFFFF0000, v0  }
0x86: {  	[tilespmem:s8+$0x0] =	vst v1  }
0x87: {  	s11 =	sshra.s32 s11, $0x2;
	[tilespmem:s8+$0x10] =	vst v0;
	s8 =	smov.u32 s4  }
0x88: {  	v0 =	vld [tilespmem:s11+$0x8000];
	_ =	sdelay $0x3  }
.Ltmp3:
0x89: {  	(pc) =	sbr.rel @p0 .LBB2_8-.Ltmp3, $4  }
0x8a: {  	v1 =	vshll.u32 v0, $0x10;
	v0 =	vand.u32 $0xFFFF0000, v0  }
0x8b: {  	[tilespmem:s4+$0xFFFFFFE0] =	vst v1  }
0x8c: {  	[tilespmem:s4+$0xFFFFFFF0] =	vst v0  }
0x8d: {  	v0 =	vld [tilespmem:s11+$0x8010]  }
0x8e: {  	_ =	sdelay $0x3  }
0x8f: {  	v1 =	vshll.u32 v0, $0x10  }
0x90: {  	v62 =	vand.u32 $0xFFFF0000, v0;
	[tilespmem:s8+$0x0] =	vst v1  }
0x91: {  	s4 =	simm.s32 $0x2980;
	[tilespmem:s8+$0x10] =	vst v62;
	s8 =	simm.s32 $0x1  }
0x92: {  	[spmem:s3] =	stream.indirect.scatter.add.f32 [tilespmem:s20], [sflag:$0x8], $0x40, s4, s17, $0xb8;
	v63 =	vld [tilespmem:$0x0]  }
.LBB2_10:
0x93: {  	_ =	swait.ge [sflag:s22], $0x2000  }
0x94: {  	[sflag:s22] =	ssyncset.done $0x0  }
0x95: {  	s11 =	sshll.u32 s8, $0x9;
	[sflag:s22] =	ssyncadd.s32 $0xFFFFE000  }
0x96: {  	[tilespmem:s18], [sflag:$0x1] =	stream.indirect.gather [spmem:s1], $0x20, s11, s17, $0xb8;
	v63 =	vld [tilespmem:$0x0]  }
0x97: {  	_ =	swait.ge [sflag:s9], $0x2000  }
0x98: {  	[sflag:s9] =	ssyncset.done $0x0  }
0x99: {  	s4 =	sor.u32 $0x80, s11;
	[sflag:s9] =	ssyncadd.s32 $0xFFFFE000  }
0x9a: {  	[tilespmem:s19], [sflag:$0x2] =	stream.indirect.gather [spmem:s1], $0x20, s4, s17, $0xb8;
	v63 =	vld [tilespmem:$0x0]  }
0x9b: {  	_ =	swait.ge [sflag:s10], $0x2000  }
0x9c: {  	[sflag:s10] =	ssyncset.done $0x0  }
0x9d: {  	s24 =	sor.u32 $0x100, s11;
	[sflag:s10] =	ssyncadd.s32 $0xFFFFE000  }
0x9e: {  	[tilespmem:s21], [sflag:$0x3] =	stream.indirect.gather [spmem:s1], $0x20, s24, s17, $0xb8;
	v63 =	vld [tilespmem:$0x0]  }
0x9f: {  	_ =	swait.ge [sflag:s30], $0x2000  }
0xa0: {  	[sflag:s30] =	ssyncset.done $0x0  }
0xa1: {  	s23 =	sor.u32 $0x180, s11;
	[sflag:s30] =	ssyncadd.s32 $0xFFFFE000  }
0xa2: {  	[tilespmem:s25], [sflag:$0x4] =	stream.indirect.gather [spmem:s1], $0x20, s23, s17, $0xb8;
	v63 =	vld [tilespmem:$0x0]  }
0xa3: {  	_ =	swait.ge [sflag:s26], $0x1000  }
0xa4: {  	[sflag:s26] =	ssyncset.done $0x0  }
0xa5: {  	s5 =	simm.s32 $0x0;
	[sflag:s26] =	ssyncadd.s32 $0xFFFFF000  }
0xa6: {  	v0 =	vld [tilespmem:s5+$0x5000];
	_ =	sdelay $0x4  }
0xa7: {  	s13 =	simm.s32 $0x9020;
	v1 =	vshll.u32 v0, $0x10  }
0xa8: {  	v0 =	vand.u32 $0xFFFF0000, v0;
	[tilespmem:s13+$0xFFFFFFE0] =	vst v1  }
0xa9: {  	[tilespmem:s13+$0xFFFFFFF0] =	vst v0  }
0xaa: {  	s15 =	simm.s32 $0x80;
	v0 =	vld [tilespmem:s5+$0x5010];
	s5 =	simm.s32 $0x9020  }
.LBB2_11:
0xab: {  	_ =	sdelay $0x2  }
0xac: {  	p0 =	sne.s32 s15, $0x3F80  }
0xad: {  	s13 =	sadd.s32 $0x40, s13;
	s16 =	smov.u32 s15;
	s15 =	sadd.s32 $0x80, s15;
	v1 =	vshll.u32 v0, $0x10;
	v0 =	vand.u32 $0xFFFF0000, v0  }
0xae: {  	[tilespmem:s5+$0x0] =	vst v1  }
0xaf: {  	s16 =	sshra.s32 s16, $0x2;
	[tilespmem:s5+$0x10] =	vst v0;
	s5 =	smov.u32 s13  }
0xb0: {  	v0 =	vld [tilespmem:s16+$0x5000];
	_ =	sdelay $0x3  }
.Ltmp4:
0xb1: {  	(pc) =	sbr.rel @p0 .LBB2_11-.Ltmp4, $4  }
0xb2: {  	v1 =	vshll.u32 v0, $0x10;
	v0 =	vand.u32 $0xFFFF0000, v0  }
0xb3: {  	[tilespmem:s13+$0xFFFFFFE0] =	vst v1  }
0xb4: {  	[tilespmem:s13+$0xFFFFFFF0] =	vst v0  }
0xb5: {  	v0 =	vld [tilespmem:s16+$0x5010]  }
0xb6: {  	_ =	sdelay $0x3  }
0xb7: {  	v1 =	vshll.u32 v0, $0x10  }
0xb8: {  	v0 =	vand.u32 $0xFFFF0000, v0;
	[tilespmem:s5+$0x0] =	vst v1  }
0xb9: {  	s15 =	sadd.s32 $0x2800, s11;
	[tilespmem:s5+$0x10] =	vst v0  }
0xba: {  	[spmem:s3] =	stream.indirect.scatter.add.f32 [tilespmem:s28], [sflag:$0x5], $0x40, s15, s17, $0xb8;
	v63 =	vld [tilespmem:$0x0]  }
0xbb: {  	_ =	swait.ge [sflag:s29], $0x1000  }
0xbc: {  	[sflag:s29] =	ssyncset.done $0x0  }
0xbd: {  	s16 =	simm.s32 $0x0;
	[sflag:s29] =	ssyncadd.s32 $0xFFFFF000  }
0xbe: {  	v0 =	vld [tilespmem:s16+$0x6000];
	_ =	sdelay $0x4  }
0xbf: {  	s11 =	simm.s32 $0xB020;
	v1 =	vshll.u32 v0, $0x10  }
0xc0: {  	v0 =	vand.u32 $0xFFFF0000, v0;
	[tilespmem:s11+$0xFFFFFFE0] =	vst v1  }
0xc1: {  	[tilespmem:s11+$0xFFFFFFF0] =	vst v0  }
0xc2: {  	s13 =	simm.s32 $0x80;
	s5 =	simm.s32 $0xB020;
	v0 =	vld [tilespmem:s16+$0x6010]  }
.LBB2_13:
0xc3: {  	_ =	sdelay $0x2  }
0xc4: {  	p0 =	sne.s32 s13, $0x3F80  }
0xc5: {  	s11 =	sadd.s32 $0x40, s11;
	s15 =	smov.u32 s13;
	s13 =	sadd.s32 $0x80, s13;
	v1 =	vshll.u32 v0, $0x10;
	v0 =	vand.u32 $0xFFFF0000, v0  }
0xc6: {  	[tilespmem:s5+$0x0] =	vst v1  }
0xc7: {  	s15 =	sshra.s32 s15, $0x2;
	[tilespmem:s5+$0x10] =	vst v0;
	s5 =	smov.u32 s11  }
0xc8: {  	v0 =	vld [tilespmem:s15+$0x6000];
	_ =	sdelay $0x3  }
.Ltmp5:
0xc9: {  	(pc) =	sbr.rel @p0 .LBB2_13-.Ltmp5, $4  }
0xca: {  	v1 =	vshll.u32 v0, $0x10;
	v0 =	vand.u32 $0xFFFF0000, v0  }
0xcb: {  	[tilespmem:s11+$0xFFFFFFE0] =	vst v1  }
0xcc: {  	[tilespmem:s11+$0xFFFFFFF0] =	vst v0  }
0xcd: {  	v0 =	vld [tilespmem:s15+$0x6010]  }
0xce: {  	_ =	sdelay $0x3  }
0xcf: {  	v1 =	vshll.u32 v0, $0x10  }
0xd0: {  	v0 =	vand.u32 $0xFFFF0000, v0;
	[tilespmem:s5+$0x0] =	vst v1  }
0xd1: {  	s4 =	sadd.s32 $0x2800, s4;
	[tilespmem:s5+$0x10] =	vst v0  }
0xd2: {  	[spmem:s3] =	stream.indirect.scatter.add.f32 [tilespmem:s31], [sflag:$0x6], $0x40, s4, s17, $0xb8;
	v63 =	vld [tilespmem:$0x0]  }
0xd3: {  	_ =	swait.ge [sflag:s0], $0x1000  }
0xd4: {  	[sflag:s0] =	ssyncset.done $0x0  }
0xd5: {  	s16 =	simm.s32 $0x0;
	[sflag:s0] =	ssyncadd.s32 $0xFFFFF000  }
0xd6: {  	v0 =	vld [tilespmem:s16+$0x7000];
	_ =	sdelay $0x4  }
0xd7: {  	s4 =	simm.s32 $0xD020;
	v1 =	vshll.u32 v0, $0x10  }
0xd8: {  	v0 =	vand.u32 $0xFFFF0000, v0;
	[tilespmem:s4+$0xFFFFFFE0] =	vst v1  }
0xd9: {  	[tilespmem:s4+$0xFFFFFFF0] =	vst v0  }
0xda: {  	s11 =	simm.s32 $0x80;
	s5 =	simm.s32 $0xD020;
	v0 =	vld [tilespmem:s16+$0x7010]  }
.LBB2_15:
0xdb: {  	_ =	sdelay $0x2  }
0xdc: {  	p0 =	sne.s32 s11, $0x3F80  }
0xdd: {  	s4 =	sadd.s32 $0x40, s4;
	s13 =	smov.u32 s11;
	s11 =	sadd.s32 $0x80, s11;
	v1 =	vshll.u32 v0, $0x10;
	v0 =	vand.u32 $0xFFFF0000, v0  }
0xde: {  	[tilespmem:s5+$0x0] =	vst v1  }
0xdf: {  	s13 =	sshra.s32 s13, $0x2;
	[tilespmem:s5+$0x10] =	vst v0;
	s5 =	smov.u32 s4  }
0xe0: {  	v0 =	vld [tilespmem:s13+$0x7000];
	_ =	sdelay $0x3  }
.Ltmp6:
0xe1: {  	(pc) =	sbr.rel @p0 .LBB2_15-.Ltmp6, $4  }
0xe2: {  	v1 =	vshll.u32 v0, $0x10;
	v0 =	vand.u32 $0xFFFF0000, v0  }
0xe3: {  	[tilespmem:s4+$0xFFFFFFE0] =	vst v1  }
0xe4: {  	[tilespmem:s4+$0xFFFFFFF0] =	vst v0  }
0xe5: {  	v0 =	vld [tilespmem:s13+$0x7010]  }
0xe6: {  	_ =	sdelay $0x3  }
0xe7: {  	v1 =	vshll.u32 v0, $0x10  }
0xe8: {  	v0 =	vand.u32 $0xFFFF0000, v0;
	[tilespmem:s5+$0x0] =	vst v1  }
0xe9: {  	s4 =	sadd.s32 $0x2800, s24;
	[tilespmem:s5+$0x10] =	vst v0  }
0xea: {  	[spmem:s3] =	stream.indirect.scatter.add.f32 [tilespmem:s6], [sflag:$0x7], $0x40, s4, s17, $0xb8;
	v63 =	vld [tilespmem:$0x0]  }
0xeb: {  	_ =	swait.ge [sflag:s7], $0x1000  }
0xec: {  	[sflag:s7] =	ssyncset.done $0x0  }
0xed: {  	s24 =	simm.s32 $0x0;
	[sflag:s7] =	ssyncadd.s32 $0xFFFFF000  }
0xee: {  	v0 =	vld [tilespmem:s24+$0x8000];
	_ =	sdelay $0x4  }
0xef: {  	s4 =	simm.s32 $0xF020;
	v1 =	vshll.u32 v0, $0x10  }
0xf0: {  	v0 =	vand.u32 $0xFFFF0000, v0;
	[tilespmem:s4+$0xFFFFFFE0] =	vst v1  }
0xf1: {  	[tilespmem:s4+$0xFFFFFFF0] =	vst v0  }
0xf2: {  	s11 =	simm.s32 $0x80;
	s5 =	simm.s32 $0xF020;
	v0 =	vld [tilespmem:s24+$0x8010]  }
.LBB2_17:
0xf3: {  	_ =	sdelay $0x2  }
0xf4: {  	p0 =	sne.s32 s11, $0x3F80  }
0xf5: {  	s4 =	sadd.s32 $0x40, s4;
	s13 =	smov.u32 s11;
	s11 =	sadd.s32 $0x80, s11;
	v1 =	vshll.u32 v0, $0x10;
	v0 =	vand.u32 $0xFFFF0000, v0  }
0xf6: {  	[tilespmem:s5+$0x0] =	vst v1  }
0xf7: {  	s13 =	sshra.s32 s13, $0x2;
	[tilespmem:s5+$0x10] =	vst v0;
	s5 =	smov.u32 s4  }
0xf8: {  	v0 =	vld [tilespmem:s13+$0x8000];
	_ =	sdelay $0x3  }
.Ltmp7:
0xf9: {  	(pc) =	sbr.rel @p0 .LBB2_17-.Ltmp7, $4  }
0xfa: {  	v1 =	vshll.u32 v0, $0x10;
	v0 =	vand.u32 $0xFFFF0000, v0  }
0xfb: {  	[tilespmem:s4+$0xFFFFFFE0] =	vst v1  }
0xfc: {  	[tilespmem:s4+$0xFFFFFFF0] =	vst v0  }
0xfd: {  	v0 =	vld [tilespmem:s13+$0x8010]  }
0xfe: {  	_ = 	snop  }
0xff: {  	s8 =	sadd.s32 $0x1, s8  }
0x100: {  	p0 =	sne.s32 s8, $0x14  }
.Ltmp8:
0x101: {  	_ = 	snop;
	(pc) =	sbr.rel @p0 .LBB2_10-.Ltmp8, $4  }
0x102: {  	v1 =	vshll.u32 v0, $0x10  }
0x103: {  	v62 =	vand.u32 $0xFFFF0000, v0;
	[tilespmem:s5+$0x0] =	vst v1  }
0x104: {  	s4 =	sadd.s32 $0x2800, s23;
	[tilespmem:s5+$0x10] =	vst v62  }
0x105: {  	[spmem:s3] =	stream.indirect.scatter.add.f32 [tilespmem:s20], [sflag:$0x8], $0x40, s4, s17, $0xb8;
	v63 =	vld [tilespmem:$0x0]  }
0x106: {  	_ =	swait.ge [sflag:s22], $0x2000  }
0x107: {  	[sflag:s22] =	ssyncset.done $0x0  }
0x108: {  	[sflag:s22] =	ssyncadd.s32 $0xFFFFE000  }
0x109: {  	_ =	swait.ge [sflag:s9], $0x2000  }
0x10a: {  	[sflag:s9] =	ssyncset.done $0x0  }
0x10b: {  	[sflag:s9] =	ssyncadd.s32 $0xFFFFE000  }
0x10c: {  	_ =	swait.ge [sflag:s10], $0x2000  }
0x10d: {  	[sflag:s10] =	ssyncset.done $0x0  }
0x10e: {  	[sflag:s10] =	ssyncadd.s32 $0xFFFFE000  }
0x10f: {  	_ =	swait.ge [sflag:s30], $0x2000  }
0x110: {  	[sflag:s30] =	ssyncset.done $0x0  }
0x111: {  	[sflag:s30] =	ssyncadd.s32 $0xFFFFE000  }
0x112: {  	[bflag:$0x0] =	sbarrier.arrive $0xFFFF  }
0x113: {  	s8 =	rddreg [dreg:$0xb]  }
0x114: {  	s4 =	rddreg [dreg:$0xc]  }
0x115: {  	[hbm:s4], [sflag:s14] =	dma.local [spmem:s8], $0x1400  }
0x116: {  	_ =	swait.ge [sflag:s12], $0x1400  }
0x117: {  	[sflag:s12] =	ssyncset.done $0x0;
	s11 =	rddreg [dreg:$0x8]  }
0x118: {  	s5 =	rddreg [dreg:$0xa];
	[sflag:s12] =	ssyncadd.s32 $0xFFFFEC00  }
0x119: {  	[spmem:s5], [sflag:s14] =	dma.local [hbm:s11], $0xA00  }
0x11a: {  	_ =	swait.ge [sflag:s12], $0xA00  }
0x11b: {  	[sflag:s12] =	ssyncset.done $0x0  }
0x11c: {  	s13 =	rddreg [dreg:$0x4];
	[sflag:s12] =	ssyncadd.s32 $0xFFFFF600  }
0x11d: {  	[spmem:s8], [sflag:s14] =	dma.local [hbm:s13], $0x1400  }
0x11e: {  	_ =	swait.ge [sflag:s12], $0x1400  }
0x11f: {  	[sflag:s12] =	ssyncset.done $0x0  }
0x120: {  	[sflag:s12] =	ssyncadd.s32 $0xFFFFEC00  }
0x121: {  	s15 =	simm.s32 $0x0;
	[bflag:$0x0] =	sbarrier.arrive $0xFFFF  }
0x122: {  	[tilespmem:s18], [sflag:$0x1] =	stream.indirect.gather [spmem:s1], $0x20, s15, s17, $0xb8;
	v63 =	vld [tilespmem:$0x0]  }
0x123: {  	_ = 	snop  }
0x124: {  	[tilespmem:s19], [sflag:$0x2] =	stream.indirect.gather [spmem:s1], $0x20, s17, s17, $0xb8;
	v63 =	vld [tilespmem:$0x0]  }
0x125: {  	s16 =	simm.s32 $0x100  }
0x126: {  	[tilespmem:s21], [sflag:$0x3] =	stream.indirect.gather [spmem:s1], $0x20, s16, s17, $0xb8;
	v63 =	vld [tilespmem:$0x0]  }
0x127: {  	s23 =	simm.s32 $0x180  }
0x128: {  	[tilespmem:s25], [sflag:$0x4] =	stream.indirect.gather [spmem:s1], $0x20, s23, s17, $0xb8;
	v63 =	vld [tilespmem:$0x0]  }
0x129: {  	_ =	swait.ge [sflag:s26], $0x1000  }
0x12a: {  	[sflag:s26] =	ssyncset.done $0x0  }
0x12b: {  	s24 =	simm.s32 $0x0;
	[sflag:s26] =	ssyncadd.s32 $0xFFFFF000  }
0x12c: {  	v0 =	vld [tilespmem:s24+$0x5000];
	_ =	sdelay $0x4  }
0x12d: {  	s4 =	simm.s32 $0x9020;
	v1 =	vshll.u32 v0, $0x10  }
0x12e: {  	v0 =	vand.u32 $0xFFFF0000, v0;
	[tilespmem:s4+$0xFFFFFFE0] =	vst v1  }
0x12f: {  	[tilespmem:s4+$0xFFFFFFF0] =	vst v0  }
0x130: {  	s5 =	simm.s32 $0x9020;
	s8 =	simm.s32 $0x80;
	v0 =	vld [tilespmem:s24+$0x5010]  }
.LBB2_20:
0x131: {  	_ =	sdelay $0x2  }
0x132: {  	p0 =	sne.s32 s8, $0x3F80  }
0x133: {  	s4 =	sadd.s32 $0x40, s4;
	s11 =	smov.u32 s8;
	s8 =	sadd.s32 $0x80, s8;
	v1 =	vshll.u32 v0, $0x10;
	v0 =	vand.u32 $0xFFFF0000, v0  }
0x134: {  	[tilespmem:s5+$0x0] =	vst v1  }
0x135: {  	s11 =	sshra.s32 s11, $0x2;
	[tilespmem:s5+$0x10] =	vst v0;
	s5 =	smov.u32 s4  }
0x136: {  	v0 =	vld [tilespmem:s11+$0x5000];
	_ =	sdelay $0x3  }
.Ltmp9:
0x137: {  	(pc) =	sbr.rel @p0 .LBB2_20-.Ltmp9, $4  }
0x138: {  	v1 =	vshll.u32 v0, $0x10;
	v0 =	vand.u32 $0xFFFF0000, v0  }
0x139: {  	[tilespmem:s4+$0xFFFFFFE0] =	vst v1  }
0x13a: {  	[tilespmem:s4+$0xFFFFFFF0] =	vst v0  }
0x13b: {  	v0 =	vld [tilespmem:s11+$0x5010]  }
0x13c: {  	_ =	sdelay $0x3  }
0x13d: {  	v1 =	vshll.u32 v0, $0x10  }
0x13e: {  	v0 =	vand.u32 $0xFFFF0000, v0;
	[tilespmem:s5+$0x0] =	vst v1  }
0x13f: {  	s4 =	simm.s32 $0x2800;
	[tilespmem:s5+$0x10] =	vst v0  }
0x140: {  	[spmem:s3] =	stream.indirect.scatter.add.f32 [tilespmem:s28], [sflag:$0x5], $0x40, s4, s17, $0xb8;
	v63 =	vld [tilespmem:$0x0]  }
0x141: {  	_ =	swait.ge [sflag:s29], $0x1000  }
0x142: {  	[sflag:s29] =	ssyncset.done $0x0  }
0x143: {  	s24 =	simm.s32 $0x0;
	[sflag:s29] =	ssyncadd.s32 $0xFFFFF000  }
0x144: {  	v0 =	vld [tilespmem:s24+$0x6000];
	_ =	sdelay $0x4  }
0x145: {  	s4 =	simm.s32 $0xB020;
	v1 =	vshll.u32 v0, $0x10  }
0x146: {  	v0 =	vand.u32 $0xFFFF0000, v0;
	[tilespmem:s4+$0xFFFFFFE0] =	vst v1  }
0x147: {  	[tilespmem:s4+$0xFFFFFFF0] =	vst v0  }
0x148: {  	s8 =	simm.s32 $0x80;
	s5 =	simm.s32 $0xB020;
	v0 =	vld [tilespmem:s24+$0x6010]  }
.LBB2_22:
0x149: {  	_ =	sdelay $0x2  }
0x14a: {  	p0 =	sne.s32 s8, $0x3F80  }
0x14b: {  	s4 =	sadd.s32 $0x40, s4;
	s11 =	smov.u32 s8;
	s8 =	sadd.s32 $0x80, s8;
	v1 =	vshll.u32 v0, $0x10;
	v0 =	vand.u32 $0xFFFF0000, v0  }
0x14c: {  	[tilespmem:s5+$0x0] =	vst v1  }
0x14d: {  	s11 =	sshra.s32 s11, $0x2;
	[tilespmem:s5+$0x10] =	vst v0;
	s5 =	smov.u32 s4  }
0x14e: {  	v0 =	vld [tilespmem:s11+$0x6000];
	_ =	sdelay $0x3  }
.Ltmp10:
0x14f: {  	(pc) =	sbr.rel @p0 .LBB2_22-.Ltmp10, $4  }
0x150: {  	v1 =	vshll.u32 v0, $0x10;
	v0 =	vand.u32 $0xFFFF0000, v0  }
0x151: {  	[tilespmem:s4+$0xFFFFFFE0] =	vst v1  }
0x152: {  	[tilespmem:s4+$0xFFFFFFF0] =	vst v0  }
0x153: {  	v0 =	vld [tilespmem:s11+$0x6010]  }
0x154: {  	_ =	sdelay $0x3  }
0x155: {  	v1 =	vshll.u32 v0, $0x10  }
0x156: {  	v0 =	vand.u32 $0xFFFF0000, v0;
	[tilespmem:s5+$0x0] =	vst v1  }
0x157: {  	s4 =	simm.s32 $0x2880;
	[tilespmem:s5+$0x10] =	vst v0  }
0x158: {  	[spmem:s3] =	stream.indirect.scatter.add.f32 [tilespmem:s31], [sflag:$0x6], $0x40, s4, s17, $0xb8;
	v63 =	vld [tilespmem:$0x0]  }
0x159: {  	_ =	swait.ge [sflag:s0], $0x1000  }
0x15a: {  	[sflag:s0] =	ssyncset.done $0x0  }
0x15b: {  	s24 =	simm.s32 $0x0;
	[sflag:s0] =	ssyncadd.s32 $0xFFFFF000  }
0x15c: {  	v0 =	vld [tilespmem:s24+$0x7000];
	_ =	sdelay $0x4  }
0x15d: {  	s4 =	simm.s32 $0xD020;
	v1 =	vshll.u32 v0, $0x10  }
0x15e: {  	v0 =	vand.u32 $0xFFFF0000, v0;
	[tilespmem:s4+$0xFFFFFFE0] =	vst v1  }
0x15f: {  	[tilespmem:s4+$0xFFFFFFF0] =	vst v0  }
0x160: {  	s8 =	simm.s32 $0x80;
	s5 =	simm.s32 $0xD020;
	v0 =	vld [tilespmem:s24+$0x7010]  }
.LBB2_24:
0x161: {  	_ =	sdelay $0x2  }
0x162: {  	p0 =	sne.s32 s8, $0x3F80  }
0x163: {  	s4 =	sadd.s32 $0x40, s4;
	s11 =	smov.u32 s8;
	s8 =	sadd.s32 $0x80, s8;
	v1 =	vshll.u32 v0, $0x10;
	v0 =	vand.u32 $0xFFFF0000, v0  }
0x164: {  	[tilespmem:s5+$0x0] =	vst v1  }
0x165: {  	s11 =	sshra.s32 s11, $0x2;
	[tilespmem:s5+$0x10] =	vst v0;
	s5 =	smov.u32 s4  }
0x166: {  	v0 =	vld [tilespmem:s11+$0x7000];
	_ =	sdelay $0x3  }
.Ltmp11:
0x167: {  	(pc) =	sbr.rel @p0 .LBB2_24-.Ltmp11, $4  }
0x168: {  	v1 =	vshll.u32 v0, $0x10;
	v0 =	vand.u32 $0xFFFF0000, v0  }
0x169: {  	[tilespmem:s4+$0xFFFFFFE0] =	vst v1  }
0x16a: {  	[tilespmem:s4+$0xFFFFFFF0] =	vst v0  }
0x16b: {  	v0 =	vld [tilespmem:s11+$0x7010]  }
0x16c: {  	_ =	sdelay $0x3  }
0x16d: {  	v1 =	vshll.u32 v0, $0x10  }
0x16e: {  	v0 =	vand.u32 $0xFFFF0000, v0;
	[tilespmem:s5+$0x0] =	vst v1  }
0x16f: {  	s4 =	simm.s32 $0x2900;
	[tilespmem:s5+$0x10] =	vst v0  }
0x170: {  	[spmem:s3] =	stream.indirect.scatter.add.f32 [tilespmem:s6], [sflag:$0x7], $0x40, s4, s17, $0xb8;
	v63 =	vld [tilespmem:$0x0]  }
0x171: {  	_ =	swait.ge [sflag:s7], $0x1000  }
0x172: {  	[sflag:s7] =	ssyncset.done $0x0  }
0x173: {  	s24 =	simm.s32 $0x0;
	[sflag:s7] =	ssyncadd.s32 $0xFFFFF000  }
0x174: {  	v0 =	vld [tilespmem:s24+$0x8000];
	_ =	sdelay $0x4  }
0x175: {  	s4 =	simm.s32 $0xF020;
	v1 =	vshll.u32 v0, $0x10  }
0x176: {  	v0 =	vand.u32 $0xFFFF0000, v0;
	[tilespmem:s4+$0xFFFFFFE0] =	vst v1  }
0x177: {  	[tilespmem:s4+$0xFFFFFFF0] =	vst v0  }
0x178: {  	s8 =	simm.s32 $0x80;
	s5 =	simm.s32 $0xF020;
	v0 =	vld [tilespmem:s24+$0x8010]  }
.LBB2_26:
0x179: {  	_ =	sdelay $0x2  }
0x17a: {  	p0 =	sne.s32 s8, $0x3F80  }
0x17b: {  	s4 =	sadd.s32 $0x40, s4;
	s11 =	smov.u32 s8;
	s8 =	sadd.s32 $0x80, s8;
	v1 =	vshll.u32 v0, $0x10;
	v0 =	vand.u32 $0xFFFF0000, v0  }
0x17c: {  	[tilespmem:s5+$0x0] =	vst v1  }
0x17d: {  	s11 =	sshra.s32 s11, $0x2;
	[tilespmem:s5+$0x10] =	vst v0;
	s5 =	smov.u32 s4  }
0x17e: {  	v0 =	vld [tilespmem:s11+$0x8000];
	_ =	sdelay $0x3  }
.Ltmp12:
0x17f: {  	(pc) =	sbr.rel @p0 .LBB2_26-.Ltmp12, $4  }
0x180: {  	v1 =	vshll.u32 v0, $0x10;
	v0 =	vand.u32 $0xFFFF0000, v0  }
0x181: {  	[tilespmem:s4+$0xFFFFFFE0] =	vst v1  }
0x182: {  	[tilespmem:s4+$0xFFFFFFF0] =	vst v0  }
0x183: {  	v0 =	vld [tilespmem:s11+$0x8010]  }
0x184: {  	_ =	sdelay $0x3  }
0x185: {  	v1 =	vshll.u32 v0, $0x10  }
0x186: {  	v62 =	vand.u32 $0xFFFF0000, v0;
	[tilespmem:s5+$0x0] =	vst v1  }
0x187: {  	s4 =	simm.s32 $0x2980;
	s8 =	simm.s32 $0x1;
	[tilespmem:s5+$0x10] =	vst v62  }
0x188: {  	[spmem:s3] =	stream.indirect.scatter.add.f32 [tilespmem:s20], [sflag:$0x8], $0x40, s4, s17, $0xb8;
	v63 =	vld [tilespmem:$0x0]  }
.LBB2_28:
0x189: {  	_ =	swait.ge [sflag:s22], $0x2000  }
0x18a: {  	[sflag:s22] =	ssyncset.done $0x0  }
0x18b: {  	s11 =	sshll.u32 s8, $0x9;
	[sflag:s22] =	ssyncadd.s32 $0xFFFFE000  }
0x18c: {  	[tilespmem:s18], [sflag:$0x1] =	stream.indirect.gather [spmem:s1], $0x20, s11, s17, $0xb8;
	v63 =	vld [tilespmem:$0x0]  }
0x18d: {  	_ =	swait.ge [sflag:s9], $0x2000  }
0x18e: {  	[sflag:s9] =	ssyncset.done $0x0  }
0x18f: {  	s4 =	sor.u32 $0x80, s11;
	[sflag:s9] =	ssyncadd.s32 $0xFFFFE000  }
0x190: {  	[tilespmem:s19], [sflag:$0x2] =	stream.indirect.gather [spmem:s1], $0x20, s4, s17, $0xb8;
	v63 =	vld [tilespmem:$0x0]  }
0x191: {  	_ =	swait.ge [sflag:s10], $0x2000  }
0x192: {  	[sflag:s10] =	ssyncset.done $0x0  }
0x193: {  	s24 =	sor.u32 $0x100, s11;
	[sflag:s10] =	ssyncadd.s32 $0xFFFFE000  }
0x194: {  	[tilespmem:s21], [sflag:$0x3] =	stream.indirect.gather [spmem:s1], $0x20, s24, s17, $0xb8;
	v63 =	vld [tilespmem:$0x0]  }
0x195: {  	_ =	swait.ge [sflag:s30], $0x2000  }
0x196: {  	[sflag:s30] =	ssyncset.done $0x0  }
0x197: {  	s23 =	sor.u32 $0x180, s11;
	[sflag:s30] =	ssyncadd.s32 $0xFFFFE000  }
0x198: {  	[tilespmem:s25], [sflag:$0x4] =	stream.indirect.gather [spmem:s1], $0x20, s23, s17, $0xb8;
	v63 =	vld [tilespmem:$0x0]  }
0x199: {  	_ =	swait.ge [sflag:s26], $0x1000  }
0x19a: {  	[sflag:s26] =	ssyncset.done $0x0  }
0x19b: {  	s5 =	simm.s32 $0x0;
	[sflag:s26] =	ssyncadd.s32 $0xFFFFF000  }
0x19c: {  	v0 =	vld [tilespmem:s5+$0x5000];
	_ =	sdelay $0x4  }
0x19d: {  	s13 =	simm.s32 $0x9020;
	v1 =	vshll.u32 v0, $0x10  }
0x19e: {  	v0 =	vand.u32 $0xFFFF0000, v0;
	[tilespmem:s13+$0xFFFFFFE0] =	vst v1  }
0x19f: {  	[tilespmem:s13+$0xFFFFFFF0] =	vst v0  }
0x1a0: {  	s15 =	simm.s32 $0x80;
	v0 =	vld [tilespmem:s5+$0x5010];
	s5 =	simm.s32 $0x9020  }
.LBB2_29:
0x1a1: {  	_ =	sdelay $0x2  }
0x1a2: {  	p0 =	sne.s32 s15, $0x3F80  }
0x1a3: {  	s13 =	sadd.s32 $0x40, s13;
	s16 =	smov.u32 s15;
	s15 =	sadd.s32 $0x80, s15;
	v1 =	vshll.u32 v0, $0x10;
	v0 =	vand.u32 $0xFFFF0000, v0  }
0x1a4: {  	[tilespmem:s5+$0x0] =	vst v1  }
0x1a5: {  	s16 =	sshra.s32 s16, $0x2;
	[tilespmem:s5+$0x10] =	vst v0;
	s5 =	smov.u32 s13  }
0x1a6: {  	v0 =	vld [tilespmem:s16+$0x5000];
	_ =	sdelay $0x3  }
.Ltmp13:
0x1a7: {  	(pc) =	sbr.rel @p0 .LBB2_29-.Ltmp13, $4  }
0x1a8: {  	v1 =	vshll.u32 v0, $0x10;
	v0 =	vand.u32 $0xFFFF0000, v0  }
0x1a9: {  	[tilespmem:s13+$0xFFFFFFE0] =	vst v1  }
0x1aa: {  	[tilespmem:s13+$0xFFFFFFF0] =	vst v0  }
0x1ab: {  	v0 =	vld [tilespmem:s16+$0x5010]  }
0x1ac: {  	_ =	sdelay $0x3  }
0x1ad: {  	v1 =	vshll.u32 v0, $0x10  }
0x1ae: {  	v0 =	vand.u32 $0xFFFF0000, v0;
	[tilespmem:s5+$0x0] =	vst v1  }
0x1af: {  	s15 =	sadd.s32 $0x2800, s11;
	[tilespmem:s5+$0x10] =	vst v0  }
0x1b0: {  	[spmem:s3] =	stream.indirect.scatter.add.f32 [tilespmem:s28], [sflag:$0x5], $0x40, s15, s17, $0xb8;
	v63 =	vld [tilespmem:$0x0]  }
0x1b1: {  	_ =	swait.ge [sflag:s29], $0x1000  }
0x1b2: {  	[sflag:s29] =	ssyncset.done $0x0  }
0x1b3: {  	s16 =	simm.s32 $0x0;
	[sflag:s29] =	ssyncadd.s32 $0xFFFFF000  }
0x1b4: {  	v0 =	vld [tilespmem:s16+$0x6000];
	_ =	sdelay $0x4  }
0x1b5: {  	s11 =	simm.s32 $0xB020;
	v1 =	vshll.u32 v0, $0x10  }
0x1b6: {  	v0 =	vand.u32 $0xFFFF0000, v0;
	[tilespmem:s11+$0xFFFFFFE0] =	vst v1  }
0x1b7: {  	[tilespmem:s11+$0xFFFFFFF0] =	vst v0  }
0x1b8: {  	s13 =	simm.s32 $0x80;
	s5 =	simm.s32 $0xB020;
	v0 =	vld [tilespmem:s16+$0x6010]  }
.LBB2_31:
0x1b9: {  	_ =	sdelay $0x2  }
0x1ba: {  	p0 =	sne.s32 s13, $0x3F80  }
0x1bb: {  	s11 =	sadd.s32 $0x40, s11;
	s15 =	smov.u32 s13;
	s13 =	sadd.s32 $0x80, s13;
	v1 =	vshll.u32 v0, $0x10;
	v0 =	vand.u32 $0xFFFF0000, v0  }
0x1bc: {  	[tilespmem:s5+$0x0] =	vst v1  }
0x1bd: {  	s15 =	sshra.s32 s15, $0x2;
	[tilespmem:s5+$0x10] =	vst v0;
	s5 =	smov.u32 s11  }
0x1be: {  	v0 =	vld [tilespmem:s15+$0x6000];
	_ =	sdelay $0x3  }
.Ltmp14:
0x1bf: {  	(pc) =	sbr.rel @p0 .LBB2_31-.Ltmp14, $4  }
0x1c0: {  	v1 =	vshll.u32 v0, $0x10;
	v0 =	vand.u32 $0xFFFF0000, v0  }
0x1c1: {  	[tilespmem:s11+$0xFFFFFFE0] =	vst v1  }
0x1c2: {  	[tilespmem:s11+$0xFFFFFFF0] =	vst v0  }
0x1c3: {  	v0 =	vld [tilespmem:s15+$0x6010]  }
0x1c4: {  	_ =	sdelay $0x3  }
0x1c5: {  	v1 =	vshll.u32 v0, $0x10  }
0x1c6: {  	v0 =	vand.u32 $0xFFFF0000, v0;
	[tilespmem:s5+$0x0] =	vst v1  }
0x1c7: {  	s4 =	sadd.s32 $0x2800, s4;
	[tilespmem:s5+$0x10] =	vst v0  }
0x1c8: {  	[spmem:s3] =	stream.indirect.scatter.add.f32 [tilespmem:s31], [sflag:$0x6], $0x40, s4, s17, $0xb8;
	v63 =	vld [tilespmem:$0x0]  }
0x1c9: {  	_ =	swait.ge [sflag:s0], $0x1000  }
0x1ca: {  	[sflag:s0] =	ssyncset.done $0x0  }
0x1cb: {  	s16 =	simm.s32 $0x0;
	[sflag:s0] =	ssyncadd.s32 $0xFFFFF000  }
0x1cc: {  	v0 =	vld [tilespmem:s16+$0x7000];
	_ =	sdelay $0x4  }
0x1cd: {  	s4 =	simm.s32 $0xD020;
	v1 =	vshll.u32 v0, $0x10  }
0x1ce: {  	v0 =	vand.u32 $0xFFFF0000, v0;
	[tilespmem:s4+$0xFFFFFFE0] =	vst v1  }
0x1cf: {  	[tilespmem:s4+$0xFFFFFFF0] =	vst v0  }
0x1d0: {  	s11 =	simm.s32 $0x80;
	s5 =	simm.s32 $0xD020;
	v0 =	vld [tilespmem:s16+$0x7010]  }
.LBB2_33:
0x1d1: {  	_ =	sdelay $0x2  }
0x1d2: {  	p0 =	sne.s32 s11, $0x3F80  }
0x1d3: {  	s4 =	sadd.s32 $0x40, s4;
	s13 =	smov.u32 s11;
	s11 =	sadd.s32 $0x80, s11;
	v1 =	vshll.u32 v0, $0x10;
	v0 =	vand.u32 $0xFFFF0000, v0  }
0x1d4: {  	[tilespmem:s5+$0x0] =	vst v1  }
0x1d5: {  	s13 =	sshra.s32 s13, $0x2;
	[tilespmem:s5+$0x10] =	vst v0;
	s5 =	smov.u32 s4  }
0x1d6: {  	v0 =	vld [tilespmem:s13+$0x7000];
	_ =	sdelay $0x3  }
.Ltmp15:
0x1d7: {  	(pc) =	sbr.rel @p0 .LBB2_33-.Ltmp15, $4  }
0x1d8: {  	v1 =	vshll.u32 v0, $0x10;
	v0 =	vand.u32 $0xFFFF0000, v0  }
0x1d9: {  	[tilespmem:s4+$0xFFFFFFE0] =	vst v1  }
0x1da: {  	[tilespmem:s4+$0xFFFFFFF0] =	vst v0  }
0x1db: {  	v0 =	vld [tilespmem:s13+$0x7010]  }
0x1dc: {  	_ =	sdelay $0x3  }
0x1dd: {  	v1 =	vshll.u32 v0, $0x10  }
0x1de: {  	v0 =	vand.u32 $0xFFFF0000, v0;
	[tilespmem:s5+$0x0] =	vst v1  }
0x1df: {  	s4 =	sadd.s32 $0x2800, s24;
	[tilespmem:s5+$0x10] =	vst v0  }
0x1e0: {  	[spmem:s3] =	stream.indirect.scatter.add.f32 [tilespmem:s6], [sflag:$0x7], $0x40, s4, s17, $0xb8;
	v63 =	vld [tilespmem:$0x0]  }
0x1e1: {  	_ =	swait.ge [sflag:s7], $0x1000  }
0x1e2: {  	[sflag:s7] =	ssyncset.done $0x0  }
0x1e3: {  	s24 =	simm.s32 $0x0;
	[sflag:s7] =	ssyncadd.s32 $0xFFFFF000  }
0x1e4: {  	v0 =	vld [tilespmem:s24+$0x8000];
	_ =	sdelay $0x4  }
0x1e5: {  	s4 =	simm.s32 $0xF020;
	v1 =	vshll.u32 v0, $0x10  }
0x1e6: {  	v0 =	vand.u32 $0xFFFF0000, v0;
	[tilespmem:s4+$0xFFFFFFE0] =	vst v1  }
0x1e7: {  	[tilespmem:s4+$0xFFFFFFF0] =	vst v0  }
0x1e8: {  	s11 =	simm.s32 $0x80;
	s5 =	simm.s32 $0xF020;
	v0 =	vld [tilespmem:s24+$0x8010]  }
.LBB2_35:
0x1e9: {  	_ =	sdelay $0x2  }
0x1ea: {  	p0 =	sne.s32 s11, $0x3F80  }
0x1eb: {  	s4 =	sadd.s32 $0x40, s4;
	s13 =	smov.u32 s11;
	s11 =	sadd.s32 $0x80, s11;
	v1 =	vshll.u32 v0, $0x10;
	v0 =	vand.u32 $0xFFFF0000, v0  }
0x1ec: {  	[tilespmem:s5+$0x0] =	vst v1  }
0x1ed: {  	s13 =	sshra.s32 s13, $0x2;
	[tilespmem:s5+$0x10] =	vst v0;
	s5 =	smov.u32 s4  }
0x1ee: {  	v0 =	vld [tilespmem:s13+$0x8000];
	_ =	sdelay $0x3  }
.Ltmp16:
0x1ef: {  	(pc) =	sbr.rel @p0 .LBB2_35-.Ltmp16, $4  }
0x1f0: {  	v1 =	vshll.u32 v0, $0x10;
	v0 =	vand.u32 $0xFFFF0000, v0  }
0x1f1: {  	[tilespmem:s4+$0xFFFFFFE0] =	vst v1  }
0x1f2: {  	[tilespmem:s4+$0xFFFFFFF0] =	vst v0  }
0x1f3: {  	v0 =	vld [tilespmem:s13+$0x8010]  }
0x1f4: {  	_ = 	snop  }
0x1f5: {  	s8 =	sadd.s32 $0x1, s8  }
0x1f6: {  	p0 =	sne.s32 s8, $0x14  }
.Ltmp17:
0x1f7: {  	_ = 	snop;
	(pc) =	sbr.rel @p0 .LBB2_28-.Ltmp17, $4  }
0x1f8: {  	v1 =	vshll.u32 v0, $0x10  }
0x1f9: {  	v62 =	vand.u32 $0xFFFF0000, v0;
	[tilespmem:s5+$0x0] =	vst v1  }
0x1fa: {  	s4 =	sadd.s32 $0x2800, s23;
	[tilespmem:s5+$0x10] =	vst v62  }
0x1fb: {  	[spmem:s3] =	stream.indirect.scatter.add.f32 [tilespmem:s20], [sflag:$0x8], $0x40, s4, s17, $0xb8;
	v63 =	vld [tilespmem:$0x0]  }
0x1fc: {  	_ =	swait.ge [sflag:s22], $0x2000  }
0x1fd: {  	[sflag:s22] =	ssyncset.done $0x0  }
0x1fe: {  	[sflag:s22] =	ssyncadd.s32 $0xFFFFE000  }
0x1ff: {  	_ =	swait.ge [sflag:s9], $0x2000  }
0x200: {  	[sflag:s9] =	ssyncset.done $0x0  }
0x201: {  	[sflag:s9] =	ssyncadd.s32 $0xFFFFE000  }
0x202: {  	_ =	swait.ge [sflag:s10], $0x2000  }
0x203: {  	[sflag:s10] =	ssyncset.done $0x0  }
0x204: {  	[sflag:s10] =	ssyncadd.s32 $0xFFFFE000  }
0x205: {  	_ =	swait.ge [sflag:s30], $0x2000  }
0x206: {  	[sflag:s30] =	ssyncset.done $0x0  }
0x207: {  	[sflag:s30] =	ssyncadd.s32 $0xFFFFE000  }
0x208: {  	[bflag:$0x0] =	sbarrier.arrive $0xFFFF  }
0x209: {  	s11 =	rddreg [dreg:$0xb]  }
0x20a: {  	s4 =	rddreg [dreg:$0xd]  }
0x20b: {  	[hbm:s4], [sflag:s14] =	dma.local [spmem:s11], $0x1400  }
0x20c: {  	_ =	swait.ge [sflag:s12], $0x1400  }
0x20d: {  	s2 =	sadd.s32 $0x1, s2;
	s24 =	rddreg [dreg:$0x9]  }
0x20e: {  	p0 =	sne.s32 s2, s24  }
.Ltmp18:
0x20f: {  	_ = 	snop;
	(pc) =	sbr.rel @p0 .LBB2_1-.Ltmp18, $3  }
0x210: {  	_ =	sdelay $0x1  }
0x211: {  	[sflag:s12] =	ssyncset.done $0x0  }
0x212: {  	[sflag:s12] =	ssyncadd.s32 $0xFFFFEC00  }
0x213: {  	_ =	sfence.sel $0x180000  }
0x214: {  	[bflag:$0x0] =	sbarrier.arrive $0xFFFF  }
0x215: {  	_ =	strace $0x9000004A  }
0x216: {  	s0 =	stileid.u32;
	[bflag:$0x2] =	sbarrier.arrive $0xFFFF  }
0x217: {  	p0 =	sne.s32 s0, $0x0;
	s0 =	rddreg [dreg:$0x3]  }
0x218: {  	s0 =	sadd.s32 @!p0 $0x100000, s0  }
0x219: {  	[sflag:s0] =	ssyncadd.tile.s32 @!p0 $0x1;
	_ =	shalt  }
.Lfunc_end2:
_tile_overlayer_lowered:
.L_overlay_start_2:
0x21a: {  	(tag) =	ssettag $0x2  }
0x21b: {  	s0 =	rddreg [dreg:$0x0];
	s2 =	stileid.u32  }
0x21c: {  	s1 =	rddreg [dreg:$0x1];
	p0 =	sne.s32 s2, $0x0  }
0x21d: {  	s3 =	rddreg [dreg:$0x2];
	[bflag:$0x3] =	sbarrier.arrive $0xFFFF;
	s2 =	simm.s32 @!p0 $0x1C0A  }
0x21e: {  	[timem:s3], [sflag:s2] =	dma.local @!p0 [hbm:s0], s1  }
0x21f: {  	s0 =	simm.s32 @!p0 $0xA  }
0x220: {  	_ =	swait.ge @!p0 [sflag:s0], s1  }
0x221: {  	s1 =	ssub.s32 @!p0 $0x0, s1;
	[sflag:s0] =	ssyncset.done @!p0 $0x0  }
0x222: {  	[sflag:s0] =	ssyncadd.s32 @!p0 s1  }
0x223: {  	[bflag:$0x3] =	sbarrier.arrive $0xFFFF  }
0x224: {  	_ =	shalt  }

// kernel: kernel.15.cloned.1.call-start
scs
__scs_entry_jumppad:
0x0: {  	(pc) =	sbr.rel $0x88, $3  }
0x1: {  	(tag) =	ssettag $0x0;
	lr =	simm.s32 $0x1  }
0x2: {  	[smem:$0x3F97] =	sst lr;
	_ =	strace $0xD0000000  }
0x3: {  	_ = 	snop  }
0x4: {  	_ = 	snop  }
0x5: {  	_ = 	snop  }
0x6: {  	_ = 	snop  }
0x7: {  	_ = 	snop  }
__scs_overlays_trampoline_lowered:
0x8: {  	[smem:$0x3FA6] =	sst s0  }
0x9: {  	[smem:$0x3FA7] =	sst s1  }
0xa: {  	[smem:$0x3FA8] =	sst s2  }
0xb: {  	[smem:$0x3FA9] =	sst s3  }
0xc: {  	[smem:$0x3FAA] =	sst s4  }
0xd: {  	[smem:$0x3FAB] =	sst s5  }
0xe: {  	[smem:$0x3FAC] =	sst s6  }
0xf: {  	[smem:$0x3FAD] =	sst s7  }
0x10: {  	[smem:$0x3FAE] =	sst s8  }
0x11: {  	[smem:$0x3FAF] =	sst s9;
	s0 =	simm.s32 @!p0 $0x0  }
0x12: {  	s1 =	sld [smem:$0x3F95];
	s0 =	simm.s32 @p0 $0x1  }
0x13: {  	[smem:$0x3FB0] =	sst s0;
	s0 =	simm.s32 @!p1 $0x0  }
0x14: {  	s2 =	sld [smem:$0x3F94];
	s0 =	simm.s32 @p1 $0x1  }
0x15: {  	[smem:$0x3FB1] =	sst s0;
	s0 =	simm.s32 @!p2 $0x0  }
0x16: {  	s3 =	sld [smem:$0x3FDB];
	s0 =	simm.s32 @p2 $0x1  }
0x17: {  	s4 =	simm.s32 $0x1BF5;
	[smem:$0x3FB3] =	sst s0  }
0x18: {  	s0 =	sld [smem:$0x3F96];
	_ =	swait.ge [sflag:s4], $0x0  }
0x19: {  	s7 =	sld [smem:$0x3F97]  }
0x1a: {  	s8 =	sadd.s32 $0xFFFFE003, lr  }
0x1b: {  	s9 =	sadd.s32 $0xFFFFFEF7, lr;
	s5 =	simm.s32 $0xFFFFFFFF;
	p2 =	slt.u32 s8, $0xFFFFF086  }
0x1c: {  	p1 =	slt.u32 s9, $0xF7A;
	s5 =	simm.s32 @!p2 $0x0  }
0x1d: {  	s5 =	simm.s32 @p1 $0x1;
	p0 =	seq.s32 s7, s2  }
0x1e: {  	s7 =	smul.u32 @!p0 $0xF7A, s2;
	p2 =	seq.s32 @!p0 s5, $0x0  }
0x1f: {  	s9 =	smul.u32 $0xF7A, s1;
	s8 =	simm.s32 @!p0 $0x1BF5;
	p2 =	por !p2, p0  }
0x20: {  	[sflag:s8] =	ssyncset.s32 @!p0 $0xFFFFF086;
	s6 =	sadd.s32 @!p0 s3, s7;
	s7 =	simm.s32 @!p0 $0x108  }
0x21: {  	s3 =	sadd.s32 s3, s9;
	s6 =	sadd.s32 @!p0 $0x88, s6;
	s7 =	simm.s32 @p2 $0x1082  }
0x22: {  	[simem:s7], [sflag:s8] =	dma.local @!p0 [hbm:s6], $0xF7A  }
0x23: {  	s9 =	sor.u32 $0xD0000000, s2;
	s6 =	simm.s32 $0x108;
	_ =	swait.ge @!p0 [sflag:s8], $0x0  }
0x24: {  	s3 =	sadd.s32 $0x88, s3;
	s6 =	simm.s32 @!p1 $0x1082;
	[sflag:s4] =	ssyncset.s32 $0xFFFFF086  }
0x25: {  	[simem:s6], [sflag:s4] =	dma.local [hbm:s3], $0xF7A  }
0x26: {  	[smem:$0x3F97] =	sst s1;
	(tag) =	ssettag s2;
	_ =	strace s9  }
0x27: {  	s1 =	sld [smem:$0x3FA7]  }
0x28: {  	s2 =	sld [smem:$0x3FA8]  }
0x29: {  	s4 =	sld [smem:$0x3FAA]  }
0x2a: {  	p0 =	seq.s32 s5, $0x0;
	s5 =	sld [smem:$0x3FAB]  }
0x2b: {  	s6 =	sld [smem:$0x3FAC]  }
0x2c: {  	s7 =	sld [smem:$0x3FAD]  }
0x2d: {  	s3 =	simm.s32 $0x108;
	s8 =	sld [smem:$0x3FAE]  }
0x2e: {  	s3 =	simm.s32 @!p0 $0x1082;
	s9 =	sld [smem:$0x3FAF]  }
0x2f: {  	lr =	sadd.s32 s0, s3;
	s0 =	sld [smem:$0x3FA6]  }
0x30: {  	s3 =	sld [smem:$0x3FA9]  }
0x31: {  	[smem:$0x3FB2] =	sst s10  }
0x32: {  	s10 =	sld [smem:$0x3FB0];
	_ =	sdelay $0x3  }
0x33: {  	p0 =	seq.s32 s10, $0x1;
	s10 =	sld [smem:$0x3FB2];
	_ =	sdelay $0x3  }
0x34: {  	[smem:$0x3FB2] =	sst s10  }
0x35: {  	s10 =	sld [smem:$0x3FB1];
	_ =	sdelay $0x3  }
0x36: {  	p1 =	seq.s32 s10, $0x1;
	s10 =	sld [smem:$0x3FB2];
	_ =	sdelay $0x3  }
0x37: {  	[smem:$0x3FB2] =	sst s10  }
0x38: {  	s10 =	sld [smem:$0x3FB3]  }
0x39: {  	_ = 	snop;
	(pc) =	sbr.ind lr, $3  }
0x3a: {  	_ = 	snop  }
0x3b: {  	_ = 	snop  }
0x3c: {  	p2 =	seq.s32 s10, $0x1;
	s10 =	sld [smem:$0x3FB2]  }
0x3d: {  	_ =	shalt  }
0x3e: {  	_ =	shalt  }
0x3f: {  	_ =	shalt  }
0x40: {  	_ =	shalt  }
0x41: {  	_ =	shalt  }
0x42: {  	_ =	shalt  }
0x43: {  	_ =	shalt  }
0x44: {  	_ =	shalt  }
0x45: {  	_ =	shalt  }
0x46: {  	_ =	shalt  }
0x47: {  	_ =	shalt  }
0x48: {  	_ =	shalt  }
0x49: {  	_ =	shalt  }
0x4a: {  	_ =	shalt  }
0x4b: {  	_ =	shalt  }
0x4c: {  	_ =	shalt  }
0x4d: {  	_ =	shalt  }
0x4e: {  	_ =	shalt  }
0x4f: {  	_ =	shalt  }
0x50: {  	_ =	shalt  }
0x51: {  	_ =	shalt  }
0x52: {  	_ =	shalt  }
0x53: {  	_ =	shalt  }
0x54: {  	_ =	shalt  }
0x55: {  	_ =	shalt  }
0x56: {  	_ =	shalt  }
0x57: {  	_ =	shalt  }
0x58: {  	_ =	shalt  }
0x59: {  	_ =	shalt  }
0x5a: {  	_ =	shalt  }
0x5b: {  	_ =	shalt  }
0x5c: {  	_ =	shalt  }
0x5d: {  	_ =	shalt  }
0x5e: {  	_ =	shalt  }
0x5f: {  	_ =	shalt  }
0x60: {  	_ =	shalt  }
0x61: {  	_ =	shalt  }
0x62: {  	_ =	shalt  }
0x63: {  	_ =	shalt  }
0x64: {  	_ =	shalt  }
0x65: {  	_ =	shalt  }
0x66: {  	_ =	shalt  }
0x67: {  	_ =	shalt  }
0x68: {  	_ =	shalt  }
0x69: {  	_ =	shalt  }
0x6a: {  	_ =	shalt  }
0x6b: {  	_ =	shalt  }
0x6c: {  	_ =	shalt  }
0x6d: {  	_ =	shalt  }
0x6e: {  	_ =	shalt  }
0x6f: {  	_ =	shalt  }
0x70: {  	_ =	shalt  }
0x71: {  	_ =	shalt  }
0x72: {  	_ =	shalt  }
0x73: {  	_ =	shalt  }
0x74: {  	_ =	shalt  }
0x75: {  	_ =	shalt  }
0x76: {  	_ =	shalt  }
0x77: {  	_ =	shalt  }
0x78: {  	_ =	shalt  }
0x79: {  	_ =	shalt  }
0x7a: {  	_ =	shalt  }
0x7b: {  	_ =	shalt  }
0x7c: {  	_ =	shalt  }
0x7d: {  	_ =	shalt  }
0x7e: {  	_ =	shalt  }
0x7f: {  	_ =	shalt  }
0x80: {  	_ =	shalt  }
0x81: {  	_ =	shalt  }
0x82: {  	_ =	shalt  }
0x83: {  	_ =	shalt  }
0x84: {  	_ =	shalt  }
0x85: {  	_ =	shalt  }
0x86: {  	_ =	shalt  }
0x87: {  	_ =	shalt  }
.Lfunc_end0:
.L_simem_size_0:
called_computation.2_lowered:
.L_overlay_start_0:
0x88: {  	s2 =	sld [smem:$0x3FD9]  }
0x89: {  	s3 =	sld [smem:$0x3FFE];
	_ =	sdelay $0x1  }
0x8a: {  	s1 =	srdreg.scid  }
0x8b: {  	s0 =	sand.u32 $0x1, s1  }
0x8c: {  	s16 =	sshll.u32 s0, $0xA;
	s2 =	sadd.s32 s3, s2  }
0x8d: {  	s2 =	sadd.s32 s2, s16  }
0x8e: {  	[smem:$0x3FBE] =	sst s2  }
0x8f: {  	_ = 	snop  }
0x90: {  	(tm) =	ssettm $0x1  }
0x91: {  	s17 =	sld [smem:$0x3FFB];
	_ =	sdelay $0x3  }
0x92: {  	_ =	strace s17  }
0x93: {  	s2 =	sld [smem:$0x3FFC];
	_ =	sdelay $0x3  }
0x94: {  	_ =	strace s2  }
0x95: {  	s2 =	sld [smem:$0x3FFD];
	_ =	sdelay $0x3  }
0x96: {  	_ =	strace s2  }
0x97: {  	_ =	strace $0x8FFFFFFF  }
0x98: {  	s18 =	sld [smem:$0x3FDB];
	_ =	sdelay $0x1  }
0x99: {  	s19 =	simm.s32 $_scs_section_size  }
0x9a: {  	s4 =	simm.s32 $_size__tile_overlayer_lowered;
	s5 =	simm.s32 $_tile_overlayer_lowered  }
0x9b: {  	s22 =	simm.s32 $0x1BFF;
	s21 =	sshll.u32 s5, $0x1;
	s2 =	sadd.s32 s19, s18  }
0x9c: {  	s6 =	simm.s32 $0x0;
	s20 =	sshll.u32 s4, $0x1;
	s4 =	sadd.s32 s21, s2  }
0x9d: {  	[timem:s6], [sflag:s22] =	dma.local [hbm:s4], s20  }
0x9e: {  	_ =	swait.ge [sflag:s22], s20  }
0x9f: {  	s3 =	ssub.s32 $0x0, s20;
	[sflag:s22] =	ssyncset.done $0x0  }
0xa0: {  	[sflag:s22] =	ssyncadd.s32 s3;
	_ =	sdelay $0x1  }
0xa1: {  	s23 =	simm.s32 $0x1B8B  }
0xa2: {  	_ =	swait.ge [sflag:s23], $0x1  }
0xa3: {  	[sflag:s23] =	ssyncset.done $0x0  }
0xa4: {  	s25 =	simm.s32 $0x1B8E;
	s24 =	sld [smem:$0x3FFE];
	[sflag:s23] =	ssyncadd.s32 $0xFFFFFFFF  }
0xa5: {  	s26 =	simm.s32 $execute0_lowered;
	[smem:$0x3FD2] =	sst s25  }
0xa6: {  	s4 =	sshll.u32 s26, $0x1;
	_ =	strace $0x8000004C;
	[dreg:$0x1] =	wrdreg $0xFFFFFFFF  }
0xa7: {  	s28 =	simm.s32 $_size_execute0_lowered;
	s2 =	sadd.s32 s2, s4;
	[dreg:$0x0] =	wrdreg $0x0  }
0xa8: {  	s4 =	sshll.u32 s28, $0x1;
	[dreg:$0x2] =	wrdreg s2  }
0xa9: {  	[dreg:$0x3] =	wrdreg s4  }
0xaa: {  	[dreg:$0x4] =	wrdreg $0xC0  }
0xab: {  	_ =	task [dreg:s6], $0x5FFFF  }
0xac: {  	[dreg:$0x1] =	wrdreg $0xFFFFFFFF  }
0xad: {  	[dreg:$0x0] =	wrdreg $0x60  }
0xae: {  	[dreg:$0x2] =	wrdreg s24  }
0xaf: {  	[dreg:$0x3] =	wrdreg $0x110000  }
0xb0: {  	[dreg:$0x4] =	wrdreg $0x160000  }
0xb1: {  	[dreg:$0x5] =	wrdreg $0x9  }
0xb2: {  	_ =	task.clear_ibuf [dreg:s6], $0x6FFFF;
	_ =	strace $0x9000004C  }
0xb3: {  	s29 =	simm.s32 $0x9;
	_ =	strace $0x8000004E  }
0xb4: {  	_ =	swait.ge [sflag:s29], $0x1  }
0xb5: {  	[sflag:s29] =	ssyncadd.s32 $0xFFFFFFFF  }
0xb6: {  	_ =	strace $0x9000004E  }
0xb7: {  	_ =	sfence  }
0xb8: {  	s30 =	sld [smem:$0x0];
	_ =	sdelay $0x2  }
0xb9: {  	s31 =	sshll.u32 s1, $0xD;
	s1 =	sshrl.u32 s1, $0x2  }
0xba: {  	s3 =	sand.u32 $0x4000, s31;
	s1 =	sadd.s32 s1, s30  }
0xbb: {  	s0 =	sor.u32 s3, s0;
	s1 =	sshll.u32 s1, $0x11  }
0xbc: {  	s0 =	sor.u32 s1, s0  }
0xbd: {  	s0 =	sadd.s32 $0x8F2B, s0  }
0xbe: {  	[sflag:s0] =	ssyncadd.remote.s32 $0x1  }
0xbf: {  	_ =	sfence.sel $0xFFFF  }
0xc0: {  	[dreg:$0x0] =	wrdreg $0xFFFFFFFF;
	(pc) =	sbr.abs _section_cstart, $3  }
0xc1: {  	[dreg:$0x1] =	wrdreg $0xFFFFFFFF  }
0xc2: {  	_ =	task.clear_ibuf [dreg:s6], $0x2FFFF;
	_ =	strace $0x9FFFFFFF  }
0xc3: {  	(tm) =	ssettm $0x7FFFFFFF  }
tec
execute0_lowered:
.L_overlay_start_1:
0x0: {  	(tag) =	ssettag $0x1  }
0x1: {  	s0 =	rddreg [dreg:$0x0]  }
0x2: {  	s2 =	rddreg [dreg:$0x1]  }
0x3: {  	s3 =	rddreg [dreg:$0x2];
	s1 =	srdreg.scid  }
0x4: {  	s9 =	stileid.u32;
	s6 =	simm.s32 $0x0;
	s12 =	simm.s32 $0x2800  }
0x5: {  	s11 =	simm.s32 $0xA;
	s16 =	simm.s32 $0x80;
	s17 =	simm.s32 $0x5000  }
0x6: {  	s29 =	simm.s32 $0xB000;
	s30 =	simm.s32 $0x3;
	s28 =	simm.s32 $0x5  }
0x7: {  	s31 =	simm.s32 $0x6;
	s10 =	simm.s32 $0x0;
	s1 =	sand.u32 $0x1, s1  }
0x8: {  	s4 =	smul.u32 $0x5000, s9;
	[smem:$0x7FF] =	sst s6;
	s8 =	sadd.s32 $0x29A00, s0  }
0x9: {  	s20 =	smul.u32 $0xA000, s9;
	s25 =	sshll.u32 s9, $0x6;
	s5 =	sshll.u32 s1, $0x4  }
0xa: {  	_ =	strace $0x8000004D;
	s7 =	smul.u32 $0x14000, s1;
	s1 =	ssub.s32 $0x2, s1  }
0xb: {  	[dreg:$0x4] =	wrdreg s8;
	s13 =	sor.u32 $0x1C0A, s25;
	s25 =	simm.s32 $0x9000  }
0xc: {  	s5 =	sor.u32 s9, s5;
	s18 =	sshrl.u32 s4, $0x3;
	s19 =	sshrl.u32 s1, $0x1  }
0xd: {  	s4 =	sadd.s32 s4, s2;
	s23 =	sadd.s32 s20, s3;
	s24 =	sshrl.u32 s20, $0x3  }
0xe: {  	s20 =	simm.s32 $0x7000;
	s5 =	smul.u32 $0x500, s5;
	s6 =	sadd.s32 s18, s0  }
0xf: {  	s1 =	ssub.s32 s1, s19;
	s26 =	sshrl.u32 s4, $0x3;
	s8 =	sshrl.u32 s23, $0x3  }
0x10: {  	s18 =	simm.s32 $0x6000;
	s23 =	simm.s32 $0x1;
	[dreg:$0x9] =	wrdreg s26  }
0x11: {  	s19 =	simm.s32 $0x7;
	s22 =	sadd.s32 $0xB000, s6;
	[dreg:$0xa] =	wrdreg s8  }
0x12: {  	s1 =	smax.u32 s1, $0x1;
	s26 =	simm.s32 $0x2;
	[dreg:$0x7] =	wrdreg s22  }
0x13: {  	s5 =	sadd.s32 s5, s0;
	s0 =	sadd.s32 s7, s0;
	[dreg:$0x8] =	wrdreg s1  }
0x14: {  	s22 =	simm.s32 $0x8000;
	s1 =	simm.s32 $0x4;
	s21 =	sadd.s32 $0x1FA00, s5  }
0x15: {  	s5 =	sadd.s32 $0x1000, s5;
	s0 =	sadd.s32 $0x2AE00, s0;
	[dreg:$0x5] =	wrdreg s21  }
0x16: {  	[dreg:$0x6] =	wrdreg s5;
	s0 =	sadd.s32 s24, s0;
	s21 =	simm.s32 $0xF000  }
0x17: {  	s5 =	simm.s32 $0x8;
	[dreg:$0xb] =	wrdreg s0;
	s0 =	simm.s32 $0xD000  }
.LBB2_1:
0x18: {  	s4 =	simm.s32 $0x0;
	s6 =	rddreg [dreg:$0x5]  }
0x19: {  	[tilespmem:s4], [sflag:$0x9] =	stream.linear.gather [hbm4b:s6+s4], $0x2800, $0x38;
	v63 =	vld [tilespmem:$0x0]  }
0x1a: {  	s14 =	rddreg [dreg:$0x6]  }
0x1b: {  	[tilespmem:s12], [sflag:$0xA] =	stream.linear.gather [hbm4b:s14+s4], $0x2800, $0x38;
	v63 =	vld [tilespmem:$0x0]  }
0x1c: {  	_ =	swait.ge [sflag:s11], $0x2800  }
0x1d: {  	[sflag:s11] =	ssyncset.done $0x0  }
0x1e: {  	s15 =	simm.s32 $0x9;
	[sflag:s11] =	ssyncadd.s32 $0xFFFFD800  }
0x1f: {  	_ =	swait.ge [sflag:s15], $0x2800  }
0x20: {  	[sflag:s15] =	ssyncset.done $0x0;
	s24 =	rddreg [dreg:$0x7]  }
0x21: {  	s7 =	rddreg [dreg:$0x9];
	[sflag:s15] =	ssyncadd.s32 $0xFFFFD800  }
0x22: {  	[spmem:s7], [sflag:s13] =	dma.local [hbm:s24], $0xA00  }
0x23: {  	_ =	swait.ge [sflag:s11], $0xA00  }
0x24: {  	[sflag:s11] =	ssyncset.done $0x0  }
0x25: {  	s9 =	rddreg [dreg:$0x4];
	[sflag:s11] =	ssyncadd.s32 $0xFFFFF600  }
0x26: {  	[spmem:s8], [sflag:s13] =	dma.local [hbm:s9], $0x1400  }
0x27: {  	_ =	swait.ge [sflag:s11], $0x1400  }
0x28: {  	[sflag:s11] =	ssyncset.done $0x0  }
0x29: {  	[sflag:s11] =	ssyncadd.s32 $0xFFFFEC00  }
0x2a: {  	[bflag:$0x0] =	sbarrier.arrive $0xFFFF  }
0x2b: {  	[tilespmem:s17], [sflag:$0x1] =	stream.indirect.gather [spmem:s2], $0x20, s4, s16, $0xb8;
	v63 =	vld [tilespmem:$0x0]  }
0x2c: {  	_ = 	snop  }
0x2d: {  	[tilespmem:s18], [sflag:$0x2] =	stream.indirect.gather [spmem:s2], $0x20, s16, s16, $0xb8;
	v63 =	vld [tilespmem:$0x0]  }
0x2e: {  	s14 =	simm.s32 $0x100  }
0x2f: {  	[tilespmem:s20], [sflag:$0x3] =	stream.indirect.gather [spmem:s2], $0x20, s14, s16, $0xb8;
	v63 =	vld [tilespmem:$0x0]  }
0x30: {  	s15 =	simm.s32 $0x180  }
0x31: {  	[tilespmem:s22], [sflag:$0x4] =	stream.indirect.gather [spmem:s2], $0x20, s15, s16, $0xb8;
	v63 =	vld [tilespmem:$0x0]  }
0x32: {  	_ =	swait.ge [sflag:s23], $0x1000  }
0x33: {  	[sflag:s23] =	ssyncset.done $0x0  }
0x34: {  	s24 =	simm.s32 $0x0;
	[sflag:s23] =	ssyncadd.s32 $0xFFFFF000  }
0x35: {  	v0 =	vld [tilespmem:s24+$0x5000];
	_ =	sdelay $0x4  }
0x36: {  	s6 =	simm.s32 $0x9020;
	v1 =	vshll.u32 v0, $0x10  }
0x37: {  	v0 =	vand.u32 $0xFFFF0000, v0;
	[tilespmem:s6+$0xFFFFFFE0] =	vst v1  }
0x38: {  	[tilespmem:s6+$0xFFFFFFF0] =	vst v0  }
0x39: {  	s7 =	simm.s32 $0x9020;
	s4 =	simm.s32 $0x80;
	v0 =	vld [tilespmem:s24+$0x5010]  }
.LBB2_2:
0x3a: {  	_ =	sdelay $0x2  }
0x3b: {  	p0 =	sne.s32 s4, $0x3F80  }
0x3c: {  	s6 =	sadd.s32 $0x40, s6;
	s8 =	smov.u32 s4;
	s4 =	sadd.s32 $0x80, s4;
	v1 =	vshll.u32 v0, $0x10;
	v0 =	vand.u32 $0xFFFF0000, v0  }
0x3d: {  	[tilespmem:s7+$0x0] =	vst v1  }
0x3e: {  	s8 =	sshra.s32 s8, $0x2;
	[tilespmem:s7+$0x10] =	vst v0;
	s7 =	smov.u32 s6  }
0x3f: {  	v0 =	vld [tilespmem:s8+$0x5000];
	_ =	sdelay $0x3  }
.Ltmp0:
0x40: {  	(pc) =	sbr.rel @p0 .LBB2_2-.Ltmp0, $4  }
0x41: {  	v1 =	vshll.u32 v0, $0x10;
	v0 =	vand.u32 $0xFFFF0000, v0  }
0x42: {  	[tilespmem:s6+$0xFFFFFFE0] =	vst v1  }
0x43: {  	[tilespmem:s6+$0xFFFFFFF0] =	vst v0  }
0x44: {  	v0 =	vld [tilespmem:s8+$0x5010]  }
0x45: {  	_ =	sdelay $0x3  }
0x46: {  	v1 =	vshll.u32 v0, $0x10  }
0x47: {  	v0 =	vand.u32 $0xFFFF0000, v0;
	[tilespmem:s7+$0x0] =	vst v1  }
0x48: {  	[tilespmem:s7+$0x10] =	vst v0  }
0x49: {  	[spmem:s3] =	stream.indirect.scatter.add.f32 [tilespmem:s25], [sflag:$0x5], $0x40, s12, s16, $0xb8;
	v63 =	vld [tilespmem:$0x0]  }
0x4a: {  	_ =	swait.ge [sflag:s26], $0x1000  }
0x4b: {  	[sflag:s26] =	ssyncset.done $0x0  }
0x4c: {  	s24 =	simm.s32 $0x0;
	[sflag:s26] =	ssyncadd.s32 $0xFFFFF000  }
0x4d: {  	v0 =	vld [tilespmem:s24+$0x6000];
	_ =	sdelay $0x4  }
0x4e: {  	s6 =	simm.s32 $0xB020;
	v1 =	vshll.u32 v0, $0x10  }
0x4f: {  	v0 =	vand.u32 $0xFFFF0000, v0;
	[tilespmem:s6+$0xFFFFFFE0] =	vst v1  }
0x50: {  	[tilespmem:s6+$0xFFFFFFF0] =	vst v0  }
0x51: {  	s4 =	simm.s32 $0x80;
	s7 =	simm.s32 $0xB020;
	v0 =	vld [tilespmem:s24+$0x6010]  }
.LBB2_4:
0x52: {  	_ =	sdelay $0x2  }
0x53: {  	p0 =	sne.s32 s4, $0x3F80  }
0x54: {  	s6 =	sadd.s32 $0x40, s6;
	s8 =	smov.u32 s4;
	s4 =	sadd.s32 $0x80, s4;
	v1 =	vshll.u32 v0, $0x10;
	v0 =	vand.u32 $0xFFFF0000, v0  }
0x55: {  	[tilespmem:s7+$0x0] =	vst v1  }
0x56: {  	s8 =	sshra.s32 s8, $0x2;
	[tilespmem:s7+$0x10] =	vst v0;
	s7 =	smov.u32 s6  }
0x57: {  	v0 =	vld [tilespmem:s8+$0x6000];
	_ =	sdelay $0x3  }
.Ltmp1:
0x58: {  	(pc) =	sbr.rel @p0 .LBB2_4-.Ltmp1, $4  }
0x59: {  	v1 =	vshll.u32 v0, $0x10;
	v0 =	vand.u32 $0xFFFF0000, v0  }
0x5a: {  	[tilespmem:s6+$0xFFFFFFE0] =	vst v1  }
0x5b: {  	[tilespmem:s6+$0xFFFFFFF0] =	vst v0  }
0x5c: {  	v0 =	vld [tilespmem:s8+$0x6010]  }
0x5d: {  	_ =	sdelay $0x3  }
0x5e: {  	v1 =	vshll.u32 v0, $0x10  }
0x5f: {  	v0 =	vand.u32 $0xFFFF0000, v0;
	[tilespmem:s7+$0x0] =	vst v1  }
0x60: {  	s4 =	simm.s32 $0x2880;
	[tilespmem:s7+$0x10] =	vst v0  }
0x61: {  	[spmem:s3] =	stream.indirect.scatter.add.f32 [tilespmem:s29], [sflag:$0x6], $0x40, s4, s16, $0xb8;
	v63 =	vld [tilespmem:$0x0]  }
0x62: {  	_ =	swait.ge [sflag:s30], $0x1000  }
0x63: {  	[sflag:s30] =	ssyncset.done $0x0  }
0x64: {  	s24 =	simm.s32 $0x0;
	[sflag:s30] =	ssyncadd.s32 $0xFFFFF000  }
0x65: {  	v0 =	vld [tilespmem:s24+$0x7000];
	_ =	sdelay $0x4  }
0x66: {  	s6 =	simm.s32 $0xD020;
	v1 =	vshll.u32 v0, $0x10  }
0x67: {  	v0 =	vand.u32 $0xFFFF0000, v0;
	[tilespmem:s6+$0xFFFFFFE0] =	vst v1  }
0x68: {  	[tilespmem:s6+$0xFFFFFFF0] =	vst v0  }
0x69: {  	s7 =	simm.s32 $0xD020;
	s4 =	simm.s32 $0x80;
	v0 =	vld [tilespmem:s24+$0x7010]  }
.LBB2_6:
0x6a: {  	_ =	sdelay $0x2  }
0x6b: {  	p0 =	sne.s32 s4, $0x3F80  }
0x6c: {  	s6 =	sadd.s32 $0x40, s6;
	s8 =	smov.u32 s4;
	s4 =	sadd.s32 $0x80, s4;
	v1 =	vshll.u32 v0, $0x10;
	v0 =	vand.u32 $0xFFFF0000, v0  }
0x6d: {  	[tilespmem:s7+$0x0] =	vst v1  }
0x6e: {  	s8 =	sshra.s32 s8, $0x2;
	[tilespmem:s7+$0x10] =	vst v0;
	s7 =	smov.u32 s6  }
0x6f: {  	v0 =	vld [tilespmem:s8+$0x7000];
	_ =	sdelay $0x3  }
.Ltmp2:
0x70: {  	(pc) =	sbr.rel @p0 .LBB2_6-.Ltmp2, $4  }
0x71: {  	v1 =	vshll.u32 v0, $0x10;
	v0 =	vand.u32 $0xFFFF0000, v0  }
0x72: {  	[tilespmem:s6+$0xFFFFFFE0] =	vst v1  }
0x73: {  	[tilespmem:s6+$0xFFFFFFF0] =	vst v0  }
0x74: {  	v0 =	vld [tilespmem:s8+$0x7010]  }
0x75: {  	_ =	sdelay $0x3  }
0x76: {  	v1 =	vshll.u32 v0, $0x10  }
0x77: {  	v0 =	vand.u32 $0xFFFF0000, v0;
	[tilespmem:s7+$0x0] =	vst v1  }
0x78: {  	s4 =	simm.s32 $0x2900;
	[tilespmem:s7+$0x10] =	vst v0  }
0x79: {  	[spmem:s3] =	stream.indirect.scatter.add.f32 [tilespmem:s0], [sflag:$0x7], $0x40, s4, s16, $0xb8;
	v63 =	vld [tilespmem:$0x0]  }
0x7a: {  	_ =	swait.ge [sflag:s1], $0x1000  }
0x7b: {  	[sflag:s1] =	ssyncset.done $0x0  }
0x7c: {  	s24 =	simm.s32 $0x0;
	[sflag:s1] =	ssyncadd.s32 $0xFFFFF000  }
0x7d: {  	v0 =	vld [tilespmem:s24+$0x8000];
	_ =	sdelay $0x4  }
0x7e: {  	s6 =	simm.s32 $0xF020;
	v1 =	vshll.u32 v0, $0x10  }
0x7f: {  	v0 =	vand.u32 $0xFFFF0000, v0;
	[tilespmem:s6+$0xFFFFFFE0] =	vst v1  }
0x80: {  	[tilespmem:s6+$0xFFFFFFF0] =	vst v0  }
0x81: {  	s7 =	simm.s32 $0xF020;
	s4 =	simm.s32 $0x80;
	v0 =	vld [tilespmem:s24+$0x8010]  }
.LBB2_8:
0x82: {  	_ =	sdelay $0x2  }
0x83: {  	p0 =	sne.s32 s4, $0x3F80  }
0x84: {  	s6 =	sadd.s32 $0x40, s6;
	s8 =	smov.u32 s4;
	s4 =	sadd.s32 $0x80, s4;
	v1 =	vshll.u32 v0, $0x10;
	v0 =	vand.u32 $0xFFFF0000, v0  }
0x85: {  	[tilespmem:s7+$0x0] =	vst v1  }
0x86: {  	s8 =	sshra.s32 s8, $0x2;
	[tilespmem:s7+$0x10] =	vst v0;
	s7 =	smov.u32 s6  }
0x87: {  	v0 =	vld [tilespmem:s8+$0x8000];
	_ =	sdelay $0x3  }
.Ltmp3:
0x88: {  	(pc) =	sbr.rel @p0 .LBB2_8-.Ltmp3, $4  }
0x89: {  	v1 =	vshll.u32 v0, $0x10;
	v0 =	vand.u32 $0xFFFF0000, v0  }
0x8a: {  	[tilespmem:s6+$0xFFFFFFE0] =	vst v1  }
0x8b: {  	[tilespmem:s6+$0xFFFFFFF0] =	vst v0  }
0x8c: {  	v0 =	vld [tilespmem:s8+$0x8010]  }
0x8d: {  	_ =	sdelay $0x3  }
0x8e: {  	v1 =	vshll.u32 v0, $0x10  }
0x8f: {  	v62 =	vand.u32 $0xFFFF0000, v0;
	[tilespmem:s7+$0x0] =	vst v1  }
0x90: {  	s4 =	simm.s32 $0x2980;
	s6 =	simm.s32 $0x1;
	[tilespmem:s7+$0x10] =	vst v62  }
0x91: {  	[spmem:s3] =	stream.indirect.scatter.add.f32 [tilespmem:s21], [sflag:$0x8], $0x40, s4, s16, $0xb8;
	v63 =	vld [tilespmem:$0x0]  }
.LBB2_10:
0x92: {  	_ =	swait.ge [sflag:s28], $0x2000  }
0x93: {  	[sflag:s28] =	ssyncset.done $0x0  }
0x94: {  	s14 =	sshll.u32 s6, $0x9;
	[sflag:s28] =	ssyncadd.s32 $0xFFFFE000  }
0x95: {  	[tilespmem:s17], [sflag:$0x1] =	stream.indirect.gather [spmem:s2], $0x20, s14, s16, $0xb8;
	v63 =	vld [tilespmem:$0x0]  }
0x96: {  	_ =	swait.ge [sflag:s31], $0x2000  }
0x97: {  	[sflag:s31] =	ssyncset.done $0x0  }
0x98: {  	s9 =	sor.u32 $0x80, s14;
	[sflag:s31] =	ssyncadd.s32 $0xFFFFE000  }
0x99: {  	[tilespmem:s18], [sflag:$0x2] =	stream.indirect.gather [spmem:s2], $0x20, s9, s16, $0xb8;
	v63 =	vld [tilespmem:$0x0]  }
0x9a: {  	_ =	swait.ge [sflag:s19], $0x2000  }
0x9b: {  	[sflag:s19] =	ssyncset.done $0x0  }
0x9c: {  	s8 =	sor.u32 $0x100, s14;
	[sflag:s19] =	ssyncadd.s32 $0xFFFFE000  }
0x9d: {  	[tilespmem:s20], [sflag:$0x3] =	stream.indirect.gather [spmem:s2], $0x20, s8, s16, $0xb8;
	v63 =	vld [tilespmem:$0x0]  }
0x9e: {  	_ =	swait.ge [sflag:s5], $0x2000  }
0x9f: {  	[sflag:s5] =	ssyncset.done $0x0  }
0xa0: {  	s7 =	sor.u32 $0x180, s14;
	[sflag:s5] =	ssyncadd.s32 $0xFFFFE000  }
0xa1: {  	[tilespmem:s22], [sflag:$0x4] =	stream.indirect.gather [spmem:s2], $0x20, s7, s16, $0xb8;
	v63 =	vld [tilespmem:$0x0]  }
0xa2: {  	_ =	swait.ge [sflag:s23], $0x1000  }
0xa3: {  	[sflag:s23] =	ssyncset.done $0x0  }
0xa4: {  	s4 =	simm.s32 $0x0;
	[sflag:s23] =	ssyncadd.s32 $0xFFFFF000  }
0xa5: {  	v0 =	vld [tilespmem:s4+$0x5000];
	_ =	sdelay $0x4  }
0xa6: {  	s24 =	simm.s32 $0x9020;
	v1 =	vshll.u32 v0, $0x10  }
0xa7: {  	v0 =	vand.u32 $0xFFFF0000, v0;
	[tilespmem:s24+$0xFFFFFFE0] =	vst v1  }
0xa8: {  	[tilespmem:s24+$0xFFFFFFF0] =	vst v0  }
0xa9: {  	s12 =	simm.s32 $0x80;
	v0 =	vld [tilespmem:s4+$0x5010];
	s4 =	simm.s32 $0x9020  }
.LBB2_11:
0xaa: {  	_ =	sdelay $0x2  }
0xab: {  	p0 =	sne.s32 s12, $0x3F80  }
0xac: {  	s24 =	sadd.s32 $0x40, s24;
	s15 =	smov.u32 s12;
	s12 =	sadd.s32 $0x80, s12;
	v1 =	vshll.u32 v0, $0x10;
	v0 =	vand.u32 $0xFFFF0000, v0  }
0xad: {  	[tilespmem:s4+$0x0] =	vst v1  }
0xae: {  	s15 =	sshra.s32 s15, $0x2;
	[tilespmem:s4+$0x10] =	vst v0;
	s4 =	smov.u32 s24  }
0xaf: {  	v0 =	vld [tilespmem:s15+$0x5000];
	_ =	sdelay $0x3  }
.Ltmp4:
0xb0: {  	(pc) =	sbr.rel @p0 .LBB2_11-.Ltmp4, $4  }
0xb1: {  	v1 =	vshll.u32 v0, $0x10;
	v0 =	vand.u32 $0xFFFF0000, v0  }
0xb2: {  	[tilespmem:s24+$0xFFFFFFE0] =	vst v1  }
0xb3: {  	[tilespmem:s24+$0xFFFFFFF0] =	vst v0  }
0xb4: {  	v0 =	vld [tilespmem:s15+$0x5010]  }
0xb5: {  	_ =	sdelay $0x3  }
0xb6: {  	v1 =	vshll.u32 v0, $0x10  }
0xb7: {  	v0 =	vand.u32 $0xFFFF0000, v0;
	[tilespmem:s4+$0x0] =	vst v1  }
0xb8: {  	s15 =	sadd.s32 $0x2800, s14;
	[tilespmem:s4+$0x10] =	vst v0  }
0xb9: {  	[spmem:s3] =	stream.indirect.scatter.add.f32 [tilespmem:s25], [sflag:$0x5], $0x40, s15, s16, $0xb8;
	v63 =	vld [tilespmem:$0x0]  }
0xba: {  	_ =	swait.ge [sflag:s26], $0x1000  }
0xbb: {  	[sflag:s26] =	ssyncset.done $0x0  }
0xbc: {  	s24 =	simm.s32 $0x0;
	[sflag:s26] =	ssyncadd.s32 $0xFFFFF000  }
0xbd: {  	v0 =	vld [tilespmem:s24+$0x6000];
	_ =	sdelay $0x4  }
0xbe: {  	s14 =	simm.s32 $0xB020;
	v1 =	vshll.u32 v0, $0x10  }
0xbf: {  	v0 =	vand.u32 $0xFFFF0000, v0;
	[tilespmem:s14+$0xFFFFFFE0] =	vst v1  }
0xc0: {  	[tilespmem:s14+$0xFFFFFFF0] =	vst v0  }
0xc1: {  	s12 =	simm.s32 $0x80;
	s4 =	simm.s32 $0xB020;
	v0 =	vld [tilespmem:s24+$0x6010]  }
.LBB2_13:
0xc2: {  	_ =	sdelay $0x2  }
0xc3: {  	p0 =	sne.s32 s12, $0x3F80  }
0xc4: {  	s14 =	sadd.s32 $0x40, s14;
	s15 =	smov.u32 s12;
	s12 =	sadd.s32 $0x80, s12;
	v1 =	vshll.u32 v0, $0x10;
	v0 =	vand.u32 $0xFFFF0000, v0  }
0xc5: {  	[tilespmem:s4+$0x0] =	vst v1  }
0xc6: {  	s15 =	sshra.s32 s15, $0x2;
	[tilespmem:s4+$0x10] =	vst v0;
	s4 =	smov.u32 s14  }
0xc7: {  	v0 =	vld [tilespmem:s15+$0x6000];
	_ =	sdelay $0x3  }
.Ltmp5:
0xc8: {  	(pc) =	sbr.rel @p0 .LBB2_13-.Ltmp5, $4  }
0xc9: {  	v1 =	vshll.u32 v0, $0x10;
	v0 =	vand.u32 $0xFFFF0000, v0  }
0xca: {  	[tilespmem:s14+$0xFFFFFFE0] =	vst v1  }
0xcb: {  	[tilespmem:s14+$0xFFFFFFF0] =	vst v0  }
0xcc: {  	v0 =	vld [tilespmem:s15+$0x6010]  }
0xcd: {  	_ =	sdelay $0x3  }
0xce: {  	v1 =	vshll.u32 v0, $0x10  }
0xcf: {  	v0 =	vand.u32 $0xFFFF0000, v0;
	[tilespmem:s4+$0x0] =	vst v1  }
0xd0: {  	s15 =	sadd.s32 $0x2800, s9;
	[tilespmem:s4+$0x10] =	vst v0  }
0xd1: {  	[spmem:s3] =	stream.indirect.scatter.add.f32 [tilespmem:s29], [sflag:$0x6], $0x40, s15, s16, $0xb8;
	v63 =	vld [tilespmem:$0x0]  }
0xd2: {  	_ =	swait.ge [sflag:s30], $0x1000  }
0xd3: {  	[sflag:s30] =	ssyncset.done $0x0  }
0xd4: {  	s24 =	simm.s32 $0x0;
	[sflag:s30] =	ssyncadd.s32 $0xFFFFF000  }
0xd5: {  	v0 =	vld [tilespmem:s24+$0x7000];
	_ =	sdelay $0x4  }
0xd6: {  	s9 =	simm.s32 $0xD020;
	v1 =	vshll.u32 v0, $0x10  }
0xd7: {  	v0 =	vand.u32 $0xFFFF0000, v0;
	[tilespmem:s9+$0xFFFFFFE0] =	vst v1  }
0xd8: {  	[tilespmem:s9+$0xFFFFFFF0] =	vst v0  }
0xd9: {  	s12 =	simm.s32 $0x80;
	s4 =	simm.s32 $0xD020;
	v0 =	vld [tilespmem:s24+$0x7010]  }
.LBB2_15:
0xda: {  	_ =	sdelay $0x2  }
0xdb: {  	p0 =	sne.s32 s12, $0x3F80  }
0xdc: {  	s9 =	sadd.s32 $0x40, s9;
	s14 =	smov.u32 s12;
	s12 =	sadd.s32 $0x80, s12;
	v1 =	vshll.u32 v0, $0x10;
	v0 =	vand.u32 $0xFFFF0000, v0  }
0xdd: {  	[tilespmem:s4+$0x0] =	vst v1  }
0xde: {  	s14 =	sshra.s32 s14, $0x2;
	[tilespmem:s4+$0x10] =	vst v0;
	s4 =	smov.u32 s9  }
0xdf: {  	v0 =	vld [tilespmem:s14+$0x7000];
	_ =	sdelay $0x3  }
.Ltmp6:
0xe0: {  	(pc) =	sbr.rel @p0 .LBB2_15-.Ltmp6, $4  }
0xe1: {  	v1 =	vshll.u32 v0, $0x10;
	v0 =	vand.u32 $0xFFFF0000, v0  }
0xe2: {  	[tilespmem:s9+$0xFFFFFFE0] =	vst v1  }
0xe3: {  	[tilespmem:s9+$0xFFFFFFF0] =	vst v0  }
0xe4: {  	v0 =	vld [tilespmem:s14+$0x7010]  }
0xe5: {  	_ =	sdelay $0x3  }
0xe6: {  	v1 =	vshll.u32 v0, $0x10  }
0xe7: {  	v0 =	vand.u32 $0xFFFF0000, v0;
	[tilespmem:s4+$0x0] =	vst v1  }
0xe8: {  	s15 =	sadd.s32 $0x2800, s8;
	[tilespmem:s4+$0x10] =	vst v0  }
0xe9: {  	[spmem:s3] =	stream.indirect.scatter.add.f32 [tilespmem:s0], [sflag:$0x7], $0x40, s15, s16, $0xb8;
	v63 =	vld [tilespmem:$0x0]  }
0xea: {  	_ =	swait.ge [sflag:s1], $0x1000  }
0xeb: {  	[sflag:s1] =	ssyncset.done $0x0  }
0xec: {  	s24 =	simm.s32 $0x0;
	[sflag:s1] =	ssyncadd.s32 $0xFFFFF000  }
0xed: {  	v0 =	vld [tilespmem:s24+$0x8000];
	_ =	sdelay $0x4  }
0xee: {  	s8 =	simm.s32 $0xF020;
	v1 =	vshll.u32 v0, $0x10  }
0xef: {  	v0 =	vand.u32 $0xFFFF0000, v0;
	[tilespmem:s8+$0xFFFFFFE0] =	vst v1  }
0xf0: {  	[tilespmem:s8+$0xFFFFFFF0] =	vst v0  }
0xf1: {  	s9 =	simm.s32 $0x80;
	s4 =	simm.s32 $0xF020;
	v0 =	vld [tilespmem:s24+$0x8010]  }
.LBB2_17:
0xf2: {  	_ =	sdelay $0x2  }
0xf3: {  	p0 =	sne.s32 s9, $0x3F80  }
0xf4: {  	s8 =	sadd.s32 $0x40, s8;
	s12 =	smov.u32 s9;
	s9 =	sadd.s32 $0x80, s9;
	v1 =	vshll.u32 v0, $0x10;
	v0 =	vand.u32 $0xFFFF0000, v0  }
0xf5: {  	[tilespmem:s4+$0x0] =	vst v1  }
0xf6: {  	s12 =	sshra.s32 s12, $0x2;
	[tilespmem:s4+$0x10] =	vst v0;
	s4 =	smov.u32 s8  }
0xf7: {  	v0 =	vld [tilespmem:s12+$0x8000];
	_ =	sdelay $0x3  }
.Ltmp7:
0xf8: {  	(pc) =	sbr.rel @p0 .LBB2_17-.Ltmp7, $4  }
0xf9: {  	v1 =	vshll.u32 v0, $0x10;
	v0 =	vand.u32 $0xFFFF0000, v0  }
0xfa: {  	[tilespmem:s8+$0xFFFFFFE0] =	vst v1  }
0xfb: {  	[tilespmem:s8+$0xFFFFFFF0] =	vst v0  }
0xfc: {  	v0 =	vld [tilespmem:s12+$0x8010]  }
0xfd: {  	_ = 	snop  }
0xfe: {  	s6 =	sadd.s32 $0x1, s6  }
0xff: {  	p0 =	sne.s32 s6, $0x14  }
.Ltmp8:
0x100: {  	_ = 	snop;
	(pc) =	sbr.rel @p0 .LBB2_10-.Ltmp8, $4  }
0x101: {  	v1 =	vshll.u32 v0, $0x10  }
0x102: {  	v62 =	vand.u32 $0xFFFF0000, v0;
	[tilespmem:s4+$0x0] =	vst v1  }
0x103: {  	s24 =	sadd.s32 $0x2800, s7;
	[tilespmem:s4+$0x10] =	vst v62  }
0x104: {  	[spmem:s3] =	stream.indirect.scatter.add.f32 [tilespmem:s21], [sflag:$0x8], $0x40, s24, s16, $0xb8;
	v63 =	vld [tilespmem:$0x0]  }
0x105: {  	_ =	swait.ge [sflag:s28], $0x2000  }
0x106: {  	[sflag:s28] =	ssyncset.done $0x0  }
0x107: {  	[sflag:s28] =	ssyncadd.s32 $0xFFFFE000  }
0x108: {  	_ =	swait.ge [sflag:s31], $0x2000  }
0x109: {  	[sflag:s31] =	ssyncset.done $0x0  }
0x10a: {  	[sflag:s31] =	ssyncadd.s32 $0xFFFFE000  }
0x10b: {  	_ =	swait.ge [sflag:s19], $0x2000  }
0x10c: {  	[sflag:s19] =	ssyncset.done $0x0  }
0x10d: {  	[sflag:s19] =	ssyncadd.s32 $0xFFFFE000  }
0x10e: {  	_ =	swait.ge [sflag:s5], $0x2000  }
0x10f: {  	[sflag:s5] =	ssyncset.done $0x0  }
0x110: {  	[sflag:s5] =	ssyncadd.s32 $0xFFFFE000  }
0x111: {  	[bflag:$0x0] =	sbarrier.arrive $0xFFFF  }
0x112: {  	s8 =	rddreg [dreg:$0xa]  }
0x113: {  	s4 =	rddreg [dreg:$0xb]  }
0x114: {  	[hbm:s4], [sflag:s13] =	dma.local [spmem:s8], $0x1400  }
0x115: {  	_ =	swait.ge [sflag:s11], $0x1400  }
0x116: {  	s10 =	sadd.s32 $0x1, s10;
	s24 =	rddreg [dreg:$0x8]  }
0x117: {  	p0 =	sne.s32 s10, s24  }
.Ltmp9:
0x118: {  	_ = 	snop;
	(pc) =	sbr.rel @p0 .LBB2_1-.Ltmp9, $3  }
0x119: {  	_ =	sdelay $0x1  }
0x11a: {  	[sflag:s11] =	ssyncset.done $0x0  }
0x11b: {  	s12 =	simm.s32 $0x2800;
	[sflag:s11] =	ssyncadd.s32 $0xFFFFEC00  }
0x11c: {  	_ =	sfence.sel $0x180000  }
0x11d: {  	[bflag:$0x0] =	sbarrier.arrive $0xFFFF  }
0x11e: {  	_ =	strace $0x9000004D  }
0x11f: {  	s0 =	stileid.u32;
	[bflag:$0x2] =	sbarrier.arrive $0xFFFF  }
0x120: {  	p0 =	sne.s32 s0, $0x0;
	s0 =	rddreg [dreg:$0x3]  }
0x121: {  	s0 =	sadd.s32 @!p0 $0x100000, s0  }
0x122: {  	[sflag:s0] =	ssyncadd.tile.s32 @!p0 $0x1;
	_ =	shalt  }
.Lfunc_end2:
_tile_overlayer_lowered:
.L_overlay_start_2:
0x123: {  	(tag) =	ssettag $0x2  }
0x124: {  	s0 =	rddreg [dreg:$0x0];
	s2 =	stileid.u32  }
0x125: {  	s1 =	rddreg [dreg:$0x1];
	p0 =	sne.s32 s2, $0x0  }
0x126: {  	s3 =	rddreg [dreg:$0x2];
	[bflag:$0x3] =	sbarrier.arrive $0xFFFF;
	s2 =	simm.s32 @!p0 $0x1C0A  }
0x127: {  	[timem:s3], [sflag:s2] =	dma.local @!p0 [hbm:s0], s1  }
0x128: {  	s0 =	simm.s32 @!p0 $0xA  }
0x129: {  	_ =	swait.ge @!p0 [sflag:s0], s1  }
0x12a: {  	s1 =	ssub.s32 @!p0 $0x0, s1;
	[sflag:s0] =	ssyncset.done @!p0 $0x0  }
0x12b: {  	[sflag:s0] =	ssyncadd.s32 @!p0 s1  }
0x12c: {  	[bflag:$0x3] =	sbarrier.arrive $0xFFFF  }
0x12d: {  	_ =	shalt  }

// kernel: kernel.9.cloned.1.call-start
scs
__scs_entry_jumppad:
0x0: {  	(pc) =	sbr.rel $0x88, $3  }
0x1: {  	(tag) =	ssettag $0x0;
	lr =	simm.s32 $0x1  }
0x2: {  	[smem:$0x3F97] =	sst lr;
	_ =	strace $0xD0000000  }
0x3: {  	_ = 	snop  }
0x4: {  	_ = 	snop  }
0x5: {  	_ = 	snop  }
0x6: {  	_ = 	snop  }
0x7: {  	_ = 	snop  }
__scs_overlays_trampoline_lowered:
0x8: {  	[smem:$0x3FA6] =	sst s0  }
0x9: {  	[smem:$0x3FA7] =	sst s1  }
0xa: {  	[smem:$0x3FA8] =	sst s2  }
0xb: {  	[smem:$0x3FA9] =	sst s3  }
0xc: {  	[smem:$0x3FAA] =	sst s4  }
0xd: {  	[smem:$0x3FAB] =	sst s5  }
0xe: {  	[smem:$0x3FAC] =	sst s6  }
0xf: {  	[smem:$0x3FAD] =	sst s7  }
0x10: {  	[smem:$0x3FAE] =	sst s8  }
0x11: {  	[smem:$0x3FAF] =	sst s9;
	s0 =	simm.s32 @!p0 $0x0  }
0x12: {  	s1 =	sld [smem:$0x3F95];
	s0 =	simm.s32 @p0 $0x1  }
0x13: {  	[smem:$0x3FB0] =	sst s0;
	s0 =	simm.s32 @!p1 $0x0  }
0x14: {  	s2 =	sld [smem:$0x3F94];
	s0 =	simm.s32 @p1 $0x1  }
0x15: {  	[smem:$0x3FB1] =	sst s0;
	s0 =	simm.s32 @!p2 $0x0  }
0x16: {  	s3 =	sld [smem:$0x3FDB];
	s0 =	simm.s32 @p2 $0x1  }
0x17: {  	s4 =	simm.s32 $0x1BF5;
	[smem:$0x3FB3] =	sst s0  }
0x18: {  	s0 =	sld [smem:$0x3F96];
	_ =	swait.ge [sflag:s4], $0x0  }
0x19: {  	s7 =	sld [smem:$0x3F97]  }
0x1a: {  	s8 =	sadd.s32 $0xFFFFE003, lr  }
0x1b: {  	s9 =	sadd.s32 $0xFFFFFEF7, lr;
	s5 =	simm.s32 $0xFFFFFFFF;
	p2 =	slt.u32 s8, $0xFFFFF086  }
0x1c: {  	p1 =	slt.u32 s9, $0xF7A;
	s5 =	simm.s32 @!p2 $0x0  }
0x1d: {  	s5 =	simm.s32 @p1 $0x1;
	p0 =	seq.s32 s7, s2  }
0x1e: {  	s7 =	smul.u32 @!p0 $0xF7A, s2;
	p2 =	seq.s32 @!p0 s5, $0x0  }
0x1f: {  	s9 =	smul.u32 $0xF7A, s1;
	s8 =	simm.s32 @!p0 $0x1BF5;
	p2 =	por !p2, p0  }
0x20: {  	[sflag:s8] =	ssyncset.s32 @!p0 $0xFFFFF086;
	s6 =	sadd.s32 @!p0 s3, s7;
	s7 =	simm.s32 @!p0 $0x108  }
0x21: {  	s3 =	sadd.s32 s3, s9;
	s6 =	sadd.s32 @!p0 $0x88, s6;
	s7 =	simm.s32 @p2 $0x1082  }
0x22: {  	[simem:s7], [sflag:s8] =	dma.local @!p0 [hbm:s6], $0xF7A  }
0x23: {  	s9 =	sor.u32 $0xD0000000, s2;
	s6 =	simm.s32 $0x108;
	_ =	swait.ge @!p0 [sflag:s8], $0x0  }
0x24: {  	s3 =	sadd.s32 $0x88, s3;
	s6 =	simm.s32 @!p1 $0x1082;
	[sflag:s4] =	ssyncset.s32 $0xFFFFF086  }
0x25: {  	[simem:s6], [sflag:s4] =	dma.local [hbm:s3], $0xF7A  }
0x26: {  	[smem:$0x3F97] =	sst s1;
	(tag) =	ssettag s2;
	_ =	strace s9  }
0x27: {  	s1 =	sld [smem:$0x3FA7]  }
0x28: {  	s2 =	sld [smem:$0x3FA8]  }
0x29: {  	s4 =	sld [smem:$0x3FAA]  }
0x2a: {  	p0 =	seq.s32 s5, $0x0;
	s5 =	sld [smem:$0x3FAB]  }
0x2b: {  	s6 =	sld [smem:$0x3FAC]  }
0x2c: {  	s7 =	sld [smem:$0x3FAD]  }
0x2d: {  	s3 =	simm.s32 $0x108;
	s8 =	sld [smem:$0x3FAE]  }
0x2e: {  	s3 =	simm.s32 @!p0 $0x1082;
	s9 =	sld [smem:$0x3FAF]  }
0x2f: {  	lr =	sadd.s32 s0, s3;
	s0 =	sld [smem:$0x3FA6]  }
0x30: {  	s3 =	sld [smem:$0x3FA9]  }
0x31: {  	[smem:$0x3FB2] =	sst s10  }
0x32: {  	s10 =	sld [smem:$0x3FB0];
	_ =	sdelay $0x3  }
0x33: {  	p0 =	seq.s32 s10, $0x1;
	s10 =	sld [smem:$0x3FB2];
	_ =	sdelay $0x3  }
0x34: {  	[smem:$0x3FB2] =	sst s10  }
0x35: {  	s10 =	sld [smem:$0x3FB1];
	_ =	sdelay $0x3  }
0x36: {  	p1 =	seq.s32 s10, $0x1;
	s10 =	sld [smem:$0x3FB2];
	_ =	sdelay $0x3  }
0x37: {  	[smem:$0x3FB2] =	sst s10  }
0x38: {  	s10 =	sld [smem:$0x3FB3]  }
0x39: {  	_ = 	snop;
	(pc) =	sbr.ind lr, $3  }
0x3a: {  	_ = 	snop  }
0x3b: {  	_ = 	snop  }
0x3c: {  	p2 =	seq.s32 s10, $0x1;
	s10 =	sld [smem:$0x3FB2]  }
0x3d: {  	_ =	shalt  }
0x3e: {  	_ =	shalt  }
0x3f: {  	_ =	shalt  }
0x40: {  	_ =	shalt  }
0x41: {  	_ =	shalt  }
0x42: {  	_ =	shalt  }
0x43: {  	_ =	shalt  }
0x44: {  	_ =	shalt  }
0x45: {  	_ =	shalt  }
0x46: {  	_ =	shalt  }
0x47: {  	_ =	shalt  }
0x48: {  	_ =	shalt  }
0x49: {  	_ =	shalt  }
0x4a: {  	_ =	shalt  }
0x4b: {  	_ =	shalt  }
0x4c: {  	_ =	shalt  }
0x4d: {  	_ =	shalt  }
0x4e: {  	_ =	shalt  }
0x4f: {  	_ =	shalt  }
0x50: {  	_ =	shalt  }
0x51: {  	_ =	shalt  }
0x52: {  	_ =	shalt  }
0x53: {  	_ =	shalt  }
0x54: {  	_ =	shalt  }
0x55: {  	_ =	shalt  }
0x56: {  	_ =	shalt  }
0x57: {  	_ =	shalt  }
0x58: {  	_ =	shalt  }
0x59: {  	_ =	shalt  }
0x5a: {  	_ =	shalt  }
0x5b: {  	_ =	shalt  }
0x5c: {  	_ =	shalt  }
0x5d: {  	_ =	shalt  }
0x5e: {  	_ =	shalt  }
0x5f: {  	_ =	shalt  }
0x60: {  	_ =	shalt  }
0x61: {  	_ =	shalt  }
0x62: {  	_ =	shalt  }
0x63: {  	_ =	shalt  }
0x64: {  	_ =	shalt  }
0x65: {  	_ =	shalt  }
0x66: {  	_ =	shalt  }
0x67: {  	_ =	shalt  }
0x68: {  	_ =	shalt  }
0x69: {  	_ =	shalt  }
0x6a: {  	_ =	shalt  }
0x6b: {  	_ =	shalt  }
0x6c: {  	_ =	shalt  }
0x6d: {  	_ =	shalt  }
0x6e: {  	_ =	shalt  }
0x6f: {  	_ =	shalt  }
0x70: {  	_ =	shalt  }
0x71: {  	_ =	shalt  }
0x72: {  	_ =	shalt  }
0x73: {  	_ =	shalt  }
0x74: {  	_ =	shalt  }
0x75: {  	_ =	shalt  }
0x76: {  	_ =	shalt  }
0x77: {  	_ =	shalt  }
0x78: {  	_ =	shalt  }
0x79: {  	_ =	shalt  }
0x7a: {  	_ =	shalt  }
0x7b: {  	_ =	shalt  }
0x7c: {  	_ =	shalt  }
0x7d: {  	_ =	shalt  }
0x7e: {  	_ =	shalt  }
0x7f: {  	_ =	shalt  }
0x80: {  	_ =	shalt  }
0x81: {  	_ =	shalt  }
0x82: {  	_ =	shalt  }
0x83: {  	_ =	shalt  }
0x84: {  	_ =	shalt  }
0x85: {  	_ =	shalt  }
0x86: {  	_ =	shalt  }
0x87: {  	_ =	shalt  }
.Lfunc_end0:
.L_simem_size_0:
called_computation_lowered:
.L_overlay_start_0:
0x88: {  	s2 =	sld [smem:$0x3FD9]  }
0x89: {  	s3 =	sld [smem:$0x3FFE];
	_ =	sdelay $0x1  }
0x8a: {  	s1 =	srdreg.scid  }
0x8b: {  	s0 =	sand.u32 $0x1, s1  }
0x8c: {  	s17 =	sshll.u32 s0, $0xA;
	s2 =	sadd.s32 s3, s2  }
0x8d: {  	s2 =	sadd.s32 s2, s17  }
0x8e: {  	[smem:$0x3FBE] =	sst s2  }
0x8f: {  	_ = 	snop  }
0x90: {  	s2 =	sld [smem:$0x3FD0];
	(tm) =	ssettm $0x1  }
0x91: {  	s18 =	sld [smem:$0x3FFB];
	_ =	sdelay $0x3  }
0x92: {  	_ =	strace s18  }
0x93: {  	s3 =	sld [smem:$0x3FFC];
	_ =	sdelay $0x3  }
0x94: {  	_ =	strace s3  }
0x95: {  	s3 =	sld [smem:$0x3FFD];
	_ =	sdelay $0x3  }
0x96: {  	_ =	strace s3  }
0x97: {  	_ =	strace $0x8FFFFFFF  }
0x98: {  	s19 =	sld [smem:$0x3FDB];
	_ =	sdelay $0x1  }
0x99: {  	s4 =	simm.s32 $_scs_section_size  }
0x9a: {  	s5 =	simm.s32 $_size__tile_overlayer_lowered;
	s6 =	simm.s32 $_tile_overlayer_lowered  }
0x9b: {  	s22 =	simm.s32 $0x1BFF;
	s21 =	sshll.u32 s6, $0x1;
	s3 =	sadd.s32 s4, s19  }
0x9c: {  	s7 =	simm.s32 $0x0;
	s20 =	sshll.u32 s5, $0x1;
	s5 =	sadd.s32 s21, s3  }
0x9d: {  	[timem:s7], [sflag:s22] =	dma.local [hbm:s5], s20  }
0x9e: {  	_ =	swait.ge [sflag:s22], s20  }
0x9f: {  	s4 =	ssub.s32 $0x0, s20;
	[sflag:s22] =	ssyncset.done $0x0  }
0xa0: {  	[sflag:s22] =	ssyncadd.s32 s4;
	_ =	sdelay $0x1  }
0xa1: {  	s23 =	simm.s32 $0x1B8B  }
0xa2: {  	_ =	swait.ge [sflag:s23], $0x1  }
0xa3: {  	[sflag:s23] =	ssyncset.done $0x0  }
0xa4: {  	s25 =	simm.s32 $0x1B8E;
	s24 =	sld [smem:$0x3FFE];
	[sflag:s23] =	ssyncadd.s32 $0xFFFFFFFF  }
0xa5: {  	s26 =	simm.s32 $execute0_lowered;
	[smem:$0x3FD2] =	sst s25  }
0xa6: {  	s5 =	sshll.u32 s26, $0x1;
	_ =	strace $0x80000046;
	[dreg:$0x1] =	wrdreg $0xFFFFFFFF  }
0xa7: {  	s28 =	simm.s32 $_size_execute0_lowered;
	s3 =	sadd.s32 s3, s5;
	[dreg:$0x0] =	wrdreg $0x0  }
0xa8: {  	s5 =	sshll.u32 s28, $0x1;
	[dreg:$0x2] =	wrdreg s3  }
0xa9: {  	[dreg:$0x3] =	wrdreg s5  }
0xaa: {  	[dreg:$0x4] =	wrdreg $0xC0  }
0xab: {  	_ =	task [dreg:s7], $0x5FFFF  }
0xac: {  	[dreg:$0x1] =	wrdreg $0xFFFFFFFF  }
0xad: {  	[dreg:$0x0] =	wrdreg $0x60  }
0xae: {  	[dreg:$0x2] =	wrdreg s24  }
0xaf: {  	[dreg:$0x3] =	wrdreg s2  }
0xb0: {  	[dreg:$0x4] =	wrdreg $0x28800  }
0xb1: {  	[dreg:$0x5] =	wrdreg $0x9  }
0xb2: {  	_ =	task.clear_ibuf [dreg:s7], $0x6FFFF;
	_ =	strace $0x90000046  }
0xb3: {  	s29 =	simm.s32 $0x9;
	_ =	strace $0x80000048  }
0xb4: {  	_ =	swait.ge [sflag:s29], $0x1  }
0xb5: {  	[sflag:s29] =	ssyncadd.s32 $0xFFFFFFFF  }
0xb6: {  	_ =	strace $0x90000048  }
0xb7: {  	_ =	sfence  }
0xb8: {  	s30 =	sld [smem:$0x0];
	_ =	sdelay $0x2  }
0xb9: {  	s31 =	sshll.u32 s1, $0xD;
	s1 =	sshrl.u32 s1, $0x2  }
0xba: {  	s3 =	sand.u32 $0x4000, s31;
	s1 =	sadd.s32 s1, s30  }
0xbb: {  	s0 =	sor.u32 s3, s0;
	s1 =	sshll.u32 s1, $0x11  }
0xbc: {  	s0 =	sor.u32 s1, s0  }
0xbd: {  	s0 =	sadd.s32 $0x8F2B, s0  }
0xbe: {  	[sflag:s0] =	ssyncadd.remote.s32 $0x1  }
0xbf: {  	_ =	sfence.sel $0xFFFF  }
0xc0: {  	[dreg:$0x0] =	wrdreg $0xFFFFFFFF;
	(pc) =	sbr.abs _section_cstart, $3  }
0xc1: {  	[dreg:$0x1] =	wrdreg $0xFFFFFFFF  }
0xc2: {  	_ =	task.clear_ibuf [dreg:s7], $0x2FFFF;
	_ =	strace $0x9FFFFFFF  }
0xc3: {  	(tm) =	ssettm $0x7FFFFFFF  }
tec
execute0_lowered:
.L_overlay_start_1:
0x0: {  	(tag) =	ssettag $0x1  }
0x1: {  	s5 =	rddreg [dreg:$0x0]  }
0x2: {  	s2 =	rddreg [dreg:$0x1]  }
0x3: {  	s3 =	rddreg [dreg:$0x2];
	s4 =	srdreg.scid  }
0x4: {  	s1 =	stileid.u32;
	s0 =	rddreg [dreg:$0x3];
	s12 =	simm.s32 $0x2800  }
0x5: {  	s13 =	simm.s32 $0x1;
	s14 =	simm.s32 $0x0;
	s6 =	sand.u32 $0x1, s4  }
0x6: {  	s7 =	smul.u32 $0x280, s1;
	s4 =	simm.s32 $0x0;
	s31 =	sshll.u32 s1, $0x6  }
0x7: {  	s8 =	sshll.u32 s6, $0x4;
	s9 =	smul.u32 $0x2800, s6;
	[smem:$0x7FF] =	sst s4  }
0x8: {  	s6 =	ssub.s32 $0x2, s6;
	s8 =	sor.u32 s1, s8;
	_ =	strace $0x80000047  }
0x9: {  	s10 =	sshrl.u32 s6, $0x1;
	s8 =	smul.u32 $0x500, s8;
	s9 =	sadd.s32 s7, s9  }
0xa: {  	s11 =	sadd.s32 s7, s3;
	s10 =	ssub.s32 s6, s10;
	s9 =	sshrl.u32 s9, $0x3  }
0xb: {  	s7 =	smax.u32 s10, $0x1;
	s10 =	sshrl.u32 s11, $0x3;
	s8 =	sadd.s32 s8, s5  }
0xc: {  	s11 =	simm.s32 $0x80;
	s9 =	sadd.s32 s9, s5;
	s5 =	sadd.s32 $0x1000, s8  }
0xd: {  	v0 =	vimm.f32 $1.000000000e+00;
	s6 =	sadd.s32 $0xB000, s9;
	s8 =	simm.s32 $0x2;
	s9 =	sor.u32 $0x1C02, s31  }
.LBB2_1:
0xe: {  	[tilespmem:s4], [sflag:$0x2] =	stream.linear.gather [hbm4b:s5+s4], $0x2800, $0x38;
	[tilespmem:$0x2B00] =	vst v63  }
0xf: {  	_ =	swait.ge [sflag:s8], $0x2800  }
0x10: {  	[sflag:s8] =	ssyncset.done $0x0  }
0x11: {  	[sflag:s8] =	ssyncadd.s32 $0xFFFFD800  }
0x12: {  	[spmem:s10], [sflag:s9] =	dma.local [hbm:s2], $0x50  }
0x13: {  	_ =	swait.ge [sflag:s8], $0x50  }
0x14: {  	[sflag:s8] =	ssyncset.done $0x0  }
0x15: {  	[sflag:s8] =	ssyncadd.s32 $0xFFFFFFB0  }
0x16: {  	[tilespmem:$0x2800] =	vst v0  }
0x17: {  	[tilespmem:$0x2810] =	vst v0  }
0x18: {  	[tilespmem:$0x2820] =	vst v0  }
0x19: {  	[tilespmem:$0x2830] =	vst v0  }
0x1a: {  	[tilespmem:$0x2840] =	vst v0  }
0x1b: {  	[tilespmem:$0x2850] =	vst v0  }
0x1c: {  	[tilespmem:$0x2860] =	vst v0  }
0x1d: {  	[tilespmem:$0x2870] =	vst v0  }
0x1e: {  	s15 =	simm.s32 $0x0;
	[bflag:$0x0] =	sbarrier.arrive $0xFFFF  }
.LBB2_2:
0x1f: {  	p0 =	sne.s32 s15, $0x9E00  }
.Ltmp0:
0x20: {  	_ = 	snop;
	(pc) =	sbr.rel @p0 .LBB2_2-.Ltmp0, $3  }
0x21: {  	_ =	sdelay $0x1  }
0x22: {  	s16 =	sshra.s32 s15, $0x2;
	s15 =	sadd.s32 $0x200, s15  }
0x23: {  	[spmem:s3] =	stream.indirect.scatter.add.f32 [tilespmem:s12], [sflag:$0x1], $0x1, s16, s11, $0xb8;
	[tilespmem:$0x2B00] =	vst v63  }
0x24: {  	_ =	swait.ge [sflag:s13], $0x80  }
0x25: {  	s15 =	simm.s32 $0x4F;
	[sflag:s13] =	ssyncset.done $0x0  }
.LBB2_4:
0x26: {  	p0 =	sne.s32 s15, $0x1;
	s15 =	sadd.s32 $0xFFFFFFFF, s15;
	[sflag:s13] =	ssyncadd.s32 $0xFFFFFF80  }
.Ltmp1:
0x27: {  	(pc) =	sbr.rel @p0 .LBB2_4-.Ltmp1, $3  }
0x28: {  	_ =	sdelay $0x1  }
0x29: {  	_ =	swait.ge [sflag:s13], $0x80  }
0x2a: {  	[sflag:s13] =	ssyncset.done $0x0  }
0x2b: {  	s14 =	sadd.s32 $0x1, s14  }
0x2c: {  	[sflag:s13] =	ssyncadd.s32 $0xFFFFFF80;
	p0 =	sne.s32 s14, s7  }
.Ltmp2:
0x2d: {  	[bflag:$0x0] =	sbarrier.arrive $0xFFFF;
	(pc) =	sbr.rel @p0 .LBB2_1-.Ltmp2, $4  }
0x2e: {  	[hbm:s6], [sflag:s9] =	dma.local [spmem:s10], $0x50  }
0x2f: {  	_ =	swait.ge [sflag:s8], $0x50  }
0x30: {  	[sflag:s8] =	ssyncset.done $0x0  }
0x31: {  	[sflag:s8] =	ssyncadd.s32 $0xFFFFFFB0  }
0x32: {  	_ =	sfence.sel $0x180000  }
0x33: {  	[bflag:$0x0] =	sbarrier.arrive $0xFFFF  }
0x34: {  	p0 =	sne.s32 s1, $0x0;
	_ =	strace $0x90000047  }
0x35: {  	s0 =	sadd.s32 @!p0 $0x100000, s0;
	[bflag:$0x2] =	sbarrier.arrive $0xFFFF  }
0x36: {  	[sflag:s0] =	ssyncadd.tile.s32 @!p0 $0x1;
	_ =	shalt  }
.Lfunc_end2:
_tile_overlayer_lowered:
.L_overlay_start_2:
0x37: {  	(tag) =	ssettag $0x2  }
0x38: {  	s0 =	rddreg [dreg:$0x0];
	s2 =	stileid.u32  }
0x39: {  	s1 =	rddreg [dreg:$0x1];
	p0 =	sne.s32 s2, $0x0  }
0x3a: {  	s3 =	rddreg [dreg:$0x2];
	[bflag:$0x3] =	sbarrier.arrive $0xFFFF;
	s2 =	simm.s32 @!p0 $0x1C02  }
0x3b: {  	[timem:s3], [sflag:s2] =	dma.local @!p0 [hbm:s0], s1  }
0x3c: {  	s0 =	simm.s32 @!p0 $0x2  }
0x3d: {  	_ =	swait.ge @!p0 [sflag:s0], s1  }
0x3e: {  	s1 =	ssub.s32 @!p0 $0x0, s1;
	[sflag:s0] =	ssyncset.done @!p0 $0x0  }
0x3f: {  	[sflag:s0] =	ssyncadd.s32 @!p0 s1  }
0x40: {  	[bflag:$0x3] =	sbarrier.arrive $0xFFFF  }
0x41: {  	_ =	shalt  }

</sc_bundles>
